<compile_context>
chip_gen: v7x
topology: tpu7x:2x2x1
jax: 0.10.2.dev20260603
libtpu: 0.0.44.dev20260713+nightly
codegen_flags: <defaults>
</compile_context>

<pallas_src>
import functools

import jax
import jax.numpy as jnp
from jax import lax
from jax.experimental import pallas as pl
from jax.experimental.pallas import tpu as pltpu
from jax.experimental.pallas import tpu_sc as plsc

N = 10000
E = 320000
D_IN = 128
D1 = 16
D2 = 8
DP = 16

NC = 2
NS = 16
NW = NC * NS
L = 16

NG = 8
NQ = 4
DQ = DP // NQ
EPG = E // NG
CHK = 2000
NCHKS = EPG // CHK
NPAD = 10240


def _leaky(t):
    return jnp.where(t >= 0.0, t, 0.2 * t)



def _sc_edge(epk, a_s, a_d, m16, hT4):

    mesh = plsc.VectorSubcoreMesh(core_axis_name="c", subcore_axis_name="s",
                                  num_cores=NC, num_subcores=NS)

    @functools.partial(
        pl.kernel,
        out_type=(
            jax.ShapeDtypeStruct((NW, DQ, NPAD), jnp.float32),
            jax.ShapeDtypeStruct((NG, 1, NPAD), jnp.float32),
        ),
        mesh=mesh,
        compiler_params=pltpu.CompilerParams(needs_layout_passes=False),
        scratch_types=[
            pltpu.VMEM((NPAD,), jnp.float32),
            pltpu.VMEM((NPAD,), jnp.float32),
            pltpu.VMEM((L,), jnp.float32),
            pltpu.VMEM((DQ, NPAD), jnp.float32),
            pltpu.VMEM((DQ, NPAD), jnp.float32),
            pltpu.VMEM((1, NPAD), jnp.float32),
            pltpu.VMEM((CHK,), jnp.int32),
            pltpu.VMEM((CHK,), jnp.int32),
            pltpu.SemaphoreType.DMA,
            pltpu.SemaphoreType.DMA,
            pltpu.SemaphoreType.DMA,
        ],
    )
    def edge_kernel(ep_hbm, as_hbm, ad_hbm, m_hbm, h_hbm,
                    out_hbm, den_hbm,
                    as_v, ad_v, m_v, hq_v, acc_v, den_v, ev0, ev1,
                    sem_st, sem0, sem1):
        cid = lax.axis_index("c")
        sid = lax.axis_index("s")
        wid = cid * NS + sid
        q = sid % NQ
        gg = cid * NQ + sid // NQ
        base = gg * EPG

        pltpu.async_copy(as_hbm, as_v, sem_st)
        pltpu.async_copy(ad_hbm, ad_v, sem_st)
        pltpu.async_copy(m_hbm, m_v, sem_st)
        pltpu.async_copy(h_hbm.at[q], hq_v, sem_st)
        pltpu.async_copy(ep_hbm.at[pl.ds(base, CHK)], ev0, sem0)

        zeros = jnp.zeros((L,), jnp.float32)

        @pl.loop(0, NPAD // L, unroll=8)
        def _zd(i):
            den_v[0, pl.ds(i * L, L)] = zeros

        for r in range(DQ):
            @pl.loop(0, NPAD // L, unroll=8)
            def _zc(i, r=r):
                acc_v[r, pl.ds(i * L, L)] = zeros

        pltpu.make_async_copy(as_hbm, as_v, sem_st).wait()
        pltpu.make_async_copy(ad_hbm, ad_v, sem_st).wait()
        pltpu.make_async_copy(m_hbm, m_v, sem_st).wait()
        pltpu.make_async_copy(h_hbm.at[q], hq_v, sem_st).wait()

        m_vec = m_v[...]
        row_ids = [jnp.full((L,), r, jnp.int32) for r in range(DQ)]
        zero_ids = jnp.zeros((L,), jnp.int32)

        def _process(ev):
            @plsc.parallel_loop(0, CHK // L, unroll=4)
            def _vec(i):
                pk = ev[pl.ds(i * L, L)]
                s_idx = pk & 0x3FFF
                d_idx = lax.shift_right_logical(pk, 14)
                e = (plsc.load_gather(as_v, [s_idx])
                     + plsc.load_gather(ad_v, [d_idx]))
                w = jnp.exp(_leaky(e) - m_vec)

                @pl.when(q == 0)
                def _den():
                    plsc.addupdate_scatter(den_v, [zero_ids, d_idx], w)

                for r in range(DQ):
                    hv = plsc.load_gather(hq_v, [row_ids[r], s_idx])
                    plsc.addupdate_scatter(acc_v, [row_ids[r], d_idx], hv * w)

        @pl.loop(0, NCHKS // 2)
        def _chunk(cc):
            c0 = 2 * cc
            pltpu.make_async_copy(
                ep_hbm.at[pl.ds(base + c0 * CHK, CHK)], ev0, sem0).wait()
            pltpu.async_copy(
                ep_hbm.at[pl.ds(base + (c0 + 1) * CHK, CHK)], ev1, sem1)
            _process(ev0)
            pltpu.make_async_copy(
                ep_hbm.at[pl.ds(base + (c0 + 1) * CHK, CHK)], ev1, sem1).wait()

            @pl.when(cc != NCHKS // 2 - 1)
            def _prefetch():
                pltpu.async_copy(
                    ep_hbm.at[pl.ds(base + (c0 + 2) * CHK, CHK)], ev0, sem0)

            _process(ev1)

        pltpu.sync_copy(acc_v, out_hbm.at[wid])

        @pl.when(q == 0)
        def _pub_den():
            pltpu.sync_copy(den_v, den_hbm.at[gg])

    return edge_kernel(epk, a_s, a_d, m16, hT4)



def _tc1(xp, W1, a1s, a1d):
    def body(x_ref, w_ref, as_ref, ad_ref, h_ref, s_ref, d_ref, m_ref):
        h = jnp.dot(x_ref[...], w_ref[...], preferred_element_type=jnp.float32)
        hT = h.T
        h_ref[...] = hT
        a_s = jnp.dot(as_ref[...], hT, preferred_element_type=jnp.float32)
        a_d = jnp.dot(ad_ref[...], hT, preferred_element_type=jnp.float32)
        s_ref[...] = a_s
        d_ref[...] = a_d
        m_ref[...] = (jnp.max(a_s) + jnp.max(a_d)).reshape(1, 1)

    return pl.pallas_call(
        body,
        out_shape=(
            jax.ShapeDtypeStruct((D1, NPAD), jnp.float32),
            jax.ShapeDtypeStruct((1, NPAD), jnp.float32),
            jax.ShapeDtypeStruct((1, NPAD), jnp.float32),
            jax.ShapeDtypeStruct((1, 1), jnp.float32),
        ),
    )(xp, W1, a1s, a1d)


def _tc2(outp, denp, h1T, a_s1, a_d1, m1, b1, W2T, a2s, a2d):
    def body(o_ref, de_ref, h1_ref, s1_ref, d1_ref, m1_ref, b1_ref, w2_ref,
             as_ref, ad_ref, h2_ref, s_ref, d_ref, m_ref):
        w_self = jnp.exp(_leaky(s1_ref[...] + d1_ref[...]) - m1_ref[0, 0])
        op = o_ref[...].reshape(NC, NQ, NQ, DQ, NPAD)
        outT = op.sum(axis=(0, 1)).reshape(DP, NPAD)
        den = de_ref[...].sum(axis=0) + w_self + 1e-16
        numT = outT[:D1] + w_self * h1_ref[...]
        h1fT = jax.nn.relu(numT / den + b1_ref[...])
        h2T = jnp.dot(w2_ref[...], h1fT, preferred_element_type=jnp.float32)
        h2_ref[...] = jnp.concatenate(
            [h2T, jnp.zeros((DP - D2, NPAD), jnp.float32)], axis=0)
        a_s = jnp.dot(as_ref[...], h2T, preferred_element_type=jnp.float32)
        a_d = jnp.dot(ad_ref[...], h2T, preferred_element_type=jnp.float32)
        s_ref[...] = a_s
        d_ref[...] = a_d
        m_ref[...] = (jnp.max(a_s) + jnp.max(a_d)).reshape(1, 1)

    return pl.pallas_call(
        body,
        out_shape=(
            jax.ShapeDtypeStruct((DP, NPAD), jnp.float32),
            jax.ShapeDtypeStruct((1, NPAD), jnp.float32),
            jax.ShapeDtypeStruct((1, NPAD), jnp.float32),
            jax.ShapeDtypeStruct((1, 1), jnp.float32),
        ),
    )(outp, denp, h1T, a_s1, a_d1, m1, b1, W2T, a2s, a2d)


def _tc3(outp, denp, h2T, a_s2, a_d2, m2, b2, WfcT, bfc):
    def body(o_ref, de_ref, h2_ref, s2_ref, d2_ref, m2_ref, b2_ref, wf_ref,
             bf_ref, out_ref):
        w_self = jnp.exp(_leaky(s2_ref[...] + d2_ref[...]) - m2_ref[0, 0])
        op = o_ref[...].reshape(NC, NQ, NQ, DQ, NPAD)
        outT = op.sum(axis=(0, 1)).reshape(DP, NPAD)
        den = de_ref[...].sum(axis=0) + w_self + 1e-16
        numT = outT[:D2] + w_self * h2_ref[:D2, :]
        h2fT = jax.nn.relu(numT / den + b2_ref[...])
        out_ref[...] = jnp.dot(wf_ref[...], h2fT,
                               preferred_element_type=jnp.float32) + bf_ref[0, 0]

    return pl.pallas_call(
        body,
        out_shape=jax.ShapeDtypeStruct((1, NPAD), jnp.float32),
    )(outp, denp, h2T, a_s2, a_d2, m2, b2, WfcT, bfc)



def kernel(x, edge_index, W1, a1_src, a1_dst, b1, W2, a2_src, a2_dst, b2,
           Wfc, bfc):
    ei = edge_index.astype(jnp.int32)
    epk = (ei[1] << 14) | ei[0]
    xp = jnp.pad(x, ((0, NPAD - N), (0, 0)))

    h1T, a_s1, a_d1, m1 = _tc1(xp, W1, a1_src.reshape(1, D1),
                               a1_dst.reshape(1, D1))
    m1_16 = jnp.broadcast_to(m1.reshape(()), (L,))
    outp1, denp1 = _sc_edge(epk, a_s1.reshape(NPAD), a_d1.reshape(NPAD),
                            m1_16, h1T.reshape(NQ, DQ, NPAD))

    h2T, a_s2, a_d2, m2 = _tc2(outp1, denp1, h1T, a_s1, a_d1, m1,
                               b1.reshape(D1, 1), W2.T,
                               a2_src.reshape(1, D2), a2_dst.reshape(1, D2))
    m2_16 = jnp.broadcast_to(m2.reshape(()), (L,))
    outp2, denp2 = _sc_edge(epk, a_s2.reshape(NPAD), a_d2.reshape(NPAD),
                            m2_16, h2T.reshape(NQ, DQ, NPAD))

    out = _tc3(outp2, denp2, h2T, a_s2, a_d2, m2, b2.reshape(D2, 1),
               Wfc.T, bfc.reshape(1, 1))
    return out.reshape(NPAD, 1)[:N]

# --- scband reference (transcript-rebuilt; emitter-appended) ---
"""Pipeline reference for scband-gnnmodel-45157286150267 (READ-ONLY COPY).

The authoritative reference and input builder live on the scoring server;
editing this copy changes nothing except your own understanding.
"""

import jax, jax.numpy as jnp
import numpy as np

N_NODES = 10000
N_EDGES = 320000
D_IN = 128
D_H1 = 16
D_H2 = 8


def _gat_conv(x, src, dst, W, a_src, a_dst, b, num_nodes):
    # h = W x
    h = x @ W  # [N, out]
    # per-node attention logits (single head, PyG GATConv style)
    alpha_s = h @ a_src  # [N]
    alpha_d = h @ a_dst  # [N]
    e = alpha_s[src] + alpha_d[dst]  # [E]
    e = jax.nn.leaky_relu(e, negative_slope=0.2)
    # segment softmax over destination nodes
    e_max = jax.ops.segment_max(e, dst, num_segments=num_nodes)
    e_max = jnp.where(jnp.isfinite(e_max), e_max, 0.0)
    e_exp = jnp.exp(e - e_max[dst])
    denom = jax.ops.segment_sum(e_exp, dst, num_segments=num_nodes)
    alpha = e_exp / (denom[dst] + 1e-16)
    out = jax.ops.segment_sum(h[src] * alpha[:, None], dst, num_segments=num_nodes)
    return out + b


def setup_inputs(seed: int = 0) -> dict:
    key = jax.random.key(seed)
    ks = jax.random.split(key, 12)
    x = jax.random.normal(ks[0], (N_NODES, D_IN), dtype=jnp.float32)
    edge_index = jax.random.randint(ks[1], (2, N_EDGES), 0, N_NODES, dtype=jnp.int64)
    s1 = 1.0 / np.sqrt(D_IN)
    s2 = 1.0 / np.sqrt(D_H1)
    s3 = 1.0 / np.sqrt(D_H2)
    W1 = jax.random.uniform(ks[2], (D_IN, D_H1), jnp.float32, -s1, s1)
    a1_src = jax.random.uniform(ks[3], (D_H1,), jnp.float32, -s2, s2)
    a1_dst = jax.random.uniform(ks[4], (D_H1,), jnp.float32, -s2, s2)
    b1 = jnp.zeros((D_H1,), jnp.float32)
    W2 = jax.random.uniform(ks[5], (D_H1, D_H2), jnp.float32, -s2, s2)
    a2_src = jax.random.uniform(ks[6], (D_H2,), jnp.float32, -s3, s3)
    a2_dst = jax.random.uniform(ks[7], (D_H2,), jnp.float32, -s3, s3)
    b2 = jnp.zeros((D_H2,), jnp.float32)
    Wfc = jax.random.uniform(ks[8], (D_H2, 1), jnp.float32, -s3, s3)
    bfc = jnp.zeros((1,), jnp.float32)
    return {"x": x, "edge_index": edge_index, "W1": W1, "a1_src": a1_src,
            "a1_dst": a1_dst, "b1": b1, "W2": W2, "a2_src": a2_src,
            "a2_dst": a2_dst, "b2": b2, "Wfc": Wfc, "bfc": bfc}


def reference(x, edge_index, W1, a1_src, a1_dst, b1, W2, a2_src, a2_dst, b2, Wfc, bfc):
    num_nodes = x.shape[0]
    # PyG GATConv adds self loops by default
    loop = jnp.arange(num_nodes, dtype=edge_index.dtype)
    src = jnp.concatenate([edge_index[0], loop])
    dst = jnp.concatenate([edge_index[1], loop])
    h = jax.nn.relu(_gat_conv(x, src, dst, W1, a1_src, a1_dst, b1, num_nodes))
    h = jax.nn.relu(_gat_conv(h, src, dst, W2, a2_src, a2_dst, b2, num_nodes))
    out = h @ Wfc + bfc
    return out

if __name__ == "__main__":
    import jax
    _d = setup_inputs()
    print(jax.jit(kernel)(*tuple(_d.values())))

</pallas_src>

<mosaic_0001>
#map = affine_map<(d0, d1) -> (0)>
#map1 = affine_map<(d0, d1) -> (0, 0, 0)>
module attributes {stable_mosaic.version = 14 : i64} {
  func.func @edge_kernel(%arg0: i32, %arg1: i32, %arg2: memref<320000xi32, #tpu.memory_space<hbm>>, %arg3: memref<10240xf32, #tpu.memory_space<hbm>>, %arg4: memref<10240xf32, #tpu.memory_space<hbm>>, %arg5: memref<16xf32, #tpu.memory_space<hbm>>, %arg6: memref<4x4x10240xf32, #tpu.memory_space<hbm>>, %arg7: memref<32x4x10240xf32, #tpu.memory_space<hbm>>, %arg8: memref<8x1x10240xf32, #tpu.memory_space<hbm>>, %arg9: memref<10240xf32, #tpu.memory_space<vmem>>, %arg10: memref<10240xf32, #tpu.memory_space<vmem>>, %arg11: memref<16xf32, #tpu.memory_space<vmem>>, %arg12: memref<4x10240xf32, #tpu.memory_space<vmem>>, %arg13: memref<4x10240xf32, #tpu.memory_space<vmem>>, %arg14: memref<1x10240xf32, #tpu.memory_space<vmem>>, %arg15: memref<2000xi32, #tpu.memory_space<vmem>>, %arg16: memref<2000xi32, #tpu.memory_space<vmem>>, %arg17: memref<!tpu.dma_semaphore, #tpu.memory_space<semaphore_mem>>, %arg18: memref<!tpu.dma_semaphore, #tpu.memory_space<semaphore_mem>>, %arg19: memref<!tpu.dma_semaphore, #tpu.memory_space<semaphore_mem>>) attributes {dimension_semantics = [#tpu.dimension_semantics<core_parallel>, #tpu.dimension_semantics<subcore_parallel>], iteration_bounds = array<i64: 2, 16>, scalar_prefetch = 0 : i64, scratch_operands = 11 : i64, tpu.core_type = #tpu.core_type<sc_vector_subcore>, window_params = [{transform_indices = #map}, {transform_indices = #map}, {transform_indices = #map}, {transform_indices = #map}, {transform_indices = #map1}, {transform_indices = #map1}, {transform_indices = #map1}]} {
    %mul3A = arith.constant 16 : i32
    %mul3A_0 = arith.muli %arg0, %mul3A : i32
    %add3A = arith.addi %mul3A_0, %arg1 : i32
    %jit3A = arith.constant 4 : i32
    %eq3A = arith.constant 0 : i32
    %eq3A_1 = arith.cmpi eq, %jit3A, %eq3A : i32
    %jit3A_2 = arith.constant 1 : i32
    %select_n3A = arith.select %eq3A_1, %jit3A_2, %jit3A : i32
    %rem3A = arith.remsi %arg1, %select_n3A : i32
    %ne3A = arith.constant 0 : i32
    %ne3A_3 = arith.cmpi ne, %rem3A, %ne3A : i32
    %lt3A = arith.constant 0 : i32
    %lt3A_4 = arith.cmpi slt, %rem3A, %lt3A : i32
    %lt3A_5 = arith.constant 0 : i32
    %lt3A_6 = arith.cmpi slt, %select_n3A, %lt3A_5 : i32
    %ne3A_7 = arith.xori %lt3A_4, %lt3A_6 : i1
    %and3A = arith.andi %ne3A_7, %ne3A_3 : i1
    %add3A_8 = arith.addi %rem3A, %select_n3A : i32
    %select_n3A_9 = arith.select %and3A, %add3A_8, %rem3A : i32
    %mul3A_10 = arith.constant 4 : i32
    %mul3A_11 = arith.muli %arg0, %mul3A_10 : i32
    %jit3A_12 = arith.constant 4 : i32
    %div3A = arith.divsi %arg1, %jit3A_12 : i32
    %sign3A = arith.constant 0 : i32
    %sign3A_13 = arith.cmpi sgt, %arg1, %sign3A : i32
    %sign3A_14 = arith.extui %sign3A_13 : i1 to i32
    %sign3A_15 = arith.constant 0 : i32
    %sign3A_16 = arith.cmpi slt, %arg1, %sign3A_15 : i32
    %sign3A_17 = arith.extui %sign3A_16 : i1 to i32
    %sign3A_18 = arith.subi %sign3A_14, %sign3A_17 : i32
    %sign3A_19 = arith.constant 0 : i32
    %sign3A_20 = arith.cmpi sgt, %jit3A_12, %sign3A_19 : i32
    %sign3A_21 = arith.extui %sign3A_20 : i1 to i32
    %sign3A_22 = arith.constant 0 : i32
    %sign3A_23 = arith.cmpi slt, %jit3A_12, %sign3A_22 : i32
    %sign3A_24 = arith.extui %sign3A_23 : i1 to i32
    %sign3A_25 = arith.subi %sign3A_21, %sign3A_24 : i32
    %ne3A_26 = arith.cmpi ne, %sign3A_18, %sign3A_25 : i32
    %rem3A_27 = arith.remsi %arg1, %jit3A_12 : i32
    %ne3A_28 = arith.constant 0 : i32
    %ne3A_29 = arith.cmpi ne, %rem3A_27, %ne3A_28 : i32
    %and3A_30 = arith.andi %ne3A_26, %ne3A_29 : i1
    %sub3A = arith.constant 1 : i32
    %sub3A_31 = arith.subi %div3A, %sub3A : i32
    %select_n3A_32 = arith.select %and3A_30, %sub3A_31, %div3A : i32
    %add3A_33 = arith.addi %mul3A_11, %select_n3A_32 : i32
    %mul3A_34 = arith.constant 40000 : i32
    %mul3A_35 = arith.muli %add3A_33, %mul3A_34 : i32
    tpu.enqueue_dma source(%arg3 : memref<10240xf32, #tpu.memory_space<hbm>>) target(%arg9 : memref<10240xf32, #tpu.memory_space<vmem>>) target_semaphore(%arg17 : memref<!tpu.dma_semaphore, #tpu.memory_space<semaphore_mem>>)
    tpu.enqueue_dma source(%arg4 : memref<10240xf32, #tpu.memory_space<hbm>>) target(%arg10 : memref<10240xf32, #tpu.memory_space<vmem>>) target_semaphore(%arg17 : memref<!tpu.dma_semaphore, #tpu.memory_space<semaphore_mem>>)
    tpu.enqueue_dma source(%arg5 : memref<16xf32, #tpu.memory_space<hbm>>) target(%arg11 : memref<16xf32, #tpu.memory_space<vmem>>) target_semaphore(%arg17 : memref<!tpu.dma_semaphore, #tpu.memory_space<semaphore_mem>>)
    %dma_start3A = arith.constant 0 : i32
    %dma_start3A_36 = arith.constant 0 : i32
    %dma_start3A_37 = tpu.memref_slice %arg6[%select_n3A_9, %dma_start3A, %dma_start3A_36] : memref<4x4x10240xf32, #tpu.memory_space<hbm>> -> memref<1x4x10240xf32, #tpu.memory_space<hbm>>
    %dma_start3A_38 = tpu.memref_squeeze %dma_start3A_37 : memref<1x4x10240xf32, #tpu.memory_space<hbm>> -> memref<4x10240xf32, #tpu.memory_space<hbm>>
    %dma_start3A_39 = arith.constant 0 : i32
    %dma_start3A_40 = arith.constant 0 : i32
    %dma_start3A_41 = tpu.memref_slice %arg6[%select_n3A_9, %dma_start3A_39, %dma_start3A_40] : memref<4x4x10240xf32, #tpu.memory_space<hbm>> -> memref<1x4x10240xf32, #tpu.memory_space<hbm>>
    %dma_start3A_42 = tpu.memref_squeeze %dma_start3A_41 : memref<1x4x10240xf32, #tpu.memory_space<hbm>> -> memref<4x10240xf32, #tpu.memory_space<hbm>>
    tpu.enqueue_dma source(%dma_start3A_42 : memref<4x10240xf32, #tpu.memory_space<hbm>>) target(%arg12 : memref<4x10240xf32, #tpu.memory_space<vmem>>) target_semaphore(%arg17 : memref<!tpu.dma_semaphore, #tpu.memory_space<semaphore_mem>>)
    %dma_start3A_43 = tpu.memref_slice %arg2[%mul3A_35] : memref<320000xi32, #tpu.memory_space<hbm>> -> memref<2000xi32, #tpu.memory_space<hbm>>
    %dma_start3A_44 = tpu.memref_slice %arg2[%mul3A_35] : memref<320000xi32, #tpu.memory_space<hbm>> -> memref<2000xi32, #tpu.memory_space<hbm>>
    tpu.enqueue_dma source(%dma_start3A_44 : memref<2000xi32, #tpu.memory_space<hbm>>) target(%arg15 : memref<2000xi32, #tpu.memory_space<vmem>>) target_semaphore(%arg18 : memref<!tpu.dma_semaphore, #tpu.memory_space<semaphore_mem>>)
    %broadcast_in_dim3A = arith.constant 0.000000e+00 : f32
    %broadcast_in_dim3A_45 = vector.broadcast %broadcast_in_dim3A : f32 to vector<16xf32>
    %scan3A = arith.constant 0 : i32
    %scan3A_46 = arith.constant 640 : i32
    %scan3A_47 = arith.addi %scan3A, %scan3A_46 : i32
    %scan3A_48 = arith.constant 8 : i32
    scf.for %scan3A_96 = %scan3A to %scan3A_47 step %scan3A_48  : i32 {
      %mul3A_97 = arith.constant 1 : i32
      %mul3A_98 = arith.muli %scan3A_96, %mul3A_97 : i32
      %add3A_99 = arith.constant 0 : i32
      %add3A_100 = arith.addi %add3A_99, %mul3A_98 : i32
      %mul3A_101 = arith.constant 16 : i32
      %mul3A_102 = arith.muli %add3A_100, %mul3A_101 : i32
      %swap3A = arith.constant 0 : i32
      %swap3A_103 = arith.index_cast %swap3A : i32 to index
      %swap3A_104 = arith.index_cast %mul3A_102 : i32 to index
      %swap3A_105 = tpu.vector_load %arg14[%swap3A_103, %swap3A_104] {strides = array<i32>} : memref<1x10240xf32, #tpu.memory_space<vmem>>, vector<16xf32>,
      tpu.vector_store %arg14[%swap3A_103, %swap3A_104], %broadcast_in_dim3A_45 {strides = array<i32>} : memref<1x10240xf32, #tpu.memory_space<vmem>>, vector<16xf32>,
      %scan3A_106 = arith.constant 1 : i32
      %scan3A_107 = arith.addi %scan3A_96, %scan3A_106 : i32
      %mul3A_108 = arith.constant 1 : i32
      %mul3A_109 = arith.muli %scan3A_107, %mul3A_108 : i32
      %add3A_110 = arith.constant 0 : i32
      %add3A_111 = arith.addi %add3A_110, %mul3A_109 : i32
      %mul3A_112 = arith.constant 16 : i32
      %mul3A_113 = arith.muli %add3A_111, %mul3A_112 : i32
      %swap3A_114 = arith.constant 0 : i32
      %swap3A_115 = arith.index_cast %swap3A_114 : i32 to index
      %swap3A_116 = arith.index_cast %mul3A_113 : i32 to index
      %swap3A_117 = tpu.vector_load %arg14[%swap3A_115, %swap3A_116] {strides = array<i32>} : memref<1x10240xf32, #tpu.memory_space<vmem>>, vector<16xf32>,
      tpu.vector_store %arg14[%swap3A_115, %swap3A_116], %broadcast_in_dim3A_45 {strides = array<i32>} : memref<1x10240xf32, #tpu.memory_space<vmem>>, vector<16xf32>,
      %scan3A_118 = arith.constant 2 : i32
      %scan3A_119 = arith.addi %scan3A_96, %scan3A_118 : i32
      %mul3A_120 = arith.constant 1 : i32
      %mul3A_121 = arith.muli %scan3A_119, %mul3A_120 : i32
      %add3A_122 = arith.constant 0 : i32
      %add3A_123 = arith.addi %add3A_122, %mul3A_121 : i32
      %mul3A_124 = arith.constant 16 : i32
      %mul3A_125 = arith.muli %add3A_123, %mul3A_124 : i32
      %swap3A_126 = arith.constant 0 : i32
      %swap3A_127 = arith.index_cast %swap3A_126 : i32 to index
      %swap3A_128 = arith.index_cast %mul3A_125 : i32 to index
      %swap3A_129 = tpu.vector_load %arg14[%swap3A_127, %swap3A_128] {strides = array<i32>} : memref<1x10240xf32, #tpu.memory_space<vmem>>, vector<16xf32>,
      tpu.vector_store %arg14[%swap3A_127, %swap3A_128], %broadcast_in_dim3A_45 {strides = array<i32>} : memref<1x10240xf32, #tpu.memory_space<vmem>>, vector<16xf32>,
      %scan3A_130 = arith.constant 3 : i32
      %scan3A_131 = arith.addi %scan3A_96, %scan3A_130 : i32
      %mul3A_132 = arith.constant 1 : i32
      %mul3A_133 = arith.muli %scan3A_131, %mul3A_132 : i32
      %add3A_134 = arith.constant 0 : i32
      %add3A_135 = arith.addi %add3A_134, %mul3A_133 : i32
      %mul3A_136 = arith.constant 16 : i32
      %mul3A_137 = arith.muli %add3A_135, %mul3A_136 : i32
      %swap3A_138 = arith.constant 0 : i32
      %swap3A_139 = arith.index_cast %swap3A_138 : i32 to index
      %swap3A_140 = arith.index_cast %mul3A_137 : i32 to index
      %swap3A_141 = tpu.vector_load %arg14[%swap3A_139, %swap3A_140] {strides = array<i32>} : memref<1x10240xf32, #tpu.memory_space<vmem>>, vector<16xf32>,
      tpu.vector_store %arg14[%swap3A_139, %swap3A_140], %broadcast_in_dim3A_45 {strides = array<i32>} : memref<1x10240xf32, #tpu.memory_space<vmem>>, vector<16xf32>,
      %scan3A_142 = arith.constant 4 : i32
      %scan3A_143 = arith.addi %scan3A_96, %scan3A_142 : i32
      %mul3A_144 = arith.constant 1 : i32
      %mul3A_145 = arith.muli %scan3A_143, %mul3A_144 : i32
      %add3A_146 = arith.constant 0 : i32
      %add3A_147 = arith.addi %add3A_146, %mul3A_145 : i32
      %mul3A_148 = arith.constant 16 : i32
      %mul3A_149 = arith.muli %add3A_147, %mul3A_148 : i32
      %swap3A_150 = arith.constant 0 : i32
      %swap3A_151 = arith.index_cast %swap3A_150 : i32 to index
      %swap3A_152 = arith.index_cast %mul3A_149 : i32 to index
      %swap3A_153 = tpu.vector_load %arg14[%swap3A_151, %swap3A_152] {strides = array<i32>} : memref<1x10240xf32, #tpu.memory_space<vmem>>, vector<16xf32>,
      tpu.vector_store %arg14[%swap3A_151, %swap3A_152], %broadcast_in_dim3A_45 {strides = array<i32>} : memref<1x10240xf32, #tpu.memory_space<vmem>>, vector<16xf32>,
      %scan3A_154 = arith.constant 5 : i32
      %scan3A_155 = arith.addi %scan3A_96, %scan3A_154 : i32
      %mul3A_156 = arith.constant 1 : i32
      %mul3A_157 = arith.muli %scan3A_155, %mul3A_156 : i32
      %add3A_158 = arith.constant 0 : i32
      %add3A_159 = arith.addi %add3A_158, %mul3A_157 : i32
      %mul3A_160 = arith.constant 16 : i32
      %mul3A_161 = arith.muli %add3A_159, %mul3A_160 : i32
      %swap3A_162 = arith.constant 0 : i32
      %swap3A_163 = arith.index_cast %swap3A_162 : i32 to index
      %swap3A_164 = arith.index_cast %mul3A_161 : i32 to index
      %swap3A_165 = tpu.vector_load %arg14[%swap3A_163, %swap3A_164] {strides = array<i32>} : memref<1x10240xf32, #tpu.memory_space<vmem>>, vector<16xf32>,
      tpu.vector_store %arg14[%swap3A_163, %swap3A_164], %broadcast_in_dim3A_45 {strides = array<i32>} : memref<1x10240xf32, #tpu.memory_space<vmem>>, vector<16xf32>,
      %scan3A_166 = arith.constant 6 : i32
      %scan3A_167 = arith.addi %scan3A_96, %scan3A_166 : i32
      %mul3A_168 = arith.constant 1 : i32
      %mul3A_169 = arith.muli %scan3A_167, %mul3A_168 : i32
      %add3A_170 = arith.constant 0 : i32
      %add3A_171 = arith.addi %add3A_170, %mul3A_169 : i32
      %mul3A_172 = arith.constant 16 : i32
      %mul3A_173 = arith.muli %add3A_171, %mul3A_172 : i32
      %swap3A_174 = arith.constant 0 : i32
      %swap3A_175 = arith.index_cast %swap3A_174 : i32 to index
      %swap3A_176 = arith.index_cast %mul3A_173 : i32 to index
      %swap3A_177 = tpu.vector_load %arg14[%swap3A_175, %swap3A_176] {strides = array<i32>} : memref<1x10240xf32, #tpu.memory_space<vmem>>, vector<16xf32>,
      tpu.vector_store %arg14[%swap3A_175, %swap3A_176], %broadcast_in_dim3A_45 {strides = array<i32>} : memref<1x10240xf32, #tpu.memory_space<vmem>>, vector<16xf32>,
      %scan3A_178 = arith.constant 7 : i32
      %scan3A_179 = arith.addi %scan3A_96, %scan3A_178 : i32
      %mul3A_180 = arith.constant 1 : i32
      %mul3A_181 = arith.muli %scan3A_179, %mul3A_180 : i32
      %add3A_182 = arith.constant 0 : i32
      %add3A_183 = arith.addi %add3A_182, %mul3A_181 : i32
      %mul3A_184 = arith.constant 16 : i32
      %mul3A_185 = arith.muli %add3A_183, %mul3A_184 : i32
      %swap3A_186 = arith.constant 0 : i32
      %swap3A_187 = arith.index_cast %swap3A_186 : i32 to index
      %swap3A_188 = arith.index_cast %mul3A_185 : i32 to index
      %swap3A_189 = tpu.vector_load %arg14[%swap3A_187, %swap3A_188] {strides = array<i32>} : memref<1x10240xf32, #tpu.memory_space<vmem>>, vector<16xf32>,
      tpu.vector_store %arg14[%swap3A_187, %swap3A_188], %broadcast_in_dim3A_45 {strides = array<i32>} : memref<1x10240xf32, #tpu.memory_space<vmem>>, vector<16xf32>,
    }
    %scan3A_49 = arith.constant 640 : i32
    %scan3A_50 = arith.constant 0 : i32
    %scan3A_51 = arith.constant 640 : i32
    %scan3A_52 = arith.addi %scan3A_50, %scan3A_51 : i32
    %scan3A_53 = arith.constant 8 : i32
    scf.for %scan3A_96 = %scan3A_50 to %scan3A_52 step %scan3A_53  : i32 {
      %mul3A_97 = arith.constant 1 : i32
      %mul3A_98 = arith.muli %scan3A_96, %mul3A_97 : i32
      %add3A_99 = arith.constant 0 : i32
      %add3A_100 = arith.addi %add3A_99, %mul3A_98 : i32
      %mul3A_101 = arith.constant 16 : i32
      %mul3A_102 = arith.muli %add3A_100, %mul3A_101 : i32
      %swap3A = arith.constant 0 : i32
      %swap3A_103 = arith.index_cast %swap3A : i32 to index
      %swap3A_104 = arith.index_cast %mul3A_102 : i32 to index
      %swap3A_105 = tpu.vector_load %arg13[%swap3A_103, %swap3A_104] {strides = array<i32>} : memref<4x10240xf32, #tpu.memory_space<vmem>>, vector<16xf32>,
      tpu.vector_store %arg13[%swap3A_103, %swap3A_104], %broadcast_in_dim3A_45 {strides = array<i32>} : memref<4x10240xf32, #tpu.memory_space<vmem>>, vector<16xf32>,
      %scan3A_106 = arith.constant 1 : i32
      %scan3A_107 = arith.addi %scan3A_96, %scan3A_106 : i32
      %mul3A_108 = arith.constant 1 : i32
      %mul3A_109 = arith.muli %scan3A_107, %mul3A_108 : i32
      %add3A_110 = arith.constant 0 : i32
      %add3A_111 = arith.addi %add3A_110, %mul3A_109 : i32
      %mul3A_112 = arith.constant 16 : i32
      %mul3A_113 = arith.muli %add3A_111, %mul3A_112 : i32
      %swap3A_114 = arith.constant 0 : i32
      %swap3A_115 = arith.index_cast %swap3A_114 : i32 to index
      %swap3A_116 = arith.index_cast %mul3A_113 : i32 to index
      %swap3A_117 = tpu.vector_load %arg13[%swap3A_115, %swap3A_116] {strides = array<i32>} : memref<4x10240xf32, #tpu.memory_space<vmem>>, vector<16xf32>,
      tpu.vector_store %arg13[%swap3A_115, %swap3A_116], %broadcast_in_dim3A_45 {strides = array<i32>} : memref<4x10240xf32, #tpu.memory_space<vmem>>, vector<16xf32>,
      %scan3A_118 = arith.constant 2 : i32
      %scan3A_119 = arith.addi %scan3A_96, %scan3A_118 : i32
      %mul3A_120 = arith.constant 1 : i32
      %mul3A_121 = arith.muli %scan3A_119, %mul3A_120 : i32
      %add3A_122 = arith.constant 0 : i32
      %add3A_123 = arith.addi %add3A_122, %mul3A_121 : i32
      %mul3A_124 = arith.constant 16 : i32
      %mul3A_125 = arith.muli %add3A_123, %mul3A_124 : i32
      %swap3A_126 = arith.constant 0 : i32
      %swap3A_127 = arith.index_cast %swap3A_126 : i32 to index
      %swap3A_128 = arith.index_cast %mul3A_125 : i32 to index
      %swap3A_129 = tpu.vector_load %arg13[%swap3A_127, %swap3A_128] {strides = array<i32>} : memref<4x10240xf32, #tpu.memory_space<vmem>>, vector<16xf32>,
      tpu.vector_store %arg13[%swap3A_127, %swap3A_128], %broadcast_in_dim3A_45 {strides = array<i32>} : memref<4x10240xf32, #tpu.memory_space<vmem>>, vector<16xf32>,
      %scan3A_130 = arith.constant 3 : i32
      %scan3A_131 = arith.addi %scan3A_96, %scan3A_130 : i32
      %mul3A_132 = arith.constant 1 : i32
      %mul3A_133 = arith.muli %scan3A_131, %mul3A_132 : i32
      %add3A_134 = arith.constant 0 : i32
      %add3A_135 = arith.addi %add3A_134, %mul3A_133 : i32
      %mul3A_136 = arith.constant 16 : i32
      %mul3A_137 = arith.muli %add3A_135, %mul3A_136 : i32
      %swap3A_138 = arith.constant 0 : i32
      %swap3A_139 = arith.index_cast %swap3A_138 : i32 to index
      %swap3A_140 = arith.index_cast %mul3A_137 : i32 to index
      %swap3A_141 = tpu.vector_load %arg13[%swap3A_139, %swap3A_140] {strides = array<i32>} : memref<4x10240xf32, #tpu.memory_space<vmem>>, vector<16xf32>,
      tpu.vector_store %arg13[%swap3A_139, %swap3A_140], %broadcast_in_dim3A_45 {strides = array<i32>} : memref<4x10240xf32, #tpu.memory_space<vmem>>, vector<16xf32>,
      %scan3A_142 = arith.constant 4 : i32
      %scan3A_143 = arith.addi %scan3A_96, %scan3A_142 : i32
      %mul3A_144 = arith.constant 1 : i32
      %mul3A_145 = arith.muli %scan3A_143, %mul3A_144 : i32
      %add3A_146 = arith.constant 0 : i32
      %add3A_147 = arith.addi %add3A_146, %mul3A_145 : i32
      %mul3A_148 = arith.constant 16 : i32
      %mul3A_149 = arith.muli %add3A_147, %mul3A_148 : i32
      %swap3A_150 = arith.constant 0 : i32
      %swap3A_151 = arith.index_cast %swap3A_150 : i32 to index
      %swap3A_152 = arith.index_cast %mul3A_149 : i32 to index
      %swap3A_153 = tpu.vector_load %arg13[%swap3A_151, %swap3A_152] {strides = array<i32>} : memref<4x10240xf32, #tpu.memory_space<vmem>>, vector<16xf32>,
      tpu.vector_store %arg13[%swap3A_151, %swap3A_152], %broadcast_in_dim3A_45 {strides = array<i32>} : memref<4x10240xf32, #tpu.memory_space<vmem>>, vector<16xf32>,
      %scan3A_154 = arith.constant 5 : i32
      %scan3A_155 = arith.addi %scan3A_96, %scan3A_154 : i32
      %mul3A_156 = arith.constant 1 : i32
      %mul3A_157 = arith.muli %scan3A_155, %mul3A_156 : i32
      %add3A_158 = arith.constant 0 : i32
      %add3A_159 = arith.addi %add3A_158, %mul3A_157 : i32
      %mul3A_160 = arith.constant 16 : i32
      %mul3A_161 = arith.muli %add3A_159, %mul3A_160 : i32
      %swap3A_162 = arith.constant 0 : i32
      %swap3A_163 = arith.index_cast %swap3A_162 : i32 to index
      %swap3A_164 = arith.index_cast %mul3A_161 : i32 to index
      %swap3A_165 = tpu.vector_load %arg13[%swap3A_163, %swap3A_164] {strides = array<i32>} : memref<4x10240xf32, #tpu.memory_space<vmem>>, vector<16xf32>,
      tpu.vector_store %arg13[%swap3A_163, %swap3A_164], %broadcast_in_dim3A_45 {strides = array<i32>} : memref<4x10240xf32, #tpu.memory_space<vmem>>, vector<16xf32>,
      %scan3A_166 = arith.constant 6 : i32
      %scan3A_167 = arith.addi %scan3A_96, %scan3A_166 : i32
      %mul3A_168 = arith.constant 1 : i32
      %mul3A_169 = arith.muli %scan3A_167, %mul3A_168 : i32
      %add3A_170 = arith.constant 0 : i32
      %add3A_171 = arith.addi %add3A_170, %mul3A_169 : i32
      %mul3A_172 = arith.constant 16 : i32
      %mul3A_173 = arith.muli %add3A_171, %mul3A_172 : i32
      %swap3A_174 = arith.constant 0 : i32
      %swap3A_175 = arith.index_cast %swap3A_174 : i32 to index
      %swap3A_176 = arith.index_cast %mul3A_173 : i32 to index
      %swap3A_177 = tpu.vector_load %arg13[%swap3A_175, %swap3A_176] {strides = array<i32>} : memref<4x10240xf32, #tpu.memory_space<vmem>>, vector<16xf32>,
      tpu.vector_store %arg13[%swap3A_175, %swap3A_176], %broadcast_in_dim3A_45 {strides = array<i32>} : memref<4x10240xf32, #tpu.memory_space<vmem>>, vector<16xf32>,
      %scan3A_178 = arith.constant 7 : i32
      %scan3A_179 = arith.addi %scan3A_96, %scan3A_178 : i32
      %mul3A_180 = arith.constant 1 : i32
      %mul3A_181 = arith.muli %scan3A_179, %mul3A_180 : i32
      %add3A_182 = arith.constant 0 : i32
      %add3A_183 = arith.addi %add3A_182, %mul3A_181 : i32
      %mul3A_184 = arith.constant 16 : i32
      %mul3A_185 = arith.muli %add3A_183, %mul3A_184 : i32
      %swap3A_186 = arith.constant 0 : i32
      %swap3A_187 = arith.index_cast %swap3A_186 : i32 to index
      %swap3A_188 = arith.index_cast %mul3A_185 : i32 to index
      %swap3A_189 = tpu.vector_load %arg13[%swap3A_187, %swap3A_188] {strides = array<i32>} : memref<4x10240xf32, #tpu.memory_space<vmem>>, vector<16xf32>,
      tpu.vector_store %arg13[%swap3A_187, %swap3A_188], %broadcast_in_dim3A_45 {strides = array<i32>} : memref<4x10240xf32, #tpu.memory_space<vmem>>, vector<16xf32>,
    }
    %scan3A_54 = arith.constant 640 : i32
    %scan3A_55 = arith.constant 0 : i32
    %scan3A_56 = arith.constant 640 : i32
    %scan3A_57 = arith.addi %scan3A_55, %scan3A_56 : i32
    %scan3A_58 = arith.constant 8 : i32
    scf.for %scan3A_96 = %scan3A_55 to %scan3A_57 step %scan3A_58  : i32 {
      %mul3A_97 = arith.constant 1 : i32
      %mul3A_98 = arith.muli %scan3A_96, %mul3A_97 : i32
      %add3A_99 = arith.constant 0 : i32
      %add3A_100 = arith.addi %add3A_99, %mul3A_98 : i32
      %mul3A_101 = arith.constant 16 : i32
      %mul3A_102 = arith.muli %add3A_100, %mul3A_101 : i32
      %swap3A = arith.constant 1 : i32
      %swap3A_103 = arith.index_cast %swap3A : i32 to index
      %swap3A_104 = arith.index_cast %mul3A_102 : i32 to index
      %swap3A_105 = tpu.vector_load %arg13[%swap3A_103, %swap3A_104] {strides = array<i32>} : memref<4x10240xf32, #tpu.memory_space<vmem>>, vector<16xf32>,
      tpu.vector_store %arg13[%swap3A_103, %swap3A_104], %broadcast_in_dim3A_45 {strides = array<i32>} : memref<4x10240xf32, #tpu.memory_space<vmem>>, vector<16xf32>,
      %scan3A_106 = arith.constant 1 : i32
      %scan3A_107 = arith.addi %scan3A_96, %scan3A_106 : i32
      %mul3A_108 = arith.constant 1 : i32
      %mul3A_109 = arith.muli %scan3A_107, %mul3A_108 : i32
      %add3A_110 = arith.constant 0 : i32
      %add3A_111 = arith.addi %add3A_110, %mul3A_109 : i32
      %mul3A_112 = arith.constant 16 : i32
      %mul3A_113 = arith.muli %add3A_111, %mul3A_112 : i32
      %swap3A_114 = arith.constant 1 : i32
      %swap3A_115 = arith.index_cast %swap3A_114 : i32 to index
      %swap3A_116 = arith.index_cast %mul3A_113 : i32 to index
      %swap3A_117 = tpu.vector_load %arg13[%swap3A_115, %swap3A_116] {strides = array<i32>} : memref<4x10240xf32, #tpu.memory_space<vmem>>, vector<16xf32>,
      tpu.vector_store %arg13[%swap3A_115, %swap3A_116], %broadcast_in_dim3A_45 {strides = array<i32>} : memref<4x10240xf32, #tpu.memory_space<vmem>>, vector<16xf32>,
      %scan3A_118 = arith.constant 2 : i32
      %scan3A_119 = arith.addi %scan3A_96, %scan3A_118 : i32
      %mul3A_120 = arith.constant 1 : i32
      %mul3A_121 = arith.muli %scan3A_119, %mul3A_120 : i32
      %add3A_122 = arith.constant 0 : i32
      %add3A_123 = arith.addi %add3A_122, %mul3A_121 : i32
      %mul3A_124 = arith.constant 16 : i32
      %mul3A_125 = arith.muli %add3A_123, %mul3A_124 : i32
      %swap3A_126 = arith.constant 1 : i32
      %swap3A_127 = arith.index_cast %swap3A_126 : i32 to index
      %swap3A_128 = arith.index_cast %mul3A_125 : i32 to index
      %swap3A_129 = tpu.vector_load %arg13[%swap3A_127, %swap3A_128] {strides = array<i32>} : memref<4x10240xf32, #tpu.memory_space<vmem>>, vector<16xf32>,
      tpu.vector_store %arg13[%swap3A_127, %swap3A_128], %broadcast_in_dim3A_45 {strides = array<i32>} : memref<4x10240xf32, #tpu.memory_space<vmem>>, vector<16xf32>,
      %scan3A_130 = arith.constant 3 : i32
      %scan3A_131 = arith.addi %scan3A_96, %scan3A_130 : i32
      %mul3A_132 = arith.constant 1 : i32
      %mul3A_133 = arith.muli %scan3A_131, %mul3A_132 : i32
      %add3A_134 = arith.constant 0 : i32
      %add3A_135 = arith.addi %add3A_134, %mul3A_133 : i32
      %mul3A_136 = arith.constant 16 : i32
      %mul3A_137 = arith.muli %add3A_135, %mul3A_136 : i32
      %swap3A_138 = arith.constant 1 : i32
      %swap3A_139 = arith.index_cast %swap3A_138 : i32 to index
      %swap3A_140 = arith.index_cast %mul3A_137 : i32 to index
      %swap3A_141 = tpu.vector_load %arg13[%swap3A_139, %swap3A_140] {strides = array<i32>} : memref<4x10240xf32, #tpu.memory_space<vmem>>, vector<16xf32>,
      tpu.vector_store %arg13[%swap3A_139, %swap3A_140], %broadcast_in_dim3A_45 {strides = array<i32>} : memref<4x10240xf32, #tpu.memory_space<vmem>>, vector<16xf32>,
      %scan3A_142 = arith.constant 4 : i32
      %scan3A_143 = arith.addi %scan3A_96, %scan3A_142 : i32
      %mul3A_144 = arith.constant 1 : i32
      %mul3A_145 = arith.muli %scan3A_143, %mul3A_144 : i32
      %add3A_146 = arith.constant 0 : i32
      %add3A_147 = arith.addi %add3A_146, %mul3A_145 : i32
      %mul3A_148 = arith.constant 16 : i32
      %mul3A_149 = arith.muli %add3A_147, %mul3A_148 : i32
      %swap3A_150 = arith.constant 1 : i32
      %swap3A_151 = arith.index_cast %swap3A_150 : i32 to index
      %swap3A_152 = arith.index_cast %mul3A_149 : i32 to index
      %swap3A_153 = tpu.vector_load %arg13[%swap3A_151, %swap3A_152] {strides = array<i32>} : memref<4x10240xf32, #tpu.memory_space<vmem>>, vector<16xf32>,
      tpu.vector_store %arg13[%swap3A_151, %swap3A_152], %broadcast_in_dim3A_45 {strides = array<i32>} : memref<4x10240xf32, #tpu.memory_space<vmem>>, vector<16xf32>,
      %scan3A_154 = arith.constant 5 : i32
      %scan3A_155 = arith.addi %scan3A_96, %scan3A_154 : i32
      %mul3A_156 = arith.constant 1 : i32
      %mul3A_157 = arith.muli %scan3A_155, %mul3A_156 : i32
      %add3A_158 = arith.constant 0 : i32
      %add3A_159 = arith.addi %add3A_158, %mul3A_157 : i32
      %mul3A_160 = arith.constant 16 : i32
      %mul3A_161 = arith.muli %add3A_159, %mul3A_160 : i32
      %swap3A_162 = arith.constant 1 : i32
      %swap3A_163 = arith.index_cast %swap3A_162 : i32 to index
      %swap3A_164 = arith.index_cast %mul3A_161 : i32 to index
      %swap3A_165 = tpu.vector_load %arg13[%swap3A_163, %swap3A_164] {strides = array<i32>} : memref<4x10240xf32, #tpu.memory_space<vmem>>, vector<16xf32>,
      tpu.vector_store %arg13[%swap3A_163, %swap3A_164], %broadcast_in_dim3A_45 {strides = array<i32>} : memref<4x10240xf32, #tpu.memory_space<vmem>>, vector<16xf32>,
      %scan3A_166 = arith.constant 6 : i32
      %scan3A_167 = arith.addi %scan3A_96, %scan3A_166 : i32
      %mul3A_168 = arith.constant 1 : i32
      %mul3A_169 = arith.muli %scan3A_167, %mul3A_168 : i32
      %add3A_170 = arith.constant 0 : i32
      %add3A_171 = arith.addi %add3A_170, %mul3A_169 : i32
      %mul3A_172 = arith.constant 16 : i32
      %mul3A_173 = arith.muli %add3A_171, %mul3A_172 : i32
      %swap3A_174 = arith.constant 1 : i32
      %swap3A_175 = arith.index_cast %swap3A_174 : i32 to index
      %swap3A_176 = arith.index_cast %mul3A_173 : i32 to index
      %swap3A_177 = tpu.vector_load %arg13[%swap3A_175, %swap3A_176] {strides = array<i32>} : memref<4x10240xf32, #tpu.memory_space<vmem>>, vector<16xf32>,
      tpu.vector_store %arg13[%swap3A_175, %swap3A_176], %broadcast_in_dim3A_45 {strides = array<i32>} : memref<4x10240xf32, #tpu.memory_space<vmem>>, vector<16xf32>,
      %scan3A_178 = arith.constant 7 : i32
      %scan3A_179 = arith.addi %scan3A_96, %scan3A_178 : i32
      %mul3A_180 = arith.constant 1 : i32
      %mul3A_181 = arith.muli %scan3A_179, %mul3A_180 : i32
      %add3A_182 = arith.constant 0 : i32
      %add3A_183 = arith.addi %add3A_182, %mul3A_181 : i32
      %mul3A_184 = arith.constant 16 : i32
      %mul3A_185 = arith.muli %add3A_183, %mul3A_184 : i32
      %swap3A_186 = arith.constant 1 : i32
      %swap3A_187 = arith.index_cast %swap3A_186 : i32 to index
      %swap3A_188 = arith.index_cast %mul3A_185 : i32 to index
      %swap3A_189 = tpu.vector_load %arg13[%swap3A_187, %swap3A_188] {strides = array<i32>} : memref<4x10240xf32, #tpu.memory_space<vmem>>, vector<16xf32>,
      tpu.vector_store %arg13[%swap3A_187, %swap3A_188], %broadcast_in_dim3A_45 {strides = array<i32>} : memref<4x10240xf32, #tpu.memory_space<vmem>>, vector<16xf32>,
    }
    %scan3A_59 = arith.constant 640 : i32
    %scan3A_60 = arith.constant 0 : i32
    %scan3A_61 = arith.constant 640 : i32
    %scan3A_62 = arith.addi %scan3A_60, %scan3A_61 : i32
    %scan3A_63 = arith.constant 8 : i32
    scf.for %scan3A_96 = %scan3A_60 to %scan3A_62 step %scan3A_63  : i32 {
      %mul3A_97 = arith.constant 1 : i32
      %mul3A_98 = arith.muli %scan3A_96, %mul3A_97 : i32
      %add3A_99 = arith.constant 0 : i32
      %add3A_100 = arith.addi %add3A_99, %mul3A_98 : i32
      %mul3A_101 = arith.constant 16 : i32
      %mul3A_102 = arith.muli %add3A_100, %mul3A_101 : i32
      %swap3A = arith.constant 2 : i32
      %swap3A_103 = arith.index_cast %swap3A : i32 to index
      %swap3A_104 = arith.index_cast %mul3A_102 : i32 to index
      %swap3A_105 = tpu.vector_load %arg13[%swap3A_103, %swap3A_104] {strides = array<i32>} : memref<4x10240xf32, #tpu.memory_space<vmem>>, vector<16xf32>,
      tpu.vector_store %arg13[%swap3A_103, %swap3A_104], %broadcast_in_dim3A_45 {strides = array<i32>} : memref<4x10240xf32, #tpu.memory_space<vmem>>, vector<16xf32>,
      %scan3A_106 = arith.constant 1 : i32
      %scan3A_107 = arith.addi %scan3A_96, %scan3A_106 : i32
      %mul3A_108 = arith.constant 1 : i32
      %mul3A_109 = arith.muli %scan3A_107, %mul3A_108 : i32
      %add3A_110 = arith.constant 0 : i32
      %add3A_111 = arith.addi %add3A_110, %mul3A_109 : i32
      %mul3A_112 = arith.constant 16 : i32
      %mul3A_113 = arith.muli %add3A_111, %mul3A_112 : i32
      %swap3A_114 = arith.constant 2 : i32
      %swap3A_115 = arith.index_cast %swap3A_114 : i32 to index
      %swap3A_116 = arith.index_cast %mul3A_113 : i32 to index
      %swap3A_117 = tpu.vector_load %arg13[%swap3A_115, %swap3A_116] {strides = array<i32>} : memref<4x10240xf32, #tpu.memory_space<vmem>>, vector<16xf32>,
      tpu.vector_store %arg13[%swap3A_115, %swap3A_116], %broadcast_in_dim3A_45 {strides = array<i32>} : memref<4x10240xf32, #tpu.memory_space<vmem>>, vector<16xf32>,
      %scan3A_118 = arith.constant 2 : i32
      %scan3A_119 = arith.addi %scan3A_96, %scan3A_118 : i32
      %mul3A_120 = arith.constant 1 : i32
      %mul3A_121 = arith.muli %scan3A_119, %mul3A_120 : i32
      %add3A_122 = arith.constant 0 : i32
      %add3A_123 = arith.addi %add3A_122, %mul3A_121 : i32
      %mul3A_124 = arith.constant 16 : i32
      %mul3A_125 = arith.muli %add3A_123, %mul3A_124 : i32
      %swap3A_126 = arith.constant 2 : i32
      %swap3A_127 = arith.index_cast %swap3A_126 : i32 to index
      %swap3A_128 = arith.index_cast %mul3A_125 : i32 to index
      %swap3A_129 = tpu.vector_load %arg13[%swap3A_127, %swap3A_128] {strides = array<i32>} : memref<4x10240xf32, #tpu.memory_space<vmem>>, vector<16xf32>,
      tpu.vector_store %arg13[%swap3A_127, %swap3A_128], %broadcast_in_dim3A_45 {strides = array<i32>} : memref<4x10240xf32, #tpu.memory_space<vmem>>, vector<16xf32>,
      %scan3A_130 = arith.constant 3 : i32
      %scan3A_131 = arith.addi %scan3A_96, %scan3A_130 : i32
      %mul3A_132 = arith.constant 1 : i32
      %mul3A_133 = arith.muli %scan3A_131, %mul3A_132 : i32
      %add3A_134 = arith.constant 0 : i32
      %add3A_135 = arith.addi %add3A_134, %mul3A_133 : i32
      %mul3A_136 = arith.constant 16 : i32
      %mul3A_137 = arith.muli %add3A_135, %mul3A_136 : i32
      %swap3A_138 = arith.constant 2 : i32
      %swap3A_139 = arith.index_cast %swap3A_138 : i32 to index
      %swap3A_140 = arith.index_cast %mul3A_137 : i32 to index
      %swap3A_141 = tpu.vector_load %arg13[%swap3A_139, %swap3A_140] {strides = array<i32>} : memref<4x10240xf32, #tpu.memory_space<vmem>>, vector<16xf32>,
      tpu.vector_store %arg13[%swap3A_139, %swap3A_140], %broadcast_in_dim3A_45 {strides = array<i32>} : memref<4x10240xf32, #tpu.memory_space<vmem>>, vector<16xf32>,
      %scan3A_142 = arith.constant 4 : i32
      %scan3A_143 = arith.addi %scan3A_96, %scan3A_142 : i32
      %mul3A_144 = arith.constant 1 : i32
      %mul3A_145 = arith.muli %scan3A_143, %mul3A_144 : i32
      %add3A_146 = arith.constant 0 : i32
      %add3A_147 = arith.addi %add3A_146, %mul3A_145 : i32
      %mul3A_148 = arith.constant 16 : i32
      %mul3A_149 = arith.muli %add3A_147, %mul3A_148 : i32
      %swap3A_150 = arith.constant 2 : i32
      %swap3A_151 = arith.index_cast %swap3A_150 : i32 to index
      %swap3A_152 = arith.index_cast %mul3A_149 : i32 to index
      %swap3A_153 = tpu.vector_load %arg13[%swap3A_151, %swap3A_152] {strides = array<i32>} : memref<4x10240xf32, #tpu.memory_space<vmem>>, vector<16xf32>,
      tpu.vector_store %arg13[%swap3A_151, %swap3A_152], %broadcast_in_dim3A_45 {strides = array<i32>} : memref<4x10240xf32, #tpu.memory_space<vmem>>, vector<16xf32>,
      %scan3A_154 = arith.constant 5 : i32
      %scan3A_155 = arith.addi %scan3A_96, %scan3A_154 : i32
      %mul3A_156 = arith.constant 1 : i32
      %mul3A_157 = arith.muli %scan3A_155, %mul3A_156 : i32
      %add3A_158 = arith.constant 0 : i32
      %add3A_159 = arith.addi %add3A_158, %mul3A_157 : i32
      %mul3A_160 = arith.constant 16 : i32
      %mul3A_161 = arith.muli %add3A_159, %mul3A_160 : i32
      %swap3A_162 = arith.constant 2 : i32
      %swap3A_163 = arith.index_cast %swap3A_162 : i32 to index
      %swap3A_164 = arith.index_cast %mul3A_161 : i32 to index
      %swap3A_165 = tpu.vector_load %arg13[%swap3A_163, %swap3A_164] {strides = array<i32>} : memref<4x10240xf32, #tpu.memory_space<vmem>>, vector<16xf32>,
      tpu.vector_store %arg13[%swap3A_163, %swap3A_164], %broadcast_in_dim3A_45 {strides = array<i32>} : memref<4x10240xf32, #tpu.memory_space<vmem>>, vector<16xf32>,
      %scan3A_166 = arith.constant 6 : i32
      %scan3A_167 = arith.addi %scan3A_96, %scan3A_166 : i32
      %mul3A_168 = arith.constant 1 : i32
      %mul3A_169 = arith.muli %scan3A_167, %mul3A_168 : i32
      %add3A_170 = arith.constant 0 : i32
      %add3A_171 = arith.addi %add3A_170, %mul3A_169 : i32
      %mul3A_172 = arith.constant 16 : i32
      %mul3A_173 = arith.muli %add3A_171, %mul3A_172 : i32
      %swap3A_174 = arith.constant 2 : i32
      %swap3A_175 = arith.index_cast %swap3A_174 : i32 to index
      %swap3A_176 = arith.index_cast %mul3A_173 : i32 to index
      %swap3A_177 = tpu.vector_load %arg13[%swap3A_175, %swap3A_176] {strides = array<i32>} : memref<4x10240xf32, #tpu.memory_space<vmem>>, vector<16xf32>,
      tpu.vector_store %arg13[%swap3A_175, %swap3A_176], %broadcast_in_dim3A_45 {strides = array<i32>} : memref<4x10240xf32, #tpu.memory_space<vmem>>, vector<16xf32>,
      %scan3A_178 = arith.constant 7 : i32
      %scan3A_179 = arith.addi %scan3A_96, %scan3A_178 : i32
      %mul3A_180 = arith.constant 1 : i32
      %mul3A_181 = arith.muli %scan3A_179, %mul3A_180 : i32
      %add3A_182 = arith.constant 0 : i32
      %add3A_183 = arith.addi %add3A_182, %mul3A_181 : i32
      %mul3A_184 = arith.constant 16 : i32
      %mul3A_185 = arith.muli %add3A_183, %mul3A_184 : i32
      %swap3A_186 = arith.constant 2 : i32
      %swap3A_187 = arith.index_cast %swap3A_186 : i32 to index
      %swap3A_188 = arith.index_cast %mul3A_185 : i32 to index
      %swap3A_189 = tpu.vector_load %arg13[%swap3A_187, %swap3A_188] {strides = array<i32>} : memref<4x10240xf32, #tpu.memory_space<vmem>>, vector<16xf32>,
      tpu.vector_store %arg13[%swap3A_187, %swap3A_188], %broadcast_in_dim3A_45 {strides = array<i32>} : memref<4x10240xf32, #tpu.memory_space<vmem>>, vector<16xf32>,
    }
    %scan3A_64 = arith.constant 640 : i32
    %scan3A_65 = arith.constant 0 : i32
    %scan3A_66 = arith.constant 640 : i32
    %scan3A_67 = arith.addi %scan3A_65, %scan3A_66 : i32
    %scan3A_68 = arith.constant 8 : i32
    scf.for %scan3A_96 = %scan3A_65 to %scan3A_67 step %scan3A_68  : i32 {
      %mul3A_97 = arith.constant 1 : i32
      %mul3A_98 = arith.muli %scan3A_96, %mul3A_97 : i32
      %add3A_99 = arith.constant 0 : i32
      %add3A_100 = arith.addi %add3A_99, %mul3A_98 : i32
      %mul3A_101 = arith.constant 16 : i32
      %mul3A_102 = arith.muli %add3A_100, %mul3A_101 : i32
      %swap3A = arith.constant 3 : i32
      %swap3A_103 = arith.index_cast %swap3A : i32 to index
      %swap3A_104 = arith.index_cast %mul3A_102 : i32 to index
      %swap3A_105 = tpu.vector_load %arg13[%swap3A_103, %swap3A_104] {strides = array<i32>} : memref<4x10240xf32, #tpu.memory_space<vmem>>, vector<16xf32>,
      tpu.vector_store %arg13[%swap3A_103, %swap3A_104], %broadcast_in_dim3A_45 {strides = array<i32>} : memref<4x10240xf32, #tpu.memory_space<vmem>>, vector<16xf32>,
      %scan3A_106 = arith.constant 1 : i32
      %scan3A_107 = arith.addi %scan3A_96, %scan3A_106 : i32
      %mul3A_108 = arith.constant 1 : i32
      %mul3A_109 = arith.muli %scan3A_107, %mul3A_108 : i32
      %add3A_110 = arith.constant 0 : i32
      %add3A_111 = arith.addi %add3A_110, %mul3A_109 : i32
      %mul3A_112 = arith.constant 16 : i32
      %mul3A_113 = arith.muli %add3A_111, %mul3A_112 : i32
      %swap3A_114 = arith.constant 3 : i32
      %swap3A_115 = arith.index_cast %swap3A_114 : i32 to index
      %swap3A_116 = arith.index_cast %mul3A_113 : i32 to index
      %swap3A_117 = tpu.vector_load %arg13[%swap3A_115, %swap3A_116] {strides = array<i32>} : memref<4x10240xf32, #tpu.memory_space<vmem>>, vector<16xf32>,
      tpu.vector_store %arg13[%swap3A_115, %swap3A_116], %broadcast_in_dim3A_45 {strides = array<i32>} : memref<4x10240xf32, #tpu.memory_space<vmem>>, vector<16xf32>,
      %scan3A_118 = arith.constant 2 : i32
      %scan3A_119 = arith.addi %scan3A_96, %scan3A_118 : i32
      %mul3A_120 = arith.constant 1 : i32
      %mul3A_121 = arith.muli %scan3A_119, %mul3A_120 : i32
      %add3A_122 = arith.constant 0 : i32
      %add3A_123 = arith.addi %add3A_122, %mul3A_121 : i32
      %mul3A_124 = arith.constant 16 : i32
      %mul3A_125 = arith.muli %add3A_123, %mul3A_124 : i32
      %swap3A_126 = arith.constant 3 : i32
      %swap3A_127 = arith.index_cast %swap3A_126 : i32 to index
      %swap3A_128 = arith.index_cast %mul3A_125 : i32 to index
      %swap3A_129 = tpu.vector_load %arg13[%swap3A_127, %swap3A_128] {strides = array<i32>} : memref<4x10240xf32, #tpu.memory_space<vmem>>, vector<16xf32>,
      tpu.vector_store %arg13[%swap3A_127, %swap3A_128], %broadcast_in_dim3A_45 {strides = array<i32>} : memref<4x10240xf32, #tpu.memory_space<vmem>>, vector<16xf32>,
      %scan3A_130 = arith.constant 3 : i32
      %scan3A_131 = arith.addi %scan3A_96, %scan3A_130 : i32
      %mul3A_132 = arith.constant 1 : i32
      %mul3A_133 = arith.muli %scan3A_131, %mul3A_132 : i32
      %add3A_134 = arith.constant 0 : i32
      %add3A_135 = arith.addi %add3A_134, %mul3A_133 : i32
      %mul3A_136 = arith.constant 16 : i32
      %mul3A_137 = arith.muli %add3A_135, %mul3A_136 : i32
      %swap3A_138 = arith.constant 3 : i32
      %swap3A_139 = arith.index_cast %swap3A_138 : i32 to index
      %swap3A_140 = arith.index_cast %mul3A_137 : i32 to index
      %swap3A_141 = tpu.vector_load %arg13[%swap3A_139, %swap3A_140] {strides = array<i32>} : memref<4x10240xf32, #tpu.memory_space<vmem>>, vector<16xf32>,
      tpu.vector_store %arg13[%swap3A_139, %swap3A_140], %broadcast_in_dim3A_45 {strides = array<i32>} : memref<4x10240xf32, #tpu.memory_space<vmem>>, vector<16xf32>,
      %scan3A_142 = arith.constant 4 : i32
      %scan3A_143 = arith.addi %scan3A_96, %scan3A_142 : i32
      %mul3A_144 = arith.constant 1 : i32
      %mul3A_145 = arith.muli %scan3A_143, %mul3A_144 : i32
      %add3A_146 = arith.constant 0 : i32
      %add3A_147 = arith.addi %add3A_146, %mul3A_145 : i32
      %mul3A_148 = arith.constant 16 : i32
      %mul3A_149 = arith.muli %add3A_147, %mul3A_148 : i32
      %swap3A_150 = arith.constant 3 : i32
      %swap3A_151 = arith.index_cast %swap3A_150 : i32 to index
      %swap3A_152 = arith.index_cast %mul3A_149 : i32 to index
      %swap3A_153 = tpu.vector_load %arg13[%swap3A_151, %swap3A_152] {strides = array<i32>} : memref<4x10240xf32, #tpu.memory_space<vmem>>, vector<16xf32>,
      tpu.vector_store %arg13[%swap3A_151, %swap3A_152], %broadcast_in_dim3A_45 {strides = array<i32>} : memref<4x10240xf32, #tpu.memory_space<vmem>>, vector<16xf32>,
      %scan3A_154 = arith.constant 5 : i32
      %scan3A_155 = arith.addi %scan3A_96, %scan3A_154 : i32
      %mul3A_156 = arith.constant 1 : i32
      %mul3A_157 = arith.muli %scan3A_155, %mul3A_156 : i32
      %add3A_158 = arith.constant 0 : i32
      %add3A_159 = arith.addi %add3A_158, %mul3A_157 : i32
      %mul3A_160 = arith.constant 16 : i32
      %mul3A_161 = arith.muli %add3A_159, %mul3A_160 : i32
      %swap3A_162 = arith.constant 3 : i32
      %swap3A_163 = arith.index_cast %swap3A_162 : i32 to index
      %swap3A_164 = arith.index_cast %mul3A_161 : i32 to index
      %swap3A_165 = tpu.vector_load %arg13[%swap3A_163, %swap3A_164] {strides = array<i32>} : memref<4x10240xf32, #tpu.memory_space<vmem>>, vector<16xf32>,
      tpu.vector_store %arg13[%swap3A_163, %swap3A_164], %broadcast_in_dim3A_45 {strides = array<i32>} : memref<4x10240xf32, #tpu.memory_space<vmem>>, vector<16xf32>,
      %scan3A_166 = arith.constant 6 : i32
      %scan3A_167 = arith.addi %scan3A_96, %scan3A_166 : i32
      %mul3A_168 = arith.constant 1 : i32
      %mul3A_169 = arith.muli %scan3A_167, %mul3A_168 : i32
      %add3A_170 = arith.constant 0 : i32
      %add3A_171 = arith.addi %add3A_170, %mul3A_169 : i32
      %mul3A_172 = arith.constant 16 : i32
      %mul3A_173 = arith.muli %add3A_171, %mul3A_172 : i32
      %swap3A_174 = arith.constant 3 : i32
      %swap3A_175 = arith.index_cast %swap3A_174 : i32 to index
      %swap3A_176 = arith.index_cast %mul3A_173 : i32 to index
      %swap3A_177 = tpu.vector_load %arg13[%swap3A_175, %swap3A_176] {strides = array<i32>} : memref<4x10240xf32, #tpu.memory_space<vmem>>, vector<16xf32>,
      tpu.vector_store %arg13[%swap3A_175, %swap3A_176], %broadcast_in_dim3A_45 {strides = array<i32>} : memref<4x10240xf32, #tpu.memory_space<vmem>>, vector<16xf32>,
      %scan3A_178 = arith.constant 7 : i32
      %scan3A_179 = arith.addi %scan3A_96, %scan3A_178 : i32
      %mul3A_180 = arith.constant 1 : i32
      %mul3A_181 = arith.muli %scan3A_179, %mul3A_180 : i32
      %add3A_182 = arith.constant 0 : i32
      %add3A_183 = arith.addi %add3A_182, %mul3A_181 : i32
      %mul3A_184 = arith.constant 16 : i32
      %mul3A_185 = arith.muli %add3A_183, %mul3A_184 : i32
      %swap3A_186 = arith.constant 3 : i32
      %swap3A_187 = arith.index_cast %swap3A_186 : i32 to index
      %swap3A_188 = arith.index_cast %mul3A_185 : i32 to index
      %swap3A_189 = tpu.vector_load %arg13[%swap3A_187, %swap3A_188] {strides = array<i32>} : memref<4x10240xf32, #tpu.memory_space<vmem>>, vector<16xf32>,
      tpu.vector_store %arg13[%swap3A_187, %swap3A_188], %broadcast_in_dim3A_45 {strides = array<i32>} : memref<4x10240xf32, #tpu.memory_space<vmem>>, vector<16xf32>,
    }
    %scan3A_69 = arith.constant 640 : i32
    tpu.wait_dma2 semaphore(%arg17 : memref<!tpu.dma_semaphore, #tpu.memory_space<semaphore_mem>>) src(%arg3 : memref<10240xf32, #tpu.memory_space<hbm>>) dst(%arg9 : memref<10240xf32, #tpu.memory_space<vmem>>)
    tpu.wait_dma2 semaphore(%arg17 : memref<!tpu.dma_semaphore, #tpu.memory_space<semaphore_mem>>) src(%arg4 : memref<10240xf32, #tpu.memory_space<hbm>>) dst(%arg10 : memref<10240xf32, #tpu.memory_space<vmem>>)
    tpu.wait_dma2 semaphore(%arg17 : memref<!tpu.dma_semaphore, #tpu.memory_space<semaphore_mem>>) src(%arg5 : memref<16xf32, #tpu.memory_space<hbm>>) dst(%arg11 : memref<16xf32, #tpu.memory_space<vmem>>)
    %dma_wait3A = arith.constant 0 : i32
    %dma_wait3A_70 = arith.constant 0 : i32
    %dma_wait3A_71 = tpu.memref_slice %arg6[%select_n3A_9, %dma_wait3A, %dma_wait3A_70] : memref<4x4x10240xf32, #tpu.memory_space<hbm>> -> memref<1x4x10240xf32, #tpu.memory_space<hbm>>
    %dma_wait3A_72 = tpu.memref_squeeze %dma_wait3A_71 : memref<1x4x10240xf32, #tpu.memory_space<hbm>> -> memref<4x10240xf32, #tpu.memory_space<hbm>>
    %dma_wait3A_73 = arith.constant 0 : i32
    %dma_wait3A_74 = arith.constant 0 : i32
    %dma_wait3A_75 = tpu.memref_slice %arg6[%select_n3A_9, %dma_wait3A_73, %dma_wait3A_74] : memref<4x4x10240xf32, #tpu.memory_space<hbm>> -> memref<1x4x10240xf32, #tpu.memory_space<hbm>>
    %dma_wait3A_76 = tpu.memref_squeeze %dma_wait3A_75 : memref<1x4x10240xf32, #tpu.memory_space<hbm>> -> memref<4x10240xf32, #tpu.memory_space<hbm>>
    tpu.wait_dma2 semaphore(%arg17 : memref<!tpu.dma_semaphore, #tpu.memory_space<semaphore_mem>>) src(%dma_wait3A_76 : memref<4x10240xf32, #tpu.memory_space<hbm>>) dst(%arg12 : memref<4x10240xf32, #tpu.memory_space<vmem>>)
    %get3A = arith.constant 0 : index
    %get3A_77 = tpu.vector_load %arg11[%get3A] {strides = array<i32>} : memref<16xf32, #tpu.memory_space<vmem>>, vector<16xf32>,
    %broadcast_in_dim3A_78 = arith.constant 0 : i32
    %broadcast_in_dim3A_79 = vector.broadcast %broadcast_in_dim3A_78 : i32 to vector<16xi32>
    %broadcast_in_dim3A_80 = arith.constant 1 : i32
    %broadcast_in_dim3A_81 = vector.broadcast %broadcast_in_dim3A_80 : i32 to vector<16xi32>
    %broadcast_in_dim3A_82 = arith.constant 2 : i32
    %broadcast_in_dim3A_83 = vector.broadcast %broadcast_in_dim3A_82 : i32 to vector<16xi32>
    %broadcast_in_dim3A_84 = arith.constant 3 : i32
    %broadcast_in_dim3A_85 = vector.broadcast %broadcast_in_dim3A_84 : i32 to vector<16xi32>
    %broadcast_in_dim3A_86 = arith.constant 0 : i32
    %broadcast_in_dim3A_87 = vector.broadcast %broadcast_in_dim3A_86 : i32 to vector<16xi32>
    %scan3A_88 = arith.constant 0 : i32
    %scan3A_89 = arith.constant 10 : i32
    %scan3A_90 = arith.addi %scan3A_88, %scan3A_89 : i32
    %scan3A_91 = arith.constant 1 : i32
    scf.for %scan3A_96 = %scan3A_88 to %scan3A_90 step %scan3A_91  : i32 {
      %mul3A_97 = arith.constant 1 : i32
      %mul3A_98 = arith.muli %scan3A_96, %mul3A_97 : i32
      %add3A_99 = arith.constant 0 : i32
      %add3A_100 = arith.addi %add3A_99, %mul3A_98 : i32
      %mul3A_101 = arith.constant 2 : i32
      %mul3A_102 = arith.muli %mul3A_101, %add3A_100 : i32
      %mul3A_103 = arith.constant 2000 : i32
      %mul3A_104 = arith.muli %mul3A_102, %mul3A_103 : i32
      %add3A_105 = arith.addi %mul3A_35, %mul3A_104 : i32
      %dma_wait3A_106 = tpu.memref_slice %arg2[%add3A_105] : memref<320000xi32, #tpu.memory_space<hbm>> -> memref<2000xi32, #tpu.memory_space<hbm>>
      %dma_wait3A_107 = tpu.memref_slice %arg2[%add3A_105] : memref<320000xi32, #tpu.memory_space<hbm>> -> memref<2000xi32, #tpu.memory_space<hbm>>
      tpu.wait_dma2 semaphore(%arg18 : memref<!tpu.dma_semaphore, #tpu.memory_space<semaphore_mem>>) src(%dma_wait3A_107 : memref<2000xi32, #tpu.memory_space<hbm>>) dst(%arg15 : memref<2000xi32, #tpu.memory_space<vmem>>)
      %add3A_108 = arith.constant 1 : i32
      %add3A_109 = arith.addi %mul3A_102, %add3A_108 : i32
      %mul3A_110 = arith.constant 2000 : i32
      %mul3A_111 = arith.muli %add3A_109, %mul3A_110 : i32
      %add3A_112 = arith.addi %mul3A_35, %mul3A_111 : i32
      %dma_start3A_113 = tpu.memref_slice %arg2[%add3A_112] : memref<320000xi32, #tpu.memory_space<hbm>> -> memref<2000xi32, #tpu.memory_space<hbm>>
      %dma_start3A_114 = tpu.memref_slice %arg2[%add3A_112] : memref<320000xi32, #tpu.memory_space<hbm>> -> memref<2000xi32, #tpu.memory_space<hbm>>
      tpu.enqueue_dma source(%dma_start3A_114 : memref<2000xi32, #tpu.memory_space<hbm>>) target(%arg16 : memref<2000xi32, #tpu.memory_space<vmem>>) target_semaphore(%arg19 : memref<!tpu.dma_semaphore, #tpu.memory_space<semaphore_mem>>)
      %parallel_loop3A = arith.constant 0 : i32
      %parallel_loop3A_115 = arith.constant 125 : i32
      %parallel_loop3A_116 = arith.constant 1 : i32
      scf.for %parallel_loop3A_132 = %parallel_loop3A to %parallel_loop3A_115 step %parallel_loop3A_116  : i32 {
        %parallel_loop3A_133 = arith.constant 16 : i32
        %parallel_loop3A_134 = arith.muli %parallel_loop3A_132, %parallel_loop3A_133 : i32
        %parallel_loop3A_135 = arith.index_cast %parallel_loop3A_134 : i32 to index
        %parallel_loop3A_136 = tpu.vector_load %arg15[%parallel_loop3A_135] {strides = array<i32>} : memref<2000xi32, #tpu.memory_space<vmem>>, vector<16xi32>,
        %parallel_loop3A_137 = arith.constant 16383 : i32
        %parallel_loop3A_138 = vector.broadcast %parallel_loop3A_137 : i32 to vector<16xi32>
        %parallel_loop3A_139 = arith.andi %parallel_loop3A_136, %parallel_loop3A_138 : vector<16xi32>
        %parallel_loop3A_140 = arith.constant 14 : i32
        %parallel_loop3A_141 = vector.broadcast %parallel_loop3A_140 : i32 to vector<16xi32>
        %parallel_loop3A_142 = arith.shrui %parallel_loop3A_136, %parallel_loop3A_141 : vector<16xi32>
        %parallel_loop3A_143 = tpu.vector_load_idx %arg9[%parallel_loop3A_139] : memref<10240xf32, #tpu.memory_space<vmem>>[vector<16xi32>], vector<16xf32>,
        %parallel_loop3A_144 = tpu.vector_load_idx %arg10[%parallel_loop3A_142] : memref<10240xf32, #tpu.memory_space<vmem>>[vector<16xi32>], vector<16xf32>,
        %parallel_loop3A_145 = arith.addf %parallel_loop3A_143, %parallel_loop3A_144 : vector<16xf32>
        %parallel_loop3A_146 = arith.constant 0.000000e+00 : f32
        %parallel_loop3A_147 = vector.broadcast %parallel_loop3A_146 : f32 to vector<16xf32>
        %parallel_loop3A_148 = arith.cmpf oge, %parallel_loop3A_145, %parallel_loop3A_147 : vector<16xf32>
        %parallel_loop3A_149 = arith.constant 2.000000e-01 : f32
        %parallel_loop3A_150 = vector.broadcast %parallel_loop3A_149 : f32 to vector<16xf32>
        %parallel_loop3A_151 = arith.mulf %parallel_loop3A_150, %parallel_loop3A_145 : vector<16xf32>
        %parallel_loop3A_152 = arith.select %parallel_loop3A_148, %parallel_loop3A_145, %parallel_loop3A_151 : vector<16xi1>, vector<16xf32>
        %parallel_loop3A_153 = arith.subf %parallel_loop3A_152, %get3A_77 : vector<16xf32>
        %parallel_loop3A_154 = math.exp %parallel_loop3A_153 : vector<16xf32>
        %parallel_loop3A_155 = arith.constant 0 : i32
        %parallel_loop3A_156 = arith.cmpi eq, %select_n3A_9, %parallel_loop3A_155 : i32
        %parallel_loop3A_157 = arith.extui %parallel_loop3A_156 : i1 to i32
        %parallel_loop3A_158 = arith.constant 0 : i32
        %parallel_loop3A_159 = arith.cmpi ne, %parallel_loop3A_157, %parallel_loop3A_158 : i32
        scf.if %parallel_loop3A_159 {
          tpu.vector_store_idx %arg14[%broadcast_in_dim3A_87, %parallel_loop3A_142], %parallel_loop3A_154 {add = true} : memref<1x10240xf32, #tpu.memory_space<vmem>>[vector<16xi32>, vector<16xi32>], vector<16xf32>,
        } else {
        }
        %parallel_loop3A_160 = tpu.vector_load_idx %arg12[%broadcast_in_dim3A_79, %parallel_loop3A_139] : memref<4x10240xf32, #tpu.memory_space<vmem>>[vector<16xi32>, vector<16xi32>], vector<16xf32>,
        %parallel_loop3A_161 = arith.mulf %parallel_loop3A_160, %parallel_loop3A_154 : vector<16xf32>
        tpu.vector_store_idx %arg13[%broadcast_in_dim3A_79, %parallel_loop3A_142], %parallel_loop3A_161 {add = true} : memref<4x10240xf32, #tpu.memory_space<vmem>>[vector<16xi32>, vector<16xi32>], vector<16xf32>,
        %parallel_loop3A_162 = tpu.vector_load_idx %arg12[%broadcast_in_dim3A_81, %parallel_loop3A_139] : memref<4x10240xf32, #tpu.memory_space<vmem>>[vector<16xi32>, vector<16xi32>], vector<16xf32>,
        %parallel_loop3A_163 = arith.mulf %parallel_loop3A_162, %parallel_loop3A_154 : vector<16xf32>
        tpu.vector_store_idx %arg13[%broadcast_in_dim3A_81, %parallel_loop3A_142], %parallel_loop3A_163 {add = true} : memref<4x10240xf32, #tpu.memory_space<vmem>>[vector<16xi32>, vector<16xi32>], vector<16xf32>,
        %parallel_loop3A_164 = tpu.vector_load_idx %arg12[%broadcast_in_dim3A_83, %parallel_loop3A_139] : memref<4x10240xf32, #tpu.memory_space<vmem>>[vector<16xi32>, vector<16xi32>], vector<16xf32>,
        %parallel_loop3A_165 = arith.mulf %parallel_loop3A_164, %parallel_loop3A_154 : vector<16xf32>
        tpu.vector_store_idx %arg13[%broadcast_in_dim3A_83, %parallel_loop3A_142], %parallel_loop3A_165 {add = true} : memref<4x10240xf32, #tpu.memory_space<vmem>>[vector<16xi32>, vector<16xi32>], vector<16xf32>,
        %parallel_loop3A_166 = tpu.vector_load_idx %arg12[%broadcast_in_dim3A_85, %parallel_loop3A_139] : memref<4x10240xf32, #tpu.memory_space<vmem>>[vector<16xi32>, vector<16xi32>], vector<16xf32>,
        %parallel_loop3A_167 = arith.mulf %parallel_loop3A_166, %parallel_loop3A_154 : vector<16xf32>
        tpu.vector_store_idx %arg13[%broadcast_in_dim3A_85, %parallel_loop3A_142], %parallel_loop3A_167 {add = true} : memref<4x10240xf32, #tpu.memory_space<vmem>>[vector<16xi32>, vector<16xi32>], vector<16xf32>,
      } {sc.loop_unroll_factor = 4 : i64, sc.parallel_access}
      %add3A_117 = arith.constant 1 : i32
      %add3A_118 = arith.addi %mul3A_102, %add3A_117 : i32
      %mul3A_119 = arith.constant 2000 : i32
      %mul3A_120 = arith.muli %add3A_118, %mul3A_119 : i32
      %add3A_121 = arith.addi %mul3A_35, %mul3A_120 : i32
      %dma_wait3A_122 = tpu.memref_slice %arg2[%add3A_121] : memref<320000xi32, #tpu.memory_space<hbm>> -> memref<2000xi32, #tpu.memory_space<hbm>>
      %dma_wait3A_123 = tpu.memref_slice %arg2[%add3A_121] : memref<320000xi32, #tpu.memory_space<hbm>> -> memref<2000xi32, #tpu.memory_space<hbm>>
      tpu.wait_dma2 semaphore(%arg19 : memref<!tpu.dma_semaphore, #tpu.memory_space<semaphore_mem>>) src(%dma_wait3A_123 : memref<2000xi32, #tpu.memory_space<hbm>>) dst(%arg16 : memref<2000xi32, #tpu.memory_space<vmem>>)
      %ne3A_124 = arith.constant 9 : i32
      %ne3A_125 = arith.cmpi ne, %add3A_100, %ne3A_124 : i32
      %convert_element_type3A_126 = arith.extui %ne3A_125 : i1 to i32
      %cond3A_127 = arith.constant 0 : i32
      %cond3A_128 = arith.cmpi ne, %convert_element_type3A_126, %cond3A_127 : i32
      scf.if %cond3A_128 {
        %add3A_132 = arith.constant 2 : i32
        %add3A_133 = arith.addi %mul3A_102, %add3A_132 : i32
        %mul3A_134 = arith.constant 2000 : i32
        %mul3A_135 = arith.muli %add3A_133, %mul3A_134 : i32
        %add3A_136 = arith.addi %mul3A_35, %mul3A_135 : i32
        %dma_start3A_137 = tpu.memref_slice %arg2[%add3A_136] : memref<320000xi32, #tpu.memory_space<hbm>> -> memref<2000xi32, #tpu.memory_space<hbm>>
        %dma_start3A_138 = tpu.memref_slice %arg2[%add3A_136] : memref<320000xi32, #tpu.memory_space<hbm>> -> memref<2000xi32, #tpu.memory_space<hbm>>
        tpu.enqueue_dma source(%dma_start3A_138 : memref<2000xi32, #tpu.memory_space<hbm>>) target(%arg15 : memref<2000xi32, #tpu.memory_space<vmem>>) target_semaphore(%arg18 : memref<!tpu.dma_semaphore, #tpu.memory_space<semaphore_mem>>)
      } else {
      }
      %parallel_loop3A_129 = arith.constant 0 : i32
      %parallel_loop3A_130 = arith.constant 125 : i32
      %parallel_loop3A_131 = arith.constant 1 : i32
      scf.for %parallel_loop3A_132 = %parallel_loop3A_129 to %parallel_loop3A_130 step %parallel_loop3A_131  : i32 {
        %parallel_loop3A_133 = arith.constant 16 : i32
        %parallel_loop3A_134 = arith.muli %parallel_loop3A_132, %parallel_loop3A_133 : i32
        %parallel_loop3A_135 = arith.index_cast %parallel_loop3A_134 : i32 to index
        %parallel_loop3A_136 = tpu.vector_load %arg16[%parallel_loop3A_135] {strides = array<i32>} : memref<2000xi32, #tpu.memory_space<vmem>>, vector<16xi32>,
        %parallel_loop3A_137 = arith.constant 16383 : i32
        %parallel_loop3A_138 = vector.broadcast %parallel_loop3A_137 : i32 to vector<16xi32>
        %parallel_loop3A_139 = arith.andi %parallel_loop3A_136, %parallel_loop3A_138 : vector<16xi32>
        %parallel_loop3A_140 = arith.constant 14 : i32
        %parallel_loop3A_141 = vector.broadcast %parallel_loop3A_140 : i32 to vector<16xi32>
        %parallel_loop3A_142 = arith.shrui %parallel_loop3A_136, %parallel_loop3A_141 : vector<16xi32>
        %parallel_loop3A_143 = tpu.vector_load_idx %arg9[%parallel_loop3A_139] : memref<10240xf32, #tpu.memory_space<vmem>>[vector<16xi32>], vector<16xf32>,
        %parallel_loop3A_144 = tpu.vector_load_idx %arg10[%parallel_loop3A_142] : memref<10240xf32, #tpu.memory_space<vmem>>[vector<16xi32>], vector<16xf32>,
        %parallel_loop3A_145 = arith.addf %parallel_loop3A_143, %parallel_loop3A_144 : vector<16xf32>
        %parallel_loop3A_146 = arith.constant 0.000000e+00 : f32
        %parallel_loop3A_147 = vector.broadcast %parallel_loop3A_146 : f32 to vector<16xf32>
        %parallel_loop3A_148 = arith.cmpf oge, %parallel_loop3A_145, %parallel_loop3A_147 : vector<16xf32>
        %parallel_loop3A_149 = arith.constant 2.000000e-01 : f32
        %parallel_loop3A_150 = vector.broadcast %parallel_loop3A_149 : f32 to vector<16xf32>
        %parallel_loop3A_151 = arith.mulf %parallel_loop3A_150, %parallel_loop3A_145 : vector<16xf32>
        %parallel_loop3A_152 = arith.select %parallel_loop3A_148, %parallel_loop3A_145, %parallel_loop3A_151 : vector<16xi1>, vector<16xf32>
        %parallel_loop3A_153 = arith.subf %parallel_loop3A_152, %get3A_77 : vector<16xf32>
        %parallel_loop3A_154 = math.exp %parallel_loop3A_153 : vector<16xf32>
        %parallel_loop3A_155 = arith.constant 0 : i32
        %parallel_loop3A_156 = arith.cmpi eq, %select_n3A_9, %parallel_loop3A_155 : i32
        %parallel_loop3A_157 = arith.extui %parallel_loop3A_156 : i1 to i32
        %parallel_loop3A_158 = arith.constant 0 : i32
        %parallel_loop3A_159 = arith.cmpi ne, %parallel_loop3A_157, %parallel_loop3A_158 : i32
        scf.if %parallel_loop3A_159 {
          tpu.vector_store_idx %arg14[%broadcast_in_dim3A_87, %parallel_loop3A_142], %parallel_loop3A_154 {add = true} : memref<1x10240xf32, #tpu.memory_space<vmem>>[vector<16xi32>, vector<16xi32>], vector<16xf32>,
        } else {
        }
        %parallel_loop3A_160 = tpu.vector_load_idx %arg12[%broadcast_in_dim3A_79, %parallel_loop3A_139] : memref<4x10240xf32, #tpu.memory_space<vmem>>[vector<16xi32>, vector<16xi32>], vector<16xf32>,
        %parallel_loop3A_161 = arith.mulf %parallel_loop3A_160, %parallel_loop3A_154 : vector<16xf32>
        tpu.vector_store_idx %arg13[%broadcast_in_dim3A_79, %parallel_loop3A_142], %parallel_loop3A_161 {add = true} : memref<4x10240xf32, #tpu.memory_space<vmem>>[vector<16xi32>, vector<16xi32>], vector<16xf32>,
        %parallel_loop3A_162 = tpu.vector_load_idx %arg12[%broadcast_in_dim3A_81, %parallel_loop3A_139] : memref<4x10240xf32, #tpu.memory_space<vmem>>[vector<16xi32>, vector<16xi32>], vector<16xf32>,
        %parallel_loop3A_163 = arith.mulf %parallel_loop3A_162, %parallel_loop3A_154 : vector<16xf32>
        tpu.vector_store_idx %arg13[%broadcast_in_dim3A_81, %parallel_loop3A_142], %parallel_loop3A_163 {add = true} : memref<4x10240xf32, #tpu.memory_space<vmem>>[vector<16xi32>, vector<16xi32>], vector<16xf32>,
        %parallel_loop3A_164 = tpu.vector_load_idx %arg12[%broadcast_in_dim3A_83, %parallel_loop3A_139] : memref<4x10240xf32, #tpu.memory_space<vmem>>[vector<16xi32>, vector<16xi32>], vector<16xf32>,
        %parallel_loop3A_165 = arith.mulf %parallel_loop3A_164, %parallel_loop3A_154 : vector<16xf32>
        tpu.vector_store_idx %arg13[%broadcast_in_dim3A_83, %parallel_loop3A_142], %parallel_loop3A_165 {add = true} : memref<4x10240xf32, #tpu.memory_space<vmem>>[vector<16xi32>, vector<16xi32>], vector<16xf32>,
        %parallel_loop3A_166 = tpu.vector_load_idx %arg12[%broadcast_in_dim3A_85, %parallel_loop3A_139] : memref<4x10240xf32, #tpu.memory_space<vmem>>[vector<16xi32>, vector<16xi32>], vector<16xf32>,
        %parallel_loop3A_167 = arith.mulf %parallel_loop3A_166, %parallel_loop3A_154 : vector<16xf32>
        tpu.vector_store_idx %arg13[%broadcast_in_dim3A_85, %parallel_loop3A_142], %parallel_loop3A_167 {add = true} : memref<4x10240xf32, #tpu.memory_space<vmem>>[vector<16xi32>, vector<16xi32>], vector<16xf32>,
      } {sc.loop_unroll_factor = 4 : i64, sc.parallel_access}
    }
    %scan3A_92 = arith.constant 10 : i32
    "tpu.region"() ({
      %run_scoped3A = tpu.sem_alloc : memref<!tpu.dma_semaphore, #tpu.memory_space<semaphore_mem>>
      %dma_start3A_96 = arith.constant 0 : i32
      %dma_start3A_97 = arith.constant 0 : i32
      %dma_start3A_98 = tpu.memref_slice %arg7[%add3A, %dma_start3A_96, %dma_start3A_97] : memref<32x4x10240xf32, #tpu.memory_space<hbm>> -> memref<1x4x10240xf32, #tpu.memory_space<hbm>>
      %dma_start3A_99 = tpu.memref_squeeze %dma_start3A_98 : memref<1x4x10240xf32, #tpu.memory_space<hbm>> -> memref<4x10240xf32, #tpu.memory_space<hbm>>
      %dma_start3A_100 = arith.constant 0 : i32
      %dma_start3A_101 = arith.constant 0 : i32
      %dma_start3A_102 = tpu.memref_slice %arg7[%add3A, %dma_start3A_100, %dma_start3A_101] : memref<32x4x10240xf32, #tpu.memory_space<hbm>> -> memref<1x4x10240xf32, #tpu.memory_space<hbm>>
      %dma_start3A_103 = tpu.memref_squeeze %dma_start3A_102 : memref<1x4x10240xf32, #tpu.memory_space<hbm>> -> memref<4x10240xf32, #tpu.memory_space<hbm>>
      tpu.enqueue_dma source(%arg13 : memref<4x10240xf32, #tpu.memory_space<vmem>>) target(%dma_start3A_103 : memref<4x10240xf32, #tpu.memory_space<hbm>>) target_semaphore(%run_scoped3A : memref<!tpu.dma_semaphore, #tpu.memory_space<semaphore_mem>>)
      %dma_wait3A_104 = arith.constant 0 : i32
      %dma_wait3A_105 = arith.constant 0 : i32
      %dma_wait3A_106 = tpu.memref_slice %arg7[%add3A, %dma_wait3A_104, %dma_wait3A_105] : memref<32x4x10240xf32, #tpu.memory_space<hbm>> -> memref<1x4x10240xf32, #tpu.memory_space<hbm>>
      %dma_wait3A_107 = tpu.memref_squeeze %dma_wait3A_106 : memref<1x4x10240xf32, #tpu.memory_space<hbm>> -> memref<4x10240xf32, #tpu.memory_space<hbm>>
      %dma_wait3A_108 = arith.constant 0 : i32
      %dma_wait3A_109 = arith.constant 0 : i32
      %dma_wait3A_110 = tpu.memref_slice %arg7[%add3A, %dma_wait3A_108, %dma_wait3A_109] : memref<32x4x10240xf32, #tpu.memory_space<hbm>> -> memref<1x4x10240xf32, #tpu.memory_space<hbm>>
      %dma_wait3A_111 = tpu.memref_squeeze %dma_wait3A_110 : memref<1x4x10240xf32, #tpu.memory_space<hbm>> -> memref<4x10240xf32, #tpu.memory_space<hbm>>
      tpu.wait_dma2 semaphore(%run_scoped3A : memref<!tpu.dma_semaphore, #tpu.memory_space<semaphore_mem>>) src(%arg13 : memref<4x10240xf32, #tpu.memory_space<vmem>>) dst(%dma_wait3A_111 : memref<4x10240xf32, #tpu.memory_space<hbm>>)
      tpu.yield
    }) : () -> ()
    %eq3A_93 = arith.constant 0 : i32
    %eq3A_94 = arith.cmpi eq, %select_n3A_9, %eq3A_93 : i32
    %convert_element_type3A = arith.extui %eq3A_94 : i1 to i32
    %cond3A = arith.constant 0 : i32
    %cond3A_95 = arith.cmpi ne, %convert_element_type3A, %cond3A : i32
    scf.if %cond3A_95 {
      "tpu.region"() ({
        %run_scoped3A = tpu.sem_alloc : memref<!tpu.dma_semaphore, #tpu.memory_space<semaphore_mem>>
        %dma_start3A_96 = arith.constant 0 : i32
        %dma_start3A_97 = arith.constant 0 : i32
        %dma_start3A_98 = tpu.memref_slice %arg8[%add3A_33, %dma_start3A_96, %dma_start3A_97] : memref<8x1x10240xf32, #tpu.memory_space<hbm>> -> memref<1x1x10240xf32, #tpu.memory_space<hbm>>
        %dma_start3A_99 = tpu.memref_squeeze %dma_start3A_98 : memref<1x1x10240xf32, #tpu.memory_space<hbm>> -> memref<1x10240xf32, #tpu.memory_space<hbm>>
        %dma_start3A_100 = arith.constant 0 : i32
        %dma_start3A_101 = arith.constant 0 : i32
        %dma_start3A_102 = tpu.memref_slice %arg8[%add3A_33, %dma_start3A_100, %dma_start3A_101] : memref<8x1x10240xf32, #tpu.memory_space<hbm>> -> memref<1x1x10240xf32, #tpu.memory_space<hbm>>
        %dma_start3A_103 = tpu.memref_squeeze %dma_start3A_102 : memref<1x1x10240xf32, #tpu.memory_space<hbm>> -> memref<1x10240xf32, #tpu.memory_space<hbm>>
        tpu.enqueue_dma source(%arg14 : memref<1x10240xf32, #tpu.memory_space<vmem>>) target(%dma_start3A_103 : memref<1x10240xf32, #tpu.memory_space<hbm>>) target_semaphore(%run_scoped3A : memref<!tpu.dma_semaphore, #tpu.memory_space<semaphore_mem>>)
        %dma_wait3A_104 = arith.constant 0 : i32
        %dma_wait3A_105 = arith.constant 0 : i32
        %dma_wait3A_106 = tpu.memref_slice %arg8[%add3A_33, %dma_wait3A_104, %dma_wait3A_105] : memref<8x1x10240xf32, #tpu.memory_space<hbm>> -> memref<1x1x10240xf32, #tpu.memory_space<hbm>>
        %dma_wait3A_107 = tpu.memref_squeeze %dma_wait3A_106 : memref<1x1x10240xf32, #tpu.memory_space<hbm>> -> memref<1x10240xf32, #tpu.memory_space<hbm>>
        %dma_wait3A_108 = arith.constant 0 : i32
        %dma_wait3A_109 = arith.constant 0 : i32
        %dma_wait3A_110 = tpu.memref_slice %arg8[%add3A_33, %dma_wait3A_108, %dma_wait3A_109] : memref<8x1x10240xf32, #tpu.memory_space<hbm>> -> memref<1x1x10240xf32, #tpu.memory_space<hbm>>
        %dma_wait3A_111 = tpu.memref_squeeze %dma_wait3A_110 : memref<1x1x10240xf32, #tpu.memory_space<hbm>> -> memref<1x10240xf32, #tpu.memory_space<hbm>>
        tpu.wait_dma2 semaphore(%run_scoped3A : memref<!tpu.dma_semaphore, #tpu.memory_space<semaphore_mem>>) src(%arg14 : memref<1x10240xf32, #tpu.memory_space<vmem>>) dst(%dma_wait3A_111 : memref<1x10240xf32, #tpu.memory_space<hbm>>)
        tpu.yield
      }) : () -> ()
    } else {
    }
    return
  }
}

#map = affine_map<(d0, d1) -> (0)>
#map1 = affine_map<(d0, d1) -> (0, 0, 0)>
module attributes {stable_mosaic.version = 14 : i64} {
  func.func @edge_kernel(%arg0: i32, %arg1: i32, %arg2: memref<320000xi32, #tpu.memory_space<hbm>>, %arg3: memref<10240xf32, #tpu.memory_space<hbm>>, %arg4: memref<10240xf32, #tpu.memory_space<hbm>>, %arg5: memref<16xf32, #tpu.memory_space<hbm>>, %arg6: memref<4x4x10240xf32, #tpu.memory_space<hbm>>, %arg7: memref<32x4x10240xf32, #tpu.memory_space<hbm>>, %arg8: memref<8x1x10240xf32, #tpu.memory_space<hbm>>, %arg9: memref<10240xf32, #tpu.memory_space<vmem>>, %arg10: memref<10240xf32, #tpu.memory_space<vmem>>, %arg11: memref<16xf32, #tpu.memory_space<vmem>>, %arg12: memref<4x10240xf32, #tpu.memory_space<vmem>>, %arg13: memref<4x10240xf32, #tpu.memory_space<vmem>>, %arg14: memref<1x10240xf32, #tpu.memory_space<vmem>>, %arg15: memref<2000xi32, #tpu.memory_space<vmem>>, %arg16: memref<2000xi32, #tpu.memory_space<vmem>>, %arg17: memref<!tpu.dma_semaphore, #tpu.memory_space<semaphore_mem>>, %arg18: memref<!tpu.dma_semaphore, #tpu.memory_space<semaphore_mem>>, %arg19: memref<!tpu.dma_semaphore, #tpu.memory_space<semaphore_mem>>) attributes {dimension_semantics = [#tpu.dimension_semantics<core_parallel>, #tpu.dimension_semantics<subcore_parallel>], iteration_bounds = array<i64: 2, 16>, scalar_prefetch = 0 : i64, scratch_operands = 11 : i64, tpu.core_type = #tpu.core_type<sc_vector_subcore>, window_params = [{transform_indices = #map}, {transform_indices = #map}, {transform_indices = #map}, {transform_indices = #map}, {transform_indices = #map1}, {transform_indices = #map1}, {transform_indices = #map1}]} {
    %mul3A = arith.constant 16 : i32
    %mul3A_0 = arith.muli %arg0, %mul3A : i32
    %add3A = arith.addi %mul3A_0, %arg1 : i32
    %jit3A = arith.constant 4 : i32
    %eq3A = arith.constant 0 : i32
    %eq3A_1 = arith.cmpi eq, %jit3A, %eq3A : i32
    %jit3A_2 = arith.constant 1 : i32
    %select_n3A = arith.select %eq3A_1, %jit3A_2, %jit3A : i32
    %rem3A = arith.remsi %arg1, %select_n3A : i32
    %ne3A = arith.constant 0 : i32
    %ne3A_3 = arith.cmpi ne, %rem3A, %ne3A : i32
    %lt3A = arith.constant 0 : i32
    %lt3A_4 = arith.cmpi slt, %rem3A, %lt3A : i32
    %lt3A_5 = arith.constant 0 : i32
    %lt3A_6 = arith.cmpi slt, %select_n3A, %lt3A_5 : i32
    %ne3A_7 = arith.xori %lt3A_4, %lt3A_6 : i1
    %and3A = arith.andi %ne3A_7, %ne3A_3 : i1
    %add3A_8 = arith.addi %rem3A, %select_n3A : i32
    %select_n3A_9 = arith.select %and3A, %add3A_8, %rem3A : i32
    %mul3A_10 = arith.constant 4 : i32
    %mul3A_11 = arith.muli %arg0, %mul3A_10 : i32
    %jit3A_12 = arith.constant 4 : i32
    %div3A = arith.divsi %arg1, %jit3A_12 : i32
    %sign3A = arith.constant 0 : i32
    %sign3A_13 = arith.cmpi sgt, %arg1, %sign3A : i32
    %sign3A_14 = arith.extui %sign3A_13 : i1 to i32
    %sign3A_15 = arith.constant 0 : i32
    %sign3A_16 = arith.cmpi slt, %arg1, %sign3A_15 : i32
    %sign3A_17 = arith.extui %sign3A_16 : i1 to i32
    %sign3A_18 = arith.subi %sign3A_14, %sign3A_17 : i32
    %sign3A_19 = arith.constant 0 : i32
    %sign3A_20 = arith.cmpi sgt, %jit3A_12, %sign3A_19 : i32
    %sign3A_21 = arith.extui %sign3A_20 : i1 to i32
    %sign3A_22 = arith.constant 0 : i32
    %sign3A_23 = arith.cmpi slt, %jit3A_12, %sign3A_22 : i32
    %sign3A_24 = arith.extui %sign3A_23 : i1 to i32
    %sign3A_25 = arith.subi %sign3A_21, %sign3A_24 : i32
    %ne3A_26 = arith.cmpi ne, %sign3A_18, %sign3A_25 : i32
    %rem3A_27 = arith.remsi %arg1, %jit3A_12 : i32
    %ne3A_28 = arith.constant 0 : i32
    %ne3A_29 = arith.cmpi ne, %rem3A_27, %ne3A_28 : i32
    %and3A_30 = arith.andi %ne3A_26, %ne3A_29 : i1
    %sub3A = arith.constant 1 : i32
    %sub3A_31 = arith.subi %div3A, %sub3A : i32
    %select_n3A_32 = arith.select %and3A_30, %sub3A_31, %div3A : i32
    %add3A_33 = arith.addi %mul3A_11, %select_n3A_32 : i32
    %mul3A_34 = arith.constant 40000 : i32
    %mul3A_35 = arith.muli %add3A_33, %mul3A_34 : i32
    tpu.enqueue_dma source(%arg3 : memref<10240xf32, #tpu.memory_space<hbm>>) target(%arg9 : memref<10240xf32, #tpu.memory_space<vmem>>) target_semaphore(%arg17 : memref<!tpu.dma_semaphore, #tpu.memory_space<semaphore_mem>>)
    tpu.enqueue_dma source(%arg4 : memref<10240xf32, #tpu.memory_space<hbm>>) target(%arg10 : memref<10240xf32, #tpu.memory_space<vmem>>) target_semaphore(%arg17 : memref<!tpu.dma_semaphore, #tpu.memory_space<semaphore_mem>>)
    tpu.enqueue_dma source(%arg5 : memref<16xf32, #tpu.memory_space<hbm>>) target(%arg11 : memref<16xf32, #tpu.memory_space<vmem>>) target_semaphore(%arg17 : memref<!tpu.dma_semaphore, #tpu.memory_space<semaphore_mem>>)
    %dma_start3A = arith.constant 0 : i32
    %dma_start3A_36 = arith.constant 0 : i32
    %dma_start3A_37 = tpu.memref_slice %arg6[%select_n3A_9, %dma_start3A, %dma_start3A_36] : memref<4x4x10240xf32, #tpu.memory_space<hbm>> -> memref<1x4x10240xf32, #tpu.memory_space<hbm>>
    %dma_start3A_38 = tpu.memref_squeeze %dma_start3A_37 : memref<1x4x10240xf32, #tpu.memory_space<hbm>> -> memref<4x10240xf32, #tpu.memory_space<hbm>>
    %dma_start3A_39 = arith.constant 0 : i32
    %dma_start3A_40 = arith.constant 0 : i32
    %dma_start3A_41 = tpu.memref_slice %arg6[%select_n3A_9, %dma_start3A_39, %dma_start3A_40] : memref<4x4x10240xf32, #tpu.memory_space<hbm>> -> memref<1x4x10240xf32, #tpu.memory_space<hbm>>
    %dma_start3A_42 = tpu.memref_squeeze %dma_start3A_41 : memref<1x4x10240xf32, #tpu.memory_space<hbm>> -> memref<4x10240xf32, #tpu.memory_space<hbm>>
    tpu.enqueue_dma source(%dma_start3A_42 : memref<4x10240xf32, #tpu.memory_space<hbm>>) target(%arg12 : memref<4x10240xf32, #tpu.memory_space<vmem>>) target_semaphore(%arg17 : memref<!tpu.dma_semaphore, #tpu.memory_space<semaphore_mem>>)
    %dma_start3A_43 = tpu.memref_slice %arg2[%mul3A_35] : memref<320000xi32, #tpu.memory_space<hbm>> -> memref<2000xi32, #tpu.memory_space<hbm>>
    %dma_start3A_44 = tpu.memref_slice %arg2[%mul3A_35] : memref<320000xi32, #tpu.memory_space<hbm>> -> memref<2000xi32, #tpu.memory_space<hbm>>
    tpu.enqueue_dma source(%dma_start3A_44 : memref<2000xi32, #tpu.memory_space<hbm>>) target(%arg15 : memref<2000xi32, #tpu.memory_space<vmem>>) target_semaphore(%arg18 : memref<!tpu.dma_semaphore, #tpu.memory_space<semaphore_mem>>)
    %broadcast_in_dim3A = arith.constant 0.000000e+00 : f32
    %broadcast_in_dim3A_45 = vector.broadcast %broadcast_in_dim3A : f32 to vector<16xf32>
    %scan3A = arith.constant 0 : i32
    %scan3A_46 = arith.constant 640 : i32
    %scan3A_47 = arith.addi %scan3A, %scan3A_46 : i32
    %scan3A_48 = arith.constant 8 : i32
    scf.for %scan3A_96 = %scan3A to %scan3A_47 step %scan3A_48  : i32 {
      %mul3A_97 = arith.constant 1 : i32
      %mul3A_98 = arith.muli %scan3A_96, %mul3A_97 : i32
      %add3A_99 = arith.constant 0 : i32
      %add3A_100 = arith.addi %add3A_99, %mul3A_98 : i32
      %mul3A_101 = arith.constant 16 : i32
      %mul3A_102 = arith.muli %add3A_100, %mul3A_101 : i32
      %swap3A = arith.constant 0 : i32
      %swap3A_103 = arith.index_cast %swap3A : i32 to index
      %swap3A_104 = arith.index_cast %mul3A_102 : i32 to index
      %swap3A_105 = tpu.vector_load %arg14[%swap3A_103, %swap3A_104] {strides = array<i32>} : memref<1x10240xf32, #tpu.memory_space<vmem>>, vector<16xf32>,
      tpu.vector_store %arg14[%swap3A_103, %swap3A_104], %broadcast_in_dim3A_45 {strides = array<i32>} : memref<1x10240xf32, #tpu.memory_space<vmem>>, vector<16xf32>,
      %scan3A_106 = arith.constant 1 : i32
      %scan3A_107 = arith.addi %scan3A_96, %scan3A_106 : i32
      %mul3A_108 = arith.constant 1 : i32
      %mul3A_109 = arith.muli %scan3A_107, %mul3A_108 : i32
      %add3A_110 = arith.constant 0 : i32
      %add3A_111 = arith.addi %add3A_110, %mul3A_109 : i32
      %mul3A_112 = arith.constant 16 : i32
      %mul3A_113 = arith.muli %add3A_111, %mul3A_112 : i32
      %swap3A_114 = arith.constant 0 : i32
      %swap3A_115 = arith.index_cast %swap3A_114 : i32 to index
      %swap3A_116 = arith.index_cast %mul3A_113 : i32 to index
      %swap3A_117 = tpu.vector_load %arg14[%swap3A_115, %swap3A_116] {strides = array<i32>} : memref<1x10240xf32, #tpu.memory_space<vmem>>, vector<16xf32>,
      tpu.vector_store %arg14[%swap3A_115, %swap3A_116], %broadcast_in_dim3A_45 {strides = array<i32>} : memref<1x10240xf32, #tpu.memory_space<vmem>>, vector<16xf32>,
      %scan3A_118 = arith.constant 2 : i32
      %scan3A_119 = arith.addi %scan3A_96, %scan3A_118 : i32
      %mul3A_120 = arith.constant 1 : i32
      %mul3A_121 = arith.muli %scan3A_119, %mul3A_120 : i32
      %add3A_122 = arith.constant 0 : i32
      %add3A_123 = arith.addi %add3A_122, %mul3A_121 : i32
      %mul3A_124 = arith.constant 16 : i32
      %mul3A_125 = arith.muli %add3A_123, %mul3A_124 : i32
      %swap3A_126 = arith.constant 0 : i32
      %swap3A_127 = arith.index_cast %swap3A_126 : i32 to index
      %swap3A_128 = arith.index_cast %mul3A_125 : i32 to index
      %swap3A_129 = tpu.vector_load %arg14[%swap3A_127, %swap3A_128] {strides = array<i32>} : memref<1x10240xf32, #tpu.memory_space<vmem>>, vector<16xf32>,
      tpu.vector_store %arg14[%swap3A_127, %swap3A_128], %broadcast_in_dim3A_45 {strides = array<i32>} : memref<1x10240xf32, #tpu.memory_space<vmem>>, vector<16xf32>,
      %scan3A_130 = arith.constant 3 : i32
      %scan3A_131 = arith.addi %scan3A_96, %scan3A_130 : i32
      %mul3A_132 = arith.constant 1 : i32
      %mul3A_133 = arith.muli %scan3A_131, %mul3A_132 : i32
      %add3A_134 = arith.constant 0 : i32
      %add3A_135 = arith.addi %add3A_134, %mul3A_133 : i32
      %mul3A_136 = arith.constant 16 : i32
      %mul3A_137 = arith.muli %add3A_135, %mul3A_136 : i32
      %swap3A_138 = arith.constant 0 : i32
      %swap3A_139 = arith.index_cast %swap3A_138 : i32 to index
      %swap3A_140 = arith.index_cast %mul3A_137 : i32 to index
      %swap3A_141 = tpu.vector_load %arg14[%swap3A_139, %swap3A_140] {strides = array<i32>} : memref<1x10240xf32, #tpu.memory_space<vmem>>, vector<16xf32>,
      tpu.vector_store %arg14[%swap3A_139, %swap3A_140], %broadcast_in_dim3A_45 {strides = array<i32>} : memref<1x10240xf32, #tpu.memory_space<vmem>>, vector<16xf32>,
      %scan3A_142 = arith.constant 4 : i32
      %scan3A_143 = arith.addi %scan3A_96, %scan3A_142 : i32
      %mul3A_144 = arith.constant 1 : i32
      %mul3A_145 = arith.muli %scan3A_143, %mul3A_144 : i32
      %add3A_146 = arith.constant 0 : i32
      %add3A_147 = arith.addi %add3A_146, %mul3A_145 : i32
      %mul3A_148 = arith.constant 16 : i32
      %mul3A_149 = arith.muli %add3A_147, %mul3A_148 : i32
      %swap3A_150 = arith.constant 0 : i32
      %swap3A_151 = arith.index_cast %swap3A_150 : i32 to index
      %swap3A_152 = arith.index_cast %mul3A_149 : i32 to index
      %swap3A_153 = tpu.vector_load %arg14[%swap3A_151, %swap3A_152] {strides = array<i32>} : memref<1x10240xf32, #tpu.memory_space<vmem>>, vector<16xf32>,
      tpu.vector_store %arg14[%swap3A_151, %swap3A_152], %broadcast_in_dim3A_45 {strides = array<i32>} : memref<1x10240xf32, #tpu.memory_space<vmem>>, vector<16xf32>,
      %scan3A_154 = arith.constant 5 : i32
      %scan3A_155 = arith.addi %scan3A_96, %scan3A_154 : i32
      %mul3A_156 = arith.constant 1 : i32
      %mul3A_157 = arith.muli %scan3A_155, %mul3A_156 : i32
      %add3A_158 = arith.constant 0 : i32
      %add3A_159 = arith.addi %add3A_158, %mul3A_157 : i32
      %mul3A_160 = arith.constant 16 : i32
      %mul3A_161 = arith.muli %add3A_159, %mul3A_160 : i32
      %swap3A_162 = arith.constant 0 : i32
      %swap3A_163 = arith.index_cast %swap3A_162 : i32 to index
      %swap3A_164 = arith.index_cast %mul3A_161 : i32 to index
      %swap3A_165 = tpu.vector_load %arg14[%swap3A_163, %swap3A_164] {strides = array<i32>} : memref<1x10240xf32, #tpu.memory_space<vmem>>, vector<16xf32>,
      tpu.vector_store %arg14[%swap3A_163, %swap3A_164], %broadcast_in_dim3A_45 {strides = array<i32>} : memref<1x10240xf32, #tpu.memory_space<vmem>>, vector<16xf32>,
      %scan3A_166 = arith.constant 6 : i32
      %scan3A_167 = arith.addi %scan3A_96, %scan3A_166 : i32
      %mul3A_168 = arith.constant 1 : i32
      %mul3A_169 = arith.muli %scan3A_167, %mul3A_168 : i32
      %add3A_170 = arith.constant 0 : i32
      %add3A_171 = arith.addi %add3A_170, %mul3A_169 : i32
      %mul3A_172 = arith.constant 16 : i32
      %mul3A_173 = arith.muli %add3A_171, %mul3A_172 : i32
      %swap3A_174 = arith.constant 0 : i32
      %swap3A_175 = arith.index_cast %swap3A_174 : i32 to index
      %swap3A_176 = arith.index_cast %mul3A_173 : i32 to index
      %swap3A_177 = tpu.vector_load %arg14[%swap3A_175, %swap3A_176] {strides = array<i32>} : memref<1x10240xf32, #tpu.memory_space<vmem>>, vector<16xf32>,
      tpu.vector_store %arg14[%swap3A_175, %swap3A_176], %broadcast_in_dim3A_45 {strides = array<i32>} : memref<1x10240xf32, #tpu.memory_space<vmem>>, vector<16xf32>,
      %scan3A_178 = arith.constant 7 : i32
      %scan3A_179 = arith.addi %scan3A_96, %scan3A_178 : i32
      %mul3A_180 = arith.constant 1 : i32
      %mul3A_181 = arith.muli %scan3A_179, %mul3A_180 : i32
      %add3A_182 = arith.constant 0 : i32
      %add3A_183 = arith.addi %add3A_182, %mul3A_181 : i32
      %mul3A_184 = arith.constant 16 : i32
      %mul3A_185 = arith.muli %add3A_183, %mul3A_184 : i32
      %swap3A_186 = arith.constant 0 : i32
      %swap3A_187 = arith.index_cast %swap3A_186 : i32 to index
      %swap3A_188 = arith.index_cast %mul3A_185 : i32 to index
      %swap3A_189 = tpu.vector_load %arg14[%swap3A_187, %swap3A_188] {strides = array<i32>} : memref<1x10240xf32, #tpu.memory_space<vmem>>, vector<16xf32>,
      tpu.vector_store %arg14[%swap3A_187, %swap3A_188], %broadcast_in_dim3A_45 {strides = array<i32>} : memref<1x10240xf32, #tpu.memory_space<vmem>>, vector<16xf32>,
    }
    %scan3A_49 = arith.constant 640 : i32
    %scan3A_50 = arith.constant 0 : i32
    %scan3A_51 = arith.constant 640 : i32
    %scan3A_52 = arith.addi %scan3A_50, %scan3A_51 : i32
    %scan3A_53 = arith.constant 8 : i32
    scf.for %scan3A_96 = %scan3A_50 to %scan3A_52 step %scan3A_53  : i32 {
      %mul3A_97 = arith.constant 1 : i32
      %mul3A_98 = arith.muli %scan3A_96, %mul3A_97 : i32
      %add3A_99 = arith.constant 0 : i32
      %add3A_100 = arith.addi %add3A_99, %mul3A_98 : i32
      %mul3A_101 = arith.constant 16 : i32
      %mul3A_102 = arith.muli %add3A_100, %mul3A_101 : i32
      %swap3A = arith.constant 0 : i32
      %swap3A_103 = arith.index_cast %swap3A : i32 to index
      %swap3A_104 = arith.index_cast %mul3A_102 : i32 to index
      %swap3A_105 = tpu.vector_load %arg13[%swap3A_103, %swap3A_104] {strides = array<i32>} : memref<4x10240xf32, #tpu.memory_space<vmem>>, vector<16xf32>,
      tpu.vector_store %arg13[%swap3A_103, %swap3A_104], %broadcast_in_dim3A_45 {strides = array<i32>} : memref<4x10240xf32, #tpu.memory_space<vmem>>, vector<16xf32>,
      %scan3A_106 = arith.constant 1 : i32
      %scan3A_107 = arith.addi %scan3A_96, %scan3A_106 : i32
      %mul3A_108 = arith.constant 1 : i32
      %mul3A_109 = arith.muli %scan3A_107, %mul3A_108 : i32
      %add3A_110 = arith.constant 0 : i32
      %add3A_111 = arith.addi %add3A_110, %mul3A_109 : i32
      %mul3A_112 = arith.constant 16 : i32
      %mul3A_113 = arith.muli %add3A_111, %mul3A_112 : i32
      %swap3A_114 = arith.constant 0 : i32
      %swap3A_115 = arith.index_cast %swap3A_114 : i32 to index
      %swap3A_116 = arith.index_cast %mul3A_113 : i32 to index
      %swap3A_117 = tpu.vector_load %arg13[%swap3A_115, %swap3A_116] {strides = array<i32>} : memref<4x10240xf32, #tpu.memory_space<vmem>>, vector<16xf32>,
      tpu.vector_store %arg13[%swap3A_115, %swap3A_116], %broadcast_in_dim3A_45 {strides = array<i32>} : memref<4x10240xf32, #tpu.memory_space<vmem>>, vector<16xf32>,
      %scan3A_118 = arith.constant 2 : i32
      %scan3A_119 = arith.addi %scan3A_96, %scan3A_118 : i32
      %mul3A_120 = arith.constant 1 : i32
      %mul3A_121 = arith.muli %scan3A_119, %mul3A_120 : i32
      %add3A_122 = arith.constant 0 : i32
      %add3A_123 = arith.addi %add3A_122, %mul3A_121 : i32
      %mul3A_124 = arith.constant 16 : i32
      %mul3A_125 = arith.muli %add3A_123, %mul3A_124 : i32
      %swap3A_126 = arith.constant 0 : i32
      %swap3A_127 = arith.index_cast %swap3A_126 : i32 to index
      %swap3A_128 = arith.index_cast %mul3A_125 : i32 to index
      %swap3A_129 = tpu.vector_load %arg13[%swap3A_127, %swap3A_128] {strides = array<i32>} : memref<4x10240xf32, #tpu.memory_space<vmem>>, vector<16xf32>,
      tpu.vector_store %arg13[%swap3A_127, %swap3A_128], %broadcast_in_dim3A_45 {strides = array<i32>} : memref<4x10240xf32, #tpu.memory_space<vmem>>, vector<16xf32>,
      %scan3A_130 = arith.constant 3 : i32
      %scan3A_131 = arith.addi %scan3A_96, %scan3A_130 : i32
      %mul3A_132 = arith.constant 1 : i32
      %mul3A_133 = arith.muli %scan3A_131, %mul3A_132 : i32
      %add3A_134 = arith.constant 0 : i32
      %add3A_135 = arith.addi %add3A_134, %mul3A_133 : i32
      %mul3A_136 = arith.constant 16 : i32
      %mul3A_137 = arith.muli %add3A_135, %mul3A_136 : i32
      %swap3A_138 = arith.constant 0 : i32
      %swap3A_139 = arith.index_cast %swap3A_138 : i32 to index
      %swap3A_140 = arith.index_cast %mul3A_137 : i32 to index
      %swap3A_141 = tpu.vector_load %arg13[%swap3A_139, %swap3A_140] {strides = array<i32>} : memref<4x10240xf32, #tpu.memory_space<vmem>>, vector<16xf32>,
      tpu.vector_store %arg13[%swap3A_139, %swap3A_140], %broadcast_in_dim3A_45 {strides = array<i32>} : memref<4x10240xf32, #tpu.memory_space<vmem>>, vector<16xf32>,
      %scan3A_142 = arith.constant 4 : i32
      %scan3A_143 = arith.addi %scan3A_96, %scan3A_142 : i32
      %mul3A_144 = arith.constant 1 : i32
      %mul3A_145 = arith.muli %scan3A_143, %mul3A_144 : i32
      %add3A_146 = arith.constant 0 : i32
      %add3A_147 = arith.addi %add3A_146, %mul3A_145 : i32
      %mul3A_148 = arith.constant 16 : i32
      %mul3A_149 = arith.muli %add3A_147, %mul3A_148 : i32
      %swap3A_150 = arith.constant 0 : i32
      %swap3A_151 = arith.index_cast %swap3A_150 : i32 to index
      %swap3A_152 = arith.index_cast %mul3A_149 : i32 to index
      %swap3A_153 = tpu.vector_load %arg13[%swap3A_151, %swap3A_152] {strides = array<i32>} : memref<4x10240xf32, #tpu.memory_space<vmem>>, vector<16xf32>,
      tpu.vector_store %arg13[%swap3A_151, %swap3A_152], %broadcast_in_dim3A_45 {strides = array<i32>} : memref<4x10240xf32, #tpu.memory_space<vmem>>, vector<16xf32>,
      %scan3A_154 = arith.constant 5 : i32
      %scan3A_155 = arith.addi %scan3A_96, %scan3A_154 : i32
      %mul3A_156 = arith.constant 1 : i32
      %mul3A_157 = arith.muli %scan3A_155, %mul3A_156 : i32
      %add3A_158 = arith.constant 0 : i32
      %add3A_159 = arith.addi %add3A_158, %mul3A_157 : i32
      %mul3A_160 = arith.constant 16 : i32
      %mul3A_161 = arith.muli %add3A_159, %mul3A_160 : i32
      %swap3A_162 = arith.constant 0 : i32
      %swap3A_163 = arith.index_cast %swap3A_162 : i32 to index
      %swap3A_164 = arith.index_cast %mul3A_161 : i32 to index
      %swap3A_165 = tpu.vector_load %arg13[%swap3A_163, %swap3A_164] {strides = array<i32>} : memref<4x10240xf32, #tpu.memory_space<vmem>>, vector<16xf32>,
      tpu.vector_store %arg13[%swap3A_163, %swap3A_164], %broadcast_in_dim3A_45 {strides = array<i32>} : memref<4x10240xf32, #tpu.memory_space<vmem>>, vector<16xf32>,
      %scan3A_166 = arith.constant 6 : i32
      %scan3A_167 = arith.addi %scan3A_96, %scan3A_166 : i32
      %mul3A_168 = arith.constant 1 : i32
      %mul3A_169 = arith.muli %scan3A_167, %mul3A_168 : i32
      %add3A_170 = arith.constant 0 : i32
      %add3A_171 = arith.addi %add3A_170, %mul3A_169 : i32
      %mul3A_172 = arith.constant 16 : i32
      %mul3A_173 = arith.muli %add3A_171, %mul3A_172 : i32
      %swap3A_174 = arith.constant 0 : i32
      %swap3A_175 = arith.index_cast %swap3A_174 : i32 to index
      %swap3A_176 = arith.index_cast %mul3A_173 : i32 to index
      %swap3A_177 = tpu.vector_load %arg13[%swap3A_175, %swap3A_176] {strides = array<i32>} : memref<4x10240xf32, #tpu.memory_space<vmem>>, vector<16xf32>,
      tpu.vector_store %arg13[%swap3A_175, %swap3A_176], %broadcast_in_dim3A_45 {strides = array<i32>} : memref<4x10240xf32, #tpu.memory_space<vmem>>, vector<16xf32>,
      %scan3A_178 = arith.constant 7 : i32
      %scan3A_179 = arith.addi %scan3A_96, %scan3A_178 : i32
      %mul3A_180 = arith.constant 1 : i32
      %mul3A_181 = arith.muli %scan3A_179, %mul3A_180 : i32
      %add3A_182 = arith.constant 0 : i32
      %add3A_183 = arith.addi %add3A_182, %mul3A_181 : i32
      %mul3A_184 = arith.constant 16 : i32
      %mul3A_185 = arith.muli %add3A_183, %mul3A_184 : i32
      %swap3A_186 = arith.constant 0 : i32
      %swap3A_187 = arith.index_cast %swap3A_186 : i32 to index
      %swap3A_188 = arith.index_cast %mul3A_185 : i32 to index
      %swap3A_189 = tpu.vector_load %arg13[%swap3A_187, %swap3A_188] {strides = array<i32>} : memref<4x10240xf32, #tpu.memory_space<vmem>>, vector<16xf32>,
      tpu.vector_store %arg13[%swap3A_187, %swap3A_188], %broadcast_in_dim3A_45 {strides = array<i32>} : memref<4x10240xf32, #tpu.memory_space<vmem>>, vector<16xf32>,
    }
    %scan3A_54 = arith.constant 640 : i32
    %scan3A_55 = arith.constant 0 : i32
    %scan3A_56 = arith.constant 640 : i32
    %scan3A_57 = arith.addi %scan3A_55, %scan3A_56 : i32
    %scan3A_58 = arith.constant 8 : i32
    scf.for %scan3A_96 = %scan3A_55 to %scan3A_57 step %scan3A_58  : i32 {
      %mul3A_97 = arith.constant 1 : i32
      %mul3A_98 = arith.muli %scan3A_96, %mul3A_97 : i32
      %add3A_99 = arith.constant 0 : i32
      %add3A_100 = arith.addi %add3A_99, %mul3A_98 : i32
      %mul3A_101 = arith.constant 16 : i32
      %mul3A_102 = arith.muli %add3A_100, %mul3A_101 : i32
      %swap3A = arith.constant 1 : i32
      %swap3A_103 = arith.index_cast %swap3A : i32 to index
      %swap3A_104 = arith.index_cast %mul3A_102 : i32 to index
      %swap3A_105 = tpu.vector_load %arg13[%swap3A_103, %swap3A_104] {strides = array<i32>} : memref<4x10240xf32, #tpu.memory_space<vmem>>, vector<16xf32>,
      tpu.vector_store %arg13[%swap3A_103, %swap3A_104], %broadcast_in_dim3A_45 {strides = array<i32>} : memref<4x10240xf32, #tpu.memory_space<vmem>>, vector<16xf32>,
      %scan3A_106 = arith.constant 1 : i32
      %scan3A_107 = arith.addi %scan3A_96, %scan3A_106 : i32
      %mul3A_108 = arith.constant 1 : i32
      %mul3A_109 = arith.muli %scan3A_107, %mul3A_108 : i32
      %add3A_110 = arith.constant 0 : i32
      %add3A_111 = arith.addi %add3A_110, %mul3A_109 : i32
      %mul3A_112 = arith.constant 16 : i32
      %mul3A_113 = arith.muli %add3A_111, %mul3A_112 : i32
      %swap3A_114 = arith.constant 1 : i32
      %swap3A_115 = arith.index_cast %swap3A_114 : i32 to index
      %swap3A_116 = arith.index_cast %mul3A_113 : i32 to index
      %swap3A_117 = tpu.vector_load %arg13[%swap3A_115, %swap3A_116] {strides = array<i32>} : memref<4x10240xf32, #tpu.memory_space<vmem>>, vector<16xf32>,
      tpu.vector_store %arg13[%swap3A_115, %swap3A_116], %broadcast_in_dim3A_45 {strides = array<i32>} : memref<4x10240xf32, #tpu.memory_space<vmem>>, vector<16xf32>,
      %scan3A_118 = arith.constant 2 : i32
      %scan3A_119 = arith.addi %scan3A_96, %scan3A_118 : i32
      %mul3A_120 = arith.constant 1 : i32
      %mul3A_121 = arith.muli %scan3A_119, %mul3A_120 : i32
      %add3A_122 = arith.constant 0 : i32
      %add3A_123 = arith.addi %add3A_122, %mul3A_121 : i32
      %mul3A_124 = arith.constant 16 : i32
      %mul3A_125 = arith.muli %add3A_123, %mul3A_124 : i32
      %swap3A_126 = arith.constant 1 : i32
      %swap3A_127 = arith.index_cast %swap3A_126 : i32 to index
      %swap3A_128 = arith.index_cast %mul3A_125 : i32 to index
      %swap3A_129 = tpu.vector_load %arg13[%swap3A_127, %swap3A_128] {strides = array<i32>} : memref<4x10240xf32, #tpu.memory_space<vmem>>, vector<16xf32>,
      tpu.vector_store %arg13[%swap3A_127, %swap3A_128], %broadcast_in_dim3A_45 {strides = array<i32>} : memref<4x10240xf32, #tpu.memory_space<vmem>>, vector<16xf32>,
      %scan3A_130 = arith.constant 3 : i32
      %scan3A_131 = arith.addi %scan3A_96, %scan3A_130 : i32
      %mul3A_132 = arith.constant 1 : i32
      %mul3A_133 = arith.muli %scan3A_131, %mul3A_132 : i32
      %add3A_134 = arith.constant 0 : i32
      %add3A_135 = arith.addi %add3A_134, %mul3A_133 : i32
      %mul3A_136 = arith.constant 16 : i32
      %mul3A_137 = arith.muli %add3A_135, %mul3A_136 : i32
      %swap3A_138 = arith.constant 1 : i32
      %swap3A_139 = arith.index_cast %swap3A_138 : i32 to index
      %swap3A_140 = arith.index_cast %mul3A_137 : i32 to index
      %swap3A_141 = tpu.vector_load %arg13[%swap3A_139, %swap3A_140] {strides = array<i32>} : memref<4x10240xf32, #tpu.memory_space<vmem>>, vector<16xf32>,
      tpu.vector_store %arg13[%swap3A_139, %swap3A_140], %broadcast_in_dim3A_45 {strides = array<i32>} : memref<4x10240xf32, #tpu.memory_space<vmem>>, vector<16xf32>,
      %scan3A_142 = arith.constant 4 : i32
      %scan3A_143 = arith.addi %scan3A_96, %scan3A_142 : i32
      %mul3A_144 = arith.constant 1 : i32
      %mul3A_145 = arith.muli %scan3A_143, %mul3A_144 : i32
      %add3A_146 = arith.constant 0 : i32
      %add3A_147 = arith.addi %add3A_146, %mul3A_145 : i32
      %mul3A_148 = arith.constant 16 : i32
      %mul3A_149 = arith.muli %add3A_147, %mul3A_148 : i32
      %swap3A_150 = arith.constant 1 : i32
      %swap3A_151 = arith.index_cast %swap3A_150 : i32 to index
      %swap3A_152 = arith.index_cast %mul3A_149 : i32 to index
      %swap3A_153 = tpu.vector_load %arg13[%swap3A_151, %swap3A_152] {strides = array<i32>} : memref<4x10240xf32, #tpu.memory_space<vmem>>, vector<16xf32>,
      tpu.vector_store %arg13[%swap3A_151, %swap3A_152], %broadcast_in_dim3A_45 {strides = array<i32>} : memref<4x10240xf32, #tpu.memory_space<vmem>>, vector<16xf32>,
      %scan3A_154 = arith.constant 5 : i32
      %scan3A_155 = arith.addi %scan3A_96, %scan3A_154 : i32
      %mul3A_156 = arith.constant 1 : i32
      %mul3A_157 = arith.muli %scan3A_155, %mul3A_156 : i32
      %add3A_158 = arith.constant 0 : i32
      %add3A_159 = arith.addi %add3A_158, %mul3A_157 : i32
      %mul3A_160 = arith.constant 16 : i32
      %mul3A_161 = arith.muli %add3A_159, %mul3A_160 : i32
      %swap3A_162 = arith.constant 1 : i32
      %swap3A_163 = arith.index_cast %swap3A_162 : i32 to index
      %swap3A_164 = arith.index_cast %mul3A_161 : i32 to index
      %swap3A_165 = tpu.vector_load %arg13[%swap3A_163, %swap3A_164] {strides = array<i32>} : memref<4x10240xf32, #tpu.memory_space<vmem>>, vector<16xf32>,
      tpu.vector_store %arg13[%swap3A_163, %swap3A_164], %broadcast_in_dim3A_45 {strides = array<i32>} : memref<4x10240xf32, #tpu.memory_space<vmem>>, vector<16xf32>,
      %scan3A_166 = arith.constant 6 : i32
      %scan3A_167 = arith.addi %scan3A_96, %scan3A_166 : i32
      %mul3A_168 = arith.constant 1 : i32
      %mul3A_169 = arith.muli %scan3A_167, %mul3A_168 : i32
      %add3A_170 = arith.constant 0 : i32
      %add3A_171 = arith.addi %add3A_170, %mul3A_169 : i32
      %mul3A_172 = arith.constant 16 : i32
      %mul3A_173 = arith.muli %add3A_171, %mul3A_172 : i32
      %swap3A_174 = arith.constant 1 : i32
      %swap3A_175 = arith.index_cast %swap3A_174 : i32 to index
      %swap3A_176 = arith.index_cast %mul3A_173 : i32 to index
      %swap3A_177 = tpu.vector_load %arg13[%swap3A_175, %swap3A_176] {strides = array<i32>} : memref<4x10240xf32, #tpu.memory_space<vmem>>, vector<16xf32>,
      tpu.vector_store %arg13[%swap3A_175, %swap3A_176], %broadcast_in_dim3A_45 {strides = array<i32>} : memref<4x10240xf32, #tpu.memory_space<vmem>>, vector<16xf32>,
      %scan3A_178 = arith.constant 7 : i32
      %scan3A_179 = arith.addi %scan3A_96, %scan3A_178 : i32
      %mul3A_180 = arith.constant 1 : i32
      %mul3A_181 = arith.muli %scan3A_179, %mul3A_180 : i32
      %add3A_182 = arith.constant 0 : i32
      %add3A_183 = arith.addi %add3A_182, %mul3A_181 : i32
      %mul3A_184 = arith.constant 16 : i32
      %mul3A_185 = arith.muli %add3A_183, %mul3A_184 : i32
      %swap3A_186 = arith.constant 1 : i32
      %swap3A_187 = arith.index_cast %swap3A_186 : i32 to index
      %swap3A_188 = arith.index_cast %mul3A_185 : i32 to index
      %swap3A_189 = tpu.vector_load %arg13[%swap3A_187, %swap3A_188] {strides = array<i32>} : memref<4x10240xf32, #tpu.memory_space<vmem>>, vector<16xf32>,
      tpu.vector_store %arg13[%swap3A_187, %swap3A_188], %broadcast_in_dim3A_45 {strides = array<i32>} : memref<4x10240xf32, #tpu.memory_space<vmem>>, vector<16xf32>,
    }
    %scan3A_59 = arith.constant 640 : i32
    %scan3A_60 = arith.constant 0 : i32
    %scan3A_61 = arith.constant 640 : i32
    %scan3A_62 = arith.addi %scan3A_60, %scan3A_61 : i32
    %scan3A_63 = arith.constant 8 : i32
    scf.for %scan3A_96 = %scan3A_60 to %scan3A_62 step %scan3A_63  : i32 {
      %mul3A_97 = arith.constant 1 : i32
      %mul3A_98 = arith.muli %scan3A_96, %mul3A_97 : i32
      %add3A_99 = arith.constant 0 : i32
      %add3A_100 = arith.addi %add3A_99, %mul3A_98 : i32
      %mul3A_101 = arith.constant 16 : i32
      %mul3A_102 = arith.muli %add3A_100, %mul3A_101 : i32
      %swap3A = arith.constant 2 : i32
      %swap3A_103 = arith.index_cast %swap3A : i32 to index
      %swap3A_104 = arith.index_cast %mul3A_102 : i32 to index
      %swap3A_105 = tpu.vector_load %arg13[%swap3A_103, %swap3A_104] {strides = array<i32>} : memref<4x10240xf32, #tpu.memory_space<vmem>>, vector<16xf32>,
      tpu.vector_store %arg13[%swap3A_103, %swap3A_104], %broadcast_in_dim3A_45 {strides = array<i32>} : memref<4x10240xf32, #tpu.memory_space<vmem>>, vector<16xf32>,
      %scan3A_106 = arith.constant 1 : i32
      %scan3A_107 = arith.addi %scan3A_96, %scan3A_106 : i32
      %mul3A_108 = arith.constant 1 : i32
      %mul3A_109 = arith.muli %scan3A_107, %mul3A_108 : i32
      %add3A_110 = arith.constant 0 : i32
      %add3A_111 = arith.addi %add3A_110, %mul3A_109 : i32
      %mul3A_112 = arith.constant 16 : i32
      %mul3A_113 = arith.muli %add3A_111, %mul3A_112 : i32
      %swap3A_114 = arith.constant 2 : i32
      %swap3A_115 = arith.index_cast %swap3A_114 : i32 to index
      %swap3A_116 = arith.index_cast %mul3A_113 : i32 to index
      %swap3A_117 = tpu.vector_load %arg13[%swap3A_115, %swap3A_116] {strides = array<i32>} : memref<4x10240xf32, #tpu.memory_space<vmem>>, vector<16xf32>,
      tpu.vector_store %arg13[%swap3A_115, %swap3A_116], %broadcast_in_dim3A_45 {strides = array<i32>} : memref<4x10240xf32, #tpu.memory_space<vmem>>, vector<16xf32>,
      %scan3A_118 = arith.constant 2 : i32
      %scan3A_119 = arith.addi %scan3A_96, %scan3A_118 : i32
      %mul3A_120 = arith.constant 1 : i32
      %mul3A_121 = arith.muli %scan3A_119, %mul3A_120 : i32
      %add3A_122 = arith.constant 0 : i32
      %add3A_123 = arith.addi %add3A_122, %mul3A_121 : i32
      %mul3A_124 = arith.constant 16 : i32
      %mul3A_125 = arith.muli %add3A_123, %mul3A_124 : i32
      %swap3A_126 = arith.constant 2 : i32
      %swap3A_127 = arith.index_cast %swap3A_126 : i32 to index
      %swap3A_128 = arith.index_cast %mul3A_125 : i32 to index
      %swap3A_129 = tpu.vector_load %arg13[%swap3A_127, %swap3A_128] {strides = array<i32>} : memref<4x10240xf32, #tpu.memory_space<vmem>>, vector<16xf32>,
      tpu.vector_store %arg13[%swap3A_127, %swap3A_128], %broadcast_in_dim3A_45 {strides = array<i32>} : memref<4x10240xf32, #tpu.memory_space<vmem>>, vector<16xf32>,
      %scan3A_130 = arith.constant 3 : i32
      %scan3A_131 = arith.addi %scan3A_96, %scan3A_130 : i32
      %mul3A_132 = arith.constant 1 : i32
      %mul3A_133 = arith.muli %scan3A_131, %mul3A_132 : i32
      %add3A_134 = arith.constant 0 : i32
      %add3A_135 = arith.addi %add3A_134, %mul3A_133 : i32
      %mul3A_136 = arith.constant 16 : i32
      %mul3A_137 = arith.muli %add3A_135, %mul3A_136 : i32
      %swap3A_138 = arith.constant 2 : i32
      %swap3A_139 = arith.index_cast %swap3A_138 : i32 to index
      %swap3A_140 = arith.index_cast %mul3A_137 : i32 to index
      %swap3A_141 = tpu.vector_load %arg13[%swap3A_139, %swap3A_140] {strides = array<i32>} : memref<4x10240xf32, #tpu.memory_space<vmem>>, vector<16xf32>,
      tpu.vector_store %arg13[%swap3A_139, %swap3A_140], %broadcast_in_dim3A_45 {strides = array<i32>} : memref<4x10240xf32, #tpu.memory_space<vmem>>, vector<16xf32>,
      %scan3A_142 = arith.constant 4 : i32
      %scan3A_143 = arith.addi %scan3A_96, %scan3A_142 : i32
      %mul3A_144 = arith.constant 1 : i32
      %mul3A_145 = arith.muli %scan3A_143, %mul3A_144 : i32
      %add3A_146 = arith.constant 0 : i32
      %add3A_147 = arith.addi %add3A_146, %mul3A_145 : i32
      %mul3A_148 = arith.constant 16 : i32
      %mul3A_149 = arith.muli %add3A_147, %mul3A_148 : i32
      %swap3A_150 = arith.constant 2 : i32
      %swap3A_151 = arith.index_cast %swap3A_150 : i32 to index
      %swap3A_152 = arith.index_cast %mul3A_149 : i32 to index
      %swap3A_153 = tpu.vector_load %arg13[%swap3A_151, %swap3A_152] {strides = array<i32>} : memref<4x10240xf32, #tpu.memory_space<vmem>>, vector<16xf32>,
      tpu.vector_store %arg13[%swap3A_151, %swap3A_152], %broadcast_in_dim3A_45 {strides = array<i32>} : memref<4x10240xf32, #tpu.memory_space<vmem>>, vector<16xf32>,
      %scan3A_154 = arith.constant 5 : i32
      %scan3A_155 = arith.addi %scan3A_96, %scan3A_154 : i32
      %mul3A_156 = arith.constant 1 : i32
      %mul3A_157 = arith.muli %scan3A_155, %mul3A_156 : i32
      %add3A_158 = arith.constant 0 : i32
      %add3A_159 = arith.addi %add3A_158, %mul3A_157 : i32
      %mul3A_160 = arith.constant 16 : i32
      %mul3A_161 = arith.muli %add3A_159, %mul3A_160 : i32
      %swap3A_162 = arith.constant 2 : i32
      %swap3A_163 = arith.index_cast %swap3A_162 : i32 to index
      %swap3A_164 = arith.index_cast %mul3A_161 : i32 to index
      %swap3A_165 = tpu.vector_load %arg13[%swap3A_163, %swap3A_164] {strides = array<i32>} : memref<4x10240xf32, #tpu.memory_space<vmem>>, vector<16xf32>,
      tpu.vector_store %arg13[%swap3A_163, %swap3A_164], %broadcast_in_dim3A_45 {strides = array<i32>} : memref<4x10240xf32, #tpu.memory_space<vmem>>, vector<16xf32>,
      %scan3A_166 = arith.constant 6 : i32
      %scan3A_167 = arith.addi %scan3A_96, %scan3A_166 : i32
      %mul3A_168 = arith.constant 1 : i32
      %mul3A_169 = arith.muli %scan3A_167, %mul3A_168 : i32
      %add3A_170 = arith.constant 0 : i32
      %add3A_171 = arith.addi %add3A_170, %mul3A_169 : i32
      %mul3A_172 = arith.constant 16 : i32
      %mul3A_173 = arith.muli %add3A_171, %mul3A_172 : i32
      %swap3A_174 = arith.constant 2 : i32
      %swap3A_175 = arith.index_cast %swap3A_174 : i32 to index
      %swap3A_176 = arith.index_cast %mul3A_173 : i32 to index
      %swap3A_177 = tpu.vector_load %arg13[%swap3A_175, %swap3A_176] {strides = array<i32>} : memref<4x10240xf32, #tpu.memory_space<vmem>>, vector<16xf32>,
      tpu.vector_store %arg13[%swap3A_175, %swap3A_176], %broadcast_in_dim3A_45 {strides = array<i32>} : memref<4x10240xf32, #tpu.memory_space<vmem>>, vector<16xf32>,
      %scan3A_178 = arith.constant 7 : i32
      %scan3A_179 = arith.addi %scan3A_96, %scan3A_178 : i32
      %mul3A_180 = arith.constant 1 : i32
      %mul3A_181 = arith.muli %scan3A_179, %mul3A_180 : i32
      %add3A_182 = arith.constant 0 : i32
      %add3A_183 = arith.addi %add3A_182, %mul3A_181 : i32
      %mul3A_184 = arith.constant 16 : i32
      %mul3A_185 = arith.muli %add3A_183, %mul3A_184 : i32
      %swap3A_186 = arith.constant 2 : i32
      %swap3A_187 = arith.index_cast %swap3A_186 : i32 to index
      %swap3A_188 = arith.index_cast %mul3A_185 : i32 to index
      %swap3A_189 = tpu.vector_load %arg13[%swap3A_187, %swap3A_188] {strides = array<i32>} : memref<4x10240xf32, #tpu.memory_space<vmem>>, vector<16xf32>,
      tpu.vector_store %arg13[%swap3A_187, %swap3A_188], %broadcast_in_dim3A_45 {strides = array<i32>} : memref<4x10240xf32, #tpu.memory_space<vmem>>, vector<16xf32>,
    }
    %scan3A_64 = arith.constant 640 : i32
    %scan3A_65 = arith.constant 0 : i32
    %scan3A_66 = arith.constant 640 : i32
    %scan3A_67 = arith.addi %scan3A_65, %scan3A_66 : i32
    %scan3A_68 = arith.constant 8 : i32
    scf.for %scan3A_96 = %scan3A_65 to %scan3A_67 step %scan3A_68  : i32 {
      %mul3A_97 = arith.constant 1 : i32
      %mul3A_98 = arith.muli %scan3A_96, %mul3A_97 : i32
      %add3A_99 = arith.constant 0 : i32
      %add3A_100 = arith.addi %add3A_99, %mul3A_98 : i32
      %mul3A_101 = arith.constant 16 : i32
      %mul3A_102 = arith.muli %add3A_100, %mul3A_101 : i32
      %swap3A = arith.constant 3 : i32
      %swap3A_103 = arith.index_cast %swap3A : i32 to index
      %swap3A_104 = arith.index_cast %mul3A_102 : i32 to index
      %swap3A_105 = tpu.vector_load %arg13[%swap3A_103, %swap3A_104] {strides = array<i32>} : memref<4x10240xf32, #tpu.memory_space<vmem>>, vector<16xf32>,
      tpu.vector_store %arg13[%swap3A_103, %swap3A_104], %broadcast_in_dim3A_45 {strides = array<i32>} : memref<4x10240xf32, #tpu.memory_space<vmem>>, vector<16xf32>,
      %scan3A_106 = arith.constant 1 : i32
      %scan3A_107 = arith.addi %scan3A_96, %scan3A_106 : i32
      %mul3A_108 = arith.constant 1 : i32
      %mul3A_109 = arith.muli %scan3A_107, %mul3A_108 : i32
      %add3A_110 = arith.constant 0 : i32
      %add3A_111 = arith.addi %add3A_110, %mul3A_109 : i32
      %mul3A_112 = arith.constant 16 : i32
      %mul3A_113 = arith.muli %add3A_111, %mul3A_112 : i32
      %swap3A_114 = arith.constant 3 : i32
      %swap3A_115 = arith.index_cast %swap3A_114 : i32 to index
      %swap3A_116 = arith.index_cast %mul3A_113 : i32 to index
      %swap3A_117 = tpu.vector_load %arg13[%swap3A_115, %swap3A_116] {strides = array<i32>} : memref<4x10240xf32, #tpu.memory_space<vmem>>, vector<16xf32>,
      tpu.vector_store %arg13[%swap3A_115, %swap3A_116], %broadcast_in_dim3A_45 {strides = array<i32>} : memref<4x10240xf32, #tpu.memory_space<vmem>>, vector<16xf32>,
      %scan3A_118 = arith.constant 2 : i32
      %scan3A_119 = arith.addi %scan3A_96, %scan3A_118 : i32
      %mul3A_120 = arith.constant 1 : i32
      %mul3A_121 = arith.muli %scan3A_119, %mul3A_120 : i32
      %add3A_122 = arith.constant 0 : i32
      %add3A_123 = arith.addi %add3A_122, %mul3A_121 : i32
      %mul3A_124 = arith.constant 16 : i32
      %mul3A_125 = arith.muli %add3A_123, %mul3A_124 : i32
      %swap3A_126 = arith.constant 3 : i32
      %swap3A_127 = arith.index_cast %swap3A_126 : i32 to index
      %swap3A_128 = arith.index_cast %mul3A_125 : i32 to index
      %swap3A_129 = tpu.vector_load %arg13[%swap3A_127, %swap3A_128] {strides = array<i32>} : memref<4x10240xf32, #tpu.memory_space<vmem>>, vector<16xf32>,
      tpu.vector_store %arg13[%swap3A_127, %swap3A_128], %broadcast_in_dim3A_45 {strides = array<i32>} : memref<4x10240xf32, #tpu.memory_space<vmem>>, vector<16xf32>,
      %scan3A_130 = arith.constant 3 : i32
      %scan3A_131 = arith.addi %scan3A_96, %scan3A_130 : i32
      %mul3A_132 = arith.constant 1 : i32
      %mul3A_133 = arith.muli %scan3A_131, %mul3A_132 : i32
      %add3A_134 = arith.constant 0 : i32
      %add3A_135 = arith.addi %add3A_134, %mul3A_133 : i32
      %mul3A_136 = arith.constant 16 : i32
      %mul3A_137 = arith.muli %add3A_135, %mul3A_136 : i32
      %swap3A_138 = arith.constant 3 : i32
      %swap3A_139 = arith.index_cast %swap3A_138 : i32 to index
      %swap3A_140 = arith.index_cast %mul3A_137 : i32 to index
      %swap3A_141 = tpu.vector_load %arg13[%swap3A_139, %swap3A_140] {strides = array<i32>} : memref<4x10240xf32, #tpu.memory_space<vmem>>, vector<16xf32>,
      tpu.vector_store %arg13[%swap3A_139, %swap3A_140], %broadcast_in_dim3A_45 {strides = array<i32>} : memref<4x10240xf32, #tpu.memory_space<vmem>>, vector<16xf32>,
      %scan3A_142 = arith.constant 4 : i32
      %scan3A_143 = arith.addi %scan3A_96, %scan3A_142 : i32
      %mul3A_144 = arith.constant 1 : i32
      %mul3A_145 = arith.muli %scan3A_143, %mul3A_144 : i32
      %add3A_146 = arith.constant 0 : i32
      %add3A_147 = arith.addi %add3A_146, %mul3A_145 : i32
      %mul3A_148 = arith.constant 16 : i32
      %mul3A_149 = arith.muli %add3A_147, %mul3A_148 : i32
      %swap3A_150 = arith.constant 3 : i32
      %swap3A_151 = arith.index_cast %swap3A_150 : i32 to index
      %swap3A_152 = arith.index_cast %mul3A_149 : i32 to index
      %swap3A_153 = tpu.vector_load %arg13[%swap3A_151, %swap3A_152] {strides = array<i32>} : memref<4x10240xf32, #tpu.memory_space<vmem>>, vector<16xf32>,
      tpu.vector_store %arg13[%swap3A_151, %swap3A_152], %broadcast_in_dim3A_45 {strides = array<i32>} : memref<4x10240xf32, #tpu.memory_space<vmem>>, vector<16xf32>,
      %scan3A_154 = arith.constant 5 : i32
      %scan3A_155 = arith.addi %scan3A_96, %scan3A_154 : i32
      %mul3A_156 = arith.constant 1 : i32
      %mul3A_157 = arith.muli %scan3A_155, %mul3A_156 : i32
      %add3A_158 = arith.constant 0 : i32
      %add3A_159 = arith.addi %add3A_158, %mul3A_157 : i32
      %mul3A_160 = arith.constant 16 : i32
      %mul3A_161 = arith.muli %add3A_159, %mul3A_160 : i32
      %swap3A_162 = arith.constant 3 : i32
      %swap3A_163 = arith.index_cast %swap3A_162 : i32 to index
      %swap3A_164 = arith.index_cast %mul3A_161 : i32 to index
      %swap3A_165 = tpu.vector_load %arg13[%swap3A_163, %swap3A_164] {strides = array<i32>} : memref<4x10240xf32, #tpu.memory_space<vmem>>, vector<16xf32>,
      tpu.vector_store %arg13[%swap3A_163, %swap3A_164], %broadcast_in_dim3A_45 {strides = array<i32>} : memref<4x10240xf32, #tpu.memory_space<vmem>>, vector<16xf32>,
      %scan3A_166 = arith.constant 6 : i32
      %scan3A_167 = arith.addi %scan3A_96, %scan3A_166 : i32
      %mul3A_168 = arith.constant 1 : i32
      %mul3A_169 = arith.muli %scan3A_167, %mul3A_168 : i32
      %add3A_170 = arith.constant 0 : i32
      %add3A_171 = arith.addi %add3A_170, %mul3A_169 : i32
      %mul3A_172 = arith.constant 16 : i32
      %mul3A_173 = arith.muli %add3A_171, %mul3A_172 : i32
      %swap3A_174 = arith.constant 3 : i32
      %swap3A_175 = arith.index_cast %swap3A_174 : i32 to index
      %swap3A_176 = arith.index_cast %mul3A_173 : i32 to index
      %swap3A_177 = tpu.vector_load %arg13[%swap3A_175, %swap3A_176] {strides = array<i32>} : memref<4x10240xf32, #tpu.memory_space<vmem>>, vector<16xf32>,
      tpu.vector_store %arg13[%swap3A_175, %swap3A_176], %broadcast_in_dim3A_45 {strides = array<i32>} : memref<4x10240xf32, #tpu.memory_space<vmem>>, vector<16xf32>,
      %scan3A_178 = arith.constant 7 : i32
      %scan3A_179 = arith.addi %scan3A_96, %scan3A_178 : i32
      %mul3A_180 = arith.constant 1 : i32
      %mul3A_181 = arith.muli %scan3A_179, %mul3A_180 : i32
      %add3A_182 = arith.constant 0 : i32
      %add3A_183 = arith.addi %add3A_182, %mul3A_181 : i32
      %mul3A_184 = arith.constant 16 : i32
      %mul3A_185 = arith.muli %add3A_183, %mul3A_184 : i32
      %swap3A_186 = arith.constant 3 : i32
      %swap3A_187 = arith.index_cast %swap3A_186 : i32 to index
      %swap3A_188 = arith.index_cast %mul3A_185 : i32 to index
      %swap3A_189 = tpu.vector_load %arg13[%swap3A_187, %swap3A_188] {strides = array<i32>} : memref<4x10240xf32, #tpu.memory_space<vmem>>, vector<16xf32>,
      tpu.vector_store %arg13[%swap3A_187, %swap3A_188], %broadcast_in_dim3A_45 {strides = array<i32>} : memref<4x10240xf32, #tpu.memory_space<vmem>>, vector<16xf32>,
    }
    %scan3A_69 = arith.constant 640 : i32
    tpu.wait_dma2 semaphore(%arg17 : memref<!tpu.dma_semaphore, #tpu.memory_space<semaphore_mem>>) src(%arg3 : memref<10240xf32, #tpu.memory_space<hbm>>) dst(%arg9 : memref<10240xf32, #tpu.memory_space<vmem>>)
    tpu.wait_dma2 semaphore(%arg17 : memref<!tpu.dma_semaphore, #tpu.memory_space<semaphore_mem>>) src(%arg4 : memref<10240xf32, #tpu.memory_space<hbm>>) dst(%arg10 : memref<10240xf32, #tpu.memory_space<vmem>>)
    tpu.wait_dma2 semaphore(%arg17 : memref<!tpu.dma_semaphore, #tpu.memory_space<semaphore_mem>>) src(%arg5 : memref<16xf32, #tpu.memory_space<hbm>>) dst(%arg11 : memref<16xf32, #tpu.memory_space<vmem>>)
    %dma_wait3A = arith.constant 0 : i32
    %dma_wait3A_70 = arith.constant 0 : i32
    %dma_wait3A_71 = tpu.memref_slice %arg6[%select_n3A_9, %dma_wait3A, %dma_wait3A_70] : memref<4x4x10240xf32, #tpu.memory_space<hbm>> -> memref<1x4x10240xf32, #tpu.memory_space<hbm>>
    %dma_wait3A_72 = tpu.memref_squeeze %dma_wait3A_71 : memref<1x4x10240xf32, #tpu.memory_space<hbm>> -> memref<4x10240xf32, #tpu.memory_space<hbm>>
    %dma_wait3A_73 = arith.constant 0 : i32
    %dma_wait3A_74 = arith.constant 0 : i32
    %dma_wait3A_75 = tpu.memref_slice %arg6[%select_n3A_9, %dma_wait3A_73, %dma_wait3A_74] : memref<4x4x10240xf32, #tpu.memory_space<hbm>> -> memref<1x4x10240xf32, #tpu.memory_space<hbm>>
    %dma_wait3A_76 = tpu.memref_squeeze %dma_wait3A_75 : memref<1x4x10240xf32, #tpu.memory_space<hbm>> -> memref<4x10240xf32, #tpu.memory_space<hbm>>
    tpu.wait_dma2 semaphore(%arg17 : memref<!tpu.dma_semaphore, #tpu.memory_space<semaphore_mem>>) src(%dma_wait3A_76 : memref<4x10240xf32, #tpu.memory_space<hbm>>) dst(%arg12 : memref<4x10240xf32, #tpu.memory_space<vmem>>)
    %get3A = arith.constant 0 : index
    %get3A_77 = tpu.vector_load %arg11[%get3A] {strides = array<i32>} : memref<16xf32, #tpu.memory_space<vmem>>, vector<16xf32>,
    %broadcast_in_dim3A_78 = arith.constant 0 : i32
    %broadcast_in_dim3A_79 = vector.broadcast %broadcast_in_dim3A_78 : i32 to vector<16xi32>
    %broadcast_in_dim3A_80 = arith.constant 1 : i32
    %broadcast_in_dim3A_81 = vector.broadcast %broadcast_in_dim3A_80 : i32 to vector<16xi32>
    %broadcast_in_dim3A_82 = arith.constant 2 : i32
    %broadcast_in_dim3A_83 = vector.broadcast %broadcast_in_dim3A_82 : i32 to vector<16xi32>
    %broadcast_in_dim3A_84 = arith.constant 3 : i32
    %broadcast_in_dim3A_85 = vector.broadcast %broadcast_in_dim3A_84 : i32 to vector<16xi32>
    %broadcast_in_dim3A_86 = arith.constant 0 : i32
    %broadcast_in_dim3A_87 = vector.broadcast %broadcast_in_dim3A_86 : i32 to vector<16xi32>
    %scan3A_88 = arith.constant 0 : i32
    %scan3A_89 = arith.constant 10 : i32
    %scan3A_90 = arith.addi %scan3A_88, %scan3A_89 : i32
    %scan3A_91 = arith.constant 1 : i32
    scf.for %scan3A_96 = %scan3A_88 to %scan3A_90 step %scan3A_91  : i32 {
      %mul3A_97 = arith.constant 1 : i32
      %mul3A_98 = arith.muli %scan3A_96, %mul3A_97 : i32
      %add3A_99 = arith.constant 0 : i32
      %add3A_100 = arith.addi %add3A_99, %mul3A_98 : i32
      %mul3A_101 = arith.constant 2 : i32
      %mul3A_102 = arith.muli %mul3A_101, %add3A_100 : i32
      %mul3A_103 = arith.constant 2000 : i32
      %mul3A_104 = arith.muli %mul3A_102, %mul3A_103 : i32
      %add3A_105 = arith.addi %mul3A_35, %mul3A_104 : i32
      %dma_wait3A_106 = tpu.memref_slice %arg2[%add3A_105] : memref<320000xi32, #tpu.memory_space<hbm>> -> memref<2000xi32, #tpu.memory_space<hbm>>
      %dma_wait3A_107 = tpu.memref_slice %arg2[%add3A_105] : memref<320000xi32, #tpu.memory_space<hbm>> -> memref<2000xi32, #tpu.memory_space<hbm>>
      tpu.wait_dma2 semaphore(%arg18 : memref<!tpu.dma_semaphore, #tpu.memory_space<semaphore_mem>>) src(%dma_wait3A_107 : memref<2000xi32, #tpu.memory_space<hbm>>) dst(%arg15 : memref<2000xi32, #tpu.memory_space<vmem>>)
      %add3A_108 = arith.constant 1 : i32
      %add3A_109 = arith.addi %mul3A_102, %add3A_108 : i32
      %mul3A_110 = arith.constant 2000 : i32
      %mul3A_111 = arith.muli %add3A_109, %mul3A_110 : i32
      %add3A_112 = arith.addi %mul3A_35, %mul3A_111 : i32
      %dma_start3A_113 = tpu.memref_slice %arg2[%add3A_112] : memref<320000xi32, #tpu.memory_space<hbm>> -> memref<2000xi32, #tpu.memory_space<hbm>>
      %dma_start3A_114 = tpu.memref_slice %arg2[%add3A_112] : memref<320000xi32, #tpu.memory_space<hbm>> -> memref<2000xi32, #tpu.memory_space<hbm>>
      tpu.enqueue_dma source(%dma_start3A_114 : memref<2000xi32, #tpu.memory_space<hbm>>) target(%arg16 : memref<2000xi32, #tpu.memory_space<vmem>>) target_semaphore(%arg19 : memref<!tpu.dma_semaphore, #tpu.memory_space<semaphore_mem>>)
      %parallel_loop3A = arith.constant 0 : i32
      %parallel_loop3A_115 = arith.constant 125 : i32
      %parallel_loop3A_116 = arith.constant 1 : i32
      scf.for %parallel_loop3A_132 = %parallel_loop3A to %parallel_loop3A_115 step %parallel_loop3A_116  : i32 {
        %parallel_loop3A_133 = arith.constant 16 : i32
        %parallel_loop3A_134 = arith.muli %parallel_loop3A_132, %parallel_loop3A_133 : i32
        %parallel_loop3A_135 = arith.index_cast %parallel_loop3A_134 : i32 to index
        %parallel_loop3A_136 = tpu.vector_load %arg15[%parallel_loop3A_135] {strides = array<i32>} : memref<2000xi32, #tpu.memory_space<vmem>>, vector<16xi32>,
        %parallel_loop3A_137 = arith.constant 16383 : i32
        %parallel_loop3A_138 = vector.broadcast %parallel_loop3A_137 : i32 to vector<16xi32>
        %parallel_loop3A_139 = arith.andi %parallel_loop3A_136, %parallel_loop3A_138 : vector<16xi32>
        %parallel_loop3A_140 = arith.constant 14 : i32
        %parallel_loop3A_141 = vector.broadcast %parallel_loop3A_140 : i32 to vector<16xi32>
        %parallel_loop3A_142 = arith.shrui %parallel_loop3A_136, %parallel_loop3A_141 : vector<16xi32>
        %parallel_loop3A_143 = tpu.vector_load_idx %arg9[%parallel_loop3A_139] : memref<10240xf32, #tpu.memory_space<vmem>>[vector<16xi32>], vector<16xf32>,
        %parallel_loop3A_144 = tpu.vector_load_idx %arg10[%parallel_loop3A_142] : memref<10240xf32, #tpu.memory_space<vmem>>[vector<16xi32>], vector<16xf32>,
        %parallel_loop3A_145 = arith.addf %parallel_loop3A_143, %parallel_loop3A_144 : vector<16xf32>
        %parallel_loop3A_146 = arith.constant 0.000000e+00 : f32
        %parallel_loop3A_147 = vector.broadcast %parallel_loop3A_146 : f32 to vector<16xf32>
        %parallel_loop3A_148 = arith.cmpf oge, %parallel_loop3A_145, %parallel_loop3A_147 : vector<16xf32>
        %parallel_loop3A_149 = arith.constant 2.000000e-01 : f32
        %parallel_loop3A_150 = vector.broadcast %parallel_loop3A_149 : f32 to vector<16xf32>
        %parallel_loop3A_151 = arith.mulf %parallel_loop3A_150, %parallel_loop3A_145 : vector<16xf32>
        %parallel_loop3A_152 = arith.select %parallel_loop3A_148, %parallel_loop3A_145, %parallel_loop3A_151 : vector<16xi1>, vector<16xf32>
        %parallel_loop3A_153 = arith.subf %parallel_loop3A_152, %get3A_77 : vector<16xf32>
        %parallel_loop3A_154 = math.exp %parallel_loop3A_153 : vector<16xf32>
        %parallel_loop3A_155 = arith.constant 0 : i32
        %parallel_loop3A_156 = arith.cmpi eq, %select_n3A_9, %parallel_loop3A_155 : i32
        %parallel_loop3A_157 = arith.extui %parallel_loop3A_156 : i1 to i32
        %parallel_loop3A_158 = arith.constant 0 : i32
        %parallel_loop3A_159 = arith.cmpi ne, %parallel_loop3A_157, %parallel_loop3A_158 : i32
        scf.if %parallel_loop3A_159 {
          tpu.vector_store_idx %arg14[%broadcast_in_dim3A_87, %parallel_loop3A_142], %parallel_loop3A_154 {add = true} : memref<1x10240xf32, #tpu.memory_space<vmem>>[vector<16xi32>, vector<16xi32>], vector<16xf32>,
        } else {
        }
        %parallel_loop3A_160 = tpu.vector_load_idx %arg12[%broadcast_in_dim3A_79, %parallel_loop3A_139] : memref<4x10240xf32, #tpu.memory_space<vmem>>[vector<16xi32>, vector<16xi32>], vector<16xf32>,
        %parallel_loop3A_161 = arith.mulf %parallel_loop3A_160, %parallel_loop3A_154 : vector<16xf32>
        tpu.vector_store_idx %arg13[%broadcast_in_dim3A_79, %parallel_loop3A_142], %parallel_loop3A_161 {add = true} : memref<4x10240xf32, #tpu.memory_space<vmem>>[vector<16xi32>, vector<16xi32>], vector<16xf32>,
        %parallel_loop3A_162 = tpu.vector_load_idx %arg12[%broadcast_in_dim3A_81, %parallel_loop3A_139] : memref<4x10240xf32, #tpu.memory_space<vmem>>[vector<16xi32>, vector<16xi32>], vector<16xf32>,
        %parallel_loop3A_163 = arith.mulf %parallel_loop3A_162, %parallel_loop3A_154 : vector<16xf32>
        tpu.vector_store_idx %arg13[%broadcast_in_dim3A_81, %parallel_loop3A_142], %parallel_loop3A_163 {add = true} : memref<4x10240xf32, #tpu.memory_space<vmem>>[vector<16xi32>, vector<16xi32>], vector<16xf32>,
        %parallel_loop3A_164 = tpu.vector_load_idx %arg12[%broadcast_in_dim3A_83, %parallel_loop3A_139] : memref<4x10240xf32, #tpu.memory_space<vmem>>[vector<16xi32>, vector<16xi32>], vector<16xf32>,
        %parallel_loop3A_165 = arith.mulf %parallel_loop3A_164, %parallel_loop3A_154 : vector<16xf32>
        tpu.vector_store_idx %arg13[%broadcast_in_dim3A_83, %parallel_loop3A_142], %parallel_loop3A_165 {add = true} : memref<4x10240xf32, #tpu.memory_space<vmem>>[vector<16xi32>, vector<16xi32>], vector<16xf32>,
        %parallel_loop3A_166 = tpu.vector_load_idx %arg12[%broadcast_in_dim3A_85, %parallel_loop3A_139] : memref<4x10240xf32, #tpu.memory_space<vmem>>[vector<16xi32>, vector<16xi32>], vector<16xf32>,
        %parallel_loop3A_167 = arith.mulf %parallel_loop3A_166, %parallel_loop3A_154 : vector<16xf32>
        tpu.vector_store_idx %arg13[%broadcast_in_dim3A_85, %parallel_loop3A_142], %parallel_loop3A_167 {add = true} : memref<4x10240xf32, #tpu.memory_space<vmem>>[vector<16xi32>, vector<16xi32>], vector<16xf32>,
      } {sc.loop_unroll_factor = 4 : i64, sc.parallel_access}
      %add3A_117 = arith.constant 1 : i32
      %add3A_118 = arith.addi %mul3A_102, %add3A_117 : i32
      %mul3A_119 = arith.constant 2000 : i32
      %mul3A_120 = arith.muli %add3A_118, %mul3A_119 : i32
      %add3A_121 = arith.addi %mul3A_35, %mul3A_120 : i32
      %dma_wait3A_122 = tpu.memref_slice %arg2[%add3A_121] : memref<320000xi32, #tpu.memory_space<hbm>> -> memref<2000xi32, #tpu.memory_space<hbm>>
      %dma_wait3A_123 = tpu.memref_slice %arg2[%add3A_121] : memref<320000xi32, #tpu.memory_space<hbm>> -> memref<2000xi32, #tpu.memory_space<hbm>>
      tpu.wait_dma2 semaphore(%arg19 : memref<!tpu.dma_semaphore, #tpu.memory_space<semaphore_mem>>) src(%dma_wait3A_123 : memref<2000xi32, #tpu.memory_space<hbm>>) dst(%arg16 : memref<2000xi32, #tpu.memory_space<vmem>>)
      %ne3A_124 = arith.constant 9 : i32
      %ne3A_125 = arith.cmpi ne, %add3A_100, %ne3A_124 : i32
      %convert_element_type3A_126 = arith.extui %ne3A_125 : i1 to i32
      %cond3A_127 = arith.constant 0 : i32
      %cond3A_128 = arith.cmpi ne, %convert_element_type3A_126, %cond3A_127 : i32
      scf.if %cond3A_128 {
        %add3A_132 = arith.constant 2 : i32
        %add3A_133 = arith.addi %mul3A_102, %add3A_132 : i32
        %mul3A_134 = arith.constant 2000 : i32
        %mul3A_135 = arith.muli %add3A_133, %mul3A_134 : i32
        %add3A_136 = arith.addi %mul3A_35, %mul3A_135 : i32
        %dma_start3A_137 = tpu.memref_slice %arg2[%add3A_136] : memref<320000xi32, #tpu.memory_space<hbm>> -> memref<2000xi32, #tpu.memory_space<hbm>>
        %dma_start3A_138 = tpu.memref_slice %arg2[%add3A_136] : memref<320000xi32, #tpu.memory_space<hbm>> -> memref<2000xi32, #tpu.memory_space<hbm>>
        tpu.enqueue_dma source(%dma_start3A_138 : memref<2000xi32, #tpu.memory_space<hbm>>) target(%arg15 : memref<2000xi32, #tpu.memory_space<vmem>>) target_semaphore(%arg18 : memref<!tpu.dma_semaphore, #tpu.memory_space<semaphore_mem>>)
      } else {
      }
      %parallel_loop3A_129 = arith.constant 0 : i32
      %parallel_loop3A_130 = arith.constant 125 : i32
      %parallel_loop3A_131 = arith.constant 1 : i32
      scf.for %parallel_loop3A_132 = %parallel_loop3A_129 to %parallel_loop3A_130 step %parallel_loop3A_131  : i32 {
        %parallel_loop3A_133 = arith.constant 16 : i32
        %parallel_loop3A_134 = arith.muli %parallel_loop3A_132, %parallel_loop3A_133 : i32
        %parallel_loop3A_135 = arith.index_cast %parallel_loop3A_134 : i32 to index
        %parallel_loop3A_136 = tpu.vector_load %arg16[%parallel_loop3A_135] {strides = array<i32>} : memref<2000xi32, #tpu.memory_space<vmem>>, vector<16xi32>,
        %parallel_loop3A_137 = arith.constant 16383 : i32
        %parallel_loop3A_138 = vector.broadcast %parallel_loop3A_137 : i32 to vector<16xi32>
        %parallel_loop3A_139 = arith.andi %parallel_loop3A_136, %parallel_loop3A_138 : vector<16xi32>
        %parallel_loop3A_140 = arith.constant 14 : i32
        %parallel_loop3A_141 = vector.broadcast %parallel_loop3A_140 : i32 to vector<16xi32>
        %parallel_loop3A_142 = arith.shrui %parallel_loop3A_136, %parallel_loop3A_141 : vector<16xi32>
        %parallel_loop3A_143 = tpu.vector_load_idx %arg9[%parallel_loop3A_139] : memref<10240xf32, #tpu.memory_space<vmem>>[vector<16xi32>], vector<16xf32>,
        %parallel_loop3A_144 = tpu.vector_load_idx %arg10[%parallel_loop3A_142] : memref<10240xf32, #tpu.memory_space<vmem>>[vector<16xi32>], vector<16xf32>,
        %parallel_loop3A_145 = arith.addf %parallel_loop3A_143, %parallel_loop3A_144 : vector<16xf32>
        %parallel_loop3A_146 = arith.constant 0.000000e+00 : f32
        %parallel_loop3A_147 = vector.broadcast %parallel_loop3A_146 : f32 to vector<16xf32>
        %parallel_loop3A_148 = arith.cmpf oge, %parallel_loop3A_145, %parallel_loop3A_147 : vector<16xf32>
        %parallel_loop3A_149 = arith.constant 2.000000e-01 : f32
        %parallel_loop3A_150 = vector.broadcast %parallel_loop3A_149 : f32 to vector<16xf32>
        %parallel_loop3A_151 = arith.mulf %parallel_loop3A_150, %parallel_loop3A_145 : vector<16xf32>
        %parallel_loop3A_152 = arith.select %parallel_loop3A_148, %parallel_loop3A_145, %parallel_loop3A_151 : vector<16xi1>, vector<16xf32>
        %parallel_loop3A_153 = arith.subf %parallel_loop3A_152, %get3A_77 : vector<16xf32>
        %parallel_loop3A_154 = math.exp %parallel_loop3A_153 : vector<16xf32>
        %parallel_loop3A_155 = arith.constant 0 : i32
        %parallel_loop3A_156 = arith.cmpi eq, %select_n3A_9, %parallel_loop3A_155 : i32
        %parallel_loop3A_157 = arith.extui %parallel_loop3A_156 : i1 to i32
        %parallel_loop3A_158 = arith.constant 0 : i32
        %parallel_loop3A_159 = arith.cmpi ne, %parallel_loop3A_157, %parallel_loop3A_158 : i32
        scf.if %parallel_loop3A_159 {
          tpu.vector_store_idx %arg14[%broadcast_in_dim3A_87, %parallel_loop3A_142], %parallel_loop3A_154 {add = true} : memref<1x10240xf32, #tpu.memory_space<vmem>>[vector<16xi32>, vector<16xi32>], vector<16xf32>,
        } else {
        }
        %parallel_loop3A_160 = tpu.vector_load_idx %arg12[%broadcast_in_dim3A_79, %parallel_loop3A_139] : memref<4x10240xf32, #tpu.memory_space<vmem>>[vector<16xi32>, vector<16xi32>], vector<16xf32>,
        %parallel_loop3A_161 = arith.mulf %parallel_loop3A_160, %parallel_loop3A_154 : vector<16xf32>
        tpu.vector_store_idx %arg13[%broadcast_in_dim3A_79, %parallel_loop3A_142], %parallel_loop3A_161 {add = true} : memref<4x10240xf32, #tpu.memory_space<vmem>>[vector<16xi32>, vector<16xi32>], vector<16xf32>,
        %parallel_loop3A_162 = tpu.vector_load_idx %arg12[%broadcast_in_dim3A_81, %parallel_loop3A_139] : memref<4x10240xf32, #tpu.memory_space<vmem>>[vector<16xi32>, vector<16xi32>], vector<16xf32>,
        %parallel_loop3A_163 = arith.mulf %parallel_loop3A_162, %parallel_loop3A_154 : vector<16xf32>
        tpu.vector_store_idx %arg13[%broadcast_in_dim3A_81, %parallel_loop3A_142], %parallel_loop3A_163 {add = true} : memref<4x10240xf32, #tpu.memory_space<vmem>>[vector<16xi32>, vector<16xi32>], vector<16xf32>,
        %parallel_loop3A_164 = tpu.vector_load_idx %arg12[%broadcast_in_dim3A_83, %parallel_loop3A_139] : memref<4x10240xf32, #tpu.memory_space<vmem>>[vector<16xi32>, vector<16xi32>], vector<16xf32>,
        %parallel_loop3A_165 = arith.mulf %parallel_loop3A_164, %parallel_loop3A_154 : vector<16xf32>
        tpu.vector_store_idx %arg13[%broadcast_in_dim3A_83, %parallel_loop3A_142], %parallel_loop3A_165 {add = true} : memref<4x10240xf32, #tpu.memory_space<vmem>>[vector<16xi32>, vector<16xi32>], vector<16xf32>,
        %parallel_loop3A_166 = tpu.vector_load_idx %arg12[%broadcast_in_dim3A_85, %parallel_loop3A_139] : memref<4x10240xf32, #tpu.memory_space<vmem>>[vector<16xi32>, vector<16xi32>], vector<16xf32>,
        %parallel_loop3A_167 = arith.mulf %parallel_loop3A_166, %parallel_loop3A_154 : vector<16xf32>
        tpu.vector_store_idx %arg13[%broadcast_in_dim3A_85, %parallel_loop3A_142], %parallel_loop3A_167 {add = true} : memref<4x10240xf32, #tpu.memory_space<vmem>>[vector<16xi32>, vector<16xi32>], vector<16xf32>,
      } {sc.loop_unroll_factor = 4 : i64, sc.parallel_access}
    }
    %scan3A_92 = arith.constant 10 : i32
    "tpu.region"() ({
      %run_scoped3A = tpu.sem_alloc : memref<!tpu.dma_semaphore, #tpu.memory_space<semaphore_mem>>
      %dma_start3A_96 = arith.constant 0 : i32
      %dma_start3A_97 = arith.constant 0 : i32
      %dma_start3A_98 = tpu.memref_slice %arg7[%add3A, %dma_start3A_96, %dma_start3A_97] : memref<32x4x10240xf32, #tpu.memory_space<hbm>> -> memref<1x4x10240xf32, #tpu.memory_space<hbm>>
      %dma_start3A_99 = tpu.memref_squeeze %dma_start3A_98 : memref<1x4x10240xf32, #tpu.memory_space<hbm>> -> memref<4x10240xf32, #tpu.memory_space<hbm>>
      %dma_start3A_100 = arith.constant 0 : i32
      %dma_start3A_101 = arith.constant 0 : i32
      %dma_start3A_102 = tpu.memref_slice %arg7[%add3A, %dma_start3A_100, %dma_start3A_101] : memref<32x4x10240xf32, #tpu.memory_space<hbm>> -> memref<1x4x10240xf32, #tpu.memory_space<hbm>>
      %dma_start3A_103 = tpu.memref_squeeze %dma_start3A_102 : memref<1x4x10240xf32, #tpu.memory_space<hbm>> -> memref<4x10240xf32, #tpu.memory_space<hbm>>
      tpu.enqueue_dma source(%arg13 : memref<4x10240xf32, #tpu.memory_space<vmem>>) target(%dma_start3A_103 : memref<4x10240xf32, #tpu.memory_space<hbm>>) target_semaphore(%run_scoped3A : memref<!tpu.dma_semaphore, #tpu.memory_space<semaphore_mem>>)
      %dma_wait3A_104 = arith.constant 0 : i32
      %dma_wait3A_105 = arith.constant 0 : i32
      %dma_wait3A_106 = tpu.memref_slice %arg7[%add3A, %dma_wait3A_104, %dma_wait3A_105] : memref<32x4x10240xf32, #tpu.memory_space<hbm>> -> memref<1x4x10240xf32, #tpu.memory_space<hbm>>
      %dma_wait3A_107 = tpu.memref_squeeze %dma_wait3A_106 : memref<1x4x10240xf32, #tpu.memory_space<hbm>> -> memref<4x10240xf32, #tpu.memory_space<hbm>>
      %dma_wait3A_108 = arith.constant 0 : i32
      %dma_wait3A_109 = arith.constant 0 : i32
      %dma_wait3A_110 = tpu.memref_slice %arg7[%add3A, %dma_wait3A_108, %dma_wait3A_109] : memref<32x4x10240xf32, #tpu.memory_space<hbm>> -> memref<1x4x10240xf32, #tpu.memory_space<hbm>>
      %dma_wait3A_111 = tpu.memref_squeeze %dma_wait3A_110 : memref<1x4x10240xf32, #tpu.memory_space<hbm>> -> memref<4x10240xf32, #tpu.memory_space<hbm>>
      tpu.wait_dma2 semaphore(%run_scoped3A : memref<!tpu.dma_semaphore, #tpu.memory_space<semaphore_mem>>) src(%arg13 : memref<4x10240xf32, #tpu.memory_space<vmem>>) dst(%dma_wait3A_111 : memref<4x10240xf32, #tpu.memory_space<hbm>>)
      tpu.yield
    }) : () -> ()
    %eq3A_93 = arith.constant 0 : i32
    %eq3A_94 = arith.cmpi eq, %select_n3A_9, %eq3A_93 : i32
    %convert_element_type3A = arith.extui %eq3A_94 : i1 to i32
    %cond3A = arith.constant 0 : i32
    %cond3A_95 = arith.cmpi ne, %convert_element_type3A, %cond3A : i32
    scf.if %cond3A_95 {
      "tpu.region"() ({
        %run_scoped3A = tpu.sem_alloc : memref<!tpu.dma_semaphore, #tpu.memory_space<semaphore_mem>>
        %dma_start3A_96 = arith.constant 0 : i32
        %dma_start3A_97 = arith.constant 0 : i32
        %dma_start3A_98 = tpu.memref_slice %arg8[%add3A_33, %dma_start3A_96, %dma_start3A_97] : memref<8x1x10240xf32, #tpu.memory_space<hbm>> -> memref<1x1x10240xf32, #tpu.memory_space<hbm>>
        %dma_start3A_99 = tpu.memref_squeeze %dma_start3A_98 : memref<1x1x10240xf32, #tpu.memory_space<hbm>> -> memref<1x10240xf32, #tpu.memory_space<hbm>>
        %dma_start3A_100 = arith.constant 0 : i32
        %dma_start3A_101 = arith.constant 0 : i32
        %dma_start3A_102 = tpu.memref_slice %arg8[%add3A_33, %dma_start3A_100, %dma_start3A_101] : memref<8x1x10240xf32, #tpu.memory_space<hbm>> -> memref<1x1x10240xf32, #tpu.memory_space<hbm>>
        %dma_start3A_103 = tpu.memref_squeeze %dma_start3A_102 : memref<1x1x10240xf32, #tpu.memory_space<hbm>> -> memref<1x10240xf32, #tpu.memory_space<hbm>>
        tpu.enqueue_dma source(%arg14 : memref<1x10240xf32, #tpu.memory_space<vmem>>) target(%dma_start3A_103 : memref<1x10240xf32, #tpu.memory_space<hbm>>) target_semaphore(%run_scoped3A : memref<!tpu.dma_semaphore, #tpu.memory_space<semaphore_mem>>)
        %dma_wait3A_104 = arith.constant 0 : i32
        %dma_wait3A_105 = arith.constant 0 : i32
        %dma_wait3A_106 = tpu.memref_slice %arg8[%add3A_33, %dma_wait3A_104, %dma_wait3A_105] : memref<8x1x10240xf32, #tpu.memory_space<hbm>> -> memref<1x1x10240xf32, #tpu.memory_space<hbm>>
        %dma_wait3A_107 = tpu.memref_squeeze %dma_wait3A_106 : memref<1x1x10240xf32, #tpu.memory_space<hbm>> -> memref<1x10240xf32, #tpu.memory_space<hbm>>
        %dma_wait3A_108 = arith.constant 0 : i32
        %dma_wait3A_109 = arith.constant 0 : i32
        %dma_wait3A_110 = tpu.memref_slice %arg8[%add3A_33, %dma_wait3A_108, %dma_wait3A_109] : memref<8x1x10240xf32, #tpu.memory_space<hbm>> -> memref<1x1x10240xf32, #tpu.memory_space<hbm>>
        %dma_wait3A_111 = tpu.memref_squeeze %dma_wait3A_110 : memref<1x1x10240xf32, #tpu.memory_space<hbm>> -> memref<1x10240xf32, #tpu.memory_space<hbm>>
        tpu.wait_dma2 semaphore(%run_scoped3A : memref<!tpu.dma_semaphore, #tpu.memory_space<semaphore_mem>>) src(%arg14 : memref<1x10240xf32, #tpu.memory_space<vmem>>) dst(%dma_wait3A_111 : memref<1x10240xf32, #tpu.memory_space<hbm>>)
        tpu.yield
      }) : () -> ()
    } else {
    }
    return
  }
}

module attributes {stable_mosaic.version = 14 : i64} {
  func.func @body(%arg0: memref<10240x128xf32, #tpu.memory_space<vmem>>, %arg1: memref<128x16xf32, #tpu.memory_space<vmem>>, %arg2: memref<1x16xf32, #tpu.memory_space<vmem>>, %arg3: memref<1x16xf32, #tpu.memory_space<vmem>>, %arg4: memref<16x10240xf32, #tpu.memory_space<vmem>>, %arg5: memref<1x10240xf32, #tpu.memory_space<vmem>>, %arg6: memref<1x10240xf32, #tpu.memory_space<vmem>>, %arg7: memref<1x1xf32, #tpu.memory_space<vmem>>) attributes {dimension_semantics = [], scalar_prefetch = 0 : i64, scratch_operands = 0 : i64, tpu.core_type = #tpu.core_type<tc>} {
    %get3A = arith.constant 0 : index
    %get3A_0 = arith.constant 0 : index
    %get3A_1 = vector.load %arg0[%get3A, %get3A_0] : memref<10240x128xf32, #tpu.memory_space<vmem>>, vector<10240x128xf32>
    %get3A_2 = arith.constant 0 : index
    %get3A_3 = arith.constant 0 : index
    %get3A_4 = vector.load %arg1[%get3A_2, %get3A_3] : memref<128x16xf32, #tpu.memory_space<vmem>>, vector<128x16xf32>
    %dot_general3A = arith.constant dense<0.000000e+00> : vector<10240x16xf32>
    %dot_general3A_5 = tpu.matmul %get3A_1, %get3A_4, %dot_general3A {dimension_numbers = #tpu.dot_dimension_numbers<[1], [0], [0], [1], [0, 0, 1, 1], [], []>, transpose_lhs_hint = false} : vector<10240x128xf32>, vector<128x16xf32>, vector<10240x16xf32> -> vector<10240x16xf32>
    %transpose3A = tpu.transpose %dot_general3A_5, [1, 0] : vector<10240x16xf32> -> vector<16x10240xf32>
    %swap3A = arith.constant 0 : index
    %swap3A_6 = arith.constant 0 : index
    %swap3A_7 = vector.load %arg4[%swap3A, %swap3A_6] : memref<16x10240xf32, #tpu.memory_space<vmem>>, vector<16x10240xf32>
    tpu.vector_store %arg4[%swap3A, %swap3A_6], %transpose3A {strides = array<i32>} : memref<16x10240xf32, #tpu.memory_space<vmem>>, vector<16x10240xf32>,
    %get3A_8 = arith.constant 0 : index
    %get3A_9 = arith.constant 0 : index
    %get3A_10 = vector.load %arg2[%get3A_8, %get3A_9] : memref<1x16xf32, #tpu.memory_space<vmem>>, vector<1x16xf32>
    %dot_general3A_11 = arith.constant dense<0.000000e+00> : vector<1x10240xf32>
    %dot_general3A_12 = tpu.matmul %get3A_10, %transpose3A, %dot_general3A_11 {dimension_numbers = #tpu.dot_dimension_numbers<[1], [0], [0], [1], [0, 0, 1, 1], [], []>, transpose_lhs_hint = false} : vector<1x16xf32>, vector<16x10240xf32>, vector<1x10240xf32> -> vector<1x10240xf32>
    %get3A_13 = arith.constant 0 : index
    %get3A_14 = arith.constant 0 : index
    %get3A_15 = vector.load %arg3[%get3A_13, %get3A_14] : memref<1x16xf32, #tpu.memory_space<vmem>>, vector<1x16xf32>
    %dot_general3A_16 = arith.constant dense<0.000000e+00> : vector<1x10240xf32>
    %dot_general3A_17 = tpu.matmul %get3A_15, %transpose3A, %dot_general3A_16 {dimension_numbers = #tpu.dot_dimension_numbers<[1], [0], [0], [1], [0, 0, 1, 1], [], []>, transpose_lhs_hint = false} : vector<1x16xf32>, vector<16x10240xf32>, vector<1x10240xf32> -> vector<1x10240xf32>
    %swap3A_18 = arith.constant 0 : index
    %swap3A_19 = arith.constant 0 : index
    %swap3A_20 = vector.load %arg5[%swap3A_18, %swap3A_19] : memref<1x10240xf32, #tpu.memory_space<vmem>>, vector<1x10240xf32>
    tpu.vector_store %arg5[%swap3A_18, %swap3A_19], %dot_general3A_12 {strides = array<i32>} : memref<1x10240xf32, #tpu.memory_space<vmem>>, vector<1x10240xf32>,
    %swap3A_21 = arith.constant 0 : index
    %swap3A_22 = arith.constant 0 : index
    %swap3A_23 = vector.load %arg6[%swap3A_21, %swap3A_22] : memref<1x10240xf32, #tpu.memory_space<vmem>>, vector<1x10240xf32>
    tpu.vector_store %arg6[%swap3A_21, %swap3A_22], %dot_general3A_17 {strides = array<i32>} : memref<1x10240xf32, #tpu.memory_space<vmem>>, vector<1x10240xf32>,
    %reduce_max3A = vector.shape_cast %dot_general3A_12 : vector<1x10240xf32> to vector<1x1x10240xf32>
    %reduce_max3A_24 = arith.constant dense<0xFF800000> : vector<1xf32>
    %reduce_max3A_25 = vector.multi_reduction <maximumf>, %reduce_max3A, %reduce_max3A_24 [1, 2] : vector<1x1x10240xf32> to vector<1xf32>
    %reduce_max3A_26 = vector.shape_cast %reduce_max3A_25 : vector<1xf32> to vector<1x1x1xf32>
    %reduce_max3A_27 = vector.extract %reduce_max3A_26[0, 0, 0] : f32 from vector<1x1x1xf32>
    %reduce_max3A_28 = vector.shape_cast %dot_general3A_17 : vector<1x10240xf32> to vector<1x1x10240xf32>
    %reduce_max3A_29 = arith.constant dense<0xFF800000> : vector<1xf32>
    %reduce_max3A_30 = vector.multi_reduction <maximumf>, %reduce_max3A_28, %reduce_max3A_29 [1, 2] : vector<1x1x10240xf32> to vector<1xf32>
    %reduce_max3A_31 = vector.shape_cast %reduce_max3A_30 : vector<1xf32> to vector<1x1x1xf32>
    %reduce_max3A_32 = vector.extract %reduce_max3A_31[0, 0, 0] : f32 from vector<1x1x1xf32>
    %add3A = arith.addf %reduce_max3A_27, %reduce_max3A_32 : f32
    %reshape3A = vector.broadcast %add3A : f32 to vector<1x1xf32>
    %swap3A_33 = arith.constant 0 : index
    %swap3A_34 = arith.constant 0 : index
    %swap3A_35 = vector.load %arg7[%swap3A_33, %swap3A_34] : memref<1x1xf32, #tpu.memory_space<vmem>>, vector<1x1xf32>
    tpu.vector_store %arg7[%swap3A_33, %swap3A_34], %reshape3A {strides = array<i32>} : memref<1x1xf32, #tpu.memory_space<vmem>>, vector<1x1xf32>,
    return
  }
}

module attributes {stable_mosaic.version = 14 : i64} {
  func.func @body(%arg0: memref<32x4x10240xf32, #tpu.memory_space<vmem>>, %arg1: memref<8x1x10240xf32, #tpu.memory_space<vmem>>, %arg2: memref<16x10240xf32, #tpu.memory_space<vmem>>, %arg3: memref<1x10240xf32, #tpu.memory_space<vmem>>, %arg4: memref<1x10240xf32, #tpu.memory_space<vmem>>, %arg5: memref<1x1xf32, #tpu.memory_space<vmem>>, %arg6: memref<16x1xf32, #tpu.memory_space<vmem>>, %arg7: memref<8x16xf32, #tpu.memory_space<vmem>>, %arg8: memref<1x8xf32, #tpu.memory_space<vmem>>, %arg9: memref<1x8xf32, #tpu.memory_space<vmem>>, %arg10: memref<16x10240xf32, #tpu.memory_space<vmem>>, %arg11: memref<1x10240xf32, #tpu.memory_space<vmem>>, %arg12: memref<1x10240xf32, #tpu.memory_space<vmem>>, %arg13: memref<1x1xf32, #tpu.memory_space<vmem>>) attributes {dimension_semantics = [], scalar_prefetch = 0 : i64, scratch_operands = 0 : i64, tpu.core_type = #tpu.core_type<tc>} {
    %get3A = arith.constant 0 : index
    %get3A_0 = arith.constant 0 : index
    %get3A_1 = vector.load %arg3[%get3A, %get3A_0] : memref<1x10240xf32, #tpu.memory_space<vmem>>, vector<1x10240xf32>
    %get3A_2 = arith.constant 0 : index
    %get3A_3 = arith.constant 0 : index
    %get3A_4 = vector.load %arg4[%get3A_2, %get3A_3] : memref<1x10240xf32, #tpu.memory_space<vmem>>, vector<1x10240xf32>
    %add3A = arith.addf %get3A_1, %get3A_4 : vector<1x10240xf32>
    %ge3A = arith.constant 0.000000e+00 : f32
    %ge3A_5 = vector.broadcast %ge3A : f32 to vector<1x10240xf32>
    %ge3A_6 = arith.cmpf oge, %add3A, %ge3A_5 : vector<1x10240xf32>
    %mul3A = arith.constant 2.000000e-01 : f32
    %mul3A_7 = vector.broadcast %mul3A : f32 to vector<1x10240xf32>
    %mul3A_8 = arith.mulf %mul3A_7, %add3A : vector<1x10240xf32>
    %select_n3A = arith.select %ge3A_6, %add3A, %mul3A_8 : vector<1x10240xi1>, vector<1x10240xf32>
    %get3A_9 = arith.constant 0 : index
    %get3A_10 = arith.constant 0 : index
    %get3A_11 = vector.load %arg5[%get3A_9, %get3A_10] : memref<1x1xf32, #tpu.memory_space<vmem>>, vector<1x1xf32>
    %get3A_12 = vector.extract %get3A_11[0, 0] : f32 from vector<1x1xf32>
    %sub3A = vector.broadcast %get3A_12 : f32 to vector<1x10240xf32>
    %sub3A_13 = arith.subf %select_n3A, %sub3A : vector<1x10240xf32>
    %exp3A = math.exp %sub3A_13 : vector<1x10240xf32>
    %get3A_14 = arith.constant 0 : index
    %get3A_15 = arith.constant 0 : index
    %get3A_16 = arith.constant 0 : index
    %get3A_17 = vector.load %arg0[%get3A_14, %get3A_15, %get3A_16] : memref<32x4x10240xf32, #tpu.memory_space<vmem>>, vector<32x4x10240xf32>
    %reshape3A = vector.shape_cast %get3A_17 : vector<32x4x10240xf32> to vector<2x4x4x4x10240xf32>
    %reduce_sum3A = arith.constant dense<0.000000e+00> : vector<4x4x10240xf32>
    %reduce_sum3A_18 = vector.multi_reduction <add>, %reshape3A, %reduce_sum3A [0, 1] : vector<2x4x4x4x10240xf32> to vector<4x4x10240xf32>
    %reshape3A_19 = vector.shape_cast %reduce_sum3A_18 : vector<4x4x10240xf32> to vector<16x10240xf32>
    %get3A_20 = arith.constant 0 : index
    %get3A_21 = arith.constant 0 : index
    %get3A_22 = arith.constant 0 : index
    %get3A_23 = vector.load %arg1[%get3A_20, %get3A_21, %get3A_22] : memref<8x1x10240xf32, #tpu.memory_space<vmem>>, vector<8x1x10240xf32>
    %reduce_sum3A_24 = arith.constant dense<0.000000e+00> : vector<1x10240xf32>
    %reduce_sum3A_25 = vector.multi_reduction <add>, %get3A_23, %reduce_sum3A_24 [0] : vector<8x1x10240xf32> to vector<1x10240xf32>
    %add3A_26 = arith.addf %reduce_sum3A_25, %exp3A : vector<1x10240xf32>
    %add3A_27 = arith.constant 1.000000e-16 : f32
    %add3A_28 = vector.broadcast %add3A_27 : f32 to vector<1x10240xf32>
    %add3A_29 = arith.addf %add3A_26, %add3A_28 : vector<1x10240xf32>
    %get3A_30 = arith.constant 0 : index
    %get3A_31 = arith.constant 0 : index
    %get3A_32 = vector.load %arg2[%get3A_30, %get3A_31] : memref<16x10240xf32, #tpu.memory_space<vmem>>, vector<16x10240xf32>
    %mul3A_33 = vector.broadcast %exp3A : vector<1x10240xf32> to vector<16x10240xf32>
    %mul3A_34 = arith.mulf %mul3A_33, %get3A_32 : vector<16x10240xf32>
    %add3A_35 = arith.addf %reshape3A_19, %mul3A_34 : vector<16x10240xf32>
    %div3A = vector.broadcast %add3A_29 : vector<1x10240xf32> to vector<16x10240xf32>
    %div3A_36 = arith.divf %add3A_35, %div3A : vector<16x10240xf32>
    %get3A_37 = arith.constant 0 : index
    %get3A_38 = arith.constant 0 : index
    %get3A_39 = vector.load %arg6[%get3A_37, %get3A_38] : memref<16x1xf32, #tpu.memory_space<vmem>>, vector<16x1xf32>
    %add3A_40 = vector.broadcast %get3A_39 : vector<16x1xf32> to vector<16x10240xf32>
    %add3A_41 = arith.addf %div3A_36, %add3A_40 : vector<16x10240xf32>
    %max3A = arith.constant 0.000000e+00 : f32
    %max3A_42 = vector.broadcast %max3A : f32 to vector<16x10240xf32>
    %max3A_43 = arith.maximumf %add3A_41, %max3A_42 : vector<16x10240xf32>
    %get3A_44 = arith.constant 0 : index
    %get3A_45 = arith.constant 0 : index
    %get3A_46 = vector.load %arg7[%get3A_44, %get3A_45] : memref<8x16xf32, #tpu.memory_space<vmem>>, vector<8x16xf32>
    %dot_general3A = arith.constant dense<0.000000e+00> : vector<8x10240xf32>
    %dot_general3A_47 = tpu.matmul %get3A_46, %max3A_43, %dot_general3A {dimension_numbers = #tpu.dot_dimension_numbers<[1], [0], [0], [1], [0, 0, 1, 1], [], []>, transpose_lhs_hint = false} : vector<8x16xf32>, vector<16x10240xf32>, vector<8x10240xf32> -> vector<8x10240xf32>
    %broadcast_in_dim3A = arith.constant 0.000000e+00 : f32
    %broadcast_in_dim3A_48 = vector.broadcast %broadcast_in_dim3A : f32 to vector<8x10240xf32>
    %concatenate3A = tpu.concatenate %dot_general3A_47, %broadcast_in_dim3A_48 in 0 : vector<8x10240xf32>, vector<8x10240xf32> -> vector<16x10240xf32>
    %swap3A = arith.constant 0 : index
    %swap3A_49 = arith.constant 0 : index
    %swap3A_50 = vector.load %arg10[%swap3A, %swap3A_49] : memref<16x10240xf32, #tpu.memory_space<vmem>>, vector<16x10240xf32>
    tpu.vector_store %arg10[%swap3A, %swap3A_49], %concatenate3A {strides = array<i32>} : memref<16x10240xf32, #tpu.memory_space<vmem>>, vector<16x10240xf32>,
    %get3A_51 = arith.constant 0 : index
    %get3A_52 = arith.constant 0 : index
    %get3A_53 = vector.load %arg8[%get3A_51, %get3A_52] : memref<1x8xf32, #tpu.memory_space<vmem>>, vector<1x8xf32>
    %dot_general3A_54 = arith.constant dense<0.000000e+00> : vector<1x10240xf32>
    %dot_general3A_55 = tpu.matmul %get3A_53, %dot_general3A_47, %dot_general3A_54 {dimension_numbers = #tpu.dot_dimension_numbers<[1], [0], [0], [1], [0, 0, 1, 1], [], []>, transpose_lhs_hint = false} : vector<1x8xf32>, vector<8x10240xf32>, vector<1x10240xf32> -> vector<1x10240xf32>
    %get3A_56 = arith.constant 0 : index
    %get3A_57 = arith.constant 0 : index
    %get3A_58 = vector.load %arg9[%get3A_56, %get3A_57] : memref<1x8xf32, #tpu.memory_space<vmem>>, vector<1x8xf32>
    %dot_general3A_59 = arith.constant dense<0.000000e+00> : vector<1x10240xf32>
    %dot_general3A_60 = tpu.matmul %get3A_58, %dot_general3A_47, %dot_general3A_59 {dimension_numbers = #tpu.dot_dimension_numbers<[1], [0], [0], [1], [0, 0, 1, 1], [], []>, transpose_lhs_hint = false} : vector<1x8xf32>, vector<8x10240xf32>, vector<1x10240xf32> -> vector<1x10240xf32>
    %swap3A_61 = arith.constant 0 : index
    %swap3A_62 = arith.constant 0 : index
    %swap3A_63 = vector.load %arg11[%swap3A_61, %swap3A_62] : memref<1x10240xf32, #tpu.memory_space<vmem>>, vector<1x10240xf32>
    tpu.vector_store %arg11[%swap3A_61, %swap3A_62], %dot_general3A_55 {strides = array<i32>} : memref<1x10240xf32, #tpu.memory_space<vmem>>, vector<1x10240xf32>,
    %swap3A_64 = arith.constant 0 : index
    %swap3A_65 = arith.constant 0 : index
    %swap3A_66 = vector.load %arg12[%swap3A_64, %swap3A_65] : memref<1x10240xf32, #tpu.memory_space<vmem>>, vector<1x10240xf32>
    tpu.vector_store %arg12[%swap3A_64, %swap3A_65], %dot_general3A_60 {strides = array<i32>} : memref<1x10240xf32, #tpu.memory_space<vmem>>, vector<1x10240xf32>,
    %reduce_max3A = vector.shape_cast %dot_general3A_55 : vector<1x10240xf32> to vector<1x1x10240xf32>
    %reduce_max3A_67 = arith.constant dense<0xFF800000> : vector<1xf32>
    %reduce_max3A_68 = vector.multi_reduction <maximumf>, %reduce_max3A, %reduce_max3A_67 [1, 2] : vector<1x1x10240xf32> to vector<1xf32>
    %reduce_max3A_69 = vector.shape_cast %reduce_max3A_68 : vector<1xf32> to vector<1x1x1xf32>
    %reduce_max3A_70 = vector.extract %reduce_max3A_69[0, 0, 0] : f32 from vector<1x1x1xf32>
    %reduce_max3A_71 = vector.shape_cast %dot_general3A_60 : vector<1x10240xf32> to vector<1x1x10240xf32>
    %reduce_max3A_72 = arith.constant dense<0xFF800000> : vector<1xf32>
    %reduce_max3A_73 = vector.multi_reduction <maximumf>, %reduce_max3A_71, %reduce_max3A_72 [1, 2] : vector<1x1x10240xf32> to vector<1xf32>
    %reduce_max3A_74 = vector.shape_cast %reduce_max3A_73 : vector<1xf32> to vector<1x1x1xf32>
    %reduce_max3A_75 = vector.extract %reduce_max3A_74[0, 0, 0] : f32 from vector<1x1x1xf32>
    %add3A_76 = arith.addf %reduce_max3A_70, %reduce_max3A_75 : f32
    %reshape3A_77 = vector.broadcast %add3A_76 : f32 to vector<1x1xf32>
    %swap3A_78 = arith.constant 0 : index
    %swap3A_79 = arith.constant 0 : index
    %swap3A_80 = vector.load %arg13[%swap3A_78, %swap3A_79] : memref<1x1xf32, #tpu.memory_space<vmem>>, vector<1x1xf32>
    tpu.vector_store %arg13[%swap3A_78, %swap3A_79], %reshape3A_77 {strides = array<i32>} : memref<1x1xf32, #tpu.memory_space<vmem>>, vector<1x1xf32>,
    return
  }
}

module attributes {stable_mosaic.version = 14 : i64} {
  func.func @body(%arg0: memref<32x4x10240xf32, #tpu.memory_space<vmem>>, %arg1: memref<8x1x10240xf32, #tpu.memory_space<vmem>>, %arg2: memref<16x10240xf32, #tpu.memory_space<vmem>>, %arg3: memref<1x10240xf32, #tpu.memory_space<vmem>>, %arg4: memref<1x10240xf32, #tpu.memory_space<vmem>>, %arg5: memref<1x1xf32, #tpu.memory_space<vmem>>, %arg6: memref<8x1xf32, #tpu.memory_space<vmem>>, %arg7: memref<1x8xf32, #tpu.memory_space<vmem>>, %arg8: memref<1x1xf32, #tpu.memory_space<vmem>>, %arg9: memref<1x10240xf32, #tpu.memory_space<vmem>>) attributes {dimension_semantics = [], scalar_prefetch = 0 : i64, scratch_operands = 0 : i64, tpu.core_type = #tpu.core_type<tc>} {
    %get3A = arith.constant 0 : index
    %get3A_0 = arith.constant 0 : index
    %get3A_1 = vector.load %arg3[%get3A, %get3A_0] : memref<1x10240xf32, #tpu.memory_space<vmem>>, vector<1x10240xf32>
    %get3A_2 = arith.constant 0 : index
    %get3A_3 = arith.constant 0 : index
    %get3A_4 = vector.load %arg4[%get3A_2, %get3A_3] : memref<1x10240xf32, #tpu.memory_space<vmem>>, vector<1x10240xf32>
    %add3A = arith.addf %get3A_1, %get3A_4 : vector<1x10240xf32>
    %ge3A = arith.constant 0.000000e+00 : f32
    %ge3A_5 = vector.broadcast %ge3A : f32 to vector<1x10240xf32>
    %ge3A_6 = arith.cmpf oge, %add3A, %ge3A_5 : vector<1x10240xf32>
    %mul3A = arith.constant 2.000000e-01 : f32
    %mul3A_7 = vector.broadcast %mul3A : f32 to vector<1x10240xf32>
    %mul3A_8 = arith.mulf %mul3A_7, %add3A : vector<1x10240xf32>
    %select_n3A = arith.select %ge3A_6, %add3A, %mul3A_8 : vector<1x10240xi1>, vector<1x10240xf32>
    %get3A_9 = arith.constant 0 : index
    %get3A_10 = arith.constant 0 : index
    %get3A_11 = vector.load %arg5[%get3A_9, %get3A_10] : memref<1x1xf32, #tpu.memory_space<vmem>>, vector<1x1xf32>
    %get3A_12 = vector.extract %get3A_11[0, 0] : f32 from vector<1x1xf32>
    %sub3A = vector.broadcast %get3A_12 : f32 to vector<1x10240xf32>
    %sub3A_13 = arith.subf %select_n3A, %sub3A : vector<1x10240xf32>
    %exp3A = math.exp %sub3A_13 : vector<1x10240xf32>
    %get3A_14 = arith.constant 0 : index
    %get3A_15 = arith.constant 0 : index
    %get3A_16 = arith.constant 0 : index
    %get3A_17 = vector.load %arg0[%get3A_14, %get3A_15, %get3A_16] : memref<32x4x10240xf32, #tpu.memory_space<vmem>>, vector<32x4x10240xf32>
    %reshape3A = vector.shape_cast %get3A_17 : vector<32x4x10240xf32> to vector<2x4x4x4x10240xf32>
    %reduce_sum3A = arith.constant dense<0.000000e+00> : vector<4x4x10240xf32>
    %reduce_sum3A_18 = vector.multi_reduction <add>, %reshape3A, %reduce_sum3A [0, 1] : vector<2x4x4x4x10240xf32> to vector<4x4x10240xf32>
    %reshape3A_19 = vector.shape_cast %reduce_sum3A_18 : vector<4x4x10240xf32> to vector<16x10240xf32>
    %get3A_20 = arith.constant 0 : index
    %get3A_21 = arith.constant 0 : index
    %get3A_22 = arith.constant 0 : index
    %get3A_23 = vector.load %arg1[%get3A_20, %get3A_21, %get3A_22] : memref<8x1x10240xf32, #tpu.memory_space<vmem>>, vector<8x1x10240xf32>
    %reduce_sum3A_24 = arith.constant dense<0.000000e+00> : vector<1x10240xf32>
    %reduce_sum3A_25 = vector.multi_reduction <add>, %get3A_23, %reduce_sum3A_24 [0] : vector<8x1x10240xf32> to vector<1x10240xf32>
    %add3A_26 = arith.addf %reduce_sum3A_25, %exp3A : vector<1x10240xf32>
    %add3A_27 = arith.constant 1.000000e-16 : f32
    %add3A_28 = vector.broadcast %add3A_27 : f32 to vector<1x10240xf32>
    %add3A_29 = arith.addf %add3A_26, %add3A_28 : vector<1x10240xf32>
    %slice3A = vector.extract_strided_slice %reshape3A_19 {offsets = [0, 0], sizes = [8, 10240], strides = [1, 1]} : vector<16x10240xf32> to vector<8x10240xf32>
    %get3A_30 = arith.constant 0 : index
    %get3A_31 = arith.constant 0 : index
    %get3A_32 = vector.load %arg2[%get3A_30, %get3A_31] : memref<16x10240xf32, #tpu.memory_space<vmem>>, vector<8x10240xf32>
    %mul3A_33 = vector.broadcast %exp3A : vector<1x10240xf32> to vector<8x10240xf32>
    %mul3A_34 = arith.mulf %mul3A_33, %get3A_32 : vector<8x10240xf32>
    %add3A_35 = arith.addf %slice3A, %mul3A_34 : vector<8x10240xf32>
    %div3A = vector.broadcast %add3A_29 : vector<1x10240xf32> to vector<8x10240xf32>
    %div3A_36 = arith.divf %add3A_35, %div3A : vector<8x10240xf32>
    %get3A_37 = arith.constant 0 : index
    %get3A_38 = arith.constant 0 : index
    %get3A_39 = vector.load %arg6[%get3A_37, %get3A_38] : memref<8x1xf32, #tpu.memory_space<vmem>>, vector<8x1xf32>
    %add3A_40 = vector.broadcast %get3A_39 : vector<8x1xf32> to vector<8x10240xf32>
    %add3A_41 = arith.addf %div3A_36, %add3A_40 : vector<8x10240xf32>
    %max3A = arith.constant 0.000000e+00 : f32
    %max3A_42 = vector.broadcast %max3A : f32 to vector<8x10240xf32>
    %max3A_43 = arith.maximumf %add3A_41, %max3A_42 : vector<8x10240xf32>
    %get3A_44 = arith.constant 0 : index
    %get3A_45 = arith.constant 0 : index
    %get3A_46 = vector.load %arg7[%get3A_44, %get3A_45] : memref<1x8xf32, #tpu.memory_space<vmem>>, vector<1x8xf32>
    %dot_general3A = arith.constant dense<0.000000e+00> : vector<1x10240xf32>
    %dot_general3A_47 = tpu.matmul %get3A_46, %max3A_43, %dot_general3A {dimension_numbers = #tpu.dot_dimension_numbers<[1], [0], [0], [1], [0, 0, 1, 1], [], []>, transpose_lhs_hint = false} : vector<1x8xf32>, vector<8x10240xf32>, vector<1x10240xf32> -> vector<1x10240xf32>
    %get3A_48 = arith.constant 0 : index
    %get3A_49 = arith.constant 0 : index
    %get3A_50 = vector.load %arg8[%get3A_48, %get3A_49] : memref<1x1xf32, #tpu.memory_space<vmem>>, vector<1x1xf32>
    %get3A_51 = vector.extract %get3A_50[0, 0] : f32 from vector<1x1xf32>
    %add3A_52 = vector.broadcast %get3A_51 : f32 to vector<1x10240xf32>
    %add3A_53 = arith.addf %dot_general3A_47, %add3A_52 : vector<1x10240xf32>
    %swap3A = arith.constant 0 : index
    %swap3A_54 = arith.constant 0 : index
    %swap3A_55 = vector.load %arg9[%swap3A, %swap3A_54] : memref<1x10240xf32, #tpu.memory_space<vmem>>, vector<1x10240xf32>
    tpu.vector_store %arg9[%swap3A, %swap3A_54], %add3A_53 {strides = array<i32>} : memref<1x10240xf32, #tpu.memory_space<vmem>>, vector<1x10240xf32>,
    return
  }
}

</mosaic_0001>

<sc_bundles>
// kernel: kernel.10.cloned.1.call-start
scs
__scs_entry_jumppad:
0x0: {  	(pc) =	sbr.rel $0x88, $3  }
0x1: {  	(tag) =	ssettag $0x0;
	lr =	simm.s32 $0x1  }
0x2: {  	[smem:$0x3F95] =	sst lr;
	_ =	strace $0xD0000000  }
0x3: {  	_ = 	snop  }
0x4: {  	_ = 	snop  }
0x5: {  	_ = 	snop  }
0x6: {  	_ = 	snop  }
0x7: {  	_ = 	snop  }
__scs_overlays_trampoline_lowered:
0x8: {  	[smem:$0x3FA4] =	sst s0  }
0x9: {  	[smem:$0x3FA5] =	sst s1  }
0xa: {  	[smem:$0x3FA6] =	sst s2  }
0xb: {  	[smem:$0x3FA7] =	sst s3  }
0xc: {  	[smem:$0x3FA8] =	sst s4  }
0xd: {  	[smem:$0x3FA9] =	sst s5  }
0xe: {  	[smem:$0x3FAA] =	sst s6  }
0xf: {  	[smem:$0x3FAB] =	sst s7  }
0x10: {  	[smem:$0x3FAC] =	sst s8  }
0x11: {  	[smem:$0x3FAD] =	sst s9;
	s0 =	simm.s32 @!p0 $0x0  }
0x12: {  	s1 =	sld [smem:$0x3F93];
	s0 =	simm.s32 @p0 $0x1  }
0x13: {  	[smem:$0x3FAE] =	sst s0;
	s0 =	simm.s32 @!p1 $0x0  }
0x14: {  	s2 =	sld [smem:$0x3F92];
	s0 =	simm.s32 @p1 $0x1  }
0x15: {  	[smem:$0x3FAF] =	sst s0;
	s0 =	simm.s32 @!p2 $0x0  }
0x16: {  	s3 =	sld [smem:$0x3FDB];
	s0 =	simm.s32 @p2 $0x1  }
0x17: {  	s4 =	simm.s32 $0x1BF5;
	[smem:$0x3FB1] =	sst s0  }
0x18: {  	s0 =	sld [smem:$0x3F94];
	_ =	swait.ge [sflag:s4], $0x0  }
0x19: {  	s7 =	sld [smem:$0x3F95]  }
0x1a: {  	s8 =	sadd.s32 $0xFFFFE003, lr  }
0x1b: {  	s9 =	sadd.s32 $0xFFFFFEF7, lr;
	s5 =	simm.s32 $0xFFFFFFFF;
	p2 =	slt.u32 s8, $0xFFFFF086  }
0x1c: {  	p1 =	slt.u32 s9, $0xF7A;
	s5 =	simm.s32 @!p2 $0x0  }
0x1d: {  	s5 =	simm.s32 @p1 $0x1;
	p0 =	seq.s32 s7, s2  }
0x1e: {  	s7 =	smul.u32 @!p0 $0xF7A, s2;
	p2 =	seq.s32 @!p0 s5, $0x0  }
0x1f: {  	s9 =	smul.u32 $0xF7A, s1;
	s8 =	simm.s32 @!p0 $0x1BF5;
	p2 =	por !p2, p0  }
0x20: {  	[sflag:s8] =	ssyncset.s32 @!p0 $0xFFFFF086;
	s6 =	sadd.s32 @!p0 s3, s7;
	s7 =	simm.s32 @!p0 $0x108  }
0x21: {  	s3 =	sadd.s32 s3, s9;
	s6 =	sadd.s32 @!p0 $0x88, s6;
	s7 =	simm.s32 @p2 $0x1082  }
0x22: {  	[simem:s7], [sflag:s8] =	dma.local @!p0 [hbm:s6], $0xF7A  }
0x23: {  	s9 =	sor.u32 $0xD0000000, s2;
	s6 =	simm.s32 $0x108;
	_ =	swait.ge @!p0 [sflag:s8], $0x0  }
0x24: {  	s3 =	sadd.s32 $0x88, s3;
	s6 =	simm.s32 @!p1 $0x1082;
	[sflag:s4] =	ssyncset.s32 $0xFFFFF086  }
0x25: {  	[simem:s6], [sflag:s4] =	dma.local [hbm:s3], $0xF7A  }
0x26: {  	[smem:$0x3F95] =	sst s1;
	(tag) =	ssettag s2;
	_ =	strace s9  }
0x27: {  	s1 =	sld [smem:$0x3FA5]  }
0x28: {  	s2 =	sld [smem:$0x3FA6]  }
0x29: {  	s4 =	sld [smem:$0x3FA8]  }
0x2a: {  	p0 =	seq.s32 s5, $0x0;
	s5 =	sld [smem:$0x3FA9]  }
0x2b: {  	s6 =	sld [smem:$0x3FAA]  }
0x2c: {  	s7 =	sld [smem:$0x3FAB]  }
0x2d: {  	s3 =	simm.s32 $0x108;
	s8 =	sld [smem:$0x3FAC]  }
0x2e: {  	s3 =	simm.s32 @!p0 $0x1082;
	s9 =	sld [smem:$0x3FAD]  }
0x2f: {  	lr =	sadd.s32 s0, s3;
	s0 =	sld [smem:$0x3FA4]  }
0x30: {  	s3 =	sld [smem:$0x3FA7]  }
0x31: {  	[smem:$0x3FB0] =	sst s10  }
0x32: {  	s10 =	sld [smem:$0x3FAE];
	_ =	sdelay $0x3  }
0x33: {  	p0 =	seq.s32 s10, $0x1;
	s10 =	sld [smem:$0x3FB0];
	_ =	sdelay $0x3  }
0x34: {  	[smem:$0x3FB0] =	sst s10  }
0x35: {  	s10 =	sld [smem:$0x3FAF];
	_ =	sdelay $0x3  }
0x36: {  	p1 =	seq.s32 s10, $0x1;
	s10 =	sld [smem:$0x3FB0];
	_ =	sdelay $0x3  }
0x37: {  	[smem:$0x3FB0] =	sst s10  }
0x38: {  	s10 =	sld [smem:$0x3FB1]  }
0x39: {  	_ = 	snop;
	(pc) =	sbr.ind lr, $3  }
0x3a: {  	_ = 	snop  }
0x3b: {  	_ = 	snop  }
0x3c: {  	p2 =	seq.s32 s10, $0x1;
	s10 =	sld [smem:$0x3FB0]  }
0x3d: {  	_ =	shalt  }
0x3e: {  	_ =	shalt  }
0x3f: {  	_ =	shalt  }
0x40: {  	_ =	shalt  }
0x41: {  	_ =	shalt  }
0x42: {  	_ =	shalt  }
0x43: {  	_ =	shalt  }
0x44: {  	_ =	shalt  }
0x45: {  	_ =	shalt  }
0x46: {  	_ =	shalt  }
0x47: {  	_ =	shalt  }
0x48: {  	_ =	shalt  }
0x49: {  	_ =	shalt  }
0x4a: {  	_ =	shalt  }
0x4b: {  	_ =	shalt  }
0x4c: {  	_ =	shalt  }
0x4d: {  	_ =	shalt  }
0x4e: {  	_ =	shalt  }
0x4f: {  	_ =	shalt  }
0x50: {  	_ =	shalt  }
0x51: {  	_ =	shalt  }
0x52: {  	_ =	shalt  }
0x53: {  	_ =	shalt  }
0x54: {  	_ =	shalt  }
0x55: {  	_ =	shalt  }
0x56: {  	_ =	shalt  }
0x57: {  	_ =	shalt  }
0x58: {  	_ =	shalt  }
0x59: {  	_ =	shalt  }
0x5a: {  	_ =	shalt  }
0x5b: {  	_ =	shalt  }
0x5c: {  	_ =	shalt  }
0x5d: {  	_ =	shalt  }
0x5e: {  	_ =	shalt  }
0x5f: {  	_ =	shalt  }
0x60: {  	_ =	shalt  }
0x61: {  	_ =	shalt  }
0x62: {  	_ =	shalt  }
0x63: {  	_ =	shalt  }
0x64: {  	_ =	shalt  }
0x65: {  	_ =	shalt  }
0x66: {  	_ =	shalt  }
0x67: {  	_ =	shalt  }
0x68: {  	_ =	shalt  }
0x69: {  	_ =	shalt  }
0x6a: {  	_ =	shalt  }
0x6b: {  	_ =	shalt  }
0x6c: {  	_ =	shalt  }
0x6d: {  	_ =	shalt  }
0x6e: {  	_ =	shalt  }
0x6f: {  	_ =	shalt  }
0x70: {  	_ =	shalt  }
0x71: {  	_ =	shalt  }
0x72: {  	_ =	shalt  }
0x73: {  	_ =	shalt  }
0x74: {  	_ =	shalt  }
0x75: {  	_ =	shalt  }
0x76: {  	_ =	shalt  }
0x77: {  	_ =	shalt  }
0x78: {  	_ =	shalt  }
0x79: {  	_ =	shalt  }
0x7a: {  	_ =	shalt  }
0x7b: {  	_ =	shalt  }
0x7c: {  	_ =	shalt  }
0x7d: {  	_ =	shalt  }
0x7e: {  	_ =	shalt  }
0x7f: {  	_ =	shalt  }
0x80: {  	_ =	shalt  }
0x81: {  	_ =	shalt  }
0x82: {  	_ =	shalt  }
0x83: {  	_ =	shalt  }
0x84: {  	_ =	shalt  }
0x85: {  	_ =	shalt  }
0x86: {  	_ =	shalt  }
0x87: {  	_ =	shalt  }
.Lfunc_end0:
.L_simem_size_0:
called_computation.1_lowered:
.L_overlay_start_0:
0x88: {  	s2 =	sld [smem:$0x3FD9]  }
0x89: {  	s3 =	sld [smem:$0x3FFE];
	_ =	sdelay $0x1  }
0x8a: {  	s1 =	srdreg.scid  }
0x8b: {  	s0 =	sand.u32 $0x1, s1  }
0x8c: {  	s17 =	sshll.u32 s0, $0xA;
	s2 =	sadd.s32 s3, s2  }
0x8d: {  	s2 =	sadd.s32 s2, s17  }
0x8e: {  	[smem:$0x3FBC] =	sst s2  }
0x8f: {  	_ = 	snop  }
0x90: {  	s2 =	sld [smem:$0x3FD0];
	(tm) =	ssettm $0x1  }
0x91: {  	s18 =	sld [smem:$0x3FFB];
	_ =	sdelay $0x3  }
0x92: {  	_ =	strace s18  }
0x93: {  	s3 =	sld [smem:$0x3FFC];
	_ =	sdelay $0x3  }
0x94: {  	_ =	strace s3  }
0x95: {  	s3 =	sld [smem:$0x3FFD];
	_ =	sdelay $0x3  }
0x96: {  	_ =	strace s3  }
0x97: {  	_ =	strace $0x8FFFFFFF  }
0x98: {  	s19 =	sld [smem:$0x3FDB];
	_ =	sdelay $0x1  }
0x99: {  	s4 =	simm.s32 $_scs_section_size  }
0x9a: {  	s5 =	simm.s32 $_size__tile_overlayer_lowered;
	s6 =	simm.s32 $_tile_overlayer_lowered  }
0x9b: {  	s22 =	simm.s32 $0x1BFF;
	s21 =	sshll.u32 s6, $0x1;
	s3 =	sadd.s32 s4, s19  }
0x9c: {  	s7 =	simm.s32 $0x0;
	s20 =	sshll.u32 s5, $0x1;
	s5 =	sadd.s32 s21, s3  }
0x9d: {  	[timem:s7], [sflag:s22] =	dma.local [hbm:s5], s20  }
0x9e: {  	_ =	swait.ge [sflag:s22], s20  }
0x9f: {  	s4 =	ssub.s32 $0x0, s20;
	[sflag:s22] =	ssyncset.done $0x0  }
0xa0: {  	[sflag:s22] =	ssyncadd.s32 s4;
	_ =	sdelay $0x1  }
0xa1: {  	s23 =	simm.s32 $0x1B8B  }
0xa2: {  	_ =	swait.ge [sflag:s23], $0x1  }
0xa3: {  	[sflag:s23] =	ssyncset.done $0x0  }
0xa4: {  	s25 =	simm.s32 $0x1B8E;
	s24 =	sld [smem:$0x3FFE];
	[sflag:s23] =	ssyncadd.s32 $0xFFFFFFFF  }
0xa5: {  	s26 =	simm.s32 $execute0_lowered;
	[smem:$0x3FD2] =	sst s25  }
0xa6: {  	s5 =	sshll.u32 s26, $0x1;
	_ =	strace $0x80000049;
	[dreg:$0x1] =	wrdreg $0xFFFFFFFF  }
0xa7: {  	s28 =	simm.s32 $_size_execute0_lowered;
	s3 =	sadd.s32 s3, s5;
	[dreg:$0x0] =	wrdreg $0x0  }
0xa8: {  	s5 =	sshll.u32 s28, $0x1;
	[dreg:$0x2] =	wrdreg s3  }
0xa9: {  	[dreg:$0x3] =	wrdreg s5  }
0xaa: {  	[dreg:$0x4] =	wrdreg $0xC0  }
0xab: {  	_ =	task [dreg:s7], $0x5FFFF  }
0xac: {  	[dreg:$0x1] =	wrdreg $0xFFFFFFFF  }
0xad: {  	[dreg:$0x0] =	wrdreg $0x60  }
0xae: {  	[dreg:$0x2] =	wrdreg s24  }
0xaf: {  	[dreg:$0x3] =	wrdreg s2  }
0xb0: {  	[dreg:$0x4] =	wrdreg $0x9  }
0xb1: {  	_ =	task.clear_ibuf [dreg:s7], $0x5FFFF;
	_ =	strace $0x90000049  }
0xb2: {  	s29 =	simm.s32 $0x9;
	_ =	strace $0x8000004B  }
0xb3: {  	_ =	swait.ge [sflag:s29], $0x1  }
0xb4: {  	[sflag:s29] =	ssyncadd.s32 $0xFFFFFFFF  }
0xb5: {  	_ =	strace $0x9000004B  }
0xb6: {  	_ =	sfence  }
0xb7: {  	s30 =	sld [smem:$0x0];
	_ =	sdelay $0x2  }
0xb8: {  	s31 =	sshll.u32 s1, $0xD;
	s1 =	sshrl.u32 s1, $0x2  }
0xb9: {  	s3 =	sand.u32 $0x4000, s31;
	s1 =	sadd.s32 s1, s30  }
0xba: {  	s0 =	sor.u32 s3, s0;
	s1 =	sshll.u32 s1, $0x11  }
0xbb: {  	s0 =	sor.u32 s1, s0  }
0xbc: {  	s0 =	sadd.s32 $0x8F2B, s0  }
0xbd: {  	[sflag:s0] =	ssyncadd.remote.s32 $0x1  }
0xbe: {  	_ =	sfence.sel $0xFFFF  }
0xbf: {  	[dreg:$0x0] =	wrdreg $0xFFFFFFFF;
	(pc) =	sbr.abs _section_cstart, $3  }
0xc0: {  	[dreg:$0x1] =	wrdreg $0xFFFFFFFF  }
0xc1: {  	_ =	task.clear_ibuf [dreg:s7], $0x2FFFF;
	_ =	strace $0x9FFFFFFF  }
0xc2: {  	(tm) =	ssettm $0x7FFFFFFF  }
0xc3: {  	_ =	shalt  }
tec
execute0_lowered:
.L_overlay_start_1:
0x0: {  	(tag) =	ssettag $0x1  }
0x1: {  	s7 =	rddreg [dreg:$0x0]  }
0x2: {  	s2 =	rddreg [dreg:$0x1]  }
0x3: {  	s0 =	rddreg [dreg:$0x2]  }
0x4: {  	s3 =	simm.s32 $0x0;
	s1 =	stileid.u32;
	s4 =	srdreg.scid  }
0x5: {  	s14 =	simm.s32 $0x2800;
	s15 =	simm.s32 $0x5000;
	s16 =	simm.s32 $0x5080  }
0x6: {  	s17 =	simm.s32 $0x1B880;
	s18 =	simm.s32 $0x1;
	s19 =	simm.s32 $0x2  }
0x7: {  	s20 =	simm.s32 $0x1C080;
	s22 =	simm.s32 $0x3;
	s23 =	simm.s32 $0x4  }
0x8: {  	s24 =	simm.s32 $0x0;
	[smem:$0x7FF] =	sst s3;
	s21 =	sand.u32 $0x3, s1  }
0x9: {  	s8 =	sand.u32 $0x1, s4;
	s10 =	sshrl.u32 s1, $0x2;
	_ =	strace $0x8000004A  }
0xa: {  	s9 =	smul.u32 $0x1400, s21;
	s4 =	sshll.u32 s8, $0x4;
	s6 =	sshll.u32 s8, $0x2  }
0xb: {  	s8 =	ssub.s32 $0x2, s8;
	p0 =	sne.s32 s21, $0x0;
	s21 =	simm.s32 $0xF080  }
0xc: {  	s5 =	sor.u32 s1, s4;
	s4 =	sadd.s32 $0x9600, s7;
	s10 =	sor.u32 s10, s6  }
0xd: {  	s6 =	sadd.s32 $0x4200, s7;
	s30 =	sshrl.u32 s8, $0x1;
	s11 =	smul.u32 $0x1400, s5  }
0xe: {  	s5 =	sadd.s32 $0x3C00, s7;
	s12 =	smul.u32 $0x500, s10;
	s13 =	ssub.s32 s8, s30  }
0xf: {  	s9 =	sadd.s32 s9, s7;
	s10 =	smul.u32 $0x9C40, s10;
	s13 =	smax.u32 s13, $0x1  }
0x10: {  	s11 =	sadd.s32 s11, s7;
	s12 =	sadd.s32 s12, s7;
	s7 =	sadd.s32 $0x13400, s9  }
0x11: {  	s31 =	sshrl.u32 s10, $0x3;
	s9 =	sadd.s32 $0x7D0, s10;
	s10 =	sadd.s32 $0xFA0, s10  }
0x12: {  	v0 =	vimm.f32 $0.0e+00;
	s8 =	sadd.s32 s4, s31;
	s11 =	sadd.s32 $0x18400, s11;
	s12 =	sadd.s32 $0x4800, s12  }
.LBB2_1:
0x13: {  	[tilespmem:s3], [sflag:$0x1] =	stream.linear.gather [hbm4b:s5+s3], $0x2800, $0x38;
	[tilespmem:$0x1C880] =	vst v63  }
0x14: {  	_ = 	snop  }
0x15: {  	[tilespmem:s14], [sflag:$0x1] =	stream.linear.gather [hbm4b:s6+s3], $0x2800, $0x38;
	[tilespmem:$0x1C880] =	vst v63  }
0x16: {  	_ = 	snop  }
0x17: {  	[tilespmem:s15], [sflag:$0x1] =	stream.linear.gather [hbm4b:s2+s3], $0x80, $0x38;
	[tilespmem:$0x1C880] =	vst v63  }
0x18: {  	_ = 	snop  }
0x19: {  	[tilespmem:s16], [sflag:$0x1] =	stream.linear.gather [hbm4b:s7+s3], $0xA000, $0x38;
	[tilespmem:$0x1C880] =	vst v63  }
0x1a: {  	s25 =	simm.s32 $0x190C0  }
0x1b: {  	[tilespmem:s17], [sflag:$0x2] =	stream.linear.gather [hbm4b:s8+s3], $0x7D0, $0x38;
	[tilespmem:$0x1C880] =	vst v63  }
0x1c: {  	[tilespmem:s25+$0xFFFFFFC0] =	vst v0  }
0x1d: {  	[tilespmem:s25+$0x30] =	vst v0  }
0x1e: {  	[tilespmem:s25+$0x20] =	vst v0  }
0x1f: {  	[tilespmem:s25+$0x10] =	vst v0  }
0x20: {  	[tilespmem:s25+$0x0] =	vst v0  }
0x21: {  	[tilespmem:s25+$0xFFFFFFF0] =	vst v0  }
0x22: {  	s28 =	simm.s32 $0x0;
	[tilespmem:s25+$0xFFFFFFE0] =	vst v0  }
.LBB2_2:
0x23: {  	s28 =	sadd.s32 $0x8, s28;
	[tilespmem:s25+$0xFFFFFFD0] =	vst v0;
	s25 =	sadd.s32 $0x80, s25;
	s26 =	simm.s32 $0xF0C0  }
0x24: {  	[tilespmem:s25+$0xFFFFFFC0] =	vst v0;
	p1 =	slt.u32 s28, $0x278  }
0x25: {  	[tilespmem:s25+$0x30] =	vst v0  }
.Ltmp0:
0x26: {  	[tilespmem:s25+$0x20] =	vst v0;
	(pc) =	sbr.rel @p1 .LBB2_2-.Ltmp0, $4  }
0x27: {  	[tilespmem:s25+$0x10] =	vst v0  }
0x28: {  	[tilespmem:s25+$0x0] =	vst v0  }
0x29: {  	[tilespmem:s25+$0xFFFFFFF0] =	vst v0  }
0x2a: {  	[tilespmem:s25+$0xFFFFFFE0] =	vst v0  }
0x2b: {  	[tilespmem:s25+$0xFFFFFFD0] =	vst v0  }
0x2c: {  	[tilespmem:s26+$0xFFFFFFC0] =	vst v0  }
0x2d: {  	[tilespmem:s26+$0x30] =	vst v0  }
0x2e: {  	[tilespmem:s26+$0x20] =	vst v0  }
0x2f: {  	[tilespmem:s26+$0x10] =	vst v0  }
0x30: {  	[tilespmem:s26+$0x0] =	vst v0  }
0x31: {  	[tilespmem:s26+$0xFFFFFFF0] =	vst v0  }
0x32: {  	s28 =	simm.s32 $0x0;
	s25 =	simm.s32 $0xF170;
	[tilespmem:s26+$0xFFFFFFE0] =	vst v0  }
.LBB2_4:
0x33: {  	s28 =	sadd.s32 $0x8, s28;
	[tilespmem:s26+$0xFFFFFFD0] =	vst v0;
	s26 =	sadd.s32 $0x200, s26  }
0x34: {  	[tilespmem:s26+$0xFFFFFFC0] =	vst v0;
	p1 =	slt.u32 s28, $0x278  }
0x35: {  	[tilespmem:s26+$0x30] =	vst v0  }
.Ltmp1:
0x36: {  	[tilespmem:s26+$0x20] =	vst v0;
	(pc) =	sbr.rel @p1 .LBB2_4-.Ltmp1, $4  }
0x37: {  	[tilespmem:s26+$0x10] =	vst v0  }
0x38: {  	[tilespmem:s26+$0x0] =	vst v0  }
0x39: {  	[tilespmem:s26+$0xFFFFFFF0] =	vst v0  }
0x3a: {  	[tilespmem:s26+$0xFFFFFFE0] =	vst v0  }
0x3b: {  	[tilespmem:s26+$0xFFFFFFD0] =	vst v0  }
0x3c: {  	[tilespmem:s25+$0xFFFFFF90] =	vst v0  }
0x3d: {  	[tilespmem:s25+$0x0] =	vst v0  }
0x3e: {  	[tilespmem:s25+$0xFFFFFFF0] =	vst v0  }
0x3f: {  	[tilespmem:s25+$0xFFFFFFE0] =	vst v0  }
0x40: {  	[tilespmem:s25+$0xFFFFFFD0] =	vst v0  }
0x41: {  	[tilespmem:s25+$0xFFFFFFC0] =	vst v0  }
0x42: {  	s28 =	simm.s32 $0x0;
	[tilespmem:s25+$0xFFFFFFB0] =	vst v0  }
.LBB2_6:
0x43: {  	s28 =	sadd.s32 $0x8, s28;
	[tilespmem:s25+$0xFFFFFFA0] =	vst v0;
	s25 =	sadd.s32 $0x200, s25;
	s26 =	simm.s32 $0xF1F0  }
0x44: {  	[tilespmem:s25+$0xFFFFFF90] =	vst v0;
	p1 =	slt.u32 s28, $0x278  }
0x45: {  	[tilespmem:s25+$0x0] =	vst v0  }
.Ltmp2:
0x46: {  	[tilespmem:s25+$0xFFFFFFF0] =	vst v0;
	(pc) =	sbr.rel @p1 .LBB2_6-.Ltmp2, $4  }
0x47: {  	[tilespmem:s25+$0xFFFFFFE0] =	vst v0  }
0x48: {  	[tilespmem:s25+$0xFFFFFFD0] =	vst v0  }
0x49: {  	[tilespmem:s25+$0xFFFFFFC0] =	vst v0  }
0x4a: {  	[tilespmem:s25+$0xFFFFFFB0] =	vst v0  }
0x4b: {  	[tilespmem:s25+$0xFFFFFFA0] =	vst v0  }
0x4c: {  	[tilespmem:s26+$0xFFFFFF90] =	vst v0  }
0x4d: {  	[tilespmem:s26+$0x0] =	vst v0  }
0x4e: {  	[tilespmem:s26+$0xFFFFFFF0] =	vst v0  }
0x4f: {  	[tilespmem:s26+$0xFFFFFFE0] =	vst v0  }
0x50: {  	[tilespmem:s26+$0xFFFFFFD0] =	vst v0  }
0x51: {  	[tilespmem:s26+$0xFFFFFFC0] =	vst v0  }
0x52: {  	s28 =	simm.s32 $0x0;
	s25 =	simm.s32 $0xF270;
	[tilespmem:s26+$0xFFFFFFB0] =	vst v0  }
.LBB2_8:
0x53: {  	s28 =	sadd.s32 $0x8, s28;
	[tilespmem:s26+$0xFFFFFFA0] =	vst v0;
	s26 =	sadd.s32 $0x200, s26  }
0x54: {  	[tilespmem:s26+$0xFFFFFF90] =	vst v0;
	p1 =	slt.u32 s28, $0x278  }
0x55: {  	[tilespmem:s26+$0x0] =	vst v0  }
.Ltmp3:
0x56: {  	[tilespmem:s26+$0xFFFFFFF0] =	vst v0;
	(pc) =	sbr.rel @p1 .LBB2_8-.Ltmp3, $4  }
0x57: {  	[tilespmem:s26+$0xFFFFFFE0] =	vst v0  }
0x58: {  	[tilespmem:s26+$0xFFFFFFD0] =	vst v0  }
0x59: {  	[tilespmem:s26+$0xFFFFFFC0] =	vst v0  }
0x5a: {  	[tilespmem:s26+$0xFFFFFFB0] =	vst v0  }
0x5b: {  	[tilespmem:s26+$0xFFFFFFA0] =	vst v0  }
0x5c: {  	[tilespmem:s25+$0xFFFFFF90] =	vst v0  }
0x5d: {  	[tilespmem:s25+$0x0] =	vst v0  }
0x5e: {  	[tilespmem:s25+$0xFFFFFFF0] =	vst v0  }
0x5f: {  	[tilespmem:s25+$0xFFFFFFE0] =	vst v0  }
0x60: {  	[tilespmem:s25+$0xFFFFFFD0] =	vst v0  }
0x61: {  	[tilespmem:s25+$0xFFFFFFC0] =	vst v0  }
0x62: {  	s26 =	simm.s32 $0x0;
	[tilespmem:s25+$0xFFFFFFB0] =	vst v0  }
.LBB2_10:
0x63: {  	s26 =	sadd.s32 $0x8, s26;
	[tilespmem:s25+$0xFFFFFFA0] =	vst v0;
	s25 =	sadd.s32 $0x200, s25  }
0x64: {  	[tilespmem:s25+$0xFFFFFF90] =	vst v0;
	p1 =	slt.u32 s26, $0x278  }
0x65: {  	[tilespmem:s25+$0x0] =	vst v0  }
.Ltmp4:
0x66: {  	[tilespmem:s25+$0xFFFFFFF0] =	vst v0;
	(pc) =	sbr.rel @p1 .LBB2_10-.Ltmp4, $4  }
0x67: {  	[tilespmem:s25+$0xFFFFFFE0] =	vst v0  }
0x68: {  	[tilespmem:s25+$0xFFFFFFD0] =	vst v0  }
0x69: {  	[tilespmem:s25+$0xFFFFFFC0] =	vst v0  }
0x6a: {  	[tilespmem:s25+$0xFFFFFFB0] =	vst v0  }
0x6b: {  	[tilespmem:s25+$0xFFFFFFA0] =	vst v0  }
0x6c: {  	_ =	swait.ge [sflag:s18], $0x2800  }
0x6d: {  	[sflag:s18] =	ssyncset.done $0x0  }
0x6e: {  	[sflag:s18] =	ssyncadd.s32 $0xFFFFD800  }
0x6f: {  	_ =	swait.ge [sflag:s18], $0x2800  }
0x70: {  	[sflag:s18] =	ssyncset.done $0x0  }
0x71: {  	[sflag:s18] =	ssyncadd.s32 $0xFFFFD800  }
0x72: {  	_ =	swait.ge [sflag:s18], $0x80  }
0x73: {  	[sflag:s18] =	ssyncset.done $0x0  }
0x74: {  	[sflag:s18] =	ssyncadd.s32 $0xFFFFFF80  }
0x75: {  	_ =	swait.ge [sflag:s18], $0xA000  }
0x76: {  	[sflag:s18] =	ssyncset.done $0x0  }
0x77: {  	[sflag:s18] =	ssyncadd.s32 $0xFFFF6000  }
0x78: {  	v63 =	vld [tilespmem:$0x5000];
	_ =	sdelay $0x4  }
0x79: {  	s25 =	simm.s32 $0x0;
	[tilespmem:$0x1FFF0] =	vst v63  }
.LBB2_12:
0x7a: {  	s26 =	smul.u32 $0xFA0, s25;
	_ =	sdelay $0x1  }
0x7b: {  	_ =	swait.ge [sflag:s19], $0x7D0;
	s28 =	sadd.s32 s26, s9  }
0x7c: {  	[sflag:s19] =	ssyncset.done $0x0;
	s28 =	sshrl.u32 s28, $0x3  }
0x7d: {  	[sflag:s19] =	ssyncadd.s32 $0xFFFFF830;
	s28 =	sadd.s32 s4, s28  }
0x7e: {  	[tilespmem:s20], [sflag:$0x3] =	stream.linear.gather [hbm4b:s28+s3], $0x7D0, $0x38;
	[tilespmem:$0x1C880] =	vst v63  }
0x7f: {  	s28 =	simm.s32 $0x1B8A0  }
0x80: {  	v2 =	vld [tilespmem:s28+$0x10];
	_ =	sdelay $0x4  }
0x81: {  	v3 =	vshrl.u32 v2, $0xE;
	v4 =	vshrl.u32 v2, $0x15  }
0x82: {  	v5 =	vand.u32 $0x3FFF, v2;
	v3 =	vand.u32 $0x7F, v3;
	v6 =	vshll.u32 v4, $0x7  }
0x83: {  	v6 =	vor.u32 v3, v6;
	_ =	sdelay $0x1  }
0x84: {  	v9 =	vld [tilespmem:s28+$0xFFFFFFF0]  }
0x85: {  	v10 =	vld [tilespmem:s28+$0xFFFFFFE0]  }
0x86: {  	v5 =	vld.idx.msk [tilespmem:v5+s3+$0x0], $0xffff  }
0x87: {  	v7 =	vld.idx.msk [tilespmem:v6+s14+$0x0], $0xffff;
	_ =	sdelay $0x2  }
0x88: {  	v12 =	vld [tilespmem:s28+$0x0];
	_ =	sdelay $0x1  }
0x89: {  	v0 =	vld [tilespmem:$0x1FFF0];
	v13 =	vshrl.u32 v9, $0x15;
	v11 =	vshrl.u32 v10, $0xE;
	v5 =	vadd.f32 v7, v5  }
0x8a: {  	v14 =	vshrl.u32 v10, $0x15;
	v16 =	vand.u32 $0x7F, v11;
	v7 =	vshrl.u32 v9, $0xE  }
0x8b: {  	v11 =	vshll.u32 v13, $0x7;
	v7 =	vand.u32 $0x7F, v7;
	v8 =	vmul.f32 $2.000000030e-01, v5  }
0x8c: {  	v15 =	vshrl.u32 v12, $0xE;
	vm0 =	vge.f32 v5, $0.0e+00;
	v19 =	vor.u32 v7, v11  }
0x8d: {  	v11 =	vand.u32 $0x3FFF, v10;
	v5 =	vsel vm0, v5, v8;
	v8 =	vshll.u32 v14, $0x7  }
0x8e: {  	v18 =	vshrl.u32 v12, $0x15;
	v5 =	vsub.f32 v5, v0;
	v17 =	vor.u32 v16, v8  }
0x8f: {  	v15 =	vand.u32 $0x7F, v15;
	v8 =	vshll.u32 v18, $0x7  }
0x90: {  	v20 =	vor.u32 v15, v8;
	v5 =	vmul.f32 $1.442695020e+00, v5  }
0x91: {  	v8 =	vand.u32 $0x3FFF, v12  }
0x92: {  	v11 =	vld.idx.msk [tilespmem:v11+s3+$0x0], $0xffff;
	(erf) = vpow2.f32 v5  }
0x93: {  	v5 =	vand.u32 $0x3FFF, v9;
	v21 =	vld.idx.msk [tilespmem:v17+s14+$0x0], $0xffff;
	_ =	sdelay $0x1  }
0x94: {  	v24 =	vld.idx.msk [tilespmem:v20+s14+$0x0], $0xffff  }
0x95: {  	v23 =	vshll.u32 v2, $0x2;
	v58 =	vld.idx.msk [tilespmem:v8+s3+$0x0], $0xffff  }
0x96: {  	v2 =	vand.u32 $0x7F, v2;
	v23 =	vand.u32 $0xFE00, v23;
	v22 =	vld.idx.msk [tilespmem:v19+s14+$0x0], $0xffff  }
0x97: {  	v23 =	vor.u32 v2, v23;
	v5 =	vld.idx.msk [tilespmem:v5+s3+$0x0], $0xffff;
	v8 =	vadd.f32 v21, v11;
	_ =	sdelay $0x1  }
0x98: {  	v21 =	vmul.f32 $2.000000030e-01, v8  }
0x99: {  	s28 =	simm.s32 @!p0 $0x19080;
	v4 =	vshll.u32 v4, $0x9;
	v2 =	vadd.f32 v24, v58;
	vm7 =	vge.f32 v8, $0.0e+00;
	v11 =	vpop (erf)  }
0x9a: {  	v24 =	vor.u32 v3, v4;
	[tilespmem:v6+s28+$0x0] =	vst.idx.add.f32.msk @!p0 $0xffff, v11;
	v4 =	vsel vm7, v8, v21  }
0x9b: {  	v5 =	vadd.f32 v22, v5;
	v6 =	vld.idx.msk [tilespmem:v23+s16+$0x0], $0xffff;
	v4 =	vsub.f32 v4, v0;
	_ =	sdelay $0x1  }
0x9c: {  	v22 =	vmul.f32 $2.000000030e-01, v5;
	v4 =	vmul.f32 $1.442695020e+00, v4  }
0x9d: {  	v3 =	vmul.f32 $2.000000030e-01, v2;
	v8 =	vor.u32 $0x80, v23;
	vm1 =	vge.f32 v5, $0.0e+00  }
0x9e: {  	vm8 =	vge.f32 v2, $0.0e+00;
	v5 =	vsel vm1, v5, v22;
	(erf) = vpow2.f32 v4  }
0x9f: {  	s29 =	simm.s32 $0x1B8E0;
	v2 =	vsel vm8, v2, v3;
	v3 =	vsub.f32 v5, v0;
	v5 =	vmul.f32 v6, v11  }
0xa0: {  	v21 =	vld [tilespmem:s29+$0x10]  }
0xa1: {  	v2 =	vsub.f32 v2, v0;
	v3 =	vmul.f32 $1.442695020e+00, v3;
	[tilespmem:v24+s21+$0x0] =	vst.idx.add.f32.msk $0xffff, v5  }
0xa2: {  	v28 =	vshll.u32 v9, $0x2;
	v25 =	vor.u32 $0x100, v23;
	v4 =	vld.idx.msk [tilespmem:v8+s16+$0x0], $0xffff  }
0xa3: {  	v18 =	vshll.u32 v18, $0x9;
	v2 =	vmul.f32 $1.442695020e+00, v2;
	(erf) = vpow2.f32 v3  }
0xa4: {  	v15 =	vor.u32 v15, v18;
	v9 =	vand.u32 $0x7F, v9;
	v22 =	vor.u32 $0x80, v24;
	v3 =	vld [tilespmem:s29+$0xFFFFFFF0]  }
0xa5: {  	v59 =	vshrl.u32 v21, $0xE;
	v8 =	vshrl.u32 v21, $0x15;
	(erf) = vpow2.f32 v2  }
0xa6: {  	v60 =	vld [tilespmem:s29+$0x0];
	v26 =	vand.u32 $0x3FFF, v21;
	v5 =	vand.u32 $0x7F, v59;
	v27 =	vshll.u32 v8, $0x7  }
0xa7: {  	v6 =	vshll.u32 v10, $0x2;
	v31 =	vor.u32 v5, v27;
	v29 =	vmul.f32 v4, v11;
	v4 =	vld [tilespmem:s29+$0xFFFFFFE0];
	v34 =	vpop (erf)  }
0xa8: {  	v10 =	vand.u32 $0x7F, v10;
	v27 =	vand.u32 $0xFE00, v28;
	v28 =	vshll.u32 v12, $0x2;
	[tilespmem:v17+s28+$0x0] =	vst.idx.add.f32.msk @!p0 $0xffff, v34  }
0xa9: {  	v6 =	vand.u32 $0xFE00, v6;
	v28 =	vand.u32 $0xFE00, v28;
	v18 =	vand.u32 $0x3FFF, v3;
	[tilespmem:v22+s21+$0x0] =	vst.idx.add.f32.msk $0xffff, v29  }
0xaa: {  	v22 =	vor.u32 v10, v6;
	v29 =	vor.u32 v9, v27;
	v6 =	vand.u32 $0x7F, v12;
	v9 =	vld.idx.msk [tilespmem:v25+s16+$0x0], $0xffff  }
0xab: {  	v28 =	vor.u32 v6, v28;
	v6 =	vshll.u32 v14, $0x9;
	v14 =	vld.idx.msk [tilespmem:v26+s3+$0x0], $0xffff  }
0xac: {  	v23 =	vor.u32 $0x180, v23;
	v10 =	vshll.u32 v13, $0x9;
	v13 =	vshrl.u32 v3, $0x15;
	v25 =	vld.idx.msk [tilespmem:v31+s14+$0x0], $0xffff;
	v33 =	vpop (erf)  }
0xad: {  	v27 =	vor.u32 $0x100, v24;
	v16 =	vor.u32 v16, v6;
	v6 =	vshrl.u32 v3, $0xE;
	[tilespmem:v19+s28+$0x0] =	vst.idx.add.f32.msk @!p0 $0xffff, v33  }
0xae: {  	v12 =	vshrl.u32 v4, $0xE;
	v17 =	vshrl.u32 v4, $0x15;
	v40 =	vpop (erf);
	v19 =	vshrl.u32 v60, $0xE;
	v18 =	vld.idx.msk [tilespmem:v18+s3+$0x0], $0xffff  }
0xaf: {  	v32 =	vand.u32 $0x7F, v6;
	v6 =	vshll.u32 v13, $0x7;
	v26 =	vand.u32 $0x7F, v12;
	[tilespmem:v20+s28+$0x0] =	vst.idx.add.f32.msk @!p0 $0xffff, v40  }
0xb0: {  	v12 =	vshll.u32 v17, $0x7;
	v20 =	vshrl.u32 v60, $0x15;
	v6 =	vor.u32 v32, v6;
	v30 =	vld.idx.msk [tilespmem:v22+s16+$0x0], $0xffff  }
0xb1: {  	v38 =	vand.u32 $0x7F, v19;
	v12 =	vor.u32 v26, v12;
	v35 =	vld.idx.msk [tilespmem:v29+s16+$0x0], $0xffff;
	v9 =	vmul.f32 v9, v11  }
0xb2: {  	v19 =	vshll.u32 v20, $0x7;
	v14 =	vadd.f32 v25, v14;
	v25 =	vand.u32 $0x3FFF, v4;
	v37 =	vld.idx.msk [tilespmem:v28+s16+$0x0], $0xffff  }
0xb3: {  	v39 =	vor.u32 v7, v10;
	v10 =	vor.u32 v38, v19;
	[tilespmem:v27+s21+$0x0] =	vst.idx.add.f32.msk $0xffff, v9  }
0xb4: {  	v7 =	vmul.f32 $2.000000030e-01, v14;
	v27 =	vand.u32 $0x3FFF, v60;
	v19 =	vld.idx.msk [tilespmem:v23+s16+$0x0], $0xffff  }
0xb5: {  	v46 =	vor.u32 $0x80, v15;
	v42 =	vor.u32 $0x80, v29;
	vm9 =	vge.f32 v14, $0.0e+00;
	v43 =	vld.idx.msk [tilespmem:v6+s14+$0x0], $0xffff  }
0xb6: {  	v48 =	vor.u32 $0x100, v22;
	v23 =	vor.u32 $0x80, v22;
	v41 =	vld.idx.msk [tilespmem:v12+s14+$0x0], $0xffff;
	v7 =	vsel vm9, v14, v7  }
0xb7: {  	v49 =	vor.u32 $0x100, v29;
	v44 =	vor.u32 $0x80, v28;
	v7 =	vsub.f32 v7, v0;
	v47 =	vld.idx.msk [tilespmem:v25+s3+$0x0], $0xffff  }
0xb8: {  	v45 =	vor.u32 $0x80, v39;
	v51 =	vor.u32 $0x100, v28;
	v52 =	vmul.f32 v30, v34;
	v50 =	vld.idx.msk [tilespmem:v10+s14+$0x0], $0xffff  }
0xb9: {  	v9 =	vor.u32 $0x100, v16;
	v14 =	vor.u32 $0x80, v16;
	v36 =	vmul.f32 $1.442695020e+00, v7;
	v53 =	vld.idx.msk [tilespmem:v27+s3+$0x0], $0xffff  }
0xba: {  	v30 =	vor.u32 $0x180, v29;
	[tilespmem:v16+s21+$0x0] =	vst.idx.add.f32.msk $0xffff, v52;
	v27 =	vor.u32 $0x180, v22;
	v22 =	vmul.f32 v35, v33  }
0xbb: {  	v35 =	vor.u32 $0x180, v16;
	v16 =	vor.u32 $0x180, v24;
	v23 =	vld.idx.msk [tilespmem:v23+s16+$0x0], $0xffff;
	(erf) = vpow2.f32 v36  }
0xbc: {  	v11 =	vmul.f32 v19, v11;
	v36 =	vor.u32 $0x180, v28;
	v28 =	vmul.f32 v37, v40;
	[tilespmem:v39+s21+$0x0] =	vst.idx.add.f32.msk $0xffff, v22  }
0xbd: {  	v18 =	vadd.f32 v43, v18;
	v19 =	vshll.u32 v21, $0x2;
	v21 =	vand.u32 $0x7F, v21;
	v24 =	vld.idx.msk [tilespmem:v42+s16+$0x0], $0xffff  }
0xbe: {  	v19 =	vand.u32 $0xFE00, v19;
	v29 =	vadd.f32 v41, v47;
	[tilespmem:v15+s21+$0x0] =	vst.idx.add.f32.msk $0xffff, v28;
	v22 =	vadd.f32 v50, v53  }
0xbf: {  	v61 =	vmul.f32 $2.000000030e-01, v18;
	v21 =	vor.u32 v21, v19;
	vm11 =	vge.f32 v18, $0.0e+00;
	v62 =	vld.idx.msk [tilespmem:v44+s16+$0x0], $0xffff  }
0xc0: {  	vm10 =	vge.f32 v29, $0.0e+00;
	v28 =	vmul.f32 $2.000000030e-01, v29;
	v19 =	vmul.f32 $2.000000030e-01, v22  }
0xc1: {  	[tilespmem:v16+s21+$0x0] =	vst.idx.add.f32.msk $0xffff, v11;
	v16 =	vsel vm11, v18, v61;
	v23 =	vmul.f32 v23, v34;
	vm2 =	vge.f32 v22, $0.0e+00  }
0xc2: {  	v11 =	vsel vm10, v29, v28;
	v18 =	vsel vm2, v22, v19;
	v22 =	vmul.f32 v24, v33  }
0xc3: {  	v11 =	vsub.f32 v11, v0;
	[tilespmem:v14+s21+$0x0] =	vst.idx.add.f32.msk $0xffff, v23  }
0xc4: {  	v16 =	vsub.f32 v16, v0;
	v23 =	vmul.f32 v62, v40;
	v19 =	vpop (erf);
	[tilespmem:v45+s21+$0x0] =	vst.idx.add.f32.msk $0xffff, v22  }
0xc5: {  	v11 =	vmul.f32 $1.442695020e+00, v11;
	[tilespmem:v31+s28+$0x0] =	vst.idx.add.f32.msk @!p0 $0xffff, v19  }
0xc6: {  	v8 =	vshll.u32 v8, $0x9;
	v16 =	vmul.f32 $1.442695020e+00, v16;
	v18 =	vsub.f32 v18, v0;
	[tilespmem:v46+s21+$0x0] =	vst.idx.add.f32.msk $0xffff, v23  }
0xc7: {  	v1 =	vor.u32 $0x180, v15;
	v8 =	vor.u32 v5, v8;
	(erf) = vpow2.f32 v11;
	v24 =	vld.idx.msk [tilespmem:v21+s16+$0x0], $0xffff  }
0xc8: {  	s29 =	simm.s32 $0x1B920;
	v28 =	vshll.u32 v3, $0x2;
	v18 =	vmul.f32 $1.442695020e+00, v18;
	v11 =	vld.idx.msk [tilespmem:v48+s16+$0x0], $0xffff;
	(erf) = vpow2.f32 v16  }
0xc9: {  	v63 =	vshll.u32 v17, $0x9;
	v14 =	vshll.u32 v4, $0x2;
	v16 =	vand.u32 $0xFE00, v28;
	v28 =	vld [tilespmem:s29+$0x10]  }
0xca: {  	v5 =	vand.u32 $0xFE00, v14;
	v14 =	vor.u32 $0x80, v21;
	v29 =	vld.idx.msk [tilespmem:v51+s16+$0x0], $0xffff;
	(erf) = vpow2.f32 v18  }
0xcb: {  	v7 =	vor.u32 $0x100, v39;
	v3 =	vand.u32 $0x7F, v3;
	v4 =	vand.u32 $0x7F, v4;
	v18 =	vld.idx.msk [tilespmem:v49+s16+$0x0], $0xffff;
	[tilespmem:$0x1FFA0] =	vst v1  }
0xcc: {  	v31 =	vor.u32 v4, v5;
	v5 =	vshll.u32 v20, $0x9;
	v46 =	vld [tilespmem:s29+$0x0];
	v23 =	vmul.f32 v24, v19  }
0xcd: {  	v44 =	vor.u32 v38, v5;
	v42 =	vor.u32 v3, v16;
	v3 =	vshll.u32 v13, $0x9;
	v17 =	vld [tilespmem:s29+$0xFFFFFFE0]  }
0xce: {  	v32 =	vor.u32 v32, v3;
	v3 =	vshrl.u32 v28, $0xE;
	v38 =	vshrl.u32 v28, $0x15;
	[tilespmem:v8+s21+$0x0] =	vst.idx.add.f32.msk $0xffff, v23  }
0xcf: {  	v37 =	vor.u32 $0x180, v39;
	v39 =	vand.u32 $0x7F, v3;
	v20 =	vshll.u32 v38, $0x7;
	v13 =	vld.idx.msk [tilespmem:v14+s16+$0x0], $0xffff  }
0xd0: {  	v48 =	vor.u32 v39, v20;
	v14 =	vld [tilespmem:s29+$0xFFFFFFF0];
	v5 =	vpop (erf)  }
0xd1: {  	v62 =	vpop (erf);
	[tilespmem:v12+s28+$0x0] =	vst.idx.add.f32.msk @!p0 $0xffff, v5  }
0xd2: {  	[tilespmem:v6+s28+$0x0] =	vst.idx.add.f32.msk @!p0 $0xffff, v62  }
0xd3: {  	v43 =	vor.u32 v26, v63;
	v12 =	vand.u32 $0x3FFF, v28;
	v63 =	vpop (erf);
	v54 =	vld.idx.msk [tilespmem:v31+s16+$0x0], $0xffff  }
0xd4: {  	v25 =	vor.u32 $0x100, v15;
	v15 =	vor.u32 $0x80, v8;
	[tilespmem:v10+s28+$0x0] =	vst.idx.add.f32.msk @!p0 $0xffff, v63;
	v10 =	vmul.f32 v11, v34  }
0xd5: {  	v16 =	vor.u32 $0x100, v21;
	v11 =	vmul.f32 v18, v33;
	v24 =	vld.idx.msk [tilespmem:v48+s14+$0x0], $0xffff  }
0xd6: {  	v22 =	vshll.u32 v60, $0x2;
	[tilespmem:v9+s21+$0x0] =	vst.idx.add.f32.msk $0xffff, v10  }
0xd7: {  	v2 =	vand.u32 $0x7F, v60;
	v22 =	vand.u32 $0xFE00, v22;
	v6 =	vmul.f32 v13, v19;
	[tilespmem:v7+s21+$0x0] =	vst.idx.add.f32.msk $0xffff, v11  }
0xd8: {  	v22 =	vor.u32 v2, v22;
	v21 =	vor.u32 $0x180, v21;
	v1 =	vshrl.u32 v17, $0x15;
	v12 =	vld.idx.msk [tilespmem:v12+s3+$0x0], $0xffff  }
0xd9: {  	v53 =	vshrl.u32 v46, $0x15;
	v23 =	vor.u32 $0x100, v8;
	v18 =	vshrl.u32 v14, $0x15;
	[tilespmem:v15+s21+$0x0] =	vst.idx.add.f32.msk $0xffff, v6  }
0xda: {  	v13 =	vshrl.u32 v17, $0xE;
	v9 =	vshll.u32 v17, $0x2;
	v10 =	vshll.u32 v14, $0x2;
	v20 =	vld.idx.msk [tilespmem:v16+s16+$0x0], $0xffff  }
0xdb: {  	v7 =	vld.idx.msk [tilespmem:v42+s16+$0x0], $0xffff;
	v11 =	vand.u32 $0x3FFF, v17;
	v17 =	vand.u32 $0x7F, v17;
	v13 =	vand.u32 $0x7F, v13  }
0xdc: {  	v55 =	vshll.u32 v18, $0x7;
	v9 =	vand.u32 $0xFE00, v9;
	v6 =	vshrl.u32 v14, $0xE  }
0xdd: {  	v15 =	vshrl.u32 v46, $0xE;
	v54 =	vmul.f32 v54, v5;
	v16 =	vshll.u32 v1, $0x7  }
0xde: {  	v6 =	vand.u32 $0x7F, v6;
	v56 =	vand.u32 $0x7F, v15;
	v15 =	vor.u32 v13, v16  }
0xdf: {  	v2 =	vld.idx.msk [tilespmem:v22+s16+$0x0], $0xffff;
	v16 =	vor.u32 v6, v55;
	v12 =	vadd.f32 v24, v12;
	v20 =	vmul.f32 v20, v19  }
0xe0: {  	v10 =	vand.u32 $0xFE00, v10;
	[tilespmem:v43+s21+$0x0] =	vst.idx.add.f32.msk $0xffff, v54;
	v7 =	vmul.f32 v7, v62;
	v24 =	vor.u32 v17, v9  }
0xe1: {  	v9 =	vand.u32 $0x7F, v46;
	v59 =	vmul.f32 $2.000000030e-01, v12;
	[tilespmem:v23+s21+$0x0] =	vst.idx.add.f32.msk $0xffff, v20;
	v20 =	vshll.u32 v46, $0x2  }
0xe2: {  	[tilespmem:v32+s21+$0x0] =	vst.idx.add.f32.msk $0xffff, v7;
	vm12 =	vge.f32 v12, $0.0e+00;
	v23 =	vand.u32 $0x7F, v14;
	v57 =	vand.u32 $0xFE00, v20  }
0xe3: {  	v20 =	vor.u32 v23, v10;
	v10 =	vld.idx.msk [tilespmem:v15+s14+$0x0], $0xffff;
	v17 =	vor.u32 v9, v57;
	v9 =	vshll.u32 v53, $0x7  }
0xe4: {  	v61 =	vor.u32 $0x100, v43;
	v23 =	vor.u32 v56, v9;
	v9 =	vld.idx.msk [tilespmem:v11+s3+$0x0], $0xffff;
	v11 =	vsel vm12, v12, v59  }
0xe5: {  	v26 =	vor.u32 $0x80, v31;
	v52 =	vmul.f32 v2, v63;
	v21 =	vld.idx.msk [tilespmem:v21+s16+$0x0], $0xffff;
	v60 =	vsub.f32 v11, v0  }
0xe6: {  	v47 =	vor.u32 $0x80, v42;
	v7 =	vshll.u32 v18, $0x9;
	v57 =	vand.u32 $0x3FFF, v14;
	v59 =	vld.idx.msk [tilespmem:v16+s14+$0x0], $0xffff;
	[tilespmem:$0x1FFB0] =	vst v61  }
0xe7: {  	v14 =	vor.u32 v6, v7;
	[tilespmem:v44+s21+$0x0] =	vst.idx.add.f32.msk $0xffff, v52;
	v6 =	vmul.f32 $1.442695020e+00, v60;
	v60 =	vor.u32 $0x100, v32  }
0xe8: {  	v49 =	vor.u32 $0x80, v22;
	v61 =	vor.u32 $0x100, v44;
	[tilespmem:$0x1FFC0] =	vst v60  }
0xe9: {  	v46 =	vand.u32 $0x3FFF, v46;
	v12 =	vshll.u32 v1, $0x9;
	v1 =	vor.u32 $0x180, v31;
	v55 =	vld.idx.msk [tilespmem:v23+s14+$0x0], $0xffff;
	[tilespmem:$0x1FFD0] =	vst v61  }
0xea: {  	v45 =	vor.u32 $0x80, v43;
	v41 =	vor.u32 $0x100, v31;
	v51 =	vor.u32 $0x80, v44;
	v61 =	vld.idx.msk [tilespmem:v26+s16+$0x0], $0xffff;
	[tilespmem:$0x1FFE0] =	vst v1  }
0xeb: {  	v58 =	vor.u32 $0x100, v22;
	v50 =	vor.u32 $0x80, v32;
	v29 =	vmul.f32 v29, v40;
	v31 =	vld.idx.msk [tilespmem:v57+s3+$0x0], $0xffff  }
0xec: {  	v54 =	vor.u32 $0x100, v42;
	v18 =	vor.u32 $0x180, v42;
	v19 =	vmul.f32 v21, v19;
	v2 =	vld.idx.msk [tilespmem:v47+s16+$0x0], $0xffff  }
0xed: {  	v60 =	vor.u32 $0x180, v8;
	v26 =	vor.u32 $0x180, v22;
	v22 =	vshll.u32 v53, $0x9;
	v53 =	vld.idx.msk [tilespmem:v49+s16+$0x0], $0xffff  }
0xee: {  	v52 =	vadd.f32 v10, v9;
	(erf) = vpow2.f32 v6;
	v21 =	vor.u32 v56, v22;
	v56 =	vld.idx.msk [tilespmem:v46+s3+$0x0], $0xffff  }
0xef: {  	v13 =	vor.u32 v13, v12;
	v11 =	vor.u32 $0x180, v32;
	v10 =	vor.u32 $0x180, v43;
	[tilespmem:v25+s21+$0x0] =	vst.idx.add.f32.msk $0xffff, v29  }
0xf0: {  	v9 =	vor.u32 $0x180, v44;
	v22 =	vor.u32 $0x80, v24;
	v57 =	vmul.f32 $2.000000030e-01, v52;
	v1 =	vld.idx.msk [tilespmem:v27+s16+$0x0], $0xffff  }
0xf1: {  	vm13 =	vge.f32 v52, $0.0e+00;
	v25 =	vor.u32 $0x80, v20;
	v49 =	vld.idx.msk [tilespmem:v36+s16+$0x0], $0xffff;
	v36 =	vor.u32 $0x180, v24  }
0xf2: {  	[tilespmem:v60+s21+$0x0] =	vst.idx.add.f32.msk $0xffff, v19;
	v19 =	vor.u32 $0x80, v13;
	v60 =	vmul.f32 v61, v5;
	v61 =	vshll.u32 v28, $0x2  }
0xf3: {  	v29 =	vsel vm13, v52, v57;
	v28 =	vand.u32 $0x7F, v28;
	v44 =	vand.u32 $0xFE00, v61  }
0xf4: {  	v27 =	vsub.f32 v29, v0;
	v29 =	vor.u32 $0x80, v21;
	[tilespmem:v45+s21+$0x0] =	vst.idx.add.f32.msk $0xffff, v60;
	v45 =	vor.u32 v28, v44  }
0xf5: {  	v32 =	vmul.f32 v2, v62;
	v42 =	vmul.f32 v53, v63;
	v2 =	vadd.f32 v59, v31  }
0xf6: {  	v43 =	vadd.f32 v55, v56;
	v31 =	vor.u32 $0x80, v14;
	v56 =	vmul.f32 $1.442695020e+00, v27;
	v60 =	vld.idx.msk [tilespmem:v30+s16+$0x0], $0xffff  }
0xf7: {  	v27 =	vor.u32 $0x100, v24;
	v34 =	vmul.f32 v1, v34;
	[tilespmem:v50+s21+$0x0] =	vst.idx.add.f32.msk $0xffff, v32;
	v57 =	vmul.f32 $2.000000030e-01, v2;
	v44 =	vpop (erf)  }
0xf8: {  	v61 =	vshll.u32 v38, $0x9;
	vm14 =	vge.f32 v2, $0.0e+00;
	(erf) = vpow2.f32 v56;
	[tilespmem:v48+s28+$0x0] =	vst.idx.add.f32.msk @!p0 $0xffff, v44  }
0xf9: {  	v38 =	vor.u32 $0x180, v20;
	v59 =	vmul.f32 $2.000000030e-01, v43;
	v47 =	vsel vm14, v2, v57;
	v48 =	vld.idx.msk [tilespmem:v45+s16+$0x0], $0xffff  }
0xfa: {  	v28 =	vor.u32 $0x80, v17;
	[tilespmem:v51+s21+$0x0] =	vst.idx.add.f32.msk $0xffff, v42;
	vm15 =	vge.f32 v43, $0.0e+00;
	v1 =	vsub.f32 v47, v0  }
0xfb: {  	v30 =	vor.u32 $0x100, v20;
	v50 =	vor.u32 v39, v61;
	[tilespmem:v35+s21+$0x0] =	vst.idx.add.f32.msk $0xffff, v34;
	v43 =	vsel vm15, v43, v59  }
0xfc: {  	v2 =	vld.idx.msk [tilespmem:v41+s16+$0x0], $0xffff;
	v57 =	vor.u32 $0x80, v45;
	v33 =	vmul.f32 v60, v33;
	v59 =	vmul.f32 $1.442695020e+00, v1  }
0xfd: {  	v32 =	vor.u32 $0x100, v17;
	v42 =	vor.u32 $0x100, v13;
	v46 =	vld.idx.msk [tilespmem:v54+s16+$0x0], $0xffff;
	v56 =	vsub.f32 v43, v0  }
0xfe: {  	v35 =	vor.u32 $0x100, v21;
	[tilespmem:v37+s21+$0x0] =	vst.idx.add.f32.msk $0xffff, v33;
	(erf) = vpow2.f32 v59;
	v61 =	vmul.f32 v48, v44  }
0xff: {  	v39 =	vor.u32 $0x180, v17;
	v34 =	vor.u32 $0x180, v14;
	v60 =	vmul.f32 $1.442695020e+00, v56;
	v48 =	vld.idx.msk [tilespmem:v58+s16+$0x0], $0xffff  }
0x100: {  	v41 =	vmul.f32 v49, v40;
	v43 =	vor.u32 $0x100, v14;
	v33 =	vor.u32 $0x180, v13;
	[tilespmem:v50+s21+$0x0] =	vst.idx.add.f32.msk $0xffff, v61  }
0x101: {  	s30 =	simm.s32 $0x1B960;
	s29 =	simm.s32 $0x8;
	v37 =	vor.u32 $0x180, v21;
	v54 =	vmul.f32 v2, v5;
	(erf) = vpow2.f32 v60;
	v40 =	vpop (erf);
	v52 =	vld.idx.msk [tilespmem:v57+s16+$0x0], $0xffff  }
.LBB2_13:
0x102: {  	v51 =	vld [tilespmem:s30+$0x10]  }
0x103: {  	v56 =	vld [tilespmem:s30+$0xFFFFFFF0]  }
0x104: {  	v12 =	vld [tilespmem:$0x1FFB0]  }
0x105: {  	v57 =	vld [tilespmem:s30+$0x0];
	v58 =	vor.u32 $0x80, v50  }
0x106: {  	v59 =	vld [tilespmem:s30+$0xFFFFFFE0];
	v60 =	vor.u32 $0x100, v45  }
0x107: {  	v47 =	vpop (erf);
	[tilespmem:v15+s28+$0x0] =	vst.idx.add.f32.msk @!p0 $0xffff, v40  }
0x108: {  	[tilespmem:v16+s28+$0x0] =	vst.idx.add.f32.msk @!p0 $0xffff, v47;
	v16 =	vmul.f32 v52, v44  }
0x109: {  	v1 =	vld.idx.msk [tilespmem:v24+s16+$0x0], $0xffff  }
0x10a: {  	[tilespmem:v58+s21+$0x0] =	vst.idx.add.f32.msk $0xffff, v16  }
0x10b: {  	v60 =	vld.idx.msk [tilespmem:v60+s16+$0x0], $0xffff  }
0x10c: {  	v53 =	vmul.f32 v48, v63;
	v15 =	vshrl.u32 v51, $0xE;
	v49 =	vshrl.u32 v51, $0x15;
	[tilespmem:v12+s21+$0x0] =	vst.idx.add.f32.msk $0xffff, v54  }
0x10d: {  	v61 =	vand.u32 $0x3FFF, v51;
	v48 =	vand.u32 $0x7F, v15;
	v15 =	vshll.u32 v49, $0x7;
	v12 =	vld [tilespmem:$0x1FFC0]  }
0x10e: {  	[tilespmem:$0x1FF80] =	vst v10;
	v55 =	vmul.f32 v46, v62;
	v46 =	vpop (erf);
	v52 =	vor.u32 v48, v15  }
0x10f: {  	v45 =	vor.u32 $0x180, v45;
	v24 =	vor.u32 $0x100, v50;
	[tilespmem:v23+s28+$0x0] =	vst.idx.add.f32.msk @!p0 $0xffff, v46;
	v23 =	vshrl.u32 v56, $0xE  }
0x110: {  	[tilespmem:$0x1FF60] =	vst v62;
	v7 =	vld.idx.msk [tilespmem:v20+s16+$0x0], $0xffff;
	v62 =	vshrl.u32 v56, $0x15;
	v0 =	vshrl.u32 v57, $0x15;
	v10 =	vand.u32 $0x3FFF, v57  }
0x111: {  	v16 =	vshrl.u32 v57, $0xE;
	v4 =	vand.u32 $0x7F, v23;
	v23 =	vshll.u32 v62, $0x7;
	v3 =	vld.idx.msk [tilespmem:v17+s16+$0x0], $0xffff  }
0x112: {  	v20 =	vshll.u32 v0, $0x7;
	v6 =	vand.u32 $0x7F, v16;
	v61 =	vld.idx.msk [tilespmem:v61+s3+$0x0], $0xffff;
	v60 =	vmul.f32 v60, v44  }
0x113: {  	v16 =	vor.u32 v4, v23;
	v23 =	vor.u32 v6, v20;
	v8 =	vld.idx.msk [tilespmem:v52+s14+$0x0], $0xffff  }
0x114: {  	v17 =	vshll.u32 v59, $0x2;
	[tilespmem:v24+s21+$0x0] =	vst.idx.add.f32.msk $0xffff, v60  }
0x115: {  	v50 =	vor.u32 $0x180, v50;
	v17 =	vand.u32 $0xFE00, v17;
	[tilespmem:v12+s21+$0x0] =	vst.idx.add.f32.msk $0xffff, v55;
	v12 =	vmovc v43;
	v43 =	vand.u32 $0x7F, v59  }
0x116: {  	[tilespmem:$0x1FF90] =	vst v11;
	v11 =	vmovc v9;
	v9 =	vand.u32 $0x3FFF, v59;
	v2 =	vand.u32 $0x3FFF, v56;
	v24 =	vor.u32 v43, v17;
	v43 =	vld.idx.msk [tilespmem:v45+s16+$0x0], $0xffff  }
0x117: {  	v58 =	vshrl.u32 v59, $0x15;
	v15 =	vshrl.u32 v59, $0xE;
	v10 =	vld.idx.msk [tilespmem:v10+s3+$0x0], $0xffff;
	v3 =	vmul.f32 v3, v46  }
0x118: {  	v20 =	vshll.u32 v56, $0x2;
	v59 =	vand.u32 $0x7F, v56;
	v56 =	vld.idx.msk [tilespmem:v23+s14+$0x0], $0xffff;
	v8 =	vadd.f32 v8, v61  }
0x119: {  	v0 =	vshll.u32 v0, $0x9;
	v54 =	vmov v42;
	[tilespmem:v21+s21+$0x0] =	vst.idx.add.f32.msk $0xffff, v3  }
0x11a: {  	v42 =	vshll.u32 v57, $0x2;
	[tilespmem:$0x1FFB0] =	vst v54;
	v54 =	vld.idx.msk [tilespmem:v16+s14+$0x0], $0xffff;
	v61 =	vshll.u32 v62, $0x9;
	v62 =	vmul.f32 $2.000000030e-01, v8  }
0x11b: {  	v0 =	vor.u32 v6, v0;
	v2 =	vld.idx.msk [tilespmem:v2+s3+$0x0], $0xffff;
	vm0 =	vge.f32 v8, $0.0e+00;
	v43 =	vmul.f32 v43, v44  }
0x11c: {  	[tilespmem:$0x1FF70] =	vst v63;
	v42 =	vand.u32 $0xFE00, v42;
	v17 =	vand.u32 $0x7F, v57;
	v6 =	vsel vm0, v8, v62;
	v62 =	vld [tilespmem:$0x1FFF0]  }
0x11d: {  	v63 =	vand.u32 $0x7F, v15;
	v15 =	vshll.u32 v58, $0x7;
	v17 =	vor.u32 v17, v42;
	[tilespmem:v50+s21+$0x0] =	vst.idx.add.f32.msk $0xffff, v43  }
0x11e: {  	v15 =	vor.u32 v63, v15;
	v57 =	vor.u32 $0x80, v17;
	v50 =	vld.idx.msk [tilespmem:v28+s16+$0x0], $0xffff  }
0x11f: {  	v28 =	vmov v57;
	v57 =	vld [tilespmem:$0x1FFD0];
	_ =	sdelay $0x1  }
0x120: {  	v7 =	vmul.f32 v7, v47  }
0x121: {  	v9 =	vld.idx.msk [tilespmem:v9+s3+$0x0], $0xffff;
	v60 =	vshll.u32 v58, $0x9;
	v58 =	vor.u32 $0x80, v0;
	v21 =	vmovc v0;
	v0 =	vadd.f32 v54, v2  }
0x122: {  	v1 =	vmul.f32 v1, v40;
	v45 =	vld.idx.msk [tilespmem:v15+s14+$0x0], $0xffff  }
0x123: {  	[tilespmem:v14+s21+$0x0] =	vst.idx.add.f32.msk $0xffff, v7;
	v7 =	vadd.f32 v56, v10;
	v10 =	vmul.f32 $2.000000030e-01, v0;
	v6 =	vsub.f32 v6, v62  }
0x124: {  	[tilespmem:v13+s21+$0x0] =	vst.idx.add.f32.msk $0xffff, v1;
	vm1 =	vge.f32 v0, $0.0e+00  }
0x125: {  	v0 =	vsel vm1, v0, v10;
	v10 =	vld [tilespmem:$0x1FFA0];
	v6 =	vmul.f32 $1.442695020e+00, v6  }
0x126: {  	v20 =	vand.u32 $0xFE00, v20;
	v4 =	vor.u32 v4, v61;
	[tilespmem:v57+s21+$0x0] =	vst.idx.add.f32.msk $0xffff, v53  }
0x127: {  	v1 =	vor.u32 $0x80, v4;
	v14 =	vmovc v4;
	v4 =	vadd.f32 v45, v9;
	(erf) = vpow2.f32 v6;
	v57 =	vld [tilespmem:$0x1FFE0]  }
0x128: {  	v20 =	vor.u32 v59, v20;
	v42 =	vor.u32 v63, v60;
	v8 =	vor.u32 $0x80, v24  }
0x129: {  	v3 =	vld.idx.msk [tilespmem:v22+s16+$0x0], $0xffff;
	v44 =	vor.u32 $0x80, v20;
	v2 =	vor.u32 $0x100, v21;
	v6 =	vmul.f32 $2.000000030e-01, v4  }
0x12a: {  	v22 =	vmovc v8;
	v8 =	vld.idx.msk [tilespmem:v25+s16+$0x0], $0xffff;
	v45 =	vshll.u32 v51, $0x2;
	v25 =	vmovc v44;
	v44 =	vmul.f32 $2.000000030e-01, v7;
	vm15 =	vge.f32 v4, $0.0e+00  }
0x12b: {  	v63 =	vmovc v35;
	v56 =	vsel vm15, v4, v6;
	v4 =	vand.u32 $0x7F, v51;
	v6 =	vand.u32 $0xFE00, v45  }
0x12c: {  	vm2 =	vge.f32 v7, $0.0e+00;
	v35 =	vmovc v2;
	v45 =	vor.u32 v4, v6;
	v4 =	vld.idx.msk [tilespmem:v18+s16+$0x0], $0xffff;
	v2 =	vsub.f32 v56, v62  }
0x12d: {  	v7 =	vsel vm2, v7, v44;
	v0 =	vsub.f32 v0, v62;
	v6 =	vld.idx.msk [tilespmem:v26+s16+$0x0], $0xffff  }
0x12e: {  	v7 =	vsub.f32 v7, v62;
	[tilespmem:v10+s21+$0x0] =	vst.idx.add.f32.msk $0xffff, v41;
	v2 =	vmul.f32 $1.442695020e+00, v2  }
0x12f: {  	[tilespmem:$0x1FFD0] =	vst v63;
	v0 =	vmul.f32 $1.442695020e+00, v0;
	v26 =	vmul.f32 v50, v46;
	v63 =	vld.idx.msk [tilespmem:v57+s16+$0x0], $0xffff  }
0x130: {  	v7 =	vmul.f32 $1.442695020e+00, v7;
	v44 =	vpop (erf);
	(erf) = vpow2.f32 v2;
	v57 =	vld [tilespmem:$0x1FF60]  }
0x131: {  	v3 =	vmul.f32 v3, v40;
	[tilespmem:v29+s21+$0x0] =	vst.idx.add.f32.msk $0xffff, v26;
	(erf) = vpow2.f32 v0  }
0x132: {  	(erf) = vpow2.f32 v7;
	v7 =	vld [tilespmem:$0x1FF70]  }
0x133: {  	[tilespmem:v19+s21+$0x0] =	vst.idx.add.f32.msk $0xffff, v3  }
0x134: {  	[tilespmem:v52+s28+$0x0] =	vst.idx.add.f32.msk @!p0 $0xffff, v44  }
0x135: {  	v53 =	vld.idx.msk [tilespmem:v45+s16+$0x0], $0xffff;
	v0 =	vmul.f32 v4, v57;
	v4 =	vshll.u32 v49, $0x9  }
0x136: {  	v50 =	vor.u32 v48, v4;
	v48 =	vld.idx.msk [tilespmem:v32+s16+$0x0], $0xffff  }
0x137: {  	v61 =	vor.u32 $0x100, v17;
	v41 =	vmul.f32 v6, v7;
	v7 =	vld [tilespmem:$0x1FF80]  }
0x138: {  	v59 =	vor.u32 $0x100, v24;
	v60 =	vor.u32 $0x100, v20;
	v8 =	vmul.f32 v8, v47;
	v32 =	vmovc v61;
	v61 =	vld [tilespmem:$0x1FF90]  }
0x139: {  	[tilespmem:$0x1FFC0] =	vst v12;
	v55 =	vor.u32 $0x80, v42;
	v9 =	vor.u32 $0x180, v24;
	v4 =	vld.idx.msk [tilespmem:v27+s16+$0x0], $0xffff;
	v27 =	vmovc v59;
	v59 =	vor.u32 $0x80, v45  }
0x13a: {  	s29 =	sadd.s32 $0x4, s29;
	v13 =	vmovc v42;
	v54 =	vmovc v36;
	v36 =	vmov v9;
	v9 =	vor.u32 $0x180, v20;
	[tilespmem:v31+s21+$0x0] =	vst.idx.add.f32.msk $0xffff, v8;
	v6 =	vmov v11  }
0x13b: {  	p1 =	slt.u32 s29, $0x78;
	v42 =	vor.u32 $0x100, v13;
	v43 =	vor.u32 $0x100, v14;
	[tilespmem:$0x1FFA0] =	vst v6;
	v6 =	vmul.f32 v53, v44  }
.Ltmp5:
0x13c: {  	v18 =	vmovc v38;
	v10 =	vor.u32 $0x180, v17;
	v56 =	vmul.f32 v63, v5;
	v5 =	vor.u32 $0x180, v21;
	v63 =	vmovc v46;
	v46 =	vld.idx.msk [tilespmem:v30+s16+$0x0], $0xffff;
	(pc) =	sbr.rel @p1 .LBB2_13-.Ltmp5, $4  }
0x13d: {  	v38 =	vmovc v9;
	v62 =	vmovc v47;
	v31 =	vmov v1;
	v9 =	vmov v37;
	v52 =	vor.u32 $0x180, v14;
	[tilespmem:v50+s21+$0x0] =	vst.idx.add.f32.msk $0xffff, v6  }
0x13e: {  	[tilespmem:$0x1FFE0] =	vst v54;
	v29 =	vmovc v58;
	v26 =	vmovc v39;
	v39 =	vmov v10;
	v11 =	vmov v34;
	v34 =	vmov v52;
	v52 =	vld.idx.msk [tilespmem:v59+s16+$0x0], $0xffff  }
0x13f: {  	v10 =	vmovc v33;
	v3 =	vor.u32 $0x180, v13;
	v19 =	vmovc v55;
	v37 =	vmov v5;
	v5 =	vmov v40;
	[tilespmem:v7+s21+$0x0] =	vst.idx.add.f32.msk $0xffff, v56  }
0x140: {  	s30 =	sadd.s32 $0x40, s30;
	v33 =	vmov v3;
	v30 =	vmov v60;
	v40 =	vpop (erf);
	v54 =	vmul.f32 v4, v5;
	[tilespmem:v61+s21+$0x0] =	vst.idx.add.f32.msk $0xffff, v0  }
0x141: {  	_ =	sdelay $0x1  }
0x142: {  	v0 =	vor.u32 $0x80, v50  }
0x143: {  	v1 =	vor.u32 $0x100, v45  }
0x144: {  	v2 =	vpop (erf);
	[tilespmem:v15+s28+$0x0] =	vst.idx.add.f32.msk @!p0 $0xffff, v40  }
0x145: {  	[tilespmem:v16+s28+$0x0] =	vst.idx.add.f32.msk @!p0 $0xffff, v2;
	v3 =	vmul.f32 v52, v44  }
0x146: {  	v6 =	vld.idx.msk [tilespmem:v20+s16+$0x0], $0xffff  }
0x147: {  	[tilespmem:v0+s21+$0x0] =	vst.idx.add.f32.msk $0xffff, v3  }
0x148: {  	v1 =	vld.idx.msk [tilespmem:v1+s16+$0x0], $0xffff  }
0x149: {  	v0 =	vpop (erf);
	v3 =	vld.idx.msk [tilespmem:v24+s16+$0x0], $0xffff  }
0x14a: {  	v4 =	vor.u32 $0x100, v50;
	[tilespmem:v23+s28+$0x0] =	vst.idx.add.f32.msk @!p0 $0xffff, v0  }
0x14b: {  	v8 =	vld.idx.msk [tilespmem:v17+s16+$0x0], $0xffff;
	_ =	sdelay $0x1  }
0x14c: {  	v1 =	vmul.f32 v1, v44  }
0x14d: {  	v60 =	vmul.f32 v3, v40  }
0x14e: {  	[tilespmem:v4+s21+$0x0] =	vst.idx.add.f32.msk $0xffff, v1;
	v4 =	vmul.f32 v6, v2  }
0x14f: {  	[tilespmem:v13+s21+$0x0] =	vst.idx.add.f32.msk $0xffff, v60;
	v6 =	vmul.f32 v8, v0  }
0x150: {  	[tilespmem:v14+s21+$0x0] =	vst.idx.add.f32.msk $0xffff, v4  }
0x151: {  	[tilespmem:v21+s21+$0x0] =	vst.idx.add.f32.msk $0xffff, v6  }
0x152: {  	v7 =	vor.u32 $0x180, v45;
	v12 =	vld [tilespmem:$0x1FFB0];
	_ =	sdelay $0x3  }
0x153: {  	v1 =	vld.idx.msk [tilespmem:v22+s16+$0x0], $0xffff  }
0x154: {  	v3 =	vld.idx.msk [tilespmem:v7+s16+$0x0], $0xffff  }
0x155: {  	v6 =	vld.idx.msk [tilespmem:v25+s16+$0x0], $0xffff  }
0x156: {  	v7 =	vld.idx.msk [tilespmem:v28+s16+$0x0], $0xffff  }
0x157: {  	v4 =	vor.u32 $0x180, v50;
	[tilespmem:v12+s21+$0x0] =	vst.idx.add.f32.msk $0xffff, v54  }
0x158: {  	v12 =	vld [tilespmem:$0x1FFC0];
	_ =	sdelay $0x1  }
0x159: {  	v3 =	vmul.f32 v3, v44  }
0x15a: {  	v1 =	vmul.f32 v1, v40  }
0x15b: {  	v61 =	vmul.f32 v7, v0;
	[tilespmem:v4+s21+$0x0] =	vst.idx.add.f32.msk $0xffff, v3  }
0x15c: {  	v3 =	vmul.f32 v6, v2;
	[tilespmem:v19+s21+$0x0] =	vst.idx.add.f32.msk $0xffff, v1  }
0x15d: {  	v8 =	vmul.f32 v46, v62;
	[tilespmem:v29+s21+$0x0] =	vst.idx.add.f32.msk $0xffff, v61  }
0x15e: {  	[tilespmem:v31+s21+$0x0] =	vst.idx.add.f32.msk $0xffff, v3  }
0x15f: {  	[tilespmem:v12+s21+$0x0] =	vst.idx.add.f32.msk $0xffff, v8  }
0x160: {  	v7 =	vld [tilespmem:$0x1FFD0];
	_ =	sdelay $0x4  }
0x161: {  	v44 =	vld.idx.msk [tilespmem:v27+s16+$0x0], $0xffff  }
0x162: {  	v3 =	vmul.f32 v48, v63;
	v4 =	vld.idx.msk [tilespmem:v30+s16+$0x0], $0xffff  }
0x163: {  	v6 =	vld.idx.msk [tilespmem:v32+s16+$0x0], $0xffff  }
0x164: {  	[tilespmem:v7+s21+$0x0] =	vst.idx.add.f32.msk $0xffff, v3  }
0x165: {  	v3 =	vld [tilespmem:$0x1FFE0]  }
0x166: {  	v1 =	vmul.f32 v44, v40  }
0x167: {  	v4 =	vmul.f32 v4, v2  }
0x168: {  	v6 =	vmul.f32 v6, v0;
	[tilespmem:v42+s21+$0x0] =	vst.idx.add.f32.msk $0xffff, v1  }
0x169: {  	[tilespmem:v43+s21+$0x0] =	vst.idx.add.f32.msk $0xffff, v4  }
0x16a: {  	[tilespmem:v35+s21+$0x0] =	vst.idx.add.f32.msk $0xffff, v6  }
0x16b: {  	v1 =	vld.idx.msk [tilespmem:v36+s16+$0x0], $0xffff  }
0x16c: {  	v6 =	vld [tilespmem:$0x1FFA0]  }
0x16d: {  	v3 =	vld.idx.msk [tilespmem:v3+s16+$0x0], $0xffff  }
0x16e: {  	v4 =	vld.idx.msk [tilespmem:v38+s16+$0x0], $0xffff  }
0x16f: {  	v7 =	vld.idx.msk [tilespmem:v18+s16+$0x0], $0xffff  }
0x170: {  	v8 =	vld.idx.msk [tilespmem:v26+s16+$0x0], $0xffff  }
0x171: {  	v1 =	vmul.f32 v1, v40  }
0x172: {  	v3 =	vmul.f32 v3, v5;
	v5 =	vld.idx.msk [tilespmem:v39+s16+$0x0], $0xffff  }
0x173: {  	v2 =	vmul.f32 v4, v2;
	[tilespmem:v33+s21+$0x0] =	vst.idx.add.f32.msk $0xffff, v1  }
0x174: {  	[tilespmem:v6+s21+$0x0] =	vst.idx.add.f32.msk $0xffff, v41;
	v6 =	vmul.f32 v7, v62  }
0x175: {  	[tilespmem:v34+s21+$0x0] =	vst.idx.add.f32.msk $0xffff, v2;
	v7 =	vmul.f32 v8, v63  }
0x176: {  	[tilespmem:v11+s21+$0x0] =	vst.idx.add.f32.msk $0xffff, v6  }
0x177: {  	[tilespmem:v9+s21+$0x0] =	vst.idx.add.f32.msk $0xffff, v7;
	v0 =	vmul.f32 v5, v0  }
0x178: {  	[tilespmem:v10+s21+$0x0] =	vst.idx.add.f32.msk $0xffff, v3  }
0x179: {  	[tilespmem:v37+s21+$0x0] =	vst.idx.add.f32.msk $0xffff, v0  }
0x17a: {  	v0 =	vld [tilespmem:$0x1C040];
	_ =	sdelay $0x4  }
0x17b: {  	v45 =	vshrl.u32 v0, $0xE;
	v46 =	vshrl.u32 v0, $0x15  }
0x17c: {  	v3 =	vand.u32 $0x3FFF, v0;
	v1 =	vand.u32 $0x7F, v45;
	v4 =	vshll.u32 v46, $0x7  }
0x17d: {  	v4 =	vor.u32 v1, v4;
	_ =	sdelay $0x3  }
0x17e: {  	v3 =	vld.idx.msk [tilespmem:v3+s3+$0x0], $0xffff  }
0x17f: {  	v5 =	vld.idx.msk [tilespmem:v4+s14+$0x0], $0xffff;
	_ =	sdelay $0x4  }
0x180: {  	v60 =	vld [tilespmem:$0x1FFF0];
	v3 =	vadd.f32 v5, v3;
	_ =	sdelay $0x1  }
0x181: {  	v5 =	vmul.f32 $2.000000030e-01, v3  }
0x182: {  	vm0 =	vge.f32 v3, $0.0e+00  }
0x183: {  	v3 =	vsel vm0, v3, v5  }
0x184: {  	v3 =	vsub.f32 v3, v60;
	_ =	sdelay $0x1  }
0x185: {  	v3 =	vmul.f32 $1.442695020e+00, v3;
	_ =	sdelay $0x1  }
0x186: {  	(erf) = vpow2.f32 v3;
	_ =	sdelay $0x3  }
0x187: {  	v3 =	vshll.u32 v0, $0x2  }
0x188: {  	v0 =	vand.u32 $0x7F, v0;
	v3 =	vand.u32 $0xFE00, v3  }
0x189: {  	v0 =	vor.u32 v0, v3;
	_ =	sdelay $0x2  }
0x18a: {  	v3 =	vpop (erf)  }
0x18b: {  	[tilespmem:v4+s28+$0x0] =	vst.idx.add.f32.msk @!p0 $0xffff, v3  }
0x18c: {  	v4 =	vld.idx.msk [tilespmem:v0+s16+$0x0], $0xffff  }
0x18d: {  	v2 =	vshll.u32 v46, $0x9  }
0x18e: {  	v1 =	vor.u32 v1, v2  }
0x18f: {  	v47 =	vor.u32 $0x80, v0;
	_ =	sdelay $0x1  }
0x190: {  	v4 =	vmul.f32 v4, v3;
	_ =	sdelay $0x1  }
0x191: {  	[tilespmem:v1+s21+$0x0] =	vst.idx.add.f32.msk $0xffff, v4  }
0x192: {  	v2 =	vld.idx.msk [tilespmem:v47+s16+$0x0], $0xffff;
	_ =	sdelay $0x1  }
0x193: {  	v4 =	vor.u32 $0x80, v1  }
0x194: {  	v5 =	vor.u32 $0x100, v0;
	_ =	sdelay $0x1  }
0x195: {  	v2 =	vmul.f32 v2, v3;
	_ =	sdelay $0x1  }
0x196: {  	[tilespmem:v4+s21+$0x0] =	vst.idx.add.f32.msk $0xffff, v2  }
0x197: {  	v2 =	vld.idx.msk [tilespmem:v5+s16+$0x0], $0xffff;
	_ =	sdelay $0x1  }
0x198: {  	v4 =	vor.u32 $0x100, v1  }
0x199: {  	v0 =	vor.u32 $0x180, v0;
	_ =	sdelay $0x1  }
0x19a: {  	v2 =	vmul.f32 v2, v3;
	_ =	sdelay $0x1  }
0x19b: {  	[tilespmem:v4+s21+$0x0] =	vst.idx.add.f32.msk $0xffff, v2  }
0x19c: {  	v0 =	vld.idx.msk [tilespmem:v0+s16+$0x0], $0xffff;
	_ =	sdelay $0x1  }
0x19d: {  	v1 =	vor.u32 $0x180, v1;
	_ =	sdelay $0x2  }
0x19e: {  	v0 =	vmul.f32 v0, v3;
	_ =	sdelay $0x1  }
0x19f: {  	p1 =	seq.s32 s25, $0x9;
	[tilespmem:v1+s21+$0x0] =	vst.idx.add.f32.msk $0xffff, v0  }
0x1a0: {  	s31 =	simm.s32 $0x1C0A0;
	s26 =	sadd.s32 @!p1 s26, s10;
	_ =	swait.ge [sflag:s22], $0x7D0  }
0x1a1: {  	s29 =	simm.s32 @!p1 $0x1B880;
	s26 =	sshrl.u32 @!p1 s26, $0x3;
	[sflag:s22] =	ssyncset.done $0x0  }
0x1a2: {  	s26 =	sadd.s32 @!p1 s4, s26;
	s28 =	simm.s32 @!p1 $0x0;
	[sflag:s22] =	ssyncadd.s32 $0xFFFFF830  }
0x1a3: {  	[tilespmem:s29], [sflag:$0x2] =	stream.linear.gather @!p1 [hbm4b:s26+s28], $0x7D0, $0x38;
	[tilespmem:$0x1C880] =	vst v63  }
0x1a4: {  	v48 =	vld [tilespmem:s31+$0x10];
	_ =	sdelay $0x4  }
0x1a5: {  	v49 =	vshrl.u32 v48, $0xE;
	v50 =	vshrl.u32 v48, $0x15  }
0x1a6: {  	v3 =	vand.u32 $0x3FFF, v48;
	v1 =	vand.u32 $0x7F, v49;
	v4 =	vshll.u32 v50, $0x7  }
0x1a7: {  	v4 =	vor.u32 v1, v4;
	_ =	sdelay $0x2  }
0x1a8: {  	v6 =	vld [tilespmem:s31+$0xFFFFFFF0]  }
0x1a9: {  	v3 =	vld.idx.msk [tilespmem:v3+s3+$0x0], $0xffff  }
0x1aa: {  	v5 =	vld.idx.msk [tilespmem:v4+s14+$0x0], $0xffff  }
0x1ab: {  	v7 =	vld [tilespmem:s31+$0xFFFFFFE0]  }
0x1ac: {  	v9 =	vld [tilespmem:s31+$0x0];
	_ =	sdelay $0x2  }
0x1ad: {  	v3 =	vadd.f32 v5, v3  }
0x1ae: {  	v10 =	vshrl.u32 v6, $0x15;
	v11 =	vshrl.u32 v7, $0xE;
	v12 =	vshrl.u32 v7, $0x15  }
0x1af: {  	v13 =	vshrl.u32 v9, $0xE;
	v17 =	vshrl.u32 v9, $0x15;
	v8 =	vmul.f32 $2.000000030e-01, v3  }
0x1b0: {  	v19 =	vand.u32 $0x7F, v13;
	v5 =	vshrl.u32 v6, $0xE;
	vm6 =	vge.f32 v3, $0.0e+00  }
0x1b1: {  	v15 =	vand.u32 $0x7F, v5;
	v5 =	vshll.u32 v10, $0x7;
	v3 =	vsel vm6, v3, v8  }
0x1b2: {  	v18 =	vor.u32 v15, v5;
	v5 =	vshll.u32 v17, $0x7;
	v3 =	vsub.f32 v3, v60  }
0x1b3: {  	v14 =	vand.u32 $0x7F, v11;
	v20 =	vor.u32 v19, v5;
	v8 =	vshll.u32 v12, $0x7  }
0x1b4: {  	v16 =	vor.u32 v14, v8;
	v3 =	vmul.f32 $1.442695020e+00, v3  }
0x1b5: {  	v8 =	vand.u32 $0x3FFF, v7  }
0x1b6: {  	(erf) = vpow2.f32 v3;
	v3 =	vand.u32 $0x3FFF, v6  }
0x1b7: {  	v5 =	vand.u32 $0x3FFF, v9;
	v13 =	vld.idx.msk [tilespmem:v18+s14+$0x0], $0xffff  }
0x1b8: {  	v22 =	vld.idx.msk [tilespmem:v20+s14+$0x0], $0xffff  }
0x1b9: {  	v11 =	vld.idx.msk [tilespmem:v16+s14+$0x0], $0xffff  }
0x1ba: {  	v21 =	vshll.u32 v48, $0x2;
	v8 =	vld.idx.msk [tilespmem:v8+s3+$0x0], $0xffff  }
0x1bb: {  	v0 =	vand.u32 $0x7F, v48;
	v21 =	vand.u32 $0xFE00, v21;
	v3 =	vld.idx.msk [tilespmem:v3+s3+$0x0], $0xffff  }
0x1bc: {  	v0 =	vor.u32 v0, v21;
	v5 =	vld.idx.msk [tilespmem:v5+s3+$0x0], $0xffff;
	_ =	sdelay $0x2  }
0x1bd: {  	s26 =	simm.s32 @!p0 $0x19080;
	v8 =	vadd.f32 v11, v8;
	v11 =	vpop (erf)  }
0x1be: {  	[tilespmem:v4+s26+$0x0] =	vst.idx.add.f32.msk @!p0 $0xffff, v11;
	v3 =	vadd.f32 v13, v3  }
0x1bf: {  	v2 =	vshll.u32 v50, $0x9;
	v5 =	vadd.f32 v22, v5;
	v13 =	vmul.f32 $2.000000030e-01, v8;
	v4 =	vld.idx.msk [tilespmem:v0+s16+$0x0], $0xffff  }
0x1c0: {  	v1 =	vor.u32 v1, v2;
	vm7 =	vge.f32 v8, $0.0e+00;
	v21 =	vmul.f32 $2.000000030e-01, v3  }
0x1c1: {  	v51 =	vmul.f32 $2.000000030e-01, v5;
	vm1 =	vge.f32 v3, $0.0e+00;
	v8 =	vsel vm7, v8, v13  }
0x1c2: {  	s28 =	simm.s32 $0x1C0E0;
	v13 =	vor.u32 $0x80, v0;
	v8 =	vsub.f32 v8, v60;
	v3 =	vsel vm1, v3, v21  }
0x1c3: {  	vm8 =	vge.f32 v5, $0.0e+00;
	v21 =	vld [tilespmem:s28+$0x10];
	v3 =	vsub.f32 v3, v60  }
0x1c4: {  	v2 =	vsel vm8, v5, v51;
	v5 =	vmul.f32 $1.442695020e+00, v8;
	v4 =	vmul.f32 v4, v11  }
0x1c5: {  	v2 =	vsub.f32 v2, v60;
	v3 =	vmul.f32 $1.442695020e+00, v3  }
0x1c6: {  	(erf) = vpow2.f32 v5;
	[tilespmem:v1+s21+$0x0] =	vst.idx.add.f32.msk $0xffff, v4  }
0x1c7: {  	v26 =	vshll.u32 v6, $0x2;
	v2 =	vmul.f32 $1.442695020e+00, v2;
	v4 =	vld.idx.msk [tilespmem:v13+s16+$0x0], $0xffff;
	(erf) = vpow2.f32 v3  }
0x1c8: {  	v52 =	vshrl.u32 v21, $0xE;
	v8 =	vshrl.u32 v21, $0x15;
	v24 =	vand.u32 $0x3FFF, v21  }
0x1c9: {  	v22 =	vor.u32 $0x80, v1;
	v3 =	vld [tilespmem:s28+$0xFFFFFFF0];
	v5 =	vand.u32 $0x7F, v52;
	v25 =	vshll.u32 v8, $0x7  }
0x1ca: {  	v17 =	vshll.u32 v17, $0x9;
	(erf) = vpow2.f32 v2;
	v28 =	vor.u32 v5, v25  }
0x1cb: {  	v23 =	vor.u32 $0x100, v0;
	v17 =	vor.u32 v19, v17;
	v6 =	vand.u32 $0x7F, v6;
	v2 =	vld [tilespmem:s28+$0x0]  }
0x1cc: {  	v25 =	vand.u32 $0xFE00, v26;
	v26 =	vshll.u32 v9, $0x2;
	v27 =	vmul.f32 v4, v11;
	v4 =	vld [tilespmem:s28+$0xFFFFFFE0]  }
0x1cd: {  	v29 =	vor.u32 v6, v25;
	v6 =	vand.u32 $0x7F, v9;
	v9 =	vshll.u32 v10, $0x9;
	v10 =	vld.idx.msk [tilespmem:v24+s3+$0x0], $0xffff  }
0x1ce: {  	v58 =	vor.u32 $0x80, v17;
	v13 =	vshll.u32 v7, $0x2;
	v19 =	vand.u32 $0x3FFF, v3;
	[tilespmem:v22+s21+$0x0] =	vst.idx.add.f32.msk $0xffff, v27  }
0x1cf: {  	v0 =	vor.u32 $0x180, v0;
	v7 =	vand.u32 $0x7F, v7;
	v13 =	vand.u32 $0xFE00, v13;
	v24 =	vld.idx.msk [tilespmem:v28+s14+$0x0], $0xffff  }
0x1d0: {  	v8 =	vshll.u32 v8, $0x9;
	v26 =	vand.u32 $0xFE00, v26;
	v22 =	vor.u32 v7, v13;
	v34 =	vpop (erf);
	v7 =	vld.idx.msk [tilespmem:v23+s16+$0x0], $0xffff  }
0x1d1: {  	v25 =	vor.u32 $0x100, v1;
	v1 =	vor.u32 $0x180, v1;
	v53 =	vand.u32 $0x3FFF, v2;
	[tilespmem:v16+s26+$0x0] =	vst.idx.add.f32.msk @!p0 $0xffff, v34;
	v33 =	vpop (erf)  }
0x1d2: {  	v15 =	vor.u32 v15, v9;
	v23 =	vor.u32 v6, v26;
	v6 =	vshll.u32 v12, $0x9;
	[tilespmem:v18+s26+$0x0] =	vst.idx.add.f32.msk @!p0 $0xffff, v33  }
0x1d3: {  	v13 =	vshrl.u32 v3, $0x15;
	v14 =	vor.u32 v14, v6;
	v6 =	vshrl.u32 v3, $0xE;
	v40 =	vpop (erf);
	v19 =	vld.idx.msk [tilespmem:v19+s3+$0x0], $0xffff  }
0x1d4: {  	v12 =	vshrl.u32 v4, $0xE;
	v16 =	vshrl.u32 v4, $0x15;
	v18 =	vshrl.u32 v2, $0xE;
	[tilespmem:v20+s26+$0x0] =	vst.idx.add.f32.msk @!p0 $0xffff, v40  }
0x1d5: {  	v31 =	vand.u32 $0x7F, v6;
	v6 =	vshll.u32 v13, $0x7;
	v30 =	vand.u32 $0x3FFF, v4;
	v32 =	vld.idx.msk [tilespmem:v29+s16+$0x0], $0xffff  }
0x1d6: {  	v26 =	vand.u32 $0x7F, v12;
	v12 =	vshll.u32 v16, $0x7;
	v20 =	vshrl.u32 v2, $0x15;
	v51 =	vld.idx.msk [tilespmem:v53+s3+$0x0], $0xffff  }
0x1d7: {  	v27 =	vld.idx.msk [tilespmem:v22+s16+$0x0], $0xffff;
	v52 =	vor.u32 v26, v12;
	v24 =	vadd.f32 v24, v10;
	v7 =	vmul.f32 v7, v11  }
0x1d8: {  	v6 =	vor.u32 v31, v6;
	v18 =	vand.u32 $0x7F, v18;
	v10 =	vshll.u32 v20, $0x7;
	v35 =	vld.idx.msk [tilespmem:v23+s16+$0x0], $0xffff  }
0x1d9: {  	v54 =	vor.u32 $0x80, v29;
	v10 =	vor.u32 v18, v10;
	[tilespmem:v25+s21+$0x0] =	vst.idx.add.f32.msk $0xffff, v7;
	v7 =	vmul.f32 $2.000000030e-01, v24  }
0x1da: {  	v47 =	vor.u32 $0x100, v29;
	v57 =	vor.u32 $0x80, v15;
	vm9 =	vge.f32 v24, $0.0e+00;
	v59 =	vld.idx.msk [tilespmem:v30+s3+$0x0], $0xffff  }
0x1db: {  	v37 =	vor.u32 $0x80, v22;
	v61 =	vor.u32 $0x100, v22;
	v0 =	vld.idx.msk [tilespmem:v0+s16+$0x0], $0xffff;
	v7 =	vsel vm9, v24, v7  }
0x1dc: {  	v56 =	vor.u32 $0x80, v23;
	v49 =	vor.u32 $0x100, v23;
	v38 =	vld.idx.msk [tilespmem:v52+s14+$0x0], $0xffff;
	v7 =	vsub.f32 v7, v60  }
0x1dd: {  	v36 =	vor.u32 $0x180, v23;
	v9 =	vor.u32 $0x100, v14;
	v55 =	vld.idx.msk [tilespmem:v6+s14+$0x0], $0xffff;
	v63 =	vmul.f32 v27, v34  }
0x1de: {  	v27 =	vor.u32 $0x180, v22;
	v22 =	vmul.f32 v32, v33;
	v62 =	vld.idx.msk [tilespmem:v10+s14+$0x0], $0xffff;
	v30 =	vmul.f32 $1.442695020e+00, v7  }
0x1df: {  	v25 =	vor.u32 $0x100, v17;
	v24 =	vor.u32 $0x80, v14;
	v23 =	vmul.f32 v35, v40;
	[tilespmem:v14+s21+$0x0] =	vst.idx.add.f32.msk $0xffff, v63  }
0x1e0: {  	v35 =	vor.u32 $0x180, v14;
	[tilespmem:v15+s21+$0x0] =	vst.idx.add.f32.msk $0xffff, v22;
	v14 =	vshll.u32 v21, $0x2;
	(erf) = vpow2.f32 v30  }
0x1e1: {  	v21 =	vand.u32 $0x7F, v21;
	v45 =	vld.idx.msk [tilespmem:v37+s16+$0x0], $0xffff;
	v30 =	vor.u32 $0x180, v29;
	v29 =	vadd.f32 v38, v59  }
0x1e2: {  	[tilespmem:v17+s21+$0x0] =	vst.idx.add.f32.msk $0xffff, v23;
	v14 =	vand.u32 $0xFE00, v14;
	v0 =	vmul.f32 v0, v11;
	v11 =	vadd.f32 v55, v19  }
0x1e3: {  	v63 =	vor.u32 $0x180, v17;
	v22 =	vld.idx.msk [tilespmem:v54+s16+$0x0], $0xffff;
	v14 =	vor.u32 v21, v14;
	v23 =	vmul.f32 $2.000000030e-01, v29  }
0x1e4: {  	v19 =	vadd.f32 v62, v51;
	v50 =	vmul.f32 $2.000000030e-01, v11;
	v51 =	vld.idx.msk [tilespmem:v56+s16+$0x0], $0xffff;
	vm10 =	vge.f32 v29, $0.0e+00  }
0x1e5: {  	s28 =	simm.s32 $0x1C120;
	vm11 =	vge.f32 v11, $0.0e+00;
	[tilespmem:v1+s21+$0x0] =	vst.idx.add.f32.msk $0xffff, v0;
	v56 =	vshll.u32 v16, $0x9;
	v53 =	vsel vm10, v29, v23  }
0x1e6: {  	v17 =	vld [tilespmem:s28+$0xFFFFFFE0];
	v32 =	vmul.f32 v45, v34;
	v54 =	vsel vm11, v11, v50;
	v0 =	vsub.f32 v53, v60  }
0x1e7: {  	v42 =	vor.u32 v26, v56;
	v26 =	vld [tilespmem:s28+$0x0];
	v21 =	vmul.f32 $2.000000030e-01, v19;
	v1 =	vsub.f32 v54, v60  }
0x1e8: {  	v7 =	vor.u32 $0x100, v15;
	vm2 =	vge.f32 v19, $0.0e+00;
	[tilespmem:v24+s21+$0x0] =	vst.idx.add.f32.msk $0xffff, v32;
	v0 =	vmul.f32 $1.442695020e+00, v0  }
0x1e9: {  	v37 =	vor.u32 $0x180, v15;
	v11 =	vsel vm2, v19, v21;
	v1 =	vmul.f32 $1.442695020e+00, v1;
	v55 =	vld.idx.msk [tilespmem:v61+s16+$0x0], $0xffff;
	v19 =	vpop (erf)  }
0x1ea: {  	v15 =	vshll.u32 v4, $0x2;
	v11 =	vsub.f32 v11, v60;
	(erf) = vpow2.f32 v0;
	[tilespmem:v28+s26+$0x0] =	vst.idx.add.f32.msk @!p0 $0xffff, v19  }
0x1eb: {  	v4 =	vand.u32 $0x7F, v4;
	v21 =	vmul.f32 v22, v33;
	(erf) = vpow2.f32 v1;
	v23 =	vld.idx.msk [tilespmem:v14+s16+$0x0], $0xffff  }
0x1ec: {  	v24 =	vshll.u32 v3, $0x2;
	v22 =	vmul.f32 v51, v40;
	v11 =	vmul.f32 $1.442695020e+00, v11;
	v28 =	vld [tilespmem:s28+$0x10]  }
0x1ed: {  	v3 =	vand.u32 $0x7F, v3;
	[tilespmem:v57+s21+$0x0] =	vst.idx.add.f32.msk $0xffff, v21;
	v0 =	vor.u32 v5, v8;
	v5 =	vand.u32 $0xFE00, v15  }
0x1ee: {  	[tilespmem:v58+s21+$0x0] =	vst.idx.add.f32.msk $0xffff, v22;
	v8 =	vor.u32 $0x80, v14;
	v15 =	vand.u32 $0xFE00, v24;
	(erf) = vpow2.f32 v11  }
0x1ef: {  	v32 =	vor.u32 v3, v15;
	v3 =	vshll.u32 v13, $0x9;
	v13 =	vld [tilespmem:s28+$0xFFFFFFF0];
	v1 =	vmul.f32 v55, v34  }
0x1f0: {  	v29 =	vor.u32 v4, v5;
	v5 =	vshll.u32 v20, $0x9;
	v11 =	vld.idx.msk [tilespmem:v47+s16+$0x0], $0xffff;
	v23 =	vmul.f32 v23, v19  }
0x1f1: {  	[tilespmem:v9+s21+$0x0] =	vst.idx.add.f32.msk $0xffff, v1;
	v57 =	vand.u32 $0x3FFF, v28  }
0x1f2: {  	v31 =	vor.u32 v31, v3;
	v3 =	vshrl.u32 v28, $0xE;
	v38 =	vshrl.u32 v28, $0x15;
	[tilespmem:v0+s21+$0x0] =	vst.idx.add.f32.msk $0xffff, v23  }
0x1f3: {  	v43 =	vor.u32 v18, v5;
	v39 =	vand.u32 $0x7F, v3;
	v20 =	vshll.u32 v38, $0x7;
	v5 =	vpop (erf);
	v8 =	vld.idx.msk [tilespmem:v8+s16+$0x0], $0xffff  }
0x1f4: {  	v21 =	vshll.u32 v2, $0x2;
	v46 =	vor.u32 v39, v20;
	v61 =	vpop (erf);
	[tilespmem:v52+s26+$0x0] =	vst.idx.add.f32.msk @!p0 $0xffff, v5  }
0x1f5: {  	v2 =	vand.u32 $0x7F, v2;
	v21 =	vand.u32 $0xFE00, v21;
	v15 =	vor.u32 $0x80, v0;
	[tilespmem:v6+s26+$0x0] =	vst.idx.add.f32.msk @!p0 $0xffff, v61  }
0x1f6: {  	v21 =	vor.u32 v2, v21;
	v2 =	vld.idx.msk [tilespmem:v57+s3+$0x0], $0xffff  }
0x1f7: {  	v16 =	vor.u32 $0x100, v14;
	v62 =	vpop (erf);
	v52 =	vld.idx.msk [tilespmem:v29+s16+$0x0], $0xffff  }
0x1f8: {  	v44 =	vor.u32 $0x80, v42;
	v50 =	vshrl.u32 v17, $0x15;
	[tilespmem:v10+s26+$0x0] =	vst.idx.add.f32.msk @!p0 $0xffff, v62;
	v6 =	vmul.f32 v8, v19  }
0x1f9: {  	v51 =	vshrl.u32 v26, $0x15;
	v59 =	vand.u32 $0x7F, v26;
	v24 =	vld.idx.msk [tilespmem:v46+s14+$0x0], $0xffff;
	v8 =	vmul.f32 v11, v33  }
0x1fa: {  	v58 =	vshll.u32 v17, $0x2;
	v56 =	vshll.u32 v51, $0x7;
	v18 =	vor.u32 $0x80, v29;
	[tilespmem:v15+s21+$0x0] =	vst.idx.add.f32.msk $0xffff, v6  }
0x1fb: {  	v45 =	vor.u32 $0x80, v32;
	v14 =	vor.u32 $0x180, v14;
	v1 =	vand.u32 $0xFE00, v58;
	[tilespmem:v7+s21+$0x0] =	vst.idx.add.f32.msk $0xffff, v8  }
0x1fc: {  	v23 =	vor.u32 $0x100, v0;
	v10 =	vshrl.u32 v13, $0x15;
	v11 =	vshrl.u32 v17, $0xE;
	v7 =	vld.idx.msk [tilespmem:v32+s16+$0x0], $0xffff  }
0x1fd: {  	v53 =	vshll.u32 v10, $0x7;
	v11 =	vand.u32 $0x7F, v11;
	v8 =	vand.u32 $0x3FFF, v17;
	v20 =	vld.idx.msk [tilespmem:v16+s16+$0x0], $0xffff  }
0x1fe: {  	v52 =	vmul.f32 v52, v5;
	v6 =	vshrl.u32 v13, $0xE;
	v15 =	vshrl.u32 v26, $0xE  }
0x1ff: {  	v22 =	vld.idx.msk [tilespmem:v49+s16+$0x0], $0xffff;
	v17 =	vand.u32 $0x7F, v17;
	v16 =	vshll.u32 v50, $0x7;
	v6 =	vand.u32 $0x7F, v6  }
0x200: {  	v54 =	vand.u32 $0x7F, v15;
	v2 =	vadd.f32 v24, v2;
	[tilespmem:v42+s21+$0x0] =	vst.idx.add.f32.msk $0xffff, v52;
	v15 =	vor.u32 v11, v16  }
0x201: {  	v24 =	vor.u32 v17, v1;
	v16 =	vor.u32 v6, v53;
	v53 =	vld.idx.msk [tilespmem:v21+s16+$0x0], $0xffff;
	v1 =	vmul.f32 v7, v61  }
0x202: {  	v9 =	vshll.u32 v13, $0x2;
	v57 =	vmul.f32 $2.000000030e-01, v2;
	v7 =	vld.idx.msk [tilespmem:v8+s3+$0x0], $0xffff;
	v20 =	vmul.f32 v20, v19  }
0x203: {  	v47 =	vor.u32 $0x80, v21;
	v9 =	vand.u32 $0xFE00, v9;
	vm12 =	vge.f32 v2, $0.0e+00;
	[tilespmem:v31+s21+$0x0] =	vst.idx.add.f32.msk $0xffff, v1  }
0x204: {  	v8 =	vsel vm12, v2, v57;
	[tilespmem:v23+s21+$0x0] =	vst.idx.add.f32.msk $0xffff, v20;
	v20 =	vshll.u32 v26, $0x2;
	v23 =	vand.u32 $0x7F, v13  }
0x205: {  	v55 =	vand.u32 $0xFE00, v20;
	v20 =	vor.u32 v23, v9;
	v9 =	vld.idx.msk [tilespmem:v15+s14+$0x0], $0xffff;
	v23 =	vor.u32 v54, v56  }
0x206: {  	v57 =	vor.u32 $0x100, v42;
	v56 =	vld.idx.msk [tilespmem:v14+s16+$0x0], $0xffff;
	v17 =	vor.u32 v59, v55;
	v59 =	vmul.f32 v53, v62  }
0x207: {  	v41 =	vor.u32 $0x100, v29;
	v58 =	vshll.u32 v50, $0x9;
	v55 =	vand.u32 $0x3FFF, v13;
	v53 =	vld.idx.msk [tilespmem:v16+s14+$0x0], $0xffff;
	[tilespmem:$0x1FF20] =	vst v57  }
0x208: {  	v48 =	vor.u32 $0x80, v31;
	v13 =	vor.u32 v11, v58;
	v58 =	vor.u32 $0x100, v31;
	[tilespmem:v43+s21+$0x0] =	vst.idx.add.f32.msk $0xffff, v59  }
0x209: {  	v49 =	vor.u32 $0x80, v43;
	v0 =	vor.u32 $0x180, v0;
	v59 =	vor.u32 $0x100, v43;
	[tilespmem:$0x1FF30] =	vst v58  }
0x20a: {  	v50 =	vand.u32 $0x3FFF, v26;
	v2 =	vor.u32 $0x180, v29;
	v8 =	vsub.f32 v8, v60;
	v58 =	vld.idx.msk [tilespmem:v23+s14+$0x0], $0xffff;
	[tilespmem:$0x1FF40] =	vst v59  }
0x20b: {  	v10 =	vshll.u32 v10, $0x9;
	v52 =	vor.u32 $0x100, v32;
	v1 =	vor.u32 $0x100, v21;
	v59 =	vld.idx.msk [tilespmem:v18+s16+$0x0], $0xffff;
	[tilespmem:$0x1FF50] =	vst v2  }
0x20c: {  	v26 =	vor.u32 $0x180, v21;
	v14 =	vor.u32 v6, v10;
	v6 =	vmul.f32 $1.442695020e+00, v8;
	v29 =	vld.idx.msk [tilespmem:v55+s3+$0x0], $0xffff  }
0x20d: {  	v21 =	vshll.u32 v51, $0x9;
	v10 =	vor.u32 $0x180, v42;
	v11 =	vor.u32 $0x180, v31;
	v31 =	vld.idx.msk [tilespmem:v45+s16+$0x0], $0xffff  }
0x20e: {  	(erf) = vpow2.f32 v6;
	v57 =	vadd.f32 v9, v7;
	v19 =	vmul.f32 v56, v19;
	v42 =	vld.idx.msk [tilespmem:v47+s16+$0x0], $0xffff  }
0x20f: {  	v21 =	vor.u32 v54, v21;
	v9 =	vor.u32 $0x180, v43;
	v18 =	vor.u32 $0x180, v32;
	v43 =	vld.idx.msk [tilespmem:v50+s3+$0x0], $0xffff  }
0x210: {  	v32 =	vmul.f32 v22, v40;
	v22 =	vor.u32 $0x80, v24;
	v55 =	vmul.f32 $2.000000030e-01, v57;
	[tilespmem:v0+s21+$0x0] =	vst.idx.add.f32.msk $0xffff, v19  }
0x211: {  	v19 =	vor.u32 $0x80, v13;
	vm13 =	vge.f32 v57, $0.0e+00;
	v50 =	vand.u32 $0x7F, v28;
	v47 =	vld.idx.msk [tilespmem:v27+s16+$0x0], $0xffff  }
0x212: {  	v57 =	vsel vm13, v57, v55;
	v56 =	vmul.f32 v59, v5;
	v59 =	vshll.u32 v28, $0x2  }
0x213: {  	[tilespmem:v25+s21+$0x0] =	vst.idx.add.f32.msk $0xffff, v32;
	v51 =	vsub.f32 v57, v60;
	v28 =	vand.u32 $0xFE00, v59;
	v31 =	vmul.f32 v31, v61  }
0x214: {  	v25 =	vor.u32 $0x80, v20;
	v27 =	vmul.f32 v42, v62;
	[tilespmem:v44+s21+$0x0] =	vst.idx.add.f32.msk $0xffff, v56;
	v45 =	vor.u32 v50, v28  }
0x215: {  	v32 =	vor.u32 $0x100, v17;
	v54 =	vadd.f32 v53, v29;
	v55 =	vadd.f32 v58, v43;
	[tilespmem:v48+s21+$0x0] =	vst.idx.add.f32.msk $0xffff, v31  }
0x216: {  	v29 =	vor.u32 $0x80, v21;
	v0 =	vmul.f32 $1.442695020e+00, v51;
	v34 =	vmul.f32 v47, v34;
	[tilespmem:v49+s21+$0x0] =	vst.idx.add.f32.msk $0xffff, v27  }
0x217: {  	v42 =	vor.u32 $0x100, v13;
	v43 =	vor.u32 $0x100, v14;
	v44 =	vpop (erf);
	v56 =	vmul.f32 $2.000000030e-01, v54;
	v49 =	vld.idx.msk [tilespmem:v30+s16+$0x0], $0xffff  }
0x218: {  	v57 =	vmul.f32 $2.000000030e-01, v55;
	[tilespmem:v46+s26+$0x0] =	vst.idx.add.f32.msk @!p0 $0xffff, v44;
	vm14 =	vge.f32 v54, $0.0e+00;
	(erf) = vpow2.f32 v0  }
0x219: {  	v28 =	vor.u32 $0x80, v17;
	vm15 =	vge.f32 v55, $0.0e+00;
	v58 =	vsel vm14, v54, v56;
	v48 =	vld.idx.msk [tilespmem:v45+s16+$0x0], $0xffff  }
0x21a: {  	[tilespmem:v35+s21+$0x0] =	vst.idx.add.f32.msk $0xffff, v34;
	v59 =	vsel vm15, v55, v57;
	v55 =	vshll.u32 v38, $0x9;
	v0 =	vsub.f32 v58, v60  }
0x21b: {  	v31 =	vor.u32 $0x80, v14;
	v27 =	vor.u32 $0x100, v24;
	v54 =	vld.idx.msk [tilespmem:v36+s16+$0x0], $0xffff;
	v50 =	vor.u32 v39, v55  }
0x21c: {  	v56 =	vld.idx.msk [tilespmem:v41+s16+$0x0], $0xffff;
	v58 =	vor.u32 $0x80, v45;
	v33 =	vmul.f32 v49, v33;
	v0 =	vmul.f32 $1.442695020e+00, v0  }
0x21d: {  	v30 =	vor.u32 $0x100, v20;
	v35 =	vor.u32 $0x100, v21;
	v46 =	vld.idx.msk [tilespmem:v52+s16+$0x0], $0xffff;
	v57 =	vsub.f32 v59, v60  }
0x21e: {  	v34 =	vor.u32 $0x180, v14;
	[tilespmem:v37+s21+$0x0] =	vst.idx.add.f32.msk $0xffff, v33;
	(erf) = vpow2.f32 v0;
	v60 =	vmul.f32 v48, v44  }
0x21f: {  	v36 =	vor.u32 $0x180, v24;
	v38 =	vor.u32 $0x180, v20;
	v59 =	vmul.f32 $1.442695020e+00, v57;
	v48 =	vld.idx.msk [tilespmem:v1+s16+$0x0], $0xffff  }
0x220: {  	v39 =	vor.u32 $0x180, v17;
	v33 =	vor.u32 $0x180, v13;
	v41 =	vmul.f32 v54, v40;
	[tilespmem:v50+s21+$0x0] =	vst.idx.add.f32.msk $0xffff, v60  }
0x221: {  	s29 =	simm.s32 $0x1C160;
	s28 =	simm.s32 $0x8;
	v37 =	vor.u32 $0x180, v21;
	v54 =	vmul.f32 v56, v5;
	(erf) = vpow2.f32 v59;
	v40 =	vpop (erf);
	v52 =	vld.idx.msk [tilespmem:v58+s16+$0x0], $0xffff  }
.LBB2_15:
0x222: {  	v51 =	vld [tilespmem:s29+$0x10]  }
0x223: {  	v1 =	vld [tilespmem:s29+$0xFFFFFFF0]  }
0x224: {  	v55 =	vld [tilespmem:s29+$0x0]  }
0x225: {  	v57 =	vld [tilespmem:s29+$0xFFFFFFE0]  }
0x226: {  	v12 =	vld [tilespmem:$0x1FF20]  }
0x227: {  	v47 =	vpop (erf);
	v56 =	vor.u32 $0x80, v50;
	[tilespmem:v15+s26+$0x0] =	vst.idx.add.f32.msk @!p0 $0xffff, v40  }
0x228: {  	v58 =	vor.u32 $0x100, v45;
	[tilespmem:v16+s26+$0x0] =	vst.idx.add.f32.msk @!p0 $0xffff, v47  }
0x229: {  	[tilespmem:$0x1FF10] =	vst v11;
	v53 =	vmul.f32 v48, v62;
	v11 =	vmov v5;
	v5 =	vmov v63;
	v63 =	vld.idx.msk [tilespmem:v24+s16+$0x0], $0xffff  }
0x22a: {  	[tilespmem:$0x1FEF0] =	vst v9;
	v7 =	vld.idx.msk [tilespmem:v20+s16+$0x0], $0xffff;
	v0 =	vmul.f32 v46, v61;
	v46 =	vpop (erf);
	v16 =	vmul.f32 v52, v44  }
0x22b: {  	v45 =	vor.u32 $0x180, v45;
	v24 =	vor.u32 $0x100, v50;
	v15 =	vshrl.u32 v51, $0xE;
	[tilespmem:v23+s26+$0x0] =	vst.idx.add.f32.msk @!p0 $0xffff, v46  }
0x22c: {  	v49 =	vshrl.u32 v51, $0x15;
	v59 =	vand.u32 $0x3FFF, v51;
	v23 =	vshrl.u32 v1, $0xE;
	[tilespmem:v56+s21+$0x0] =	vst.idx.add.f32.msk $0xffff, v16  }
0x22d: {  	[tilespmem:$0x1FEE0] =	vst v62;
	v9 =	vand.u32 $0x3FFF, v57;
	v48 =	vand.u32 $0x7F, v15;
	v15 =	vshll.u32 v49, $0x7;
	v58 =	vld.idx.msk [tilespmem:v58+s16+$0x0], $0xffff  }
0x22e: {  	v60 =	vshrl.u32 v1, $0x15;
	v62 =	vshrl.u32 v55, $0x15;
	v52 =	vor.u32 v48, v15;
	[tilespmem:v12+s21+$0x0] =	vst.idx.add.f32.msk $0xffff, v54  }
0x22f: {  	[tilespmem:$0x1FF00] =	vst v10;
	v10 =	vand.u32 $0x3FFF, v55;
	v56 =	vshrl.u32 v57, $0x15;
	v15 =	vshrl.u32 v57, $0xE;
	v12 =	vld [tilespmem:$0x1FF30]  }
0x230: {  	[tilespmem:$0x1FED0] =	vst v61;
	v2 =	vand.u32 $0x3FFF, v1;
	v3 =	vld.idx.msk [tilespmem:v17+s16+$0x0], $0xffff;
	v61 =	vand.u32 $0x7F, v15;
	v15 =	vshll.u32 v56, $0x7  }
0x231: {  	v16 =	vshrl.u32 v55, $0xE;
	v4 =	vand.u32 $0x7F, v23;
	v15 =	vor.u32 v61, v15;
	v59 =	vld.idx.msk [tilespmem:v59+s3+$0x0], $0xffff  }
0x232: {  	v23 =	vshll.u32 v60, $0x7;
	v20 =	vshll.u32 v62, $0x7;
	v17 =	vshll.u32 v57, $0x2;
	v9 =	vld.idx.msk [tilespmem:v9+s3+$0x0], $0xffff  }
0x233: {  	v6 =	vand.u32 $0x7F, v16;
	v16 =	vor.u32 v4, v23;
	v54 =	vmovc v42;
	v8 =	vld.idx.msk [tilespmem:v52+s14+$0x0], $0xffff;
	v58 =	vmul.f32 v58, v44  }
0x234: {  	v17 =	vand.u32 $0xFE00, v17;
	v23 =	vor.u32 v6, v20;
	v42 =	vshll.u32 v55, $0x2;
	[tilespmem:$0x1FF20] =	vst v54;
	v10 =	vld.idx.msk [tilespmem:v10+s3+$0x0], $0xffff  }
0x235: {  	v57 =	vand.u32 $0x7F, v57;
	v42 =	vand.u32 $0xFE00, v42;
	[tilespmem:v24+s21+$0x0] =	vst.idx.add.f32.msk $0xffff, v58;
	v58 =	vand.u32 $0x7F, v55  }
0x236: {  	v54 =	vmovc v43;
	v24 =	vor.u32 v57, v17;
	v43 =	vld.idx.msk [tilespmem:v15+s14+$0x0], $0xffff;
	v17 =	vor.u32 v58, v42;
	v42 =	vshll.u32 v56, $0x9  }
0x237: {  	v20 =	vshll.u32 v1, $0x2;
	[tilespmem:v12+s21+$0x0] =	vst.idx.add.f32.msk $0xffff, v0;
	v42 =	vor.u32 v61, v42;
	v61 =	vshll.u32 v62, $0x9  }
0x238: {  	v3 =	vmul.f32 v3, v46;
	v0 =	vadd.f32 v8, v59;
	v6 =	vor.u32 v6, v61;
	v61 =	vld [tilespmem:$0x1FFF0]  }
0x239: {  	v1 =	vand.u32 $0x7F, v1;
	v20 =	vand.u32 $0xFE00, v20;
	v55 =	vld.idx.msk [tilespmem:v23+s14+$0x0], $0xffff  }
0x23a: {  	[tilespmem:v21+s21+$0x0] =	vst.idx.add.f32.msk $0xffff, v3;
	v8 =	vmul.f32 v63, v40;
	v63 =	vshll.u32 v60, $0x9;
	v60 =	vmul.f32 $2.000000030e-01, v0  }
0x23b: {  	v20 =	vor.u32 v1, v20;
	v1 =	vld.idx.msk [tilespmem:v45+s16+$0x0], $0xffff;
	vm0 =	vge.f32 v0, $0.0e+00  }
0x23c: {  	v45 =	vld.idx.msk [tilespmem:v16+s14+$0x0], $0xffff;
	v0 =	vsel vm0, v0, v60  }
0x23d: {  	v7 =	vmul.f32 v7, v47;
	v2 =	vld.idx.msk [tilespmem:v2+s3+$0x0], $0xffff;
	v0 =	vsub.f32 v0, v61  }
0x23e: {  	v50 =	vor.u32 $0x180, v50;
	v4 =	vor.u32 v4, v63;
	v63 =	vld [tilespmem:$0x1FF40]  }
0x23f: {  	v57 =	vor.u32 $0x80, v17;
	[tilespmem:v14+s21+$0x0] =	vst.idx.add.f32.msk $0xffff, v7;
	v0 =	vmul.f32 $1.442695020e+00, v0  }
0x240: {  	v62 =	vshll.u32 v51, $0x2;
	[tilespmem:v13+s21+$0x0] =	vst.idx.add.f32.msk $0xffff, v8;
	v8 =	vor.u32 $0x80, v4;
	v14 =	vmovc v4;
	v4 =	vadd.f32 v43, v9  }
0x241: {  	v7 =	vadd.f32 v55, v10;
	v9 =	vld.idx.msk [tilespmem:v25+s16+$0x0], $0xffff;
	v1 =	vmul.f32 v1, v44;
	(erf) = vpow2.f32 v0  }
0x242: {  	v58 =	vor.u32 $0x80, v6;
	v21 =	vmovc v6;
	v3 =	vld.idx.msk [tilespmem:v22+s16+$0x0], $0xffff;
	v6 =	vmul.f32 $2.000000030e-01, v4;
	v0 =	vadd.f32 v45, v2  }
0x243: {  	v44 =	vor.u32 $0x80, v20;
	vm15 =	vge.f32 v4, $0.0e+00;
	vm2 =	vge.f32 v7, $0.0e+00;
	[tilespmem:v50+s21+$0x0] =	vst.idx.add.f32.msk $0xffff, v1  }
0x244: {  	v25 =	vmovc v44;
	v50 =	vld.idx.msk [tilespmem:v28+s16+$0x0], $0xffff;
	v28 =	vmovc v57;
	v57 =	vsel vm15, v4, v6;
	v6 =	vand.u32 $0xFE00, v62;
	v44 =	vmul.f32 $2.000000030e-01, v0  }
0x245: {  	v12 =	vmovc v35;
	v62 =	vld [tilespmem:$0x1FF50];
	v2 =	vor.u32 $0x100, v21;
	v45 =	vmul.f32 $2.000000030e-01, v7;
	vm1 =	vge.f32 v0, $0.0e+00  }
0x246: {  	[tilespmem:v63+s21+$0x0] =	vst.idx.add.f32.msk $0xffff, v53;
	v35 =	vmov v2;
	v2 =	vsub.f32 v57, v61;
	v0 =	vsel vm1, v0, v44  }
0x247: {  	v4 =	vand.u32 $0x7F, v51;
	v57 =	vld [tilespmem:$0x1FED0];
	v7 =	vsel vm2, v7, v45;
	v0 =	vsub.f32 v0, v61  }
0x248: {  	v45 =	vor.u32 v4, v6;
	v4 =	vld.idx.msk [tilespmem:v18+s16+$0x0], $0xffff;
	v7 =	vsub.f32 v7, v61;
	v2 =	vmul.f32 $1.442695020e+00, v2  }
0x249: {  	v6 =	vld.idx.msk [tilespmem:v26+s16+$0x0], $0xffff;
	v26 =	vmul.f32 v50, v46;
	v0 =	vmul.f32 $1.442695020e+00, v0  }
0x24a: {  	[tilespmem:v5+s21+$0x0] =	vst.idx.add.f32.msk $0xffff, v41;
	v7 =	vmul.f32 $1.442695020e+00, v7;
	v44 =	vpop (erf);
	(erf) = vpow2.f32 v2  }
0x24b: {  	[tilespmem:v29+s21+$0x0] =	vst.idx.add.f32.msk $0xffff, v26;
	(erf) = vpow2.f32 v0  }
0x24c: {  	[tilespmem:$0x1FF30] =	vst v54;
	(erf) = vpow2.f32 v7;
	v7 =	vld [tilespmem:$0x1FEE0]  }
0x24d: {  	v54 =	vor.u32 $0x80, v24;
	[tilespmem:v52+s26+$0x0] =	vst.idx.add.f32.msk @!p0 $0xffff, v44  }
0x24e: {  	v22 =	vmov v54;
	v0 =	vmul.f32 v4, v57;
	v4 =	vshll.u32 v49, $0x9;
	v54 =	vld.idx.msk [tilespmem:v45+s16+$0x0], $0xffff  }
0x24f: {  	v60 =	vor.u32 $0x100, v17;
	v50 =	vor.u32 v48, v4;
	v48 =	vld.idx.msk [tilespmem:v32+s16+$0x0], $0xffff  }
0x250: {  	v32 =	vmov v60;
	v60 =	vld [tilespmem:$0x1FF10]  }
0x251: {  	v41 =	vmul.f32 v6, v7;
	v6 =	vld [tilespmem:$0x1FEF0]  }
0x252: {  	v9 =	vmul.f32 v9, v47;
	v7 =	vld [tilespmem:$0x1FF00]  }
0x253: {  	v56 =	vor.u32 $0x80, v42;
	v13 =	vmov v42;
	v3 =	vmul.f32 v3, v40;
	v51 =	vld.idx.msk [tilespmem:v62+s16+$0x0], $0xffff  }
0x254: {  	v59 =	vor.u32 $0x100, v20;
	v10 =	vor.u32 $0x180, v24;
	v42 =	vor.u32 $0x100, v13;
	v63 =	vmovc v36;
	[tilespmem:v31+s21+$0x0] =	vst.idx.add.f32.msk $0xffff, v9  }
0x255: {  	s28 =	sadd.s32 $0x4, s28;
	v43 =	vor.u32 $0x100, v14;
	v1 =	vor.u32 $0x100, v24;
	v36 =	vmovc v10;
	v10 =	vor.u32 $0x180, v20;
	[tilespmem:v19+s21+$0x0] =	vst.idx.add.f32.msk $0xffff, v3  }
0x256: {  	p1 =	slt.u32 s28, $0x78;
	v53 =	vor.u32 $0x180, v17;
	[tilespmem:$0x1FF50] =	vst v63;
	v18 =	vmovc v38;
	v5 =	vor.u32 $0x180, v21;
	v29 =	vmovc v58;
	v58 =	vor.u32 $0x80, v45;
	v4 =	vld.idx.msk [tilespmem:v27+s16+$0x0], $0xffff  }
.Ltmp6:
0x257: {  	v38 =	vmovc v10;
	v31 =	vmovc v8;
	v62 =	vmov v46;
	v46 =	vld.idx.msk [tilespmem:v30+s16+$0x0], $0xffff;
	v63 =	vmov v6;
	v6 =	vmul.f32 v54, v44;
	(pc) =	sbr.rel @p1 .LBB2_15-.Ltmp6, $4  }
0x258: {  	v9 =	vmovc v37;
	v37 =	vmov v5;
	v19 =	vmov v56;
	v56 =	vmul.f32 v51, v11;
	[tilespmem:v60+s21+$0x0] =	vst.idx.add.f32.msk $0xffff, v0  }
0x259: {  	v10 =	vmovc v33;
	v3 =	vor.u32 $0x180, v13;
	v61 =	vmovc v47;
	v30 =	vmov v59;
	v5 =	vmov v40;
	[tilespmem:v50+s21+$0x0] =	vst.idx.add.f32.msk $0xffff, v6  }
0x25a: {  	v26 =	vmovc v39;
	v39 =	vmovc v53;
	v33 =	vmov v3;
	v52 =	vor.u32 $0x180, v14;
	v11 =	vmov v34;
	[tilespmem:v7+s21+$0x0] =	vst.idx.add.f32.msk $0xffff, v56  }
0x25b: {  	s29 =	sadd.s32 $0x40, s29;
	[tilespmem:$0x1FF40] =	vst v12;
	v27 =	vmov v1;
	v34 =	vmov v52;
	v40 =	vpop (erf);
	v54 =	vmul.f32 v4, v5;
	v52 =	vld.idx.msk [tilespmem:v58+s16+$0x0], $0xffff  }
0x25c: {  	_ =	sdelay $0x2  }
0x25d: {  	v0 =	vor.u32 $0x80, v50  }
0x25e: {  	v1 =	vor.u32 $0x100, v45;
	v2 =	vpop (erf);
	[tilespmem:v15+s26+$0x0] =	vst.idx.add.f32.msk @!p0 $0xffff, v40  }
0x25f: {  	[tilespmem:v16+s26+$0x0] =	vst.idx.add.f32.msk @!p0 $0xffff, v2  }
0x260: {  	v12 =	vld.idx.msk [tilespmem:v24+s16+$0x0], $0xffff;
	v3 =	vmul.f32 v52, v44  }
0x261: {  	v6 =	vld.idx.msk [tilespmem:v20+s16+$0x0], $0xffff  }
0x262: {  	[tilespmem:v0+s21+$0x0] =	vst.idx.add.f32.msk $0xffff, v3  }
0x263: {  	v0 =	vpop (erf);
	v1 =	vld.idx.msk [tilespmem:v1+s16+$0x0], $0xffff  }
0x264: {  	[tilespmem:v23+s26+$0x0] =	vst.idx.add.f32.msk @!p0 $0xffff, v0  }
0x265: {  	v8 =	vld.idx.msk [tilespmem:v17+s16+$0x0], $0xffff  }
0x266: {  	v4 =	vor.u32 $0x100, v50  }
0x267: {  	v15 =	vmul.f32 v12, v40  }
0x268: {  	v17 =	vmul.f32 v6, v2  }
0x269: {  	[tilespmem:v13+s21+$0x0] =	vst.idx.add.f32.msk $0xffff, v15;
	v1 =	vmul.f32 v1, v44  }
0x26a: {  	[tilespmem:v14+s21+$0x0] =	vst.idx.add.f32.msk $0xffff, v17;
	v20 =	vmul.f32 v8, v0  }
0x26b: {  	[tilespmem:v4+s21+$0x0] =	vst.idx.add.f32.msk $0xffff, v1  }
0x26c: {  	[tilespmem:v21+s21+$0x0] =	vst.idx.add.f32.msk $0xffff, v20  }
0x26d: {  	v12 =	vld [tilespmem:$0x1FF20]  }
0x26e: {  	v7 =	vor.u32 $0x180, v45;
	_ =	sdelay $0x2  }
0x26f: {  	v1 =	vld.idx.msk [tilespmem:v22+s16+$0x0], $0xffff  }
0x270: {  	v22 =	vld.idx.msk [tilespmem:v25+s16+$0x0], $0xffff  }
0x271: {  	v16 =	vld.idx.msk [tilespmem:v7+s16+$0x0], $0xffff  }
0x272: {  	v23 =	vld.idx.msk [tilespmem:v28+s16+$0x0], $0xffff  }
0x273: {  	v21 =	vor.u32 $0x180, v50;
	[tilespmem:v12+s21+$0x0] =	vst.idx.add.f32.msk $0xffff, v54  }
0x274: {  	v12 =	vld [tilespmem:$0x1FF30];
	_ =	sdelay $0x1  }
0x275: {  	v3 =	vmul.f32 v16, v44  }
0x276: {  	v1 =	vmul.f32 v1, v40  }
0x277: {  	v25 =	vmul.f32 v22, v2;
	[tilespmem:v21+s21+$0x0] =	vst.idx.add.f32.msk $0xffff, v3  }
0x278: {  	v28 =	vmul.f32 v23, v0;
	[tilespmem:v19+s21+$0x0] =	vst.idx.add.f32.msk $0xffff, v1  }
0x279: {  	v24 =	vmul.f32 v46, v61;
	[tilespmem:v31+s21+$0x0] =	vst.idx.add.f32.msk $0xffff, v25  }
0x27a: {  	[tilespmem:v29+s21+$0x0] =	vst.idx.add.f32.msk $0xffff, v28  }
0x27b: {  	[tilespmem:v12+s21+$0x0] =	vst.idx.add.f32.msk $0xffff, v24  }
0x27c: {  	v47 =	vld [tilespmem:$0x1FF40];
	_ =	sdelay $0x3  }
0x27d: {  	v31 =	vld.idx.msk [tilespmem:v27+s16+$0x0], $0xffff  }
0x27e: {  	v45 =	vld.idx.msk [tilespmem:v30+s16+$0x0], $0xffff  }
0x27f: {  	v44 =	vmul.f32 v48, v62;
	v46 =	vld.idx.msk [tilespmem:v32+s16+$0x0], $0xffff  }
0x280: {  	v48 =	vld.idx.msk [tilespmem:v18+s16+$0x0], $0xffff  }
0x281: {  	[tilespmem:v47+s21+$0x0] =	vst.idx.add.f32.msk $0xffff, v44  }
0x282: {  	v1 =	vmul.f32 v31, v40;
	v3 =	vld [tilespmem:$0x1FF50]  }
0x283: {  	v4 =	vmul.f32 v45, v2;
	v49 =	vld.idx.msk [tilespmem:v26+s16+$0x0], $0xffff  }
0x284: {  	v6 =	vmul.f32 v46, v0;
	[tilespmem:v42+s21+$0x0] =	vst.idx.add.f32.msk $0xffff, v1  }
0x285: {  	[tilespmem:v43+s21+$0x0] =	vst.idx.add.f32.msk $0xffff, v4  }
0x286: {  	[tilespmem:v35+s21+$0x0] =	vst.idx.add.f32.msk $0xffff, v6  }
0x287: {  	v1 =	vld.idx.msk [tilespmem:v36+s16+$0x0], $0xffff  }
0x288: {  	v4 =	vld.idx.msk [tilespmem:v38+s16+$0x0], $0xffff  }
0x289: {  	v50 =	vld.idx.msk [tilespmem:v39+s16+$0x0], $0xffff  }
0x28a: {  	v51 =	vmul.f32 v48, v61;
	v3 =	vld.idx.msk [tilespmem:v3+s16+$0x0], $0xffff  }
0x28b: {  	[tilespmem:v63+s21+$0x0] =	vst.idx.add.f32.msk $0xffff, v41;
	v52 =	vmul.f32 v49, v62  }
0x28c: {  	[tilespmem:v11+s21+$0x0] =	vst.idx.add.f32.msk $0xffff, v51;
	v1 =	vmul.f32 v1, v40  }
0x28d: {  	v2 =	vmul.f32 v4, v2;
	[tilespmem:v9+s21+$0x0] =	vst.idx.add.f32.msk $0xffff, v52  }
0x28e: {  	v0 =	vmul.f32 v50, v0;
	[tilespmem:v33+s21+$0x0] =	vst.idx.add.f32.msk $0xffff, v1  }
0x28f: {  	[tilespmem:v34+s21+$0x0] =	vst.idx.add.f32.msk $0xffff, v2;
	v3 =	vmul.f32 v3, v5  }
0x290: {  	[tilespmem:v37+s21+$0x0] =	vst.idx.add.f32.msk $0xffff, v0  }
0x291: {  	[tilespmem:v10+s21+$0x0] =	vst.idx.add.f32.msk $0xffff, v3  }
0x292: {  	v0 =	vld [tilespmem:$0x1C840];
	_ =	sdelay $0x4  }
0x293: {  	v53 =	vshrl.u32 v0, $0xE;
	v54 =	vshrl.u32 v0, $0x15  }
0x294: {  	v55 =	vand.u32 $0x3FFF, v0;
	v1 =	vand.u32 $0x7F, v53;
	v56 =	vshll.u32 v54, $0x7  }
0x295: {  	v4 =	vor.u32 v1, v56;
	_ =	sdelay $0x3  }
0x296: {  	v3 =	vld.idx.msk [tilespmem:v55+s3+$0x0], $0xffff  }
0x297: {  	v57 =	vld.idx.msk [tilespmem:v4+s14+$0x0], $0xffff;
	_ =	sdelay $0x4  }
0x298: {  	v58 =	vld [tilespmem:$0x1FFF0];
	v3 =	vadd.f32 v57, v3;
	_ =	sdelay $0x1  }
0x299: {  	v5 =	vmul.f32 $2.000000030e-01, v3  }
0x29a: {  	vm0 =	vge.f32 v3, $0.0e+00  }
0x29b: {  	v3 =	vsel vm0, v3, v5  }
0x29c: {  	v3 =	vsub.f32 v3, v58;
	_ =	sdelay $0x1  }
0x29d: {  	v3 =	vmul.f32 $1.442695020e+00, v3;
	_ =	sdelay $0x1  }
0x29e: {  	(erf) = vpow2.f32 v3;
	_ =	sdelay $0x3  }
0x29f: {  	v59 =	vshll.u32 v0, $0x2  }
0x2a0: {  	v0 =	vand.u32 $0x7F, v0;
	v3 =	vand.u32 $0xFE00, v59  }
0x2a1: {  	v0 =	vor.u32 v0, v3;
	_ =	sdelay $0x2  }
0x2a2: {  	v3 =	vpop (erf)  }
0x2a3: {  	[tilespmem:v4+s26+$0x0] =	vst.idx.add.f32.msk @!p0 $0xffff, v3  }
0x2a4: {  	v4 =	vld.idx.msk [tilespmem:v0+s16+$0x0], $0xffff  }
0x2a5: {  	v2 =	vshll.u32 v54, $0x9  }
0x2a6: {  	v1 =	vor.u32 v1, v2  }
0x2a7: {  	v60 =	vor.u32 $0x80, v0;
	_ =	sdelay $0x1  }
0x2a8: {  	v4 =	vmul.f32 v4, v3;
	_ =	sdelay $0x1  }
0x2a9: {  	[tilespmem:v1+s21+$0x0] =	vst.idx.add.f32.msk $0xffff, v4  }
0x2aa: {  	v2 =	vld.idx.msk [tilespmem:v60+s16+$0x0], $0xffff;
	_ =	sdelay $0x1  }
0x2ab: {  	v61 =	vor.u32 $0x80, v1  }
0x2ac: {  	v62 =	vor.u32 $0x100, v0;
	_ =	sdelay $0x1  }
0x2ad: {  	v2 =	vmul.f32 v2, v3;
	_ =	sdelay $0x1  }
0x2ae: {  	[tilespmem:v61+s21+$0x0] =	vst.idx.add.f32.msk $0xffff, v2  }
0x2af: {  	v2 =	vld.idx.msk [tilespmem:v62+s16+$0x0], $0xffff;
	_ =	sdelay $0x1  }
0x2b0: {  	v63 =	vor.u32 $0x100, v1  }
0x2b1: {  	v0 =	vor.u32 $0x180, v0;
	_ =	sdelay $0x1  }
0x2b2: {  	v2 =	vmul.f32 v2, v3;
	_ =	sdelay $0x1  }
0x2b3: {  	[tilespmem:v63+s21+$0x0] =	vst.idx.add.f32.msk $0xffff, v2  }
0x2b4: {  	v0 =	vld.idx.msk [tilespmem:v0+s16+$0x0], $0xffff  }
0x2b5: {  	s25 =	sadd.s32 $0x1, s25  }
0x2b6: {  	p1 =	sne.s32 s25, $0xA;
	v1 =	vor.u32 $0x180, v1  }
.Ltmp7:
0x2b7: {  	_ = 	snop;
	(pc) =	sbr.rel @p1 .LBB2_12-.Ltmp7, $3  }
0x2b8: {  	_ = 	snop  }
0x2b9: {  	v0 =	vmul.f32 v0, v3;
	_ =	sdelay $0x1  }
0x2ba: {  	[tilespmem:v1+s21+$0x0] =	vst.idx.add.f32.msk $0xffff, v0  }
0x2bb: {  	[hbm4b:s11+s3] =	stream.linear.scatter [tilespmem:s21], [sflag:$0x4], $0xA000, $0x38;
	[tilespmem:$0x1C880] =	vst v63  }
0x2bc: {  	_ =	swait.ge [sflag:s23], $0xA000  }
0x2bd: {  	s25 =	simm.s32 @!p0 $0x0;
	s24 =	sadd.s32 $0x1, s24;
	[sflag:s23] =	ssyncset.done $0x0  }
0x2be: {  	s26 =	simm.s32 @!p0 $0x19080;
	p1 =	sne.s32 s24, s13;
	[sflag:s23] =	ssyncadd.s32 $0xFFFF6000  }
0x2bf: {  	[hbm4b:s12+s25] =	stream.linear.scatter @!p0 [tilespmem:s26], [sflag:$0x4], $0x2800, $0x38;
	[tilespmem:$0x1C880] =	vst v63  }
.Ltmp8:
0x2c0: {  	_ = 	snop;
	(pc) =	sbr.rel @p1 .LBB2_1-.Ltmp8, $4  }
0x2c1: {  	s25 =	simm.s32 @!p0 $0x4  }
0x2c2: {  	_ =	swait.ge @!p0 [sflag:s25], $0x2800  }
0x2c3: {  	[sflag:s25] =	ssyncset.done @!p0 $0x0  }
0x2c4: {  	v0 =	vimm.f32 $0.0e+00;
	[sflag:s25] =	ssyncadd.s32 @!p0 $0xFFFFD800  }
0x2c5: {  	_ =	sfence.sel $0x180000  }
0x2c6: {  	[bflag:$0x0] =	sbarrier.arrive $0xFFFF  }
0x2c7: {  	p0 =	sne.s32 s1, $0x0;
	_ =	strace $0x9000004A  }
0x2c8: {  	s0 =	sadd.s32 @!p0 $0x100000, s0;
	[bflag:$0x2] =	sbarrier.arrive $0xFFFF  }
0x2c9: {  	[sflag:s0] =	ssyncadd.tile.s32 @!p0 $0x1;
	_ =	shalt  }
.Lfunc_end2:
_tile_overlayer_lowered:
.L_overlay_start_2:
0x2ca: {  	(tag) =	ssettag $0x2  }
0x2cb: {  	s0 =	rddreg [dreg:$0x0];
	s2 =	stileid.u32  }
0x2cc: {  	s1 =	rddreg [dreg:$0x1];
	p0 =	sne.s32 s2, $0x0  }
0x2cd: {  	s3 =	rddreg [dreg:$0x2];
	[bflag:$0x3] =	sbarrier.arrive $0xFFFF;
	s2 =	simm.s32 @!p0 $0x1C04  }
0x2ce: {  	[timem:s3], [sflag:s2] =	dma.local @!p0 [hbm:s0], s1  }
0x2cf: {  	s0 =	simm.s32 @!p0 $0x4  }
0x2d0: {  	_ =	swait.ge @!p0 [sflag:s0], s1  }
0x2d1: {  	s1 =	ssub.s32 @!p0 $0x0, s1;
	[sflag:s0] =	ssyncset.done @!p0 $0x0  }
0x2d2: {  	[sflag:s0] =	ssyncadd.s32 @!p0 s1  }
0x2d3: {  	[bflag:$0x3] =	sbarrier.arrive $0xFFFF  }
0x2d4: {  	_ =	shalt  }

// kernel: kernel.7.cloned.1.call-start
scs
__scs_entry_jumppad:
0x0: {  	(pc) =	sbr.rel $0x88, $3  }
0x1: {  	(tag) =	ssettag $0x0;
	lr =	simm.s32 $0x1  }
0x2: {  	[smem:$0x3F95] =	sst lr;
	_ =	strace $0xD0000000  }
0x3: {  	_ = 	snop  }
0x4: {  	_ = 	snop  }
0x5: {  	_ = 	snop  }
0x6: {  	_ = 	snop  }
0x7: {  	_ = 	snop  }
__scs_overlays_trampoline_lowered:
0x8: {  	[smem:$0x3FA4] =	sst s0  }
0x9: {  	[smem:$0x3FA5] =	sst s1  }
0xa: {  	[smem:$0x3FA6] =	sst s2  }
0xb: {  	[smem:$0x3FA7] =	sst s3  }
0xc: {  	[smem:$0x3FA8] =	sst s4  }
0xd: {  	[smem:$0x3FA9] =	sst s5  }
0xe: {  	[smem:$0x3FAA] =	sst s6  }
0xf: {  	[smem:$0x3FAB] =	sst s7  }
0x10: {  	[smem:$0x3FAC] =	sst s8  }
0x11: {  	[smem:$0x3FAD] =	sst s9;
	s0 =	simm.s32 @!p0 $0x0  }
0x12: {  	s1 =	sld [smem:$0x3F93];
	s0 =	simm.s32 @p0 $0x1  }
0x13: {  	[smem:$0x3FAE] =	sst s0;
	s0 =	simm.s32 @!p1 $0x0  }
0x14: {  	s2 =	sld [smem:$0x3F92];
	s0 =	simm.s32 @p1 $0x1  }
0x15: {  	[smem:$0x3FAF] =	sst s0;
	s0 =	simm.s32 @!p2 $0x0  }
0x16: {  	s3 =	sld [smem:$0x3FDB];
	s0 =	simm.s32 @p2 $0x1  }
0x17: {  	s4 =	simm.s32 $0x1BF5;
	[smem:$0x3FB1] =	sst s0  }
0x18: {  	s0 =	sld [smem:$0x3F94];
	_ =	swait.ge [sflag:s4], $0x0  }
0x19: {  	s7 =	sld [smem:$0x3F95]  }
0x1a: {  	s8 =	sadd.s32 $0xFFFFE003, lr  }
0x1b: {  	s9 =	sadd.s32 $0xFFFFFEF7, lr;
	s5 =	simm.s32 $0xFFFFFFFF;
	p2 =	slt.u32 s8, $0xFFFFF086  }
0x1c: {  	p1 =	slt.u32 s9, $0xF7A;
	s5 =	simm.s32 @!p2 $0x0  }
0x1d: {  	s5 =	simm.s32 @p1 $0x1;
	p0 =	seq.s32 s7, s2  }
0x1e: {  	s7 =	smul.u32 @!p0 $0xF7A, s2;
	p2 =	seq.s32 @!p0 s5, $0x0  }
0x1f: {  	s9 =	smul.u32 $0xF7A, s1;
	s8 =	simm.s32 @!p0 $0x1BF5;
	p2 =	por !p2, p0  }
0x20: {  	[sflag:s8] =	ssyncset.s32 @!p0 $0xFFFFF086;
	s6 =	sadd.s32 @!p0 s3, s7;
	s7 =	simm.s32 @!p0 $0x108  }
0x21: {  	s3 =	sadd.s32 s3, s9;
	s6 =	sadd.s32 @!p0 $0x88, s6;
	s7 =	simm.s32 @p2 $0x1082  }
0x22: {  	[simem:s7], [sflag:s8] =	dma.local @!p0 [hbm:s6], $0xF7A  }
0x23: {  	s9 =	sor.u32 $0xD0000000, s2;
	s6 =	simm.s32 $0x108;
	_ =	swait.ge @!p0 [sflag:s8], $0x0  }
0x24: {  	s3 =	sadd.s32 $0x88, s3;
	s6 =	simm.s32 @!p1 $0x1082;
	[sflag:s4] =	ssyncset.s32 $0xFFFFF086  }
0x25: {  	[simem:s6], [sflag:s4] =	dma.local [hbm:s3], $0xF7A  }
0x26: {  	[smem:$0x3F95] =	sst s1;
	(tag) =	ssettag s2;
	_ =	strace s9  }
0x27: {  	s1 =	sld [smem:$0x3FA5]  }
0x28: {  	s2 =	sld [smem:$0x3FA6]  }
0x29: {  	s4 =	sld [smem:$0x3FA8]  }
0x2a: {  	p0 =	seq.s32 s5, $0x0;
	s5 =	sld [smem:$0x3FA9]  }
0x2b: {  	s6 =	sld [smem:$0x3FAA]  }
0x2c: {  	s7 =	sld [smem:$0x3FAB]  }
0x2d: {  	s3 =	simm.s32 $0x108;
	s8 =	sld [smem:$0x3FAC]  }
0x2e: {  	s3 =	simm.s32 @!p0 $0x1082;
	s9 =	sld [smem:$0x3FAD]  }
0x2f: {  	lr =	sadd.s32 s0, s3;
	s0 =	sld [smem:$0x3FA4]  }
0x30: {  	s3 =	sld [smem:$0x3FA7]  }
0x31: {  	[smem:$0x3FB0] =	sst s10  }
0x32: {  	s10 =	sld [smem:$0x3FAE];
	_ =	sdelay $0x3  }
0x33: {  	p0 =	seq.s32 s10, $0x1;
	s10 =	sld [smem:$0x3FB0];
	_ =	sdelay $0x3  }
0x34: {  	[smem:$0x3FB0] =	sst s10  }
0x35: {  	s10 =	sld [smem:$0x3FAF];
	_ =	sdelay $0x3  }
0x36: {  	p1 =	seq.s32 s10, $0x1;
	s10 =	sld [smem:$0x3FB0];
	_ =	sdelay $0x3  }
0x37: {  	[smem:$0x3FB0] =	sst s10  }
0x38: {  	s10 =	sld [smem:$0x3FB1]  }
0x39: {  	_ = 	snop;
	(pc) =	sbr.ind lr, $3  }
0x3a: {  	_ = 	snop  }
0x3b: {  	_ = 	snop  }
0x3c: {  	p2 =	seq.s32 s10, $0x1;
	s10 =	sld [smem:$0x3FB0]  }
0x3d: {  	_ =	shalt  }
0x3e: {  	_ =	shalt  }
0x3f: {  	_ =	shalt  }
0x40: {  	_ =	shalt  }
0x41: {  	_ =	shalt  }
0x42: {  	_ =	shalt  }
0x43: {  	_ =	shalt  }
0x44: {  	_ =	shalt  }
0x45: {  	_ =	shalt  }
0x46: {  	_ =	shalt  }
0x47: {  	_ =	shalt  }
0x48: {  	_ =	shalt  }
0x49: {  	_ =	shalt  }
0x4a: {  	_ =	shalt  }
0x4b: {  	_ =	shalt  }
0x4c: {  	_ =	shalt  }
0x4d: {  	_ =	shalt  }
0x4e: {  	_ =	shalt  }
0x4f: {  	_ =	shalt  }
0x50: {  	_ =	shalt  }
0x51: {  	_ =	shalt  }
0x52: {  	_ =	shalt  }
0x53: {  	_ =	shalt  }
0x54: {  	_ =	shalt  }
0x55: {  	_ =	shalt  }
0x56: {  	_ =	shalt  }
0x57: {  	_ =	shalt  }
0x58: {  	_ =	shalt  }
0x59: {  	_ =	shalt  }
0x5a: {  	_ =	shalt  }
0x5b: {  	_ =	shalt  }
0x5c: {  	_ =	shalt  }
0x5d: {  	_ =	shalt  }
0x5e: {  	_ =	shalt  }
0x5f: {  	_ =	shalt  }
0x60: {  	_ =	shalt  }
0x61: {  	_ =	shalt  }
0x62: {  	_ =	shalt  }
0x63: {  	_ =	shalt  }
0x64: {  	_ =	shalt  }
0x65: {  	_ =	shalt  }
0x66: {  	_ =	shalt  }
0x67: {  	_ =	shalt  }
0x68: {  	_ =	shalt  }
0x69: {  	_ =	shalt  }
0x6a: {  	_ =	shalt  }
0x6b: {  	_ =	shalt  }
0x6c: {  	_ =	shalt  }
0x6d: {  	_ =	shalt  }
0x6e: {  	_ =	shalt  }
0x6f: {  	_ =	shalt  }
0x70: {  	_ =	shalt  }
0x71: {  	_ =	shalt  }
0x72: {  	_ =	shalt  }
0x73: {  	_ =	shalt  }
0x74: {  	_ =	shalt  }
0x75: {  	_ =	shalt  }
0x76: {  	_ =	shalt  }
0x77: {  	_ =	shalt  }
0x78: {  	_ =	shalt  }
0x79: {  	_ =	shalt  }
0x7a: {  	_ =	shalt  }
0x7b: {  	_ =	shalt  }
0x7c: {  	_ =	shalt  }
0x7d: {  	_ =	shalt  }
0x7e: {  	_ =	shalt  }
0x7f: {  	_ =	shalt  }
0x80: {  	_ =	shalt  }
0x81: {  	_ =	shalt  }
0x82: {  	_ =	shalt  }
0x83: {  	_ =	shalt  }
0x84: {  	_ =	shalt  }
0x85: {  	_ =	shalt  }
0x86: {  	_ =	shalt  }
0x87: {  	_ =	shalt  }
.Lfunc_end0:
.L_simem_size_0:
called_computation_lowered:
.L_overlay_start_0:
0x88: {  	s2 =	sld [smem:$0x3FD9]  }
0x89: {  	s3 =	sld [smem:$0x3FFE];
	_ =	sdelay $0x1  }
0x8a: {  	s1 =	srdreg.scid  }
0x8b: {  	s0 =	sand.u32 $0x1, s1  }
0x8c: {  	s16 =	sshll.u32 s0, $0xA;
	s2 =	sadd.s32 s3, s2  }
0x8d: {  	s2 =	sadd.s32 s2, s16  }
0x8e: {  	[smem:$0x3FBC] =	sst s2  }
0x8f: {  	_ = 	snop  }
0x90: {  	(tm) =	ssettm $0x1  }
0x91: {  	s17 =	sld [smem:$0x3FFB];
	_ =	sdelay $0x3  }
0x92: {  	_ =	strace s17  }
0x93: {  	s2 =	sld [smem:$0x3FFC];
	_ =	sdelay $0x3  }
0x94: {  	_ =	strace s2  }
0x95: {  	s2 =	sld [smem:$0x3FFD];
	_ =	sdelay $0x3  }
0x96: {  	_ =	strace s2  }
0x97: {  	_ =	strace $0x8FFFFFFF  }
0x98: {  	s18 =	sld [smem:$0x3FDB];
	_ =	sdelay $0x1  }
0x99: {  	s19 =	simm.s32 $_scs_section_size  }
0x9a: {  	s4 =	simm.s32 $_size__tile_overlayer_lowered;
	s5 =	simm.s32 $_tile_overlayer_lowered  }
0x9b: {  	s22 =	simm.s32 $0x1BFF;
	s21 =	sshll.u32 s5, $0x1;
	s2 =	sadd.s32 s19, s18  }
0x9c: {  	s6 =	simm.s32 $0x0;
	s20 =	sshll.u32 s4, $0x1;
	s4 =	sadd.s32 s21, s2  }
0x9d: {  	[timem:s6], [sflag:s22] =	dma.local [hbm:s4], s20  }
0x9e: {  	_ =	swait.ge [sflag:s22], s20  }
0x9f: {  	s3 =	ssub.s32 $0x0, s20;
	[sflag:s22] =	ssyncset.done $0x0  }
0xa0: {  	[sflag:s22] =	ssyncadd.s32 s3;
	_ =	sdelay $0x1  }
0xa1: {  	s23 =	simm.s32 $0x1B8B  }
0xa2: {  	_ =	swait.ge [sflag:s23], $0x1  }
0xa3: {  	[sflag:s23] =	ssyncset.done $0x0  }
0xa4: {  	s25 =	simm.s32 $0x1B8E;
	s24 =	sld [smem:$0x3FFE];
	[sflag:s23] =	ssyncadd.s32 $0xFFFFFFFF  }
0xa5: {  	s26 =	simm.s32 $execute0_lowered;
	[smem:$0x3FD2] =	sst s25  }
0xa6: {  	s4 =	sshll.u32 s26, $0x1;
	_ =	strace $0x80000046;
	[dreg:$0x1] =	wrdreg $0xFFFFFFFF  }
0xa7: {  	s28 =	simm.s32 $_size_execute0_lowered;
	s2 =	sadd.s32 s2, s4;
	[dreg:$0x0] =	wrdreg $0x0  }
0xa8: {  	s4 =	sshll.u32 s28, $0x1;
	[dreg:$0x2] =	wrdreg s2  }
0xa9: {  	[dreg:$0x3] =	wrdreg s4  }
0xaa: {  	[dreg:$0x4] =	wrdreg $0xC0  }
0xab: {  	_ =	task [dreg:s6], $0x5FFFF  }
0xac: {  	[dreg:$0x1] =	wrdreg $0xFFFFFFFF  }
0xad: {  	[dreg:$0x0] =	wrdreg $0x60  }
0xae: {  	[dreg:$0x2] =	wrdreg s24  }
0xaf: {  	[dreg:$0x3] =	wrdreg $0x9  }
0xb0: {  	_ =	task.clear_ibuf [dreg:s6], $0x4FFFF;
	_ =	strace $0x90000046  }
0xb1: {  	s29 =	simm.s32 $0x9;
	_ =	strace $0x80000048  }
0xb2: {  	_ =	swait.ge [sflag:s29], $0x1  }
0xb3: {  	[sflag:s29] =	ssyncadd.s32 $0xFFFFFFFF  }
0xb4: {  	_ =	strace $0x90000048  }
0xb5: {  	_ =	sfence  }
0xb6: {  	s30 =	sld [smem:$0x0];
	_ =	sdelay $0x2  }
0xb7: {  	s31 =	sshll.u32 s1, $0xD;
	s1 =	sshrl.u32 s1, $0x2  }
0xb8: {  	s3 =	sand.u32 $0x4000, s31;
	s1 =	sadd.s32 s1, s30  }
0xb9: {  	s0 =	sor.u32 s3, s0;
	s1 =	sshll.u32 s1, $0x11  }
0xba: {  	s0 =	sor.u32 s1, s0  }
0xbb: {  	s0 =	sadd.s32 $0x8F2B, s0  }
0xbc: {  	[sflag:s0] =	ssyncadd.remote.s32 $0x1  }
0xbd: {  	_ =	sfence.sel $0xFFFF  }
0xbe: {  	[dreg:$0x0] =	wrdreg $0xFFFFFFFF;
	(pc) =	sbr.abs _section_cstart, $3  }
0xbf: {  	[dreg:$0x1] =	wrdreg $0xFFFFFFFF  }
0xc0: {  	_ =	task.clear_ibuf [dreg:s6], $0x2FFFF;
	_ =	strace $0x9FFFFFFF  }
0xc1: {  	(tm) =	ssettm $0x7FFFFFFF  }
tec
execute0_lowered:
.L_overlay_start_1:
0x0: {  	(tag) =	ssettag $0x1  }
0x1: {  	s7 =	rddreg [dreg:$0x0]  }
0x2: {  	s0 =	rddreg [dreg:$0x1];
	s2 =	simm.s32 $0x0  }
0x3: {  	s1 =	stileid.u32;
	s3 =	srdreg.scid;
	s14 =	simm.s32 $0x2800  }
0x4: {  	s15 =	simm.s32 $0x5000;
	s16 =	simm.s32 $0x5080;
	s17 =	simm.s32 $0x1B880  }
0x5: {  	s18 =	simm.s32 $0x1;
	s19 =	simm.s32 $0x2;
	s20 =	simm.s32 $0x1C080  }
0x6: {  	s22 =	simm.s32 $0x3;
	s23 =	simm.s32 $0x4;
	s24 =	simm.s32 $0x0  }
0x7: {  	[smem:$0x7FF] =	sst s2;
	s21 =	sand.u32 $0x3, s1;
	s8 =	sand.u32 $0x1, s3  }
0x8: {  	s3 =	sadd.s32 $0x9600, s7;
	s10 =	sshrl.u32 s1, $0x2;
	_ =	strace $0x80000047  }
0x9: {  	s9 =	smul.u32 $0x1400, s21;
	s4 =	sshll.u32 s8, $0x4;
	s6 =	sshll.u32 s8, $0x2  }
0xa: {  	s8 =	ssub.s32 $0x2, s8;
	p0 =	sne.s32 s21, $0x0;
	s21 =	simm.s32 $0xF080  }
0xb: {  	s5 =	sor.u32 s1, s4;
	s4 =	sadd.s32 $0x3A00, s7;
	s10 =	sor.u32 s10, s6  }
0xc: {  	s6 =	sadd.s32 $0x13400, s7;
	s30 =	sshrl.u32 s8, $0x1;
	s11 =	smul.u32 $0x1400, s5  }
0xd: {  	s5 =	sadd.s32 $0x4000, s7;
	s12 =	smul.u32 $0x500, s10;
	s13 =	ssub.s32 s8, s30  }
0xe: {  	s9 =	sadd.s32 s9, s7;
	s10 =	smul.u32 $0x9C40, s10;
	s13 =	smax.u32 s13, $0x1  }
0xf: {  	s11 =	sadd.s32 s11, s7;
	s12 =	sadd.s32 s12, s7;
	s7 =	sadd.s32 $0x4600, s9  }
0x10: {  	s31 =	sshrl.u32 s10, $0x3;
	s9 =	sadd.s32 $0x7D0, s10;
	s10 =	sadd.s32 $0xFA0, s10  }
0x11: {  	v0 =	vimm.f32 $0.0e+00;
	s8 =	sadd.s32 s3, s31;
	s11 =	sadd.s32 $0x13600, s11;
	s12 =	sadd.s32 $0x3B600, s12  }
.LBB2_1:
0x12: {  	[tilespmem:s2], [sflag:$0x1] =	stream.linear.gather [hbm4b:s4+s2], $0x2800, $0x38;
	[tilespmem:$0x1C880] =	vst v63  }
0x13: {  	_ = 	snop  }
0x14: {  	[tilespmem:s14], [sflag:$0x1] =	stream.linear.gather [hbm4b:s5+s2], $0x2800, $0x38;
	[tilespmem:$0x1C880] =	vst v63  }
0x15: {  	_ = 	snop  }
0x16: {  	[tilespmem:s15], [sflag:$0x1] =	stream.linear.gather [hbm4b:s6+s2], $0x80, $0x38;
	[tilespmem:$0x1C880] =	vst v63  }
0x17: {  	_ = 	snop  }
0x18: {  	[tilespmem:s16], [sflag:$0x1] =	stream.linear.gather [hbm4b:s7+s2], $0xA000, $0x38;
	[tilespmem:$0x1C880] =	vst v63  }
0x19: {  	s25 =	simm.s32 $0x190C0  }
0x1a: {  	[tilespmem:s17], [sflag:$0x2] =	stream.linear.gather [hbm4b:s8+s2], $0x7D0, $0x38;
	[tilespmem:$0x1C880] =	vst v63  }
0x1b: {  	[tilespmem:s25+$0xFFFFFFC0] =	vst v0  }
0x1c: {  	[tilespmem:s25+$0x30] =	vst v0  }
0x1d: {  	[tilespmem:s25+$0x20] =	vst v0  }
0x1e: {  	[tilespmem:s25+$0x10] =	vst v0  }
0x1f: {  	[tilespmem:s25+$0x0] =	vst v0  }
0x20: {  	[tilespmem:s25+$0xFFFFFFF0] =	vst v0  }
0x21: {  	s28 =	simm.s32 $0x0;
	[tilespmem:s25+$0xFFFFFFE0] =	vst v0  }
.LBB2_2:
0x22: {  	s28 =	sadd.s32 $0x8, s28;
	[tilespmem:s25+$0xFFFFFFD0] =	vst v0;
	s25 =	sadd.s32 $0x80, s25;
	s26 =	simm.s32 $0xF0C0  }
0x23: {  	[tilespmem:s25+$0xFFFFFFC0] =	vst v0;
	p1 =	slt.u32 s28, $0x278  }
0x24: {  	[tilespmem:s25+$0x30] =	vst v0  }
.Ltmp0:
0x25: {  	[tilespmem:s25+$0x20] =	vst v0;
	(pc) =	sbr.rel @p1 .LBB2_2-.Ltmp0, $4  }
0x26: {  	[tilespmem:s25+$0x10] =	vst v0  }
0x27: {  	[tilespmem:s25+$0x0] =	vst v0  }
0x28: {  	[tilespmem:s25+$0xFFFFFFF0] =	vst v0  }
0x29: {  	[tilespmem:s25+$0xFFFFFFE0] =	vst v0  }
0x2a: {  	[tilespmem:s25+$0xFFFFFFD0] =	vst v0  }
0x2b: {  	[tilespmem:s26+$0xFFFFFFC0] =	vst v0  }
0x2c: {  	[tilespmem:s26+$0x30] =	vst v0  }
0x2d: {  	[tilespmem:s26+$0x20] =	vst v0  }
0x2e: {  	[tilespmem:s26+$0x10] =	vst v0  }
0x2f: {  	[tilespmem:s26+$0x0] =	vst v0  }
0x30: {  	[tilespmem:s26+$0xFFFFFFF0] =	vst v0  }
0x31: {  	s28 =	simm.s32 $0x0;
	s25 =	simm.s32 $0xF170;
	[tilespmem:s26+$0xFFFFFFE0] =	vst v0  }
.LBB2_4:
0x32: {  	s28 =	sadd.s32 $0x8, s28;
	[tilespmem:s26+$0xFFFFFFD0] =	vst v0;
	s26 =	sadd.s32 $0x200, s26  }
0x33: {  	[tilespmem:s26+$0xFFFFFFC0] =	vst v0;
	p1 =	slt.u32 s28, $0x278  }
0x34: {  	[tilespmem:s26+$0x30] =	vst v0  }
.Ltmp1:
0x35: {  	[tilespmem:s26+$0x20] =	vst v0;
	(pc) =	sbr.rel @p1 .LBB2_4-.Ltmp1, $4  }
0x36: {  	[tilespmem:s26+$0x10] =	vst v0  }
0x37: {  	[tilespmem:s26+$0x0] =	vst v0  }
0x38: {  	[tilespmem:s26+$0xFFFFFFF0] =	vst v0  }
0x39: {  	[tilespmem:s26+$0xFFFFFFE0] =	vst v0  }
0x3a: {  	[tilespmem:s26+$0xFFFFFFD0] =	vst v0  }
0x3b: {  	[tilespmem:s25+$0xFFFFFF90] =	vst v0  }
0x3c: {  	[tilespmem:s25+$0x0] =	vst v0  }
0x3d: {  	[tilespmem:s25+$0xFFFFFFF0] =	vst v0  }
0x3e: {  	[tilespmem:s25+$0xFFFFFFE0] =	vst v0  }
0x3f: {  	[tilespmem:s25+$0xFFFFFFD0] =	vst v0  }
0x40: {  	[tilespmem:s25+$0xFFFFFFC0] =	vst v0  }
0x41: {  	s28 =	simm.s32 $0x0;
	[tilespmem:s25+$0xFFFFFFB0] =	vst v0  }
.LBB2_6:
0x42: {  	s28 =	sadd.s32 $0x8, s28;
	[tilespmem:s25+$0xFFFFFFA0] =	vst v0;
	s25 =	sadd.s32 $0x200, s25;
	s26 =	simm.s32 $0xF1F0  }
0x43: {  	[tilespmem:s25+$0xFFFFFF90] =	vst v0;
	p1 =	slt.u32 s28, $0x278  }
0x44: {  	[tilespmem:s25+$0x0] =	vst v0  }
.Ltmp2:
0x45: {  	[tilespmem:s25+$0xFFFFFFF0] =	vst v0;
	(pc) =	sbr.rel @p1 .LBB2_6-.Ltmp2, $4  }
0x46: {  	[tilespmem:s25+$0xFFFFFFE0] =	vst v0  }
0x47: {  	[tilespmem:s25+$0xFFFFFFD0] =	vst v0  }
0x48: {  	[tilespmem:s25+$0xFFFFFFC0] =	vst v0  }
0x49: {  	[tilespmem:s25+$0xFFFFFFB0] =	vst v0  }
0x4a: {  	[tilespmem:s25+$0xFFFFFFA0] =	vst v0  }
0x4b: {  	[tilespmem:s26+$0xFFFFFF90] =	vst v0  }
0x4c: {  	[tilespmem:s26+$0x0] =	vst v0  }
0x4d: {  	[tilespmem:s26+$0xFFFFFFF0] =	vst v0  }
0x4e: {  	[tilespmem:s26+$0xFFFFFFE0] =	vst v0  }
0x4f: {  	[tilespmem:s26+$0xFFFFFFD0] =	vst v0  }
0x50: {  	[tilespmem:s26+$0xFFFFFFC0] =	vst v0  }
0x51: {  	s28 =	simm.s32 $0x0;
	s25 =	simm.s32 $0xF270;
	[tilespmem:s26+$0xFFFFFFB0] =	vst v0  }
.LBB2_8:
0x52: {  	s28 =	sadd.s32 $0x8, s28;
	[tilespmem:s26+$0xFFFFFFA0] =	vst v0;
	s26 =	sadd.s32 $0x200, s26  }
0x53: {  	[tilespmem:s26+$0xFFFFFF90] =	vst v0;
	p1 =	slt.u32 s28, $0x278  }
0x54: {  	[tilespmem:s26+$0x0] =	vst v0  }
.Ltmp3:
0x55: {  	[tilespmem:s26+$0xFFFFFFF0] =	vst v0;
	(pc) =	sbr.rel @p1 .LBB2_8-.Ltmp3, $4  }
0x56: {  	[tilespmem:s26+$0xFFFFFFE0] =	vst v0  }
0x57: {  	[tilespmem:s26+$0xFFFFFFD0] =	vst v0  }
0x58: {  	[tilespmem:s26+$0xFFFFFFC0] =	vst v0  }
0x59: {  	[tilespmem:s26+$0xFFFFFFB0] =	vst v0  }
0x5a: {  	[tilespmem:s26+$0xFFFFFFA0] =	vst v0  }
0x5b: {  	[tilespmem:s25+$0xFFFFFF90] =	vst v0  }
0x5c: {  	[tilespmem:s25+$0x0] =	vst v0  }
0x5d: {  	[tilespmem:s25+$0xFFFFFFF0] =	vst v0  }
0x5e: {  	[tilespmem:s25+$0xFFFFFFE0] =	vst v0  }
0x5f: {  	[tilespmem:s25+$0xFFFFFFD0] =	vst v0  }
0x60: {  	[tilespmem:s25+$0xFFFFFFC0] =	vst v0  }
0x61: {  	s26 =	simm.s32 $0x0;
	[tilespmem:s25+$0xFFFFFFB0] =	vst v0  }
.LBB2_10:
0x62: {  	s26 =	sadd.s32 $0x8, s26;
	[tilespmem:s25+$0xFFFFFFA0] =	vst v0;
	s25 =	sadd.s32 $0x200, s25  }
0x63: {  	[tilespmem:s25+$0xFFFFFF90] =	vst v0;
	p1 =	slt.u32 s26, $0x278  }
0x64: {  	[tilespmem:s25+$0x0] =	vst v0  }
.Ltmp4:
0x65: {  	[tilespmem:s25+$0xFFFFFFF0] =	vst v0;
	(pc) =	sbr.rel @p1 .LBB2_10-.Ltmp4, $4  }
0x66: {  	[tilespmem:s25+$0xFFFFFFE0] =	vst v0  }
0x67: {  	[tilespmem:s25+$0xFFFFFFD0] =	vst v0  }
0x68: {  	[tilespmem:s25+$0xFFFFFFC0] =	vst v0  }
0x69: {  	[tilespmem:s25+$0xFFFFFFB0] =	vst v0  }
0x6a: {  	[tilespmem:s25+$0xFFFFFFA0] =	vst v0  }
0x6b: {  	_ =	swait.ge [sflag:s18], $0x2800  }
0x6c: {  	[sflag:s18] =	ssyncset.done $0x0  }
0x6d: {  	[sflag:s18] =	ssyncadd.s32 $0xFFFFD800  }
0x6e: {  	_ =	swait.ge [sflag:s18], $0x2800  }
0x6f: {  	[sflag:s18] =	ssyncset.done $0x0  }
0x70: {  	[sflag:s18] =	ssyncadd.s32 $0xFFFFD800  }
0x71: {  	_ =	swait.ge [sflag:s18], $0x80  }
0x72: {  	[sflag:s18] =	ssyncset.done $0x0  }
0x73: {  	[sflag:s18] =	ssyncadd.s32 $0xFFFFFF80  }
0x74: {  	_ =	swait.ge [sflag:s18], $0xA000  }
0x75: {  	[sflag:s18] =	ssyncset.done $0x0  }
0x76: {  	[sflag:s18] =	ssyncadd.s32 $0xFFFF6000  }
0x77: {  	v63 =	vld [tilespmem:$0x5000];
	_ =	sdelay $0x4  }
0x78: {  	s25 =	simm.s32 $0x0;
	[tilespmem:$0x1FFF0] =	vst v63  }
.LBB2_12:
0x79: {  	s26 =	smul.u32 $0xFA0, s25;
	_ =	sdelay $0x1  }
0x7a: {  	_ =	swait.ge [sflag:s19], $0x7D0;
	s28 =	sadd.s32 s26, s9  }
0x7b: {  	[sflag:s19] =	ssyncset.done $0x0;
	s28 =	sshrl.u32 s28, $0x3  }
0x7c: {  	[sflag:s19] =	ssyncadd.s32 $0xFFFFF830;
	s28 =	sadd.s32 s3, s28  }
0x7d: {  	[tilespmem:s20], [sflag:$0x3] =	stream.linear.gather [hbm4b:s28+s2], $0x7D0, $0x38;
	[tilespmem:$0x1C880] =	vst v63  }
0x7e: {  	s28 =	simm.s32 $0x1B8A0  }
0x7f: {  	v2 =	vld [tilespmem:s28+$0x10];
	_ =	sdelay $0x4  }
0x80: {  	v3 =	vshrl.u32 v2, $0xE;
	v4 =	vshrl.u32 v2, $0x15  }
0x81: {  	v5 =	vand.u32 $0x3FFF, v2;
	v3 =	vand.u32 $0x7F, v3;
	v6 =	vshll.u32 v4, $0x7  }
0x82: {  	v6 =	vor.u32 v3, v6;
	_ =	sdelay $0x1  }
0x83: {  	v9 =	vld [tilespmem:s28+$0xFFFFFFF0]  }
0x84: {  	v10 =	vld [tilespmem:s28+$0xFFFFFFE0]  }
0x85: {  	v5 =	vld.idx.msk [tilespmem:v5+s2+$0x0], $0xffff  }
0x86: {  	v7 =	vld.idx.msk [tilespmem:v6+s14+$0x0], $0xffff;
	_ =	sdelay $0x2  }
0x87: {  	v12 =	vld [tilespmem:s28+$0x0];
	_ =	sdelay $0x1  }
0x88: {  	v0 =	vld [tilespmem:$0x1FFF0];
	v13 =	vshrl.u32 v9, $0x15;
	v11 =	vshrl.u32 v10, $0xE;
	v5 =	vadd.f32 v7, v5  }
0x89: {  	v14 =	vshrl.u32 v10, $0x15;
	v16 =	vand.u32 $0x7F, v11;
	v7 =	vshrl.u32 v9, $0xE  }
0x8a: {  	v11 =	vshll.u32 v13, $0x7;
	v7 =	vand.u32 $0x7F, v7;
	v8 =	vmul.f32 $2.000000030e-01, v5  }
0x8b: {  	v15 =	vshrl.u32 v12, $0xE;
	vm0 =	vge.f32 v5, $0.0e+00;
	v19 =	vor.u32 v7, v11  }
0x8c: {  	v11 =	vand.u32 $0x3FFF, v10;
	v5 =	vsel vm0, v5, v8;
	v8 =	vshll.u32 v14, $0x7  }
0x8d: {  	v18 =	vshrl.u32 v12, $0x15;
	v5 =	vsub.f32 v5, v0;
	v17 =	vor.u32 v16, v8  }
0x8e: {  	v15 =	vand.u32 $0x7F, v15;
	v8 =	vshll.u32 v18, $0x7  }
0x8f: {  	v20 =	vor.u32 v15, v8;
	v5 =	vmul.f32 $1.442695020e+00, v5  }
0x90: {  	v8 =	vand.u32 $0x3FFF, v12  }
0x91: {  	v11 =	vld.idx.msk [tilespmem:v11+s2+$0x0], $0xffff;
	(erf) = vpow2.f32 v5  }
0x92: {  	v5 =	vand.u32 $0x3FFF, v9;
	v21 =	vld.idx.msk [tilespmem:v17+s14+$0x0], $0xffff;
	_ =	sdelay $0x1  }
0x93: {  	v24 =	vld.idx.msk [tilespmem:v20+s14+$0x0], $0xffff  }
0x94: {  	v23 =	vshll.u32 v2, $0x2;
	v58 =	vld.idx.msk [tilespmem:v8+s2+$0x0], $0xffff  }
0x95: {  	v2 =	vand.u32 $0x7F, v2;
	v23 =	vand.u32 $0xFE00, v23;
	v22 =	vld.idx.msk [tilespmem:v19+s14+$0x0], $0xffff  }
0x96: {  	v23 =	vor.u32 v2, v23;
	v5 =	vld.idx.msk [tilespmem:v5+s2+$0x0], $0xffff;
	v8 =	vadd.f32 v21, v11;
	_ =	sdelay $0x1  }
0x97: {  	v21 =	vmul.f32 $2.000000030e-01, v8  }
0x98: {  	s28 =	simm.s32 @!p0 $0x19080;
	v4 =	vshll.u32 v4, $0x9;
	v2 =	vadd.f32 v24, v58;
	vm7 =	vge.f32 v8, $0.0e+00;
	v11 =	vpop (erf)  }
0x99: {  	v24 =	vor.u32 v3, v4;
	[tilespmem:v6+s28+$0x0] =	vst.idx.add.f32.msk @!p0 $0xffff, v11;
	v4 =	vsel vm7, v8, v21  }
0x9a: {  	v5 =	vadd.f32 v22, v5;
	v6 =	vld.idx.msk [tilespmem:v23+s16+$0x0], $0xffff;
	v4 =	vsub.f32 v4, v0;
	_ =	sdelay $0x1  }
0x9b: {  	v22 =	vmul.f32 $2.000000030e-01, v5;
	v4 =	vmul.f32 $1.442695020e+00, v4  }
0x9c: {  	v3 =	vmul.f32 $2.000000030e-01, v2;
	v8 =	vor.u32 $0x80, v23;
	vm1 =	vge.f32 v5, $0.0e+00  }
0x9d: {  	vm8 =	vge.f32 v2, $0.0e+00;
	v5 =	vsel vm1, v5, v22;
	(erf) = vpow2.f32 v4  }
0x9e: {  	s29 =	simm.s32 $0x1B8E0;
	v2 =	vsel vm8, v2, v3;
	v3 =	vsub.f32 v5, v0;
	v5 =	vmul.f32 v6, v11  }
0x9f: {  	v21 =	vld [tilespmem:s29+$0x10]  }
0xa0: {  	v2 =	vsub.f32 v2, v0;
	v3 =	vmul.f32 $1.442695020e+00, v3;
	[tilespmem:v24+s21+$0x0] =	vst.idx.add.f32.msk $0xffff, v5  }
0xa1: {  	v28 =	vshll.u32 v9, $0x2;
	v25 =	vor.u32 $0x100, v23;
	v4 =	vld.idx.msk [tilespmem:v8+s16+$0x0], $0xffff  }
0xa2: {  	v18 =	vshll.u32 v18, $0x9;
	v2 =	vmul.f32 $1.442695020e+00, v2;
	(erf) = vpow2.f32 v3  }
0xa3: {  	v15 =	vor.u32 v15, v18;
	v9 =	vand.u32 $0x7F, v9;
	v22 =	vor.u32 $0x80, v24;
	v3 =	vld [tilespmem:s29+$0xFFFFFFF0]  }
0xa4: {  	v59 =	vshrl.u32 v21, $0xE;
	v8 =	vshrl.u32 v21, $0x15;
	(erf) = vpow2.f32 v2  }
0xa5: {  	v60 =	vld [tilespmem:s29+$0x0];
	v26 =	vand.u32 $0x3FFF, v21;
	v5 =	vand.u32 $0x7F, v59;
	v27 =	vshll.u32 v8, $0x7  }
0xa6: {  	v6 =	vshll.u32 v10, $0x2;
	v31 =	vor.u32 v5, v27;
	v29 =	vmul.f32 v4, v11;
	v4 =	vld [tilespmem:s29+$0xFFFFFFE0];
	v34 =	vpop (erf)  }
0xa7: {  	v10 =	vand.u32 $0x7F, v10;
	v27 =	vand.u32 $0xFE00, v28;
	v28 =	vshll.u32 v12, $0x2;
	[tilespmem:v17+s28+$0x0] =	vst.idx.add.f32.msk @!p0 $0xffff, v34  }
0xa8: {  	v6 =	vand.u32 $0xFE00, v6;
	v28 =	vand.u32 $0xFE00, v28;
	v18 =	vand.u32 $0x3FFF, v3;
	[tilespmem:v22+s21+$0x0] =	vst.idx.add.f32.msk $0xffff, v29  }
0xa9: {  	v22 =	vor.u32 v10, v6;
	v29 =	vor.u32 v9, v27;
	v6 =	vand.u32 $0x7F, v12;
	v9 =	vld.idx.msk [tilespmem:v25+s16+$0x0], $0xffff  }
0xaa: {  	v28 =	vor.u32 v6, v28;
	v6 =	vshll.u32 v14, $0x9;
	v14 =	vld.idx.msk [tilespmem:v26+s2+$0x0], $0xffff  }
0xab: {  	v23 =	vor.u32 $0x180, v23;
	v10 =	vshll.u32 v13, $0x9;
	v13 =	vshrl.u32 v3, $0x15;
	v25 =	vld.idx.msk [tilespmem:v31+s14+$0x0], $0xffff;
	v33 =	vpop (erf)  }
0xac: {  	v27 =	vor.u32 $0x100, v24;
	v16 =	vor.u32 v16, v6;
	v6 =	vshrl.u32 v3, $0xE;
	[tilespmem:v19+s28+$0x0] =	vst.idx.add.f32.msk @!p0 $0xffff, v33  }
0xad: {  	v12 =	vshrl.u32 v4, $0xE;
	v17 =	vshrl.u32 v4, $0x15;
	v40 =	vpop (erf);
	v19 =	vshrl.u32 v60, $0xE;
	v18 =	vld.idx.msk [tilespmem:v18+s2+$0x0], $0xffff  }
0xae: {  	v32 =	vand.u32 $0x7F, v6;
	v6 =	vshll.u32 v13, $0x7;
	v26 =	vand.u32 $0x7F, v12;
	[tilespmem:v20+s28+$0x0] =	vst.idx.add.f32.msk @!p0 $0xffff, v40  }
0xaf: {  	v12 =	vshll.u32 v17, $0x7;
	v20 =	vshrl.u32 v60, $0x15;
	v6 =	vor.u32 v32, v6;
	v30 =	vld.idx.msk [tilespmem:v22+s16+$0x0], $0xffff  }
0xb0: {  	v38 =	vand.u32 $0x7F, v19;
	v12 =	vor.u32 v26, v12;
	v35 =	vld.idx.msk [tilespmem:v29+s16+$0x0], $0xffff;
	v9 =	vmul.f32 v9, v11  }
0xb1: {  	v19 =	vshll.u32 v20, $0x7;
	v14 =	vadd.f32 v25, v14;
	v25 =	vand.u32 $0x3FFF, v4;
	v37 =	vld.idx.msk [tilespmem:v28+s16+$0x0], $0xffff  }
0xb2: {  	v39 =	vor.u32 v7, v10;
	v10 =	vor.u32 v38, v19;
	[tilespmem:v27+s21+$0x0] =	vst.idx.add.f32.msk $0xffff, v9  }
0xb3: {  	v7 =	vmul.f32 $2.000000030e-01, v14;
	v27 =	vand.u32 $0x3FFF, v60;
	v19 =	vld.idx.msk [tilespmem:v23+s16+$0x0], $0xffff  }
0xb4: {  	v46 =	vor.u32 $0x80, v15;
	v42 =	vor.u32 $0x80, v29;
	vm9 =	vge.f32 v14, $0.0e+00;
	v43 =	vld.idx.msk [tilespmem:v6+s14+$0x0], $0xffff  }
0xb5: {  	v48 =	vor.u32 $0x100, v22;
	v23 =	vor.u32 $0x80, v22;
	v41 =	vld.idx.msk [tilespmem:v12+s14+$0x0], $0xffff;
	v7 =	vsel vm9, v14, v7  }
0xb6: {  	v49 =	vor.u32 $0x100, v29;
	v44 =	vor.u32 $0x80, v28;
	v7 =	vsub.f32 v7, v0;
	v47 =	vld.idx.msk [tilespmem:v25+s2+$0x0], $0xffff  }
0xb7: {  	v45 =	vor.u32 $0x80, v39;
	v51 =	vor.u32 $0x100, v28;
	v52 =	vmul.f32 v30, v34;
	v50 =	vld.idx.msk [tilespmem:v10+s14+$0x0], $0xffff  }
0xb8: {  	v9 =	vor.u32 $0x100, v16;
	v14 =	vor.u32 $0x80, v16;
	v36 =	vmul.f32 $1.442695020e+00, v7;
	v53 =	vld.idx.msk [tilespmem:v27+s2+$0x0], $0xffff  }
0xb9: {  	v30 =	vor.u32 $0x180, v29;
	[tilespmem:v16+s21+$0x0] =	vst.idx.add.f32.msk $0xffff, v52;
	v27 =	vor.u32 $0x180, v22;
	v22 =	vmul.f32 v35, v33  }
0xba: {  	v35 =	vor.u32 $0x180, v16;
	v16 =	vor.u32 $0x180, v24;
	v23 =	vld.idx.msk [tilespmem:v23+s16+$0x0], $0xffff;
	(erf) = vpow2.f32 v36  }
0xbb: {  	v11 =	vmul.f32 v19, v11;
	v36 =	vor.u32 $0x180, v28;
	v28 =	vmul.f32 v37, v40;
	[tilespmem:v39+s21+$0x0] =	vst.idx.add.f32.msk $0xffff, v22  }
0xbc: {  	v18 =	vadd.f32 v43, v18;
	v19 =	vshll.u32 v21, $0x2;
	v21 =	vand.u32 $0x7F, v21;
	v24 =	vld.idx.msk [tilespmem:v42+s16+$0x0], $0xffff  }
0xbd: {  	v19 =	vand.u32 $0xFE00, v19;
	v29 =	vadd.f32 v41, v47;
	[tilespmem:v15+s21+$0x0] =	vst.idx.add.f32.msk $0xffff, v28;
	v22 =	vadd.f32 v50, v53  }
0xbe: {  	v61 =	vmul.f32 $2.000000030e-01, v18;
	v21 =	vor.u32 v21, v19;
	vm11 =	vge.f32 v18, $0.0e+00;
	v62 =	vld.idx.msk [tilespmem:v44+s16+$0x0], $0xffff  }
0xbf: {  	vm10 =	vge.f32 v29, $0.0e+00;
	v28 =	vmul.f32 $2.000000030e-01, v29;
	v19 =	vmul.f32 $2.000000030e-01, v22  }
0xc0: {  	[tilespmem:v16+s21+$0x0] =	vst.idx.add.f32.msk $0xffff, v11;
	v16 =	vsel vm11, v18, v61;
	v23 =	vmul.f32 v23, v34;
	vm2 =	vge.f32 v22, $0.0e+00  }
0xc1: {  	v11 =	vsel vm10, v29, v28;
	v18 =	vsel vm2, v22, v19;
	v22 =	vmul.f32 v24, v33  }
0xc2: {  	v11 =	vsub.f32 v11, v0;
	[tilespmem:v14+s21+$0x0] =	vst.idx.add.f32.msk $0xffff, v23  }
0xc3: {  	v16 =	vsub.f32 v16, v0;
	v23 =	vmul.f32 v62, v40;
	v19 =	vpop (erf);
	[tilespmem:v45+s21+$0x0] =	vst.idx.add.f32.msk $0xffff, v22  }
0xc4: {  	v11 =	vmul.f32 $1.442695020e+00, v11;
	[tilespmem:v31+s28+$0x0] =	vst.idx.add.f32.msk @!p0 $0xffff, v19  }
0xc5: {  	v8 =	vshll.u32 v8, $0x9;
	v16 =	vmul.f32 $1.442695020e+00, v16;
	v18 =	vsub.f32 v18, v0;
	[tilespmem:v46+s21+$0x0] =	vst.idx.add.f32.msk $0xffff, v23  }
0xc6: {  	v1 =	vor.u32 $0x180, v15;
	v8 =	vor.u32 v5, v8;
	(erf) = vpow2.f32 v11;
	v24 =	vld.idx.msk [tilespmem:v21+s16+$0x0], $0xffff  }
0xc7: {  	s29 =	simm.s32 $0x1B920;
	v28 =	vshll.u32 v3, $0x2;
	v18 =	vmul.f32 $1.442695020e+00, v18;
	v11 =	vld.idx.msk [tilespmem:v48+s16+$0x0], $0xffff;
	(erf) = vpow2.f32 v16  }
0xc8: {  	v63 =	vshll.u32 v17, $0x9;
	v14 =	vshll.u32 v4, $0x2;
	v16 =	vand.u32 $0xFE00, v28;
	v28 =	vld [tilespmem:s29+$0x10]  }
0xc9: {  	v5 =	vand.u32 $0xFE00, v14;
	v14 =	vor.u32 $0x80, v21;
	v29 =	vld.idx.msk [tilespmem:v51+s16+$0x0], $0xffff;
	(erf) = vpow2.f32 v18  }
0xca: {  	v7 =	vor.u32 $0x100, v39;
	v3 =	vand.u32 $0x7F, v3;
	v4 =	vand.u32 $0x7F, v4;
	v18 =	vld.idx.msk [tilespmem:v49+s16+$0x0], $0xffff;
	[tilespmem:$0x1FFA0] =	vst v1  }
0xcb: {  	v31 =	vor.u32 v4, v5;
	v5 =	vshll.u32 v20, $0x9;
	v46 =	vld [tilespmem:s29+$0x0];
	v23 =	vmul.f32 v24, v19  }
0xcc: {  	v44 =	vor.u32 v38, v5;
	v42 =	vor.u32 v3, v16;
	v3 =	vshll.u32 v13, $0x9;
	v17 =	vld [tilespmem:s29+$0xFFFFFFE0]  }
0xcd: {  	v32 =	vor.u32 v32, v3;
	v3 =	vshrl.u32 v28, $0xE;
	v38 =	vshrl.u32 v28, $0x15;
	[tilespmem:v8+s21+$0x0] =	vst.idx.add.f32.msk $0xffff, v23  }
0xce: {  	v37 =	vor.u32 $0x180, v39;
	v39 =	vand.u32 $0x7F, v3;
	v20 =	vshll.u32 v38, $0x7;
	v13 =	vld.idx.msk [tilespmem:v14+s16+$0x0], $0xffff  }
0xcf: {  	v48 =	vor.u32 v39, v20;
	v14 =	vld [tilespmem:s29+$0xFFFFFFF0];
	v5 =	vpop (erf)  }
0xd0: {  	v62 =	vpop (erf);
	[tilespmem:v12+s28+$0x0] =	vst.idx.add.f32.msk @!p0 $0xffff, v5  }
0xd1: {  	[tilespmem:v6+s28+$0x0] =	vst.idx.add.f32.msk @!p0 $0xffff, v62  }
0xd2: {  	v43 =	vor.u32 v26, v63;
	v12 =	vand.u32 $0x3FFF, v28;
	v63 =	vpop (erf);
	v54 =	vld.idx.msk [tilespmem:v31+s16+$0x0], $0xffff  }
0xd3: {  	v25 =	vor.u32 $0x100, v15;
	v15 =	vor.u32 $0x80, v8;
	[tilespmem:v10+s28+$0x0] =	vst.idx.add.f32.msk @!p0 $0xffff, v63;
	v10 =	vmul.f32 v11, v34  }
0xd4: {  	v16 =	vor.u32 $0x100, v21;
	v11 =	vmul.f32 v18, v33;
	v24 =	vld.idx.msk [tilespmem:v48+s14+$0x0], $0xffff  }
0xd5: {  	v22 =	vshll.u32 v60, $0x2;
	[tilespmem:v9+s21+$0x0] =	vst.idx.add.f32.msk $0xffff, v10  }
0xd6: {  	v2 =	vand.u32 $0x7F, v60;
	v22 =	vand.u32 $0xFE00, v22;
	v6 =	vmul.f32 v13, v19;
	[tilespmem:v7+s21+$0x0] =	vst.idx.add.f32.msk $0xffff, v11  }
0xd7: {  	v22 =	vor.u32 v2, v22;
	v21 =	vor.u32 $0x180, v21;
	v1 =	vshrl.u32 v17, $0x15;
	v12 =	vld.idx.msk [tilespmem:v12+s2+$0x0], $0xffff  }
0xd8: {  	v53 =	vshrl.u32 v46, $0x15;
	v23 =	vor.u32 $0x100, v8;
	v18 =	vshrl.u32 v14, $0x15;
	[tilespmem:v15+s21+$0x0] =	vst.idx.add.f32.msk $0xffff, v6  }
0xd9: {  	v13 =	vshrl.u32 v17, $0xE;
	v9 =	vshll.u32 v17, $0x2;
	v10 =	vshll.u32 v14, $0x2;
	v20 =	vld.idx.msk [tilespmem:v16+s16+$0x0], $0xffff  }
0xda: {  	v7 =	vld.idx.msk [tilespmem:v42+s16+$0x0], $0xffff;
	v11 =	vand.u32 $0x3FFF, v17;
	v17 =	vand.u32 $0x7F, v17;
	v13 =	vand.u32 $0x7F, v13  }
0xdb: {  	v55 =	vshll.u32 v18, $0x7;
	v9 =	vand.u32 $0xFE00, v9;
	v6 =	vshrl.u32 v14, $0xE  }
0xdc: {  	v15 =	vshrl.u32 v46, $0xE;
	v54 =	vmul.f32 v54, v5;
	v16 =	vshll.u32 v1, $0x7  }
0xdd: {  	v6 =	vand.u32 $0x7F, v6;
	v56 =	vand.u32 $0x7F, v15;
	v15 =	vor.u32 v13, v16  }
0xde: {  	v2 =	vld.idx.msk [tilespmem:v22+s16+$0x0], $0xffff;
	v16 =	vor.u32 v6, v55;
	v12 =	vadd.f32 v24, v12;
	v20 =	vmul.f32 v20, v19  }
0xdf: {  	v10 =	vand.u32 $0xFE00, v10;
	[tilespmem:v43+s21+$0x0] =	vst.idx.add.f32.msk $0xffff, v54;
	v7 =	vmul.f32 v7, v62;
	v24 =	vor.u32 v17, v9  }
0xe0: {  	v9 =	vand.u32 $0x7F, v46;
	v59 =	vmul.f32 $2.000000030e-01, v12;
	[tilespmem:v23+s21+$0x0] =	vst.idx.add.f32.msk $0xffff, v20;
	v20 =	vshll.u32 v46, $0x2  }
0xe1: {  	[tilespmem:v32+s21+$0x0] =	vst.idx.add.f32.msk $0xffff, v7;
	vm12 =	vge.f32 v12, $0.0e+00;
	v23 =	vand.u32 $0x7F, v14;
	v57 =	vand.u32 $0xFE00, v20  }
0xe2: {  	v20 =	vor.u32 v23, v10;
	v10 =	vld.idx.msk [tilespmem:v15+s14+$0x0], $0xffff;
	v17 =	vor.u32 v9, v57;
	v9 =	vshll.u32 v53, $0x7  }
0xe3: {  	v61 =	vor.u32 $0x100, v43;
	v23 =	vor.u32 v56, v9;
	v9 =	vld.idx.msk [tilespmem:v11+s2+$0x0], $0xffff;
	v11 =	vsel vm12, v12, v59  }
0xe4: {  	v26 =	vor.u32 $0x80, v31;
	v52 =	vmul.f32 v2, v63;
	v21 =	vld.idx.msk [tilespmem:v21+s16+$0x0], $0xffff;
	v60 =	vsub.f32 v11, v0  }
0xe5: {  	v47 =	vor.u32 $0x80, v42;
	v7 =	vshll.u32 v18, $0x9;
	v57 =	vand.u32 $0x3FFF, v14;
	v59 =	vld.idx.msk [tilespmem:v16+s14+$0x0], $0xffff;
	[tilespmem:$0x1FFB0] =	vst v61  }
0xe6: {  	v14 =	vor.u32 v6, v7;
	[tilespmem:v44+s21+$0x0] =	vst.idx.add.f32.msk $0xffff, v52;
	v6 =	vmul.f32 $1.442695020e+00, v60;
	v60 =	vor.u32 $0x100, v32  }
0xe7: {  	v49 =	vor.u32 $0x80, v22;
	v61 =	vor.u32 $0x100, v44;
	[tilespmem:$0x1FFC0] =	vst v60  }
0xe8: {  	v46 =	vand.u32 $0x3FFF, v46;
	v12 =	vshll.u32 v1, $0x9;
	v1 =	vor.u32 $0x180, v31;
	v55 =	vld.idx.msk [tilespmem:v23+s14+$0x0], $0xffff;
	[tilespmem:$0x1FFD0] =	vst v61  }
0xe9: {  	v45 =	vor.u32 $0x80, v43;
	v41 =	vor.u32 $0x100, v31;
	v51 =	vor.u32 $0x80, v44;
	v61 =	vld.idx.msk [tilespmem:v26+s16+$0x0], $0xffff;
	[tilespmem:$0x1FFE0] =	vst v1  }
0xea: {  	v58 =	vor.u32 $0x100, v22;
	v50 =	vor.u32 $0x80, v32;
	v29 =	vmul.f32 v29, v40;
	v31 =	vld.idx.msk [tilespmem:v57+s2+$0x0], $0xffff  }
0xeb: {  	v54 =	vor.u32 $0x100, v42;
	v18 =	vor.u32 $0x180, v42;
	v19 =	vmul.f32 v21, v19;
	v2 =	vld.idx.msk [tilespmem:v47+s16+$0x0], $0xffff  }
0xec: {  	v60 =	vor.u32 $0x180, v8;
	v26 =	vor.u32 $0x180, v22;
	v22 =	vshll.u32 v53, $0x9;
	v53 =	vld.idx.msk [tilespmem:v49+s16+$0x0], $0xffff  }
0xed: {  	v52 =	vadd.f32 v10, v9;
	(erf) = vpow2.f32 v6;
	v21 =	vor.u32 v56, v22;
	v56 =	vld.idx.msk [tilespmem:v46+s2+$0x0], $0xffff  }
0xee: {  	v13 =	vor.u32 v13, v12;
	v11 =	vor.u32 $0x180, v32;
	v10 =	vor.u32 $0x180, v43;
	[tilespmem:v25+s21+$0x0] =	vst.idx.add.f32.msk $0xffff, v29  }
0xef: {  	v9 =	vor.u32 $0x180, v44;
	v22 =	vor.u32 $0x80, v24;
	v57 =	vmul.f32 $2.000000030e-01, v52;
	v1 =	vld.idx.msk [tilespmem:v27+s16+$0x0], $0xffff  }
0xf0: {  	vm13 =	vge.f32 v52, $0.0e+00;
	v25 =	vor.u32 $0x80, v20;
	v49 =	vld.idx.msk [tilespmem:v36+s16+$0x0], $0xffff;
	v36 =	vor.u32 $0x180, v24  }
0xf1: {  	[tilespmem:v60+s21+$0x0] =	vst.idx.add.f32.msk $0xffff, v19;
	v19 =	vor.u32 $0x80, v13;
	v60 =	vmul.f32 v61, v5;
	v61 =	vshll.u32 v28, $0x2  }
0xf2: {  	v29 =	vsel vm13, v52, v57;
	v28 =	vand.u32 $0x7F, v28;
	v44 =	vand.u32 $0xFE00, v61  }
0xf3: {  	v27 =	vsub.f32 v29, v0;
	v29 =	vor.u32 $0x80, v21;
	[tilespmem:v45+s21+$0x0] =	vst.idx.add.f32.msk $0xffff, v60;
	v45 =	vor.u32 v28, v44  }
0xf4: {  	v32 =	vmul.f32 v2, v62;
	v42 =	vmul.f32 v53, v63;
	v2 =	vadd.f32 v59, v31  }
0xf5: {  	v43 =	vadd.f32 v55, v56;
	v31 =	vor.u32 $0x80, v14;
	v56 =	vmul.f32 $1.442695020e+00, v27;
	v60 =	vld.idx.msk [tilespmem:v30+s16+$0x0], $0xffff  }
0xf6: {  	v27 =	vor.u32 $0x100, v24;
	v34 =	vmul.f32 v1, v34;
	[tilespmem:v50+s21+$0x0] =	vst.idx.add.f32.msk $0xffff, v32;
	v57 =	vmul.f32 $2.000000030e-01, v2;
	v44 =	vpop (erf)  }
0xf7: {  	v61 =	vshll.u32 v38, $0x9;
	vm14 =	vge.f32 v2, $0.0e+00;
	(erf) = vpow2.f32 v56;
	[tilespmem:v48+s28+$0x0] =	vst.idx.add.f32.msk @!p0 $0xffff, v44  }
0xf8: {  	v38 =	vor.u32 $0x180, v20;
	v59 =	vmul.f32 $2.000000030e-01, v43;
	v47 =	vsel vm14, v2, v57;
	v48 =	vld.idx.msk [tilespmem:v45+s16+$0x0], $0xffff  }
0xf9: {  	v28 =	vor.u32 $0x80, v17;
	[tilespmem:v51+s21+$0x0] =	vst.idx.add.f32.msk $0xffff, v42;
	vm15 =	vge.f32 v43, $0.0e+00;
	v1 =	vsub.f32 v47, v0  }
0xfa: {  	v30 =	vor.u32 $0x100, v20;
	v50 =	vor.u32 v39, v61;
	[tilespmem:v35+s21+$0x0] =	vst.idx.add.f32.msk $0xffff, v34;
	v43 =	vsel vm15, v43, v59  }
0xfb: {  	v2 =	vld.idx.msk [tilespmem:v41+s16+$0x0], $0xffff;
	v57 =	vor.u32 $0x80, v45;
	v33 =	vmul.f32 v60, v33;
	v59 =	vmul.f32 $1.442695020e+00, v1  }
0xfc: {  	v32 =	vor.u32 $0x100, v17;
	v42 =	vor.u32 $0x100, v13;
	v46 =	vld.idx.msk [tilespmem:v54+s16+$0x0], $0xffff;
	v56 =	vsub.f32 v43, v0  }
0xfd: {  	v35 =	vor.u32 $0x100, v21;
	[tilespmem:v37+s21+$0x0] =	vst.idx.add.f32.msk $0xffff, v33;
	(erf) = vpow2.f32 v59;
	v61 =	vmul.f32 v48, v44  }
0xfe: {  	v39 =	vor.u32 $0x180, v17;
	v34 =	vor.u32 $0x180, v14;
	v60 =	vmul.f32 $1.442695020e+00, v56;
	v48 =	vld.idx.msk [tilespmem:v58+s16+$0x0], $0xffff  }
0xff: {  	v41 =	vmul.f32 v49, v40;
	v43 =	vor.u32 $0x100, v14;
	v33 =	vor.u32 $0x180, v13;
	[tilespmem:v50+s21+$0x0] =	vst.idx.add.f32.msk $0xffff, v61  }
0x100: {  	s30 =	simm.s32 $0x1B960;
	s29 =	simm.s32 $0x8;
	v37 =	vor.u32 $0x180, v21;
	v54 =	vmul.f32 v2, v5;
	(erf) = vpow2.f32 v60;
	v40 =	vpop (erf);
	v52 =	vld.idx.msk [tilespmem:v57+s16+$0x0], $0xffff  }
.LBB2_13:
0x101: {  	v51 =	vld [tilespmem:s30+$0x10]  }
0x102: {  	v56 =	vld [tilespmem:s30+$0xFFFFFFF0]  }
0x103: {  	v12 =	vld [tilespmem:$0x1FFB0]  }
0x104: {  	v57 =	vld [tilespmem:s30+$0x0];
	v58 =	vor.u32 $0x80, v50  }
0x105: {  	v59 =	vld [tilespmem:s30+$0xFFFFFFE0];
	v60 =	vor.u32 $0x100, v45  }
0x106: {  	v47 =	vpop (erf);
	[tilespmem:v15+s28+$0x0] =	vst.idx.add.f32.msk @!p0 $0xffff, v40  }
0x107: {  	[tilespmem:v16+s28+$0x0] =	vst.idx.add.f32.msk @!p0 $0xffff, v47;
	v16 =	vmul.f32 v52, v44  }
0x108: {  	v1 =	vld.idx.msk [tilespmem:v24+s16+$0x0], $0xffff  }
0x109: {  	[tilespmem:v58+s21+$0x0] =	vst.idx.add.f32.msk $0xffff, v16  }
0x10a: {  	v60 =	vld.idx.msk [tilespmem:v60+s16+$0x0], $0xffff  }
0x10b: {  	v53 =	vmul.f32 v48, v63;
	v15 =	vshrl.u32 v51, $0xE;
	v49 =	vshrl.u32 v51, $0x15;
	[tilespmem:v12+s21+$0x0] =	vst.idx.add.f32.msk $0xffff, v54  }
0x10c: {  	v61 =	vand.u32 $0x3FFF, v51;
	v48 =	vand.u32 $0x7F, v15;
	v15 =	vshll.u32 v49, $0x7;
	v12 =	vld [tilespmem:$0x1FFC0]  }
0x10d: {  	[tilespmem:$0x1FF80] =	vst v10;
	v55 =	vmul.f32 v46, v62;
	v46 =	vpop (erf);
	v52 =	vor.u32 v48, v15  }
0x10e: {  	v45 =	vor.u32 $0x180, v45;
	v24 =	vor.u32 $0x100, v50;
	[tilespmem:v23+s28+$0x0] =	vst.idx.add.f32.msk @!p0 $0xffff, v46;
	v23 =	vshrl.u32 v56, $0xE  }
0x10f: {  	[tilespmem:$0x1FF60] =	vst v62;
	v7 =	vld.idx.msk [tilespmem:v20+s16+$0x0], $0xffff;
	v62 =	vshrl.u32 v56, $0x15;
	v0 =	vshrl.u32 v57, $0x15;
	v10 =	vand.u32 $0x3FFF, v57  }
0x110: {  	v16 =	vshrl.u32 v57, $0xE;
	v4 =	vand.u32 $0x7F, v23;
	v23 =	vshll.u32 v62, $0x7;
	v3 =	vld.idx.msk [tilespmem:v17+s16+$0x0], $0xffff  }
0x111: {  	v20 =	vshll.u32 v0, $0x7;
	v6 =	vand.u32 $0x7F, v16;
	v61 =	vld.idx.msk [tilespmem:v61+s2+$0x0], $0xffff;
	v60 =	vmul.f32 v60, v44  }
0x112: {  	v16 =	vor.u32 v4, v23;
	v23 =	vor.u32 v6, v20;
	v8 =	vld.idx.msk [tilespmem:v52+s14+$0x0], $0xffff  }
0x113: {  	v17 =	vshll.u32 v59, $0x2;
	[tilespmem:v24+s21+$0x0] =	vst.idx.add.f32.msk $0xffff, v60  }
0x114: {  	v50 =	vor.u32 $0x180, v50;
	v17 =	vand.u32 $0xFE00, v17;
	[tilespmem:v12+s21+$0x0] =	vst.idx.add.f32.msk $0xffff, v55;
	v12 =	vmovc v43;
	v43 =	vand.u32 $0x7F, v59  }
0x115: {  	[tilespmem:$0x1FF90] =	vst v11;
	v11 =	vmovc v9;
	v9 =	vand.u32 $0x3FFF, v59;
	v2 =	vand.u32 $0x3FFF, v56;
	v24 =	vor.u32 v43, v17;
	v43 =	vld.idx.msk [tilespmem:v45+s16+$0x0], $0xffff  }
0x116: {  	v58 =	vshrl.u32 v59, $0x15;
	v15 =	vshrl.u32 v59, $0xE;
	v10 =	vld.idx.msk [tilespmem:v10+s2+$0x0], $0xffff;
	v3 =	vmul.f32 v3, v46  }
0x117: {  	v20 =	vshll.u32 v56, $0x2;
	v59 =	vand.u32 $0x7F, v56;
	v56 =	vld.idx.msk [tilespmem:v23+s14+$0x0], $0xffff;
	v8 =	vadd.f32 v8, v61  }
0x118: {  	v0 =	vshll.u32 v0, $0x9;
	v54 =	vmov v42;
	[tilespmem:v21+s21+$0x0] =	vst.idx.add.f32.msk $0xffff, v3  }
0x119: {  	v42 =	vshll.u32 v57, $0x2;
	[tilespmem:$0x1FFB0] =	vst v54;
	v54 =	vld.idx.msk [tilespmem:v16+s14+$0x0], $0xffff;
	v61 =	vshll.u32 v62, $0x9;
	v62 =	vmul.f32 $2.000000030e-01, v8  }
0x11a: {  	v0 =	vor.u32 v6, v0;
	v2 =	vld.idx.msk [tilespmem:v2+s2+$0x0], $0xffff;
	vm0 =	vge.f32 v8, $0.0e+00;
	v43 =	vmul.f32 v43, v44  }
0x11b: {  	[tilespmem:$0x1FF70] =	vst v63;
	v42 =	vand.u32 $0xFE00, v42;
	v17 =	vand.u32 $0x7F, v57;
	v6 =	vsel vm0, v8, v62;
	v62 =	vld [tilespmem:$0x1FFF0]  }
0x11c: {  	v63 =	vand.u32 $0x7F, v15;
	v15 =	vshll.u32 v58, $0x7;
	v17 =	vor.u32 v17, v42;
	[tilespmem:v50+s21+$0x0] =	vst.idx.add.f32.msk $0xffff, v43  }
0x11d: {  	v15 =	vor.u32 v63, v15;
	v57 =	vor.u32 $0x80, v17;
	v50 =	vld.idx.msk [tilespmem:v28+s16+$0x0], $0xffff  }
0x11e: {  	v28 =	vmov v57;
	v57 =	vld [tilespmem:$0x1FFD0];
	_ =	sdelay $0x1  }
0x11f: {  	v7 =	vmul.f32 v7, v47  }
0x120: {  	v9 =	vld.idx.msk [tilespmem:v9+s2+$0x0], $0xffff;
	v60 =	vshll.u32 v58, $0x9;
	v58 =	vor.u32 $0x80, v0;
	v21 =	vmovc v0;
	v0 =	vadd.f32 v54, v2  }
0x121: {  	v1 =	vmul.f32 v1, v40;
	v45 =	vld.idx.msk [tilespmem:v15+s14+$0x0], $0xffff  }
0x122: {  	[tilespmem:v14+s21+$0x0] =	vst.idx.add.f32.msk $0xffff, v7;
	v7 =	vadd.f32 v56, v10;
	v10 =	vmul.f32 $2.000000030e-01, v0;
	v6 =	vsub.f32 v6, v62  }
0x123: {  	[tilespmem:v13+s21+$0x0] =	vst.idx.add.f32.msk $0xffff, v1;
	vm1 =	vge.f32 v0, $0.0e+00  }
0x124: {  	v0 =	vsel vm1, v0, v10;
	v10 =	vld [tilespmem:$0x1FFA0];
	v6 =	vmul.f32 $1.442695020e+00, v6  }
0x125: {  	v20 =	vand.u32 $0xFE00, v20;
	v4 =	vor.u32 v4, v61;
	[tilespmem:v57+s21+$0x0] =	vst.idx.add.f32.msk $0xffff, v53  }
0x126: {  	v1 =	vor.u32 $0x80, v4;
	v14 =	vmovc v4;
	v4 =	vadd.f32 v45, v9;
	(erf) = vpow2.f32 v6;
	v57 =	vld [tilespmem:$0x1FFE0]  }
0x127: {  	v20 =	vor.u32 v59, v20;
	v42 =	vor.u32 v63, v60;
	v8 =	vor.u32 $0x80, v24  }
0x128: {  	v3 =	vld.idx.msk [tilespmem:v22+s16+$0x0], $0xffff;
	v44 =	vor.u32 $0x80, v20;
	v2 =	vor.u32 $0x100, v21;
	v6 =	vmul.f32 $2.000000030e-01, v4  }
0x129: {  	v22 =	vmovc v8;
	v8 =	vld.idx.msk [tilespmem:v25+s16+$0x0], $0xffff;
	v45 =	vshll.u32 v51, $0x2;
	v25 =	vmovc v44;
	v44 =	vmul.f32 $2.000000030e-01, v7;
	vm15 =	vge.f32 v4, $0.0e+00  }
0x12a: {  	v63 =	vmovc v35;
	v56 =	vsel vm15, v4, v6;
	v4 =	vand.u32 $0x7F, v51;
	v6 =	vand.u32 $0xFE00, v45  }
0x12b: {  	vm2 =	vge.f32 v7, $0.0e+00;
	v35 =	vmovc v2;
	v45 =	vor.u32 v4, v6;
	v4 =	vld.idx.msk [tilespmem:v18+s16+$0x0], $0xffff;
	v2 =	vsub.f32 v56, v62  }
0x12c: {  	v7 =	vsel vm2, v7, v44;
	v0 =	vsub.f32 v0, v62;
	v6 =	vld.idx.msk [tilespmem:v26+s16+$0x0], $0xffff  }
0x12d: {  	v7 =	vsub.f32 v7, v62;
	[tilespmem:v10+s21+$0x0] =	vst.idx.add.f32.msk $0xffff, v41;
	v2 =	vmul.f32 $1.442695020e+00, v2  }
0x12e: {  	[tilespmem:$0x1FFD0] =	vst v63;
	v0 =	vmul.f32 $1.442695020e+00, v0;
	v26 =	vmul.f32 v50, v46;
	v63 =	vld.idx.msk [tilespmem:v57+s16+$0x0], $0xffff  }
0x12f: {  	v7 =	vmul.f32 $1.442695020e+00, v7;
	v44 =	vpop (erf);
	(erf) = vpow2.f32 v2;
	v57 =	vld [tilespmem:$0x1FF60]  }
0x130: {  	v3 =	vmul.f32 v3, v40;
	[tilespmem:v29+s21+$0x0] =	vst.idx.add.f32.msk $0xffff, v26;
	(erf) = vpow2.f32 v0  }
0x131: {  	(erf) = vpow2.f32 v7;
	v7 =	vld [tilespmem:$0x1FF70]  }
0x132: {  	[tilespmem:v19+s21+$0x0] =	vst.idx.add.f32.msk $0xffff, v3  }
0x133: {  	[tilespmem:v52+s28+$0x0] =	vst.idx.add.f32.msk @!p0 $0xffff, v44  }
0x134: {  	v53 =	vld.idx.msk [tilespmem:v45+s16+$0x0], $0xffff;
	v0 =	vmul.f32 v4, v57;
	v4 =	vshll.u32 v49, $0x9  }
0x135: {  	v50 =	vor.u32 v48, v4;
	v48 =	vld.idx.msk [tilespmem:v32+s16+$0x0], $0xffff  }
0x136: {  	v61 =	vor.u32 $0x100, v17;
	v41 =	vmul.f32 v6, v7;
	v7 =	vld [tilespmem:$0x1FF80]  }
0x137: {  	v59 =	vor.u32 $0x100, v24;
	v60 =	vor.u32 $0x100, v20;
	v8 =	vmul.f32 v8, v47;
	v32 =	vmovc v61;
	v61 =	vld [tilespmem:$0x1FF90]  }
0x138: {  	[tilespmem:$0x1FFC0] =	vst v12;
	v55 =	vor.u32 $0x80, v42;
	v9 =	vor.u32 $0x180, v24;
	v4 =	vld.idx.msk [tilespmem:v27+s16+$0x0], $0xffff;
	v27 =	vmovc v59;
	v59 =	vor.u32 $0x80, v45  }
0x139: {  	s29 =	sadd.s32 $0x4, s29;
	v13 =	vmovc v42;
	v54 =	vmovc v36;
	v36 =	vmov v9;
	v9 =	vor.u32 $0x180, v20;
	[tilespmem:v31+s21+$0x0] =	vst.idx.add.f32.msk $0xffff, v8;
	v6 =	vmov v11  }
0x13a: {  	p1 =	slt.u32 s29, $0x78;
	v42 =	vor.u32 $0x100, v13;
	v43 =	vor.u32 $0x100, v14;
	[tilespmem:$0x1FFA0] =	vst v6;
	v6 =	vmul.f32 v53, v44  }
.Ltmp5:
0x13b: {  	v18 =	vmovc v38;
	v10 =	vor.u32 $0x180, v17;
	v56 =	vmul.f32 v63, v5;
	v5 =	vor.u32 $0x180, v21;
	v63 =	vmovc v46;
	v46 =	vld.idx.msk [tilespmem:v30+s16+$0x0], $0xffff;
	(pc) =	sbr.rel @p1 .LBB2_13-.Ltmp5, $4  }
0x13c: {  	v38 =	vmovc v9;
	v62 =	vmovc v47;
	v31 =	vmov v1;
	v9 =	vmov v37;
	v52 =	vor.u32 $0x180, v14;
	[tilespmem:v50+s21+$0x0] =	vst.idx.add.f32.msk $0xffff, v6  }
0x13d: {  	[tilespmem:$0x1FFE0] =	vst v54;
	v29 =	vmovc v58;
	v26 =	vmovc v39;
	v39 =	vmov v10;
	v11 =	vmov v34;
	v34 =	vmov v52;
	v52 =	vld.idx.msk [tilespmem:v59+s16+$0x0], $0xffff  }
0x13e: {  	v10 =	vmovc v33;
	v3 =	vor.u32 $0x180, v13;
	v19 =	vmovc v55;
	v37 =	vmov v5;
	v5 =	vmov v40;
	[tilespmem:v7+s21+$0x0] =	vst.idx.add.f32.msk $0xffff, v56  }
0x13f: {  	s30 =	sadd.s32 $0x40, s30;
	v33 =	vmov v3;
	v30 =	vmov v60;
	v40 =	vpop (erf);
	v54 =	vmul.f32 v4, v5;
	[tilespmem:v61+s21+$0x0] =	vst.idx.add.f32.msk $0xffff, v0  }
0x140: {  	_ =	sdelay $0x1  }
0x141: {  	v0 =	vor.u32 $0x80, v50  }
0x142: {  	v1 =	vor.u32 $0x100, v45  }
0x143: {  	v2 =	vpop (erf);
	[tilespmem:v15+s28+$0x0] =	vst.idx.add.f32.msk @!p0 $0xffff, v40  }
0x144: {  	[tilespmem:v16+s28+$0x0] =	vst.idx.add.f32.msk @!p0 $0xffff, v2;
	v3 =	vmul.f32 v52, v44  }
0x145: {  	v6 =	vld.idx.msk [tilespmem:v20+s16+$0x0], $0xffff  }
0x146: {  	[tilespmem:v0+s21+$0x0] =	vst.idx.add.f32.msk $0xffff, v3  }
0x147: {  	v1 =	vld.idx.msk [tilespmem:v1+s16+$0x0], $0xffff  }
0x148: {  	v0 =	vpop (erf);
	v3 =	vld.idx.msk [tilespmem:v24+s16+$0x0], $0xffff  }
0x149: {  	v4 =	vor.u32 $0x100, v50;
	[tilespmem:v23+s28+$0x0] =	vst.idx.add.f32.msk @!p0 $0xffff, v0  }
0x14a: {  	v8 =	vld.idx.msk [tilespmem:v17+s16+$0x0], $0xffff;
	_ =	sdelay $0x1  }
0x14b: {  	v1 =	vmul.f32 v1, v44  }
0x14c: {  	v60 =	vmul.f32 v3, v40  }
0x14d: {  	[tilespmem:v4+s21+$0x0] =	vst.idx.add.f32.msk $0xffff, v1;
	v4 =	vmul.f32 v6, v2  }
0x14e: {  	[tilespmem:v13+s21+$0x0] =	vst.idx.add.f32.msk $0xffff, v60;
	v6 =	vmul.f32 v8, v0  }
0x14f: {  	[tilespmem:v14+s21+$0x0] =	vst.idx.add.f32.msk $0xffff, v4  }
0x150: {  	[tilespmem:v21+s21+$0x0] =	vst.idx.add.f32.msk $0xffff, v6  }
0x151: {  	v7 =	vor.u32 $0x180, v45;
	v12 =	vld [tilespmem:$0x1FFB0];
	_ =	sdelay $0x3  }
0x152: {  	v1 =	vld.idx.msk [tilespmem:v22+s16+$0x0], $0xffff  }
0x153: {  	v3 =	vld.idx.msk [tilespmem:v7+s16+$0x0], $0xffff  }
0x154: {  	v6 =	vld.idx.msk [tilespmem:v25+s16+$0x0], $0xffff  }
0x155: {  	v7 =	vld.idx.msk [tilespmem:v28+s16+$0x0], $0xffff  }
0x156: {  	v4 =	vor.u32 $0x180, v50;
	[tilespmem:v12+s21+$0x0] =	vst.idx.add.f32.msk $0xffff, v54  }
0x157: {  	v12 =	vld [tilespmem:$0x1FFC0];
	_ =	sdelay $0x1  }
0x158: {  	v3 =	vmul.f32 v3, v44  }
0x159: {  	v1 =	vmul.f32 v1, v40  }
0x15a: {  	v61 =	vmul.f32 v7, v0;
	[tilespmem:v4+s21+$0x0] =	vst.idx.add.f32.msk $0xffff, v3  }
0x15b: {  	v3 =	vmul.f32 v6, v2;
	[tilespmem:v19+s21+$0x0] =	vst.idx.add.f32.msk $0xffff, v1  }
0x15c: {  	v8 =	vmul.f32 v46, v62;
	[tilespmem:v29+s21+$0x0] =	vst.idx.add.f32.msk $0xffff, v61  }
0x15d: {  	[tilespmem:v31+s21+$0x0] =	vst.idx.add.f32.msk $0xffff, v3  }
0x15e: {  	[tilespmem:v12+s21+$0x0] =	vst.idx.add.f32.msk $0xffff, v8  }
0x15f: {  	v7 =	vld [tilespmem:$0x1FFD0];
	_ =	sdelay $0x4  }
0x160: {  	v44 =	vld.idx.msk [tilespmem:v27+s16+$0x0], $0xffff  }
0x161: {  	v3 =	vmul.f32 v48, v63;
	v4 =	vld.idx.msk [tilespmem:v30+s16+$0x0], $0xffff  }
0x162: {  	v6 =	vld.idx.msk [tilespmem:v32+s16+$0x0], $0xffff  }
0x163: {  	[tilespmem:v7+s21+$0x0] =	vst.idx.add.f32.msk $0xffff, v3  }
0x164: {  	v3 =	vld [tilespmem:$0x1FFE0]  }
0x165: {  	v1 =	vmul.f32 v44, v40  }
0x166: {  	v4 =	vmul.f32 v4, v2  }
0x167: {  	v6 =	vmul.f32 v6, v0;
	[tilespmem:v42+s21+$0x0] =	vst.idx.add.f32.msk $0xffff, v1  }
0x168: {  	[tilespmem:v43+s21+$0x0] =	vst.idx.add.f32.msk $0xffff, v4  }
0x169: {  	[tilespmem:v35+s21+$0x0] =	vst.idx.add.f32.msk $0xffff, v6  }
0x16a: {  	v1 =	vld.idx.msk [tilespmem:v36+s16+$0x0], $0xffff  }
0x16b: {  	v6 =	vld [tilespmem:$0x1FFA0]  }
0x16c: {  	v3 =	vld.idx.msk [tilespmem:v3+s16+$0x0], $0xffff  }
0x16d: {  	v4 =	vld.idx.msk [tilespmem:v38+s16+$0x0], $0xffff  }
0x16e: {  	v7 =	vld.idx.msk [tilespmem:v18+s16+$0x0], $0xffff  }
0x16f: {  	v8 =	vld.idx.msk [tilespmem:v26+s16+$0x0], $0xffff  }
0x170: {  	v1 =	vmul.f32 v1, v40  }
0x171: {  	v3 =	vmul.f32 v3, v5;
	v5 =	vld.idx.msk [tilespmem:v39+s16+$0x0], $0xffff  }
0x172: {  	v2 =	vmul.f32 v4, v2;
	[tilespmem:v33+s21+$0x0] =	vst.idx.add.f32.msk $0xffff, v1  }
0x173: {  	[tilespmem:v6+s21+$0x0] =	vst.idx.add.f32.msk $0xffff, v41;
	v6 =	vmul.f32 v7, v62  }
0x174: {  	[tilespmem:v34+s21+$0x0] =	vst.idx.add.f32.msk $0xffff, v2;
	v7 =	vmul.f32 v8, v63  }
0x175: {  	[tilespmem:v11+s21+$0x0] =	vst.idx.add.f32.msk $0xffff, v6  }
0x176: {  	[tilespmem:v9+s21+$0x0] =	vst.idx.add.f32.msk $0xffff, v7;
	v0 =	vmul.f32 v5, v0  }
0x177: {  	[tilespmem:v10+s21+$0x0] =	vst.idx.add.f32.msk $0xffff, v3  }
0x178: {  	[tilespmem:v37+s21+$0x0] =	vst.idx.add.f32.msk $0xffff, v0  }
0x179: {  	v0 =	vld [tilespmem:$0x1C040];
	_ =	sdelay $0x4  }
0x17a: {  	v45 =	vshrl.u32 v0, $0xE;
	v46 =	vshrl.u32 v0, $0x15  }
0x17b: {  	v3 =	vand.u32 $0x3FFF, v0;
	v1 =	vand.u32 $0x7F, v45;
	v4 =	vshll.u32 v46, $0x7  }
0x17c: {  	v4 =	vor.u32 v1, v4;
	_ =	sdelay $0x3  }
0x17d: {  	v3 =	vld.idx.msk [tilespmem:v3+s2+$0x0], $0xffff  }
0x17e: {  	v5 =	vld.idx.msk [tilespmem:v4+s14+$0x0], $0xffff;
	_ =	sdelay $0x4  }
0x17f: {  	v60 =	vld [tilespmem:$0x1FFF0];
	v3 =	vadd.f32 v5, v3;
	_ =	sdelay $0x1  }
0x180: {  	v5 =	vmul.f32 $2.000000030e-01, v3  }
0x181: {  	vm0 =	vge.f32 v3, $0.0e+00  }
0x182: {  	v3 =	vsel vm0, v3, v5  }
0x183: {  	v3 =	vsub.f32 v3, v60;
	_ =	sdelay $0x1  }
0x184: {  	v3 =	vmul.f32 $1.442695020e+00, v3;
	_ =	sdelay $0x1  }
0x185: {  	(erf) = vpow2.f32 v3;
	_ =	sdelay $0x3  }
0x186: {  	v3 =	vshll.u32 v0, $0x2  }
0x187: {  	v0 =	vand.u32 $0x7F, v0;
	v3 =	vand.u32 $0xFE00, v3  }
0x188: {  	v0 =	vor.u32 v0, v3;
	_ =	sdelay $0x2  }
0x189: {  	v3 =	vpop (erf)  }
0x18a: {  	[tilespmem:v4+s28+$0x0] =	vst.idx.add.f32.msk @!p0 $0xffff, v3  }
0x18b: {  	v4 =	vld.idx.msk [tilespmem:v0+s16+$0x0], $0xffff  }
0x18c: {  	v2 =	vshll.u32 v46, $0x9  }
0x18d: {  	v1 =	vor.u32 v1, v2  }
0x18e: {  	v47 =	vor.u32 $0x80, v0;
	_ =	sdelay $0x1  }
0x18f: {  	v4 =	vmul.f32 v4, v3;
	_ =	sdelay $0x1  }
0x190: {  	[tilespmem:v1+s21+$0x0] =	vst.idx.add.f32.msk $0xffff, v4  }
0x191: {  	v2 =	vld.idx.msk [tilespmem:v47+s16+$0x0], $0xffff;
	_ =	sdelay $0x1  }
0x192: {  	v4 =	vor.u32 $0x80, v1  }
0x193: {  	v5 =	vor.u32 $0x100, v0;
	_ =	sdelay $0x1  }
0x194: {  	v2 =	vmul.f32 v2, v3;
	_ =	sdelay $0x1  }
0x195: {  	[tilespmem:v4+s21+$0x0] =	vst.idx.add.f32.msk $0xffff, v2  }
0x196: {  	v2 =	vld.idx.msk [tilespmem:v5+s16+$0x0], $0xffff;
	_ =	sdelay $0x1  }
0x197: {  	v4 =	vor.u32 $0x100, v1  }
0x198: {  	v0 =	vor.u32 $0x180, v0;
	_ =	sdelay $0x1  }
0x199: {  	v2 =	vmul.f32 v2, v3;
	_ =	sdelay $0x1  }
0x19a: {  	[tilespmem:v4+s21+$0x0] =	vst.idx.add.f32.msk $0xffff, v2  }
0x19b: {  	v0 =	vld.idx.msk [tilespmem:v0+s16+$0x0], $0xffff;
	_ =	sdelay $0x1  }
0x19c: {  	v1 =	vor.u32 $0x180, v1;
	_ =	sdelay $0x2  }
0x19d: {  	v0 =	vmul.f32 v0, v3;
	_ =	sdelay $0x1  }
0x19e: {  	p1 =	seq.s32 s25, $0x9;
	[tilespmem:v1+s21+$0x0] =	vst.idx.add.f32.msk $0xffff, v0  }
0x19f: {  	s31 =	simm.s32 $0x1C0A0;
	s26 =	sadd.s32 @!p1 s26, s10;
	_ =	swait.ge [sflag:s22], $0x7D0  }
0x1a0: {  	s29 =	simm.s32 @!p1 $0x1B880;
	s26 =	sshrl.u32 @!p1 s26, $0x3;
	[sflag:s22] =	ssyncset.done $0x0  }
0x1a1: {  	s26 =	sadd.s32 @!p1 s3, s26;
	s28 =	simm.s32 @!p1 $0x0;
	[sflag:s22] =	ssyncadd.s32 $0xFFFFF830  }
0x1a2: {  	[tilespmem:s29], [sflag:$0x2] =	stream.linear.gather @!p1 [hbm4b:s26+s28], $0x7D0, $0x38;
	[tilespmem:$0x1C880] =	vst v63  }
0x1a3: {  	v48 =	vld [tilespmem:s31+$0x10];
	_ =	sdelay $0x4  }
0x1a4: {  	v49 =	vshrl.u32 v48, $0xE;
	v50 =	vshrl.u32 v48, $0x15  }
0x1a5: {  	v3 =	vand.u32 $0x3FFF, v48;
	v1 =	vand.u32 $0x7F, v49;
	v4 =	vshll.u32 v50, $0x7  }
0x1a6: {  	v4 =	vor.u32 v1, v4;
	_ =	sdelay $0x2  }
0x1a7: {  	v6 =	vld [tilespmem:s31+$0xFFFFFFF0]  }
0x1a8: {  	v3 =	vld.idx.msk [tilespmem:v3+s2+$0x0], $0xffff  }
0x1a9: {  	v5 =	vld.idx.msk [tilespmem:v4+s14+$0x0], $0xffff  }
0x1aa: {  	v7 =	vld [tilespmem:s31+$0xFFFFFFE0]  }
0x1ab: {  	v9 =	vld [tilespmem:s31+$0x0];
	_ =	sdelay $0x2  }
0x1ac: {  	v3 =	vadd.f32 v5, v3  }
0x1ad: {  	v10 =	vshrl.u32 v6, $0x15;
	v11 =	vshrl.u32 v7, $0xE;
	v12 =	vshrl.u32 v7, $0x15  }
0x1ae: {  	v13 =	vshrl.u32 v9, $0xE;
	v17 =	vshrl.u32 v9, $0x15;
	v8 =	vmul.f32 $2.000000030e-01, v3  }
0x1af: {  	v19 =	vand.u32 $0x7F, v13;
	v5 =	vshrl.u32 v6, $0xE;
	vm6 =	vge.f32 v3, $0.0e+00  }
0x1b0: {  	v15 =	vand.u32 $0x7F, v5;
	v5 =	vshll.u32 v10, $0x7;
	v3 =	vsel vm6, v3, v8  }
0x1b1: {  	v18 =	vor.u32 v15, v5;
	v5 =	vshll.u32 v17, $0x7;
	v3 =	vsub.f32 v3, v60  }
0x1b2: {  	v14 =	vand.u32 $0x7F, v11;
	v20 =	vor.u32 v19, v5;
	v8 =	vshll.u32 v12, $0x7  }
0x1b3: {  	v16 =	vor.u32 v14, v8;
	v3 =	vmul.f32 $1.442695020e+00, v3  }
0x1b4: {  	v8 =	vand.u32 $0x3FFF, v7  }
0x1b5: {  	(erf) = vpow2.f32 v3;
	v3 =	vand.u32 $0x3FFF, v6  }
0x1b6: {  	v5 =	vand.u32 $0x3FFF, v9;
	v13 =	vld.idx.msk [tilespmem:v18+s14+$0x0], $0xffff  }
0x1b7: {  	v22 =	vld.idx.msk [tilespmem:v20+s14+$0x0], $0xffff  }
0x1b8: {  	v11 =	vld.idx.msk [tilespmem:v16+s14+$0x0], $0xffff  }
0x1b9: {  	v21 =	vshll.u32 v48, $0x2;
	v8 =	vld.idx.msk [tilespmem:v8+s2+$0x0], $0xffff  }
0x1ba: {  	v0 =	vand.u32 $0x7F, v48;
	v21 =	vand.u32 $0xFE00, v21;
	v3 =	vld.idx.msk [tilespmem:v3+s2+$0x0], $0xffff  }
0x1bb: {  	v0 =	vor.u32 v0, v21;
	v5 =	vld.idx.msk [tilespmem:v5+s2+$0x0], $0xffff;
	_ =	sdelay $0x2  }
0x1bc: {  	s26 =	simm.s32 @!p0 $0x19080;
	v8 =	vadd.f32 v11, v8;
	v11 =	vpop (erf)  }
0x1bd: {  	[tilespmem:v4+s26+$0x0] =	vst.idx.add.f32.msk @!p0 $0xffff, v11;
	v3 =	vadd.f32 v13, v3  }
0x1be: {  	v2 =	vshll.u32 v50, $0x9;
	v5 =	vadd.f32 v22, v5;
	v13 =	vmul.f32 $2.000000030e-01, v8;
	v4 =	vld.idx.msk [tilespmem:v0+s16+$0x0], $0xffff  }
0x1bf: {  	v1 =	vor.u32 v1, v2;
	vm7 =	vge.f32 v8, $0.0e+00;
	v21 =	vmul.f32 $2.000000030e-01, v3  }
0x1c0: {  	v51 =	vmul.f32 $2.000000030e-01, v5;
	vm1 =	vge.f32 v3, $0.0e+00;
	v8 =	vsel vm7, v8, v13  }
0x1c1: {  	s28 =	simm.s32 $0x1C0E0;
	v13 =	vor.u32 $0x80, v0;
	v8 =	vsub.f32 v8, v60;
	v3 =	vsel vm1, v3, v21  }
0x1c2: {  	vm8 =	vge.f32 v5, $0.0e+00;
	v21 =	vld [tilespmem:s28+$0x10];
	v3 =	vsub.f32 v3, v60  }
0x1c3: {  	v2 =	vsel vm8, v5, v51;
	v5 =	vmul.f32 $1.442695020e+00, v8;
	v4 =	vmul.f32 v4, v11  }
0x1c4: {  	v2 =	vsub.f32 v2, v60;
	v3 =	vmul.f32 $1.442695020e+00, v3  }
0x1c5: {  	(erf) = vpow2.f32 v5;
	[tilespmem:v1+s21+$0x0] =	vst.idx.add.f32.msk $0xffff, v4  }
0x1c6: {  	v26 =	vshll.u32 v6, $0x2;
	v2 =	vmul.f32 $1.442695020e+00, v2;
	v4 =	vld.idx.msk [tilespmem:v13+s16+$0x0], $0xffff;
	(erf) = vpow2.f32 v3  }
0x1c7: {  	v52 =	vshrl.u32 v21, $0xE;
	v8 =	vshrl.u32 v21, $0x15;
	v24 =	vand.u32 $0x3FFF, v21  }
0x1c8: {  	v22 =	vor.u32 $0x80, v1;
	v3 =	vld [tilespmem:s28+$0xFFFFFFF0];
	v5 =	vand.u32 $0x7F, v52;
	v25 =	vshll.u32 v8, $0x7  }
0x1c9: {  	v17 =	vshll.u32 v17, $0x9;
	(erf) = vpow2.f32 v2;
	v28 =	vor.u32 v5, v25  }
0x1ca: {  	v23 =	vor.u32 $0x100, v0;
	v17 =	vor.u32 v19, v17;
	v6 =	vand.u32 $0x7F, v6;
	v2 =	vld [tilespmem:s28+$0x0]  }
0x1cb: {  	v25 =	vand.u32 $0xFE00, v26;
	v26 =	vshll.u32 v9, $0x2;
	v27 =	vmul.f32 v4, v11;
	v4 =	vld [tilespmem:s28+$0xFFFFFFE0]  }
0x1cc: {  	v29 =	vor.u32 v6, v25;
	v6 =	vand.u32 $0x7F, v9;
	v9 =	vshll.u32 v10, $0x9;
	v10 =	vld.idx.msk [tilespmem:v24+s2+$0x0], $0xffff  }
0x1cd: {  	v58 =	vor.u32 $0x80, v17;
	v13 =	vshll.u32 v7, $0x2;
	v19 =	vand.u32 $0x3FFF, v3;
	[tilespmem:v22+s21+$0x0] =	vst.idx.add.f32.msk $0xffff, v27  }
0x1ce: {  	v0 =	vor.u32 $0x180, v0;
	v7 =	vand.u32 $0x7F, v7;
	v13 =	vand.u32 $0xFE00, v13;
	v24 =	vld.idx.msk [tilespmem:v28+s14+$0x0], $0xffff  }
0x1cf: {  	v8 =	vshll.u32 v8, $0x9;
	v26 =	vand.u32 $0xFE00, v26;
	v22 =	vor.u32 v7, v13;
	v34 =	vpop (erf);
	v7 =	vld.idx.msk [tilespmem:v23+s16+$0x0], $0xffff  }
0x1d0: {  	v25 =	vor.u32 $0x100, v1;
	v1 =	vor.u32 $0x180, v1;
	v53 =	vand.u32 $0x3FFF, v2;
	[tilespmem:v16+s26+$0x0] =	vst.idx.add.f32.msk @!p0 $0xffff, v34;
	v33 =	vpop (erf)  }
0x1d1: {  	v15 =	vor.u32 v15, v9;
	v23 =	vor.u32 v6, v26;
	v6 =	vshll.u32 v12, $0x9;
	[tilespmem:v18+s26+$0x0] =	vst.idx.add.f32.msk @!p0 $0xffff, v33  }
0x1d2: {  	v13 =	vshrl.u32 v3, $0x15;
	v14 =	vor.u32 v14, v6;
	v6 =	vshrl.u32 v3, $0xE;
	v40 =	vpop (erf);
	v19 =	vld.idx.msk [tilespmem:v19+s2+$0x0], $0xffff  }
0x1d3: {  	v12 =	vshrl.u32 v4, $0xE;
	v16 =	vshrl.u32 v4, $0x15;
	v18 =	vshrl.u32 v2, $0xE;
	[tilespmem:v20+s26+$0x0] =	vst.idx.add.f32.msk @!p0 $0xffff, v40  }
0x1d4: {  	v31 =	vand.u32 $0x7F, v6;
	v6 =	vshll.u32 v13, $0x7;
	v30 =	vand.u32 $0x3FFF, v4;
	v32 =	vld.idx.msk [tilespmem:v29+s16+$0x0], $0xffff  }
0x1d5: {  	v26 =	vand.u32 $0x7F, v12;
	v12 =	vshll.u32 v16, $0x7;
	v20 =	vshrl.u32 v2, $0x15;
	v51 =	vld.idx.msk [tilespmem:v53+s2+$0x0], $0xffff  }
0x1d6: {  	v27 =	vld.idx.msk [tilespmem:v22+s16+$0x0], $0xffff;
	v52 =	vor.u32 v26, v12;
	v24 =	vadd.f32 v24, v10;
	v7 =	vmul.f32 v7, v11  }
0x1d7: {  	v6 =	vor.u32 v31, v6;
	v18 =	vand.u32 $0x7F, v18;
	v10 =	vshll.u32 v20, $0x7;
	v35 =	vld.idx.msk [tilespmem:v23+s16+$0x0], $0xffff  }
0x1d8: {  	v54 =	vor.u32 $0x80, v29;
	v10 =	vor.u32 v18, v10;
	[tilespmem:v25+s21+$0x0] =	vst.idx.add.f32.msk $0xffff, v7;
	v7 =	vmul.f32 $2.000000030e-01, v24  }
0x1d9: {  	v47 =	vor.u32 $0x100, v29;
	v57 =	vor.u32 $0x80, v15;
	vm9 =	vge.f32 v24, $0.0e+00;
	v59 =	vld.idx.msk [tilespmem:v30+s2+$0x0], $0xffff  }
0x1da: {  	v37 =	vor.u32 $0x80, v22;
	v61 =	vor.u32 $0x100, v22;
	v0 =	vld.idx.msk [tilespmem:v0+s16+$0x0], $0xffff;
	v7 =	vsel vm9, v24, v7  }
0x1db: {  	v56 =	vor.u32 $0x80, v23;
	v49 =	vor.u32 $0x100, v23;
	v38 =	vld.idx.msk [tilespmem:v52+s14+$0x0], $0xffff;
	v7 =	vsub.f32 v7, v60  }
0x1dc: {  	v36 =	vor.u32 $0x180, v23;
	v9 =	vor.u32 $0x100, v14;
	v55 =	vld.idx.msk [tilespmem:v6+s14+$0x0], $0xffff;
	v63 =	vmul.f32 v27, v34  }
0x1dd: {  	v27 =	vor.u32 $0x180, v22;
	v22 =	vmul.f32 v32, v33;
	v62 =	vld.idx.msk [tilespmem:v10+s14+$0x0], $0xffff;
	v30 =	vmul.f32 $1.442695020e+00, v7  }
0x1de: {  	v25 =	vor.u32 $0x100, v17;
	v24 =	vor.u32 $0x80, v14;
	v23 =	vmul.f32 v35, v40;
	[tilespmem:v14+s21+$0x0] =	vst.idx.add.f32.msk $0xffff, v63  }
0x1df: {  	v35 =	vor.u32 $0x180, v14;
	[tilespmem:v15+s21+$0x0] =	vst.idx.add.f32.msk $0xffff, v22;
	v14 =	vshll.u32 v21, $0x2;
	(erf) = vpow2.f32 v30  }
0x1e0: {  	v21 =	vand.u32 $0x7F, v21;
	v45 =	vld.idx.msk [tilespmem:v37+s16+$0x0], $0xffff;
	v30 =	vor.u32 $0x180, v29;
	v29 =	vadd.f32 v38, v59  }
0x1e1: {  	[tilespmem:v17+s21+$0x0] =	vst.idx.add.f32.msk $0xffff, v23;
	v14 =	vand.u32 $0xFE00, v14;
	v0 =	vmul.f32 v0, v11;
	v11 =	vadd.f32 v55, v19  }
0x1e2: {  	v63 =	vor.u32 $0x180, v17;
	v22 =	vld.idx.msk [tilespmem:v54+s16+$0x0], $0xffff;
	v14 =	vor.u32 v21, v14;
	v23 =	vmul.f32 $2.000000030e-01, v29  }
0x1e3: {  	v19 =	vadd.f32 v62, v51;
	v50 =	vmul.f32 $2.000000030e-01, v11;
	v51 =	vld.idx.msk [tilespmem:v56+s16+$0x0], $0xffff;
	vm10 =	vge.f32 v29, $0.0e+00  }
0x1e4: {  	s28 =	simm.s32 $0x1C120;
	vm11 =	vge.f32 v11, $0.0e+00;
	[tilespmem:v1+s21+$0x0] =	vst.idx.add.f32.msk $0xffff, v0;
	v56 =	vshll.u32 v16, $0x9;
	v53 =	vsel vm10, v29, v23  }
0x1e5: {  	v17 =	vld [tilespmem:s28+$0xFFFFFFE0];
	v32 =	vmul.f32 v45, v34;
	v54 =	vsel vm11, v11, v50;
	v0 =	vsub.f32 v53, v60  }
0x1e6: {  	v42 =	vor.u32 v26, v56;
	v26 =	vld [tilespmem:s28+$0x0];
	v21 =	vmul.f32 $2.000000030e-01, v19;
	v1 =	vsub.f32 v54, v60  }
0x1e7: {  	v7 =	vor.u32 $0x100, v15;
	vm2 =	vge.f32 v19, $0.0e+00;
	[tilespmem:v24+s21+$0x0] =	vst.idx.add.f32.msk $0xffff, v32;
	v0 =	vmul.f32 $1.442695020e+00, v0  }
0x1e8: {  	v37 =	vor.u32 $0x180, v15;
	v11 =	vsel vm2, v19, v21;
	v1 =	vmul.f32 $1.442695020e+00, v1;
	v55 =	vld.idx.msk [tilespmem:v61+s16+$0x0], $0xffff;
	v19 =	vpop (erf)  }
0x1e9: {  	v15 =	vshll.u32 v4, $0x2;
	v11 =	vsub.f32 v11, v60;
	(erf) = vpow2.f32 v0;
	[tilespmem:v28+s26+$0x0] =	vst.idx.add.f32.msk @!p0 $0xffff, v19  }
0x1ea: {  	v4 =	vand.u32 $0x7F, v4;
	v21 =	vmul.f32 v22, v33;
	(erf) = vpow2.f32 v1;
	v23 =	vld.idx.msk [tilespmem:v14+s16+$0x0], $0xffff  }
0x1eb: {  	v24 =	vshll.u32 v3, $0x2;
	v22 =	vmul.f32 v51, v40;
	v11 =	vmul.f32 $1.442695020e+00, v11;
	v28 =	vld [tilespmem:s28+$0x10]  }
0x1ec: {  	v3 =	vand.u32 $0x7F, v3;
	[tilespmem:v57+s21+$0x0] =	vst.idx.add.f32.msk $0xffff, v21;
	v0 =	vor.u32 v5, v8;
	v5 =	vand.u32 $0xFE00, v15  }
0x1ed: {  	[tilespmem:v58+s21+$0x0] =	vst.idx.add.f32.msk $0xffff, v22;
	v8 =	vor.u32 $0x80, v14;
	v15 =	vand.u32 $0xFE00, v24;
	(erf) = vpow2.f32 v11  }
0x1ee: {  	v32 =	vor.u32 v3, v15;
	v3 =	vshll.u32 v13, $0x9;
	v13 =	vld [tilespmem:s28+$0xFFFFFFF0];
	v1 =	vmul.f32 v55, v34  }
0x1ef: {  	v29 =	vor.u32 v4, v5;
	v5 =	vshll.u32 v20, $0x9;
	v11 =	vld.idx.msk [tilespmem:v47+s16+$0x0], $0xffff;
	v23 =	vmul.f32 v23, v19  }
0x1f0: {  	[tilespmem:v9+s21+$0x0] =	vst.idx.add.f32.msk $0xffff, v1;
	v57 =	vand.u32 $0x3FFF, v28  }
0x1f1: {  	v31 =	vor.u32 v31, v3;
	v3 =	vshrl.u32 v28, $0xE;
	v38 =	vshrl.u32 v28, $0x15;
	[tilespmem:v0+s21+$0x0] =	vst.idx.add.f32.msk $0xffff, v23  }
0x1f2: {  	v43 =	vor.u32 v18, v5;
	v39 =	vand.u32 $0x7F, v3;
	v20 =	vshll.u32 v38, $0x7;
	v5 =	vpop (erf);
	v8 =	vld.idx.msk [tilespmem:v8+s16+$0x0], $0xffff  }
0x1f3: {  	v21 =	vshll.u32 v2, $0x2;
	v46 =	vor.u32 v39, v20;
	v61 =	vpop (erf);
	[tilespmem:v52+s26+$0x0] =	vst.idx.add.f32.msk @!p0 $0xffff, v5  }
0x1f4: {  	v2 =	vand.u32 $0x7F, v2;
	v21 =	vand.u32 $0xFE00, v21;
	v15 =	vor.u32 $0x80, v0;
	[tilespmem:v6+s26+$0x0] =	vst.idx.add.f32.msk @!p0 $0xffff, v61  }
0x1f5: {  	v21 =	vor.u32 v2, v21;
	v2 =	vld.idx.msk [tilespmem:v57+s2+$0x0], $0xffff  }
0x1f6: {  	v16 =	vor.u32 $0x100, v14;
	v62 =	vpop (erf);
	v52 =	vld.idx.msk [tilespmem:v29+s16+$0x0], $0xffff  }
0x1f7: {  	v44 =	vor.u32 $0x80, v42;
	v50 =	vshrl.u32 v17, $0x15;
	[tilespmem:v10+s26+$0x0] =	vst.idx.add.f32.msk @!p0 $0xffff, v62;
	v6 =	vmul.f32 v8, v19  }
0x1f8: {  	v51 =	vshrl.u32 v26, $0x15;
	v59 =	vand.u32 $0x7F, v26;
	v24 =	vld.idx.msk [tilespmem:v46+s14+$0x0], $0xffff;
	v8 =	vmul.f32 v11, v33  }
0x1f9: {  	v58 =	vshll.u32 v17, $0x2;
	v56 =	vshll.u32 v51, $0x7;
	v18 =	vor.u32 $0x80, v29;
	[tilespmem:v15+s21+$0x0] =	vst.idx.add.f32.msk $0xffff, v6  }
0x1fa: {  	v45 =	vor.u32 $0x80, v32;
	v14 =	vor.u32 $0x180, v14;
	v1 =	vand.u32 $0xFE00, v58;
	[tilespmem:v7+s21+$0x0] =	vst.idx.add.f32.msk $0xffff, v8  }
0x1fb: {  	v23 =	vor.u32 $0x100, v0;
	v10 =	vshrl.u32 v13, $0x15;
	v11 =	vshrl.u32 v17, $0xE;
	v7 =	vld.idx.msk [tilespmem:v32+s16+$0x0], $0xffff  }
0x1fc: {  	v53 =	vshll.u32 v10, $0x7;
	v11 =	vand.u32 $0x7F, v11;
	v8 =	vand.u32 $0x3FFF, v17;
	v20 =	vld.idx.msk [tilespmem:v16+s16+$0x0], $0xffff  }
0x1fd: {  	v52 =	vmul.f32 v52, v5;
	v6 =	vshrl.u32 v13, $0xE;
	v15 =	vshrl.u32 v26, $0xE  }
0x1fe: {  	v22 =	vld.idx.msk [tilespmem:v49+s16+$0x0], $0xffff;
	v17 =	vand.u32 $0x7F, v17;
	v16 =	vshll.u32 v50, $0x7;
	v6 =	vand.u32 $0x7F, v6  }
0x1ff: {  	v54 =	vand.u32 $0x7F, v15;
	v2 =	vadd.f32 v24, v2;
	[tilespmem:v42+s21+$0x0] =	vst.idx.add.f32.msk $0xffff, v52;
	v15 =	vor.u32 v11, v16  }
0x200: {  	v24 =	vor.u32 v17, v1;
	v16 =	vor.u32 v6, v53;
	v53 =	vld.idx.msk [tilespmem:v21+s16+$0x0], $0xffff;
	v1 =	vmul.f32 v7, v61  }
0x201: {  	v9 =	vshll.u32 v13, $0x2;
	v57 =	vmul.f32 $2.000000030e-01, v2;
	v7 =	vld.idx.msk [tilespmem:v8+s2+$0x0], $0xffff;
	v20 =	vmul.f32 v20, v19  }
0x202: {  	v47 =	vor.u32 $0x80, v21;
	v9 =	vand.u32 $0xFE00, v9;
	vm12 =	vge.f32 v2, $0.0e+00;
	[tilespmem:v31+s21+$0x0] =	vst.idx.add.f32.msk $0xffff, v1  }
0x203: {  	v8 =	vsel vm12, v2, v57;
	[tilespmem:v23+s21+$0x0] =	vst.idx.add.f32.msk $0xffff, v20;
	v20 =	vshll.u32 v26, $0x2;
	v23 =	vand.u32 $0x7F, v13  }
0x204: {  	v55 =	vand.u32 $0xFE00, v20;
	v20 =	vor.u32 v23, v9;
	v9 =	vld.idx.msk [tilespmem:v15+s14+$0x0], $0xffff;
	v23 =	vor.u32 v54, v56  }
0x205: {  	v57 =	vor.u32 $0x100, v42;
	v56 =	vld.idx.msk [tilespmem:v14+s16+$0x0], $0xffff;
	v17 =	vor.u32 v59, v55;
	v59 =	vmul.f32 v53, v62  }
0x206: {  	v41 =	vor.u32 $0x100, v29;
	v58 =	vshll.u32 v50, $0x9;
	v55 =	vand.u32 $0x3FFF, v13;
	v53 =	vld.idx.msk [tilespmem:v16+s14+$0x0], $0xffff;
	[tilespmem:$0x1FF20] =	vst v57  }
0x207: {  	v48 =	vor.u32 $0x80, v31;
	v13 =	vor.u32 v11, v58;
	v58 =	vor.u32 $0x100, v31;
	[tilespmem:v43+s21+$0x0] =	vst.idx.add.f32.msk $0xffff, v59  }
0x208: {  	v49 =	vor.u32 $0x80, v43;
	v0 =	vor.u32 $0x180, v0;
	v59 =	vor.u32 $0x100, v43;
	[tilespmem:$0x1FF30] =	vst v58  }
0x209: {  	v50 =	vand.u32 $0x3FFF, v26;
	v2 =	vor.u32 $0x180, v29;
	v8 =	vsub.f32 v8, v60;
	v58 =	vld.idx.msk [tilespmem:v23+s14+$0x0], $0xffff;
	[tilespmem:$0x1FF40] =	vst v59  }
0x20a: {  	v10 =	vshll.u32 v10, $0x9;
	v52 =	vor.u32 $0x100, v32;
	v1 =	vor.u32 $0x100, v21;
	v59 =	vld.idx.msk [tilespmem:v18+s16+$0x0], $0xffff;
	[tilespmem:$0x1FF50] =	vst v2  }
0x20b: {  	v26 =	vor.u32 $0x180, v21;
	v14 =	vor.u32 v6, v10;
	v6 =	vmul.f32 $1.442695020e+00, v8;
	v29 =	vld.idx.msk [tilespmem:v55+s2+$0x0], $0xffff  }
0x20c: {  	v21 =	vshll.u32 v51, $0x9;
	v10 =	vor.u32 $0x180, v42;
	v11 =	vor.u32 $0x180, v31;
	v31 =	vld.idx.msk [tilespmem:v45+s16+$0x0], $0xffff  }
0x20d: {  	(erf) = vpow2.f32 v6;
	v57 =	vadd.f32 v9, v7;
	v19 =	vmul.f32 v56, v19;
	v42 =	vld.idx.msk [tilespmem:v47+s16+$0x0], $0xffff  }
0x20e: {  	v21 =	vor.u32 v54, v21;
	v9 =	vor.u32 $0x180, v43;
	v18 =	vor.u32 $0x180, v32;
	v43 =	vld.idx.msk [tilespmem:v50+s2+$0x0], $0xffff  }
0x20f: {  	v32 =	vmul.f32 v22, v40;
	v22 =	vor.u32 $0x80, v24;
	v55 =	vmul.f32 $2.000000030e-01, v57;
	[tilespmem:v0+s21+$0x0] =	vst.idx.add.f32.msk $0xffff, v19  }
0x210: {  	v19 =	vor.u32 $0x80, v13;
	vm13 =	vge.f32 v57, $0.0e+00;
	v50 =	vand.u32 $0x7F, v28;
	v47 =	vld.idx.msk [tilespmem:v27+s16+$0x0], $0xffff  }
0x211: {  	v57 =	vsel vm13, v57, v55;
	v56 =	vmul.f32 v59, v5;
	v59 =	vshll.u32 v28, $0x2  }
0x212: {  	[tilespmem:v25+s21+$0x0] =	vst.idx.add.f32.msk $0xffff, v32;
	v51 =	vsub.f32 v57, v60;
	v28 =	vand.u32 $0xFE00, v59;
	v31 =	vmul.f32 v31, v61  }
0x213: {  	v25 =	vor.u32 $0x80, v20;
	v27 =	vmul.f32 v42, v62;
	[tilespmem:v44+s21+$0x0] =	vst.idx.add.f32.msk $0xffff, v56;
	v45 =	vor.u32 v50, v28  }
0x214: {  	v32 =	vor.u32 $0x100, v17;
	v54 =	vadd.f32 v53, v29;
	v55 =	vadd.f32 v58, v43;
	[tilespmem:v48+s21+$0x0] =	vst.idx.add.f32.msk $0xffff, v31  }
0x215: {  	v29 =	vor.u32 $0x80, v21;
	v0 =	vmul.f32 $1.442695020e+00, v51;
	v34 =	vmul.f32 v47, v34;
	[tilespmem:v49+s21+$0x0] =	vst.idx.add.f32.msk $0xffff, v27  }
0x216: {  	v42 =	vor.u32 $0x100, v13;
	v43 =	vor.u32 $0x100, v14;
	v44 =	vpop (erf);
	v56 =	vmul.f32 $2.000000030e-01, v54;
	v49 =	vld.idx.msk [tilespmem:v30+s16+$0x0], $0xffff  }
0x217: {  	v57 =	vmul.f32 $2.000000030e-01, v55;
	[tilespmem:v46+s26+$0x0] =	vst.idx.add.f32.msk @!p0 $0xffff, v44;
	vm14 =	vge.f32 v54, $0.0e+00;
	(erf) = vpow2.f32 v0  }
0x218: {  	v28 =	vor.u32 $0x80, v17;
	vm15 =	vge.f32 v55, $0.0e+00;
	v58 =	vsel vm14, v54, v56;
	v48 =	vld.idx.msk [tilespmem:v45+s16+$0x0], $0xffff  }
0x219: {  	[tilespmem:v35+s21+$0x0] =	vst.idx.add.f32.msk $0xffff, v34;
	v59 =	vsel vm15, v55, v57;
	v55 =	vshll.u32 v38, $0x9;
	v0 =	vsub.f32 v58, v60  }
0x21a: {  	v31 =	vor.u32 $0x80, v14;
	v27 =	vor.u32 $0x100, v24;
	v54 =	vld.idx.msk [tilespmem:v36+s16+$0x0], $0xffff;
	v50 =	vor.u32 v39, v55  }
0x21b: {  	v56 =	vld.idx.msk [tilespmem:v41+s16+$0x0], $0xffff;
	v58 =	vor.u32 $0x80, v45;
	v33 =	vmul.f32 v49, v33;
	v0 =	vmul.f32 $1.442695020e+00, v0  }
0x21c: {  	v30 =	vor.u32 $0x100, v20;
	v35 =	vor.u32 $0x100, v21;
	v46 =	vld.idx.msk [tilespmem:v52+s16+$0x0], $0xffff;
	v57 =	vsub.f32 v59, v60  }
0x21d: {  	v34 =	vor.u32 $0x180, v14;
	[tilespmem:v37+s21+$0x0] =	vst.idx.add.f32.msk $0xffff, v33;
	(erf) = vpow2.f32 v0;
	v60 =	vmul.f32 v48, v44  }
0x21e: {  	v36 =	vor.u32 $0x180, v24;
	v38 =	vor.u32 $0x180, v20;
	v59 =	vmul.f32 $1.442695020e+00, v57;
	v48 =	vld.idx.msk [tilespmem:v1+s16+$0x0], $0xffff  }
0x21f: {  	v39 =	vor.u32 $0x180, v17;
	v33 =	vor.u32 $0x180, v13;
	v41 =	vmul.f32 v54, v40;
	[tilespmem:v50+s21+$0x0] =	vst.idx.add.f32.msk $0xffff, v60  }
0x220: {  	s29 =	simm.s32 $0x1C160;
	s28 =	simm.s32 $0x8;
	v37 =	vor.u32 $0x180, v21;
	v54 =	vmul.f32 v56, v5;
	(erf) = vpow2.f32 v59;
	v40 =	vpop (erf);
	v52 =	vld.idx.msk [tilespmem:v58+s16+$0x0], $0xffff  }
.LBB2_15:
0x221: {  	v51 =	vld [tilespmem:s29+$0x10]  }
0x222: {  	v1 =	vld [tilespmem:s29+$0xFFFFFFF0]  }
0x223: {  	v55 =	vld [tilespmem:s29+$0x0]  }
0x224: {  	v57 =	vld [tilespmem:s29+$0xFFFFFFE0]  }
0x225: {  	v12 =	vld [tilespmem:$0x1FF20]  }
0x226: {  	v47 =	vpop (erf);
	v56 =	vor.u32 $0x80, v50;
	[tilespmem:v15+s26+$0x0] =	vst.idx.add.f32.msk @!p0 $0xffff, v40  }
0x227: {  	v58 =	vor.u32 $0x100, v45;
	[tilespmem:v16+s26+$0x0] =	vst.idx.add.f32.msk @!p0 $0xffff, v47  }
0x228: {  	[tilespmem:$0x1FF10] =	vst v11;
	v53 =	vmul.f32 v48, v62;
	v11 =	vmov v5;
	v5 =	vmov v63;
	v63 =	vld.idx.msk [tilespmem:v24+s16+$0x0], $0xffff  }
0x229: {  	[tilespmem:$0x1FEF0] =	vst v9;
	v7 =	vld.idx.msk [tilespmem:v20+s16+$0x0], $0xffff;
	v0 =	vmul.f32 v46, v61;
	v46 =	vpop (erf);
	v16 =	vmul.f32 v52, v44  }
0x22a: {  	v45 =	vor.u32 $0x180, v45;
	v24 =	vor.u32 $0x100, v50;
	v15 =	vshrl.u32 v51, $0xE;
	[tilespmem:v23+s26+$0x0] =	vst.idx.add.f32.msk @!p0 $0xffff, v46  }
0x22b: {  	v49 =	vshrl.u32 v51, $0x15;
	v59 =	vand.u32 $0x3FFF, v51;
	v23 =	vshrl.u32 v1, $0xE;
	[tilespmem:v56+s21+$0x0] =	vst.idx.add.f32.msk $0xffff, v16  }
0x22c: {  	[tilespmem:$0x1FEE0] =	vst v62;
	v9 =	vand.u32 $0x3FFF, v57;
	v48 =	vand.u32 $0x7F, v15;
	v15 =	vshll.u32 v49, $0x7;
	v58 =	vld.idx.msk [tilespmem:v58+s16+$0x0], $0xffff  }
0x22d: {  	v60 =	vshrl.u32 v1, $0x15;
	v62 =	vshrl.u32 v55, $0x15;
	v52 =	vor.u32 v48, v15;
	[tilespmem:v12+s21+$0x0] =	vst.idx.add.f32.msk $0xffff, v54  }
0x22e: {  	[tilespmem:$0x1FF00] =	vst v10;
	v10 =	vand.u32 $0x3FFF, v55;
	v56 =	vshrl.u32 v57, $0x15;
	v15 =	vshrl.u32 v57, $0xE;
	v12 =	vld [tilespmem:$0x1FF30]  }
0x22f: {  	[tilespmem:$0x1FED0] =	vst v61;
	v2 =	vand.u32 $0x3FFF, v1;
	v3 =	vld.idx.msk [tilespmem:v17+s16+$0x0], $0xffff;
	v61 =	vand.u32 $0x7F, v15;
	v15 =	vshll.u32 v56, $0x7  }
0x230: {  	v16 =	vshrl.u32 v55, $0xE;
	v4 =	vand.u32 $0x7F, v23;
	v15 =	vor.u32 v61, v15;
	v59 =	vld.idx.msk [tilespmem:v59+s2+$0x0], $0xffff  }
0x231: {  	v23 =	vshll.u32 v60, $0x7;
	v20 =	vshll.u32 v62, $0x7;
	v17 =	vshll.u32 v57, $0x2;
	v9 =	vld.idx.msk [tilespmem:v9+s2+$0x0], $0xffff  }
0x232: {  	v6 =	vand.u32 $0x7F, v16;
	v16 =	vor.u32 v4, v23;
	v54 =	vmovc v42;
	v8 =	vld.idx.msk [tilespmem:v52+s14+$0x0], $0xffff;
	v58 =	vmul.f32 v58, v44  }
0x233: {  	v17 =	vand.u32 $0xFE00, v17;
	v23 =	vor.u32 v6, v20;
	v42 =	vshll.u32 v55, $0x2;
	[tilespmem:$0x1FF20] =	vst v54;
	v10 =	vld.idx.msk [tilespmem:v10+s2+$0x0], $0xffff  }
0x234: {  	v57 =	vand.u32 $0x7F, v57;
	v42 =	vand.u32 $0xFE00, v42;
	[tilespmem:v24+s21+$0x0] =	vst.idx.add.f32.msk $0xffff, v58;
	v58 =	vand.u32 $0x7F, v55  }
0x235: {  	v54 =	vmovc v43;
	v24 =	vor.u32 v57, v17;
	v43 =	vld.idx.msk [tilespmem:v15+s14+$0x0], $0xffff;
	v17 =	vor.u32 v58, v42;
	v42 =	vshll.u32 v56, $0x9  }
0x236: {  	v20 =	vshll.u32 v1, $0x2;
	[tilespmem:v12+s21+$0x0] =	vst.idx.add.f32.msk $0xffff, v0;
	v42 =	vor.u32 v61, v42;
	v61 =	vshll.u32 v62, $0x9  }
0x237: {  	v3 =	vmul.f32 v3, v46;
	v0 =	vadd.f32 v8, v59;
	v6 =	vor.u32 v6, v61;
	v61 =	vld [tilespmem:$0x1FFF0]  }
0x238: {  	v1 =	vand.u32 $0x7F, v1;
	v20 =	vand.u32 $0xFE00, v20;
	v55 =	vld.idx.msk [tilespmem:v23+s14+$0x0], $0xffff  }
0x239: {  	[tilespmem:v21+s21+$0x0] =	vst.idx.add.f32.msk $0xffff, v3;
	v8 =	vmul.f32 v63, v40;
	v63 =	vshll.u32 v60, $0x9;
	v60 =	vmul.f32 $2.000000030e-01, v0  }
0x23a: {  	v20 =	vor.u32 v1, v20;
	v1 =	vld.idx.msk [tilespmem:v45+s16+$0x0], $0xffff;
	vm0 =	vge.f32 v0, $0.0e+00  }
0x23b: {  	v45 =	vld.idx.msk [tilespmem:v16+s14+$0x0], $0xffff;
	v0 =	vsel vm0, v0, v60  }
0x23c: {  	v7 =	vmul.f32 v7, v47;
	v2 =	vld.idx.msk [tilespmem:v2+s2+$0x0], $0xffff;
	v0 =	vsub.f32 v0, v61  }
0x23d: {  	v50 =	vor.u32 $0x180, v50;
	v4 =	vor.u32 v4, v63;
	v63 =	vld [tilespmem:$0x1FF40]  }
0x23e: {  	v57 =	vor.u32 $0x80, v17;
	[tilespmem:v14+s21+$0x0] =	vst.idx.add.f32.msk $0xffff, v7;
	v0 =	vmul.f32 $1.442695020e+00, v0  }
0x23f: {  	v62 =	vshll.u32 v51, $0x2;
	[tilespmem:v13+s21+$0x0] =	vst.idx.add.f32.msk $0xffff, v8;
	v8 =	vor.u32 $0x80, v4;
	v14 =	vmovc v4;
	v4 =	vadd.f32 v43, v9  }
0x240: {  	v7 =	vadd.f32 v55, v10;
	v9 =	vld.idx.msk [tilespmem:v25+s16+$0x0], $0xffff;
	v1 =	vmul.f32 v1, v44;
	(erf) = vpow2.f32 v0  }
0x241: {  	v58 =	vor.u32 $0x80, v6;
	v21 =	vmovc v6;
	v3 =	vld.idx.msk [tilespmem:v22+s16+$0x0], $0xffff;
	v6 =	vmul.f32 $2.000000030e-01, v4;
	v0 =	vadd.f32 v45, v2  }
0x242: {  	v44 =	vor.u32 $0x80, v20;
	vm15 =	vge.f32 v4, $0.0e+00;
	vm2 =	vge.f32 v7, $0.0e+00;
	[tilespmem:v50+s21+$0x0] =	vst.idx.add.f32.msk $0xffff, v1  }
0x243: {  	v25 =	vmovc v44;
	v50 =	vld.idx.msk [tilespmem:v28+s16+$0x0], $0xffff;
	v28 =	vmovc v57;
	v57 =	vsel vm15, v4, v6;
	v6 =	vand.u32 $0xFE00, v62;
	v44 =	vmul.f32 $2.000000030e-01, v0  }
0x244: {  	v12 =	vmovc v35;
	v62 =	vld [tilespmem:$0x1FF50];
	v2 =	vor.u32 $0x100, v21;
	v45 =	vmul.f32 $2.000000030e-01, v7;
	vm1 =	vge.f32 v0, $0.0e+00  }
0x245: {  	[tilespmem:v63+s21+$0x0] =	vst.idx.add.f32.msk $0xffff, v53;
	v35 =	vmov v2;
	v2 =	vsub.f32 v57, v61;
	v0 =	vsel vm1, v0, v44  }
0x246: {  	v4 =	vand.u32 $0x7F, v51;
	v57 =	vld [tilespmem:$0x1FED0];
	v7 =	vsel vm2, v7, v45;
	v0 =	vsub.f32 v0, v61  }
0x247: {  	v45 =	vor.u32 v4, v6;
	v4 =	vld.idx.msk [tilespmem:v18+s16+$0x0], $0xffff;
	v7 =	vsub.f32 v7, v61;
	v2 =	vmul.f32 $1.442695020e+00, v2  }
0x248: {  	v6 =	vld.idx.msk [tilespmem:v26+s16+$0x0], $0xffff;
	v26 =	vmul.f32 v50, v46;
	v0 =	vmul.f32 $1.442695020e+00, v0  }
0x249: {  	[tilespmem:v5+s21+$0x0] =	vst.idx.add.f32.msk $0xffff, v41;
	v7 =	vmul.f32 $1.442695020e+00, v7;
	v44 =	vpop (erf);
	(erf) = vpow2.f32 v2  }
0x24a: {  	[tilespmem:v29+s21+$0x0] =	vst.idx.add.f32.msk $0xffff, v26;
	(erf) = vpow2.f32 v0  }
0x24b: {  	[tilespmem:$0x1FF30] =	vst v54;
	(erf) = vpow2.f32 v7;
	v7 =	vld [tilespmem:$0x1FEE0]  }
0x24c: {  	v54 =	vor.u32 $0x80, v24;
	[tilespmem:v52+s26+$0x0] =	vst.idx.add.f32.msk @!p0 $0xffff, v44  }
0x24d: {  	v22 =	vmov v54;
	v0 =	vmul.f32 v4, v57;
	v4 =	vshll.u32 v49, $0x9;
	v54 =	vld.idx.msk [tilespmem:v45+s16+$0x0], $0xffff  }
0x24e: {  	v60 =	vor.u32 $0x100, v17;
	v50 =	vor.u32 v48, v4;
	v48 =	vld.idx.msk [tilespmem:v32+s16+$0x0], $0xffff  }
0x24f: {  	v32 =	vmov v60;
	v60 =	vld [tilespmem:$0x1FF10]  }
0x250: {  	v41 =	vmul.f32 v6, v7;
	v6 =	vld [tilespmem:$0x1FEF0]  }
0x251: {  	v9 =	vmul.f32 v9, v47;
	v7 =	vld [tilespmem:$0x1FF00]  }
0x252: {  	v56 =	vor.u32 $0x80, v42;
	v13 =	vmov v42;
	v3 =	vmul.f32 v3, v40;
	v51 =	vld.idx.msk [tilespmem:v62+s16+$0x0], $0xffff  }
0x253: {  	v59 =	vor.u32 $0x100, v20;
	v10 =	vor.u32 $0x180, v24;
	v42 =	vor.u32 $0x100, v13;
	v63 =	vmovc v36;
	[tilespmem:v31+s21+$0x0] =	vst.idx.add.f32.msk $0xffff, v9  }
0x254: {  	s28 =	sadd.s32 $0x4, s28;
	v43 =	vor.u32 $0x100, v14;
	v1 =	vor.u32 $0x100, v24;
	v36 =	vmovc v10;
	v10 =	vor.u32 $0x180, v20;
	[tilespmem:v19+s21+$0x0] =	vst.idx.add.f32.msk $0xffff, v3  }
0x255: {  	p1 =	slt.u32 s28, $0x78;
	v53 =	vor.u32 $0x180, v17;
	[tilespmem:$0x1FF50] =	vst v63;
	v18 =	vmovc v38;
	v5 =	vor.u32 $0x180, v21;
	v29 =	vmovc v58;
	v58 =	vor.u32 $0x80, v45;
	v4 =	vld.idx.msk [tilespmem:v27+s16+$0x0], $0xffff  }
.Ltmp6:
0x256: {  	v38 =	vmovc v10;
	v31 =	vmovc v8;
	v62 =	vmov v46;
	v46 =	vld.idx.msk [tilespmem:v30+s16+$0x0], $0xffff;
	v63 =	vmov v6;
	v6 =	vmul.f32 v54, v44;
	(pc) =	sbr.rel @p1 .LBB2_15-.Ltmp6, $4  }
0x257: {  	v9 =	vmovc v37;
	v37 =	vmov v5;
	v19 =	vmov v56;
	v56 =	vmul.f32 v51, v11;
	[tilespmem:v60+s21+$0x0] =	vst.idx.add.f32.msk $0xffff, v0  }
0x258: {  	v10 =	vmovc v33;
	v3 =	vor.u32 $0x180, v13;
	v61 =	vmovc v47;
	v30 =	vmov v59;
	v5 =	vmov v40;
	[tilespmem:v50+s21+$0x0] =	vst.idx.add.f32.msk $0xffff, v6  }
0x259: {  	v26 =	vmovc v39;
	v39 =	vmovc v53;
	v33 =	vmov v3;
	v52 =	vor.u32 $0x180, v14;
	v11 =	vmov v34;
	[tilespmem:v7+s21+$0x0] =	vst.idx.add.f32.msk $0xffff, v56  }
0x25a: {  	s29 =	sadd.s32 $0x40, s29;
	[tilespmem:$0x1FF40] =	vst v12;
	v27 =	vmov v1;
	v34 =	vmov v52;
	v40 =	vpop (erf);
	v54 =	vmul.f32 v4, v5;
	v52 =	vld.idx.msk [tilespmem:v58+s16+$0x0], $0xffff  }
0x25b: {  	_ =	sdelay $0x2  }
0x25c: {  	v0 =	vor.u32 $0x80, v50  }
0x25d: {  	v1 =	vor.u32 $0x100, v45;
	v2 =	vpop (erf);
	[tilespmem:v15+s26+$0x0] =	vst.idx.add.f32.msk @!p0 $0xffff, v40  }
0x25e: {  	[tilespmem:v16+s26+$0x0] =	vst.idx.add.f32.msk @!p0 $0xffff, v2  }
0x25f: {  	v12 =	vld.idx.msk [tilespmem:v24+s16+$0x0], $0xffff;
	v3 =	vmul.f32 v52, v44  }
0x260: {  	v6 =	vld.idx.msk [tilespmem:v20+s16+$0x0], $0xffff  }
0x261: {  	[tilespmem:v0+s21+$0x0] =	vst.idx.add.f32.msk $0xffff, v3  }
0x262: {  	v0 =	vpop (erf);
	v1 =	vld.idx.msk [tilespmem:v1+s16+$0x0], $0xffff  }
0x263: {  	[tilespmem:v23+s26+$0x0] =	vst.idx.add.f32.msk @!p0 $0xffff, v0  }
0x264: {  	v8 =	vld.idx.msk [tilespmem:v17+s16+$0x0], $0xffff  }
0x265: {  	v4 =	vor.u32 $0x100, v50  }
0x266: {  	v15 =	vmul.f32 v12, v40  }
0x267: {  	v17 =	vmul.f32 v6, v2  }
0x268: {  	[tilespmem:v13+s21+$0x0] =	vst.idx.add.f32.msk $0xffff, v15;
	v1 =	vmul.f32 v1, v44  }
0x269: {  	[tilespmem:v14+s21+$0x0] =	vst.idx.add.f32.msk $0xffff, v17;
	v20 =	vmul.f32 v8, v0  }
0x26a: {  	[tilespmem:v4+s21+$0x0] =	vst.idx.add.f32.msk $0xffff, v1  }
0x26b: {  	[tilespmem:v21+s21+$0x0] =	vst.idx.add.f32.msk $0xffff, v20  }
0x26c: {  	v12 =	vld [tilespmem:$0x1FF20]  }
0x26d: {  	v7 =	vor.u32 $0x180, v45;
	_ =	sdelay $0x2  }
0x26e: {  	v1 =	vld.idx.msk [tilespmem:v22+s16+$0x0], $0xffff  }
0x26f: {  	v22 =	vld.idx.msk [tilespmem:v25+s16+$0x0], $0xffff  }
0x270: {  	v16 =	vld.idx.msk [tilespmem:v7+s16+$0x0], $0xffff  }
0x271: {  	v23 =	vld.idx.msk [tilespmem:v28+s16+$0x0], $0xffff  }
0x272: {  	v21 =	vor.u32 $0x180, v50;
	[tilespmem:v12+s21+$0x0] =	vst.idx.add.f32.msk $0xffff, v54  }
0x273: {  	v12 =	vld [tilespmem:$0x1FF30];
	_ =	sdelay $0x1  }
0x274: {  	v3 =	vmul.f32 v16, v44  }
0x275: {  	v1 =	vmul.f32 v1, v40  }
0x276: {  	v25 =	vmul.f32 v22, v2;
	[tilespmem:v21+s21+$0x0] =	vst.idx.add.f32.msk $0xffff, v3  }
0x277: {  	v28 =	vmul.f32 v23, v0;
	[tilespmem:v19+s21+$0x0] =	vst.idx.add.f32.msk $0xffff, v1  }
0x278: {  	v24 =	vmul.f32 v46, v61;
	[tilespmem:v31+s21+$0x0] =	vst.idx.add.f32.msk $0xffff, v25  }
0x279: {  	[tilespmem:v29+s21+$0x0] =	vst.idx.add.f32.msk $0xffff, v28  }
0x27a: {  	[tilespmem:v12+s21+$0x0] =	vst.idx.add.f32.msk $0xffff, v24  }
0x27b: {  	v47 =	vld [tilespmem:$0x1FF40];
	_ =	sdelay $0x3  }
0x27c: {  	v31 =	vld.idx.msk [tilespmem:v27+s16+$0x0], $0xffff  }
0x27d: {  	v45 =	vld.idx.msk [tilespmem:v30+s16+$0x0], $0xffff  }
0x27e: {  	v44 =	vmul.f32 v48, v62;
	v46 =	vld.idx.msk [tilespmem:v32+s16+$0x0], $0xffff  }
0x27f: {  	v48 =	vld.idx.msk [tilespmem:v18+s16+$0x0], $0xffff  }
0x280: {  	[tilespmem:v47+s21+$0x0] =	vst.idx.add.f32.msk $0xffff, v44  }
0x281: {  	v1 =	vmul.f32 v31, v40;
	v3 =	vld [tilespmem:$0x1FF50]  }
0x282: {  	v4 =	vmul.f32 v45, v2;
	v49 =	vld.idx.msk [tilespmem:v26+s16+$0x0], $0xffff  }
0x283: {  	v6 =	vmul.f32 v46, v0;
	[tilespmem:v42+s21+$0x0] =	vst.idx.add.f32.msk $0xffff, v1  }
0x284: {  	[tilespmem:v43+s21+$0x0] =	vst.idx.add.f32.msk $0xffff, v4  }
0x285: {  	[tilespmem:v35+s21+$0x0] =	vst.idx.add.f32.msk $0xffff, v6  }
0x286: {  	v1 =	vld.idx.msk [tilespmem:v36+s16+$0x0], $0xffff  }
0x287: {  	v4 =	vld.idx.msk [tilespmem:v38+s16+$0x0], $0xffff  }
0x288: {  	v50 =	vld.idx.msk [tilespmem:v39+s16+$0x0], $0xffff  }
0x289: {  	v51 =	vmul.f32 v48, v61;
	v3 =	vld.idx.msk [tilespmem:v3+s16+$0x0], $0xffff  }
0x28a: {  	[tilespmem:v63+s21+$0x0] =	vst.idx.add.f32.msk $0xffff, v41;
	v52 =	vmul.f32 v49, v62  }
0x28b: {  	[tilespmem:v11+s21+$0x0] =	vst.idx.add.f32.msk $0xffff, v51;
	v1 =	vmul.f32 v1, v40  }
0x28c: {  	v2 =	vmul.f32 v4, v2;
	[tilespmem:v9+s21+$0x0] =	vst.idx.add.f32.msk $0xffff, v52  }
0x28d: {  	v0 =	vmul.f32 v50, v0;
	[tilespmem:v33+s21+$0x0] =	vst.idx.add.f32.msk $0xffff, v1  }
0x28e: {  	[tilespmem:v34+s21+$0x0] =	vst.idx.add.f32.msk $0xffff, v2;
	v3 =	vmul.f32 v3, v5  }
0x28f: {  	[tilespmem:v37+s21+$0x0] =	vst.idx.add.f32.msk $0xffff, v0  }
0x290: {  	[tilespmem:v10+s21+$0x0] =	vst.idx.add.f32.msk $0xffff, v3  }
0x291: {  	v0 =	vld [tilespmem:$0x1C840];
	_ =	sdelay $0x4  }
0x292: {  	v53 =	vshrl.u32 v0, $0xE;
	v54 =	vshrl.u32 v0, $0x15  }
0x293: {  	v55 =	vand.u32 $0x3FFF, v0;
	v1 =	vand.u32 $0x7F, v53;
	v56 =	vshll.u32 v54, $0x7  }
0x294: {  	v4 =	vor.u32 v1, v56;
	_ =	sdelay $0x3  }
0x295: {  	v3 =	vld.idx.msk [tilespmem:v55+s2+$0x0], $0xffff  }
0x296: {  	v57 =	vld.idx.msk [tilespmem:v4+s14+$0x0], $0xffff;
	_ =	sdelay $0x4  }
0x297: {  	v58 =	vld [tilespmem:$0x1FFF0];
	v3 =	vadd.f32 v57, v3;
	_ =	sdelay $0x1  }
0x298: {  	v5 =	vmul.f32 $2.000000030e-01, v3  }
0x299: {  	vm0 =	vge.f32 v3, $0.0e+00  }
0x29a: {  	v3 =	vsel vm0, v3, v5  }
0x29b: {  	v3 =	vsub.f32 v3, v58;
	_ =	sdelay $0x1  }
0x29c: {  	v3 =	vmul.f32 $1.442695020e+00, v3;
	_ =	sdelay $0x1  }
0x29d: {  	(erf) = vpow2.f32 v3;
	_ =	sdelay $0x3  }
0x29e: {  	v59 =	vshll.u32 v0, $0x2  }
0x29f: {  	v0 =	vand.u32 $0x7F, v0;
	v3 =	vand.u32 $0xFE00, v59  }
0x2a0: {  	v0 =	vor.u32 v0, v3;
	_ =	sdelay $0x2  }
0x2a1: {  	v3 =	vpop (erf)  }
0x2a2: {  	[tilespmem:v4+s26+$0x0] =	vst.idx.add.f32.msk @!p0 $0xffff, v3  }
0x2a3: {  	v4 =	vld.idx.msk [tilespmem:v0+s16+$0x0], $0xffff  }
0x2a4: {  	v2 =	vshll.u32 v54, $0x9  }
0x2a5: {  	v1 =	vor.u32 v1, v2  }
0x2a6: {  	v60 =	vor.u32 $0x80, v0;
	_ =	sdelay $0x1  }
0x2a7: {  	v4 =	vmul.f32 v4, v3;
	_ =	sdelay $0x1  }
0x2a8: {  	[tilespmem:v1+s21+$0x0] =	vst.idx.add.f32.msk $0xffff, v4  }
0x2a9: {  	v2 =	vld.idx.msk [tilespmem:v60+s16+$0x0], $0xffff;
	_ =	sdelay $0x1  }
0x2aa: {  	v61 =	vor.u32 $0x80, v1  }
0x2ab: {  	v62 =	vor.u32 $0x100, v0;
	_ =	sdelay $0x1  }
0x2ac: {  	v2 =	vmul.f32 v2, v3;
	_ =	sdelay $0x1  }
0x2ad: {  	[tilespmem:v61+s21+$0x0] =	vst.idx.add.f32.msk $0xffff, v2  }
0x2ae: {  	v2 =	vld.idx.msk [tilespmem:v62+s16+$0x0], $0xffff;
	_ =	sdelay $0x1  }
0x2af: {  	v63 =	vor.u32 $0x100, v1  }
0x2b0: {  	v0 =	vor.u32 $0x180, v0;
	_ =	sdelay $0x1  }
0x2b1: {  	v2 =	vmul.f32 v2, v3;
	_ =	sdelay $0x1  }
0x2b2: {  	[tilespmem:v63+s21+$0x0] =	vst.idx.add.f32.msk $0xffff, v2  }
0x2b3: {  	v0 =	vld.idx.msk [tilespmem:v0+s16+$0x0], $0xffff  }
0x2b4: {  	s25 =	sadd.s32 $0x1, s25  }
0x2b5: {  	p1 =	sne.s32 s25, $0xA;
	v1 =	vor.u32 $0x180, v1  }
.Ltmp7:
0x2b6: {  	_ = 	snop;
	(pc) =	sbr.rel @p1 .LBB2_12-.Ltmp7, $3  }
0x2b7: {  	_ = 	snop  }
0x2b8: {  	v0 =	vmul.f32 v0, v3;
	_ =	sdelay $0x1  }
0x2b9: {  	[tilespmem:v1+s21+$0x0] =	vst.idx.add.f32.msk $0xffff, v0  }
0x2ba: {  	[hbm4b:s11+s2] =	stream.linear.scatter [tilespmem:s21], [sflag:$0x4], $0xA000, $0x38;
	[tilespmem:$0x1C880] =	vst v63  }
0x2bb: {  	_ =	swait.ge [sflag:s23], $0xA000  }
0x2bc: {  	s25 =	simm.s32 @!p0 $0x0;
	s24 =	sadd.s32 $0x1, s24;
	[sflag:s23] =	ssyncset.done $0x0  }
0x2bd: {  	s26 =	simm.s32 @!p0 $0x19080;
	p1 =	sne.s32 s24, s13;
	[sflag:s23] =	ssyncadd.s32 $0xFFFF6000  }
0x2be: {  	[hbm4b:s12+s25] =	stream.linear.scatter @!p0 [tilespmem:s26], [sflag:$0x4], $0x2800, $0x38;
	[tilespmem:$0x1C880] =	vst v63  }
.Ltmp8:
0x2bf: {  	_ = 	snop;
	(pc) =	sbr.rel @p1 .LBB2_1-.Ltmp8, $4  }
0x2c0: {  	s25 =	simm.s32 @!p0 $0x4  }
0x2c1: {  	_ =	swait.ge @!p0 [sflag:s25], $0x2800  }
0x2c2: {  	[sflag:s25] =	ssyncset.done @!p0 $0x0  }
0x2c3: {  	v0 =	vimm.f32 $0.0e+00;
	[sflag:s25] =	ssyncadd.s32 @!p0 $0xFFFFD800  }
0x2c4: {  	_ =	sfence.sel $0x180000  }
0x2c5: {  	[bflag:$0x0] =	sbarrier.arrive $0xFFFF  }
0x2c6: {  	p0 =	sne.s32 s1, $0x0;
	_ =	strace $0x90000047  }
0x2c7: {  	s0 =	sadd.s32 @!p0 $0x100000, s0;
	[bflag:$0x2] =	sbarrier.arrive $0xFFFF  }
0x2c8: {  	[sflag:s0] =	ssyncadd.tile.s32 @!p0 $0x1;
	_ =	shalt  }
.Lfunc_end2:
_tile_overlayer_lowered:
.L_overlay_start_2:
0x2c9: {  	(tag) =	ssettag $0x2  }
0x2ca: {  	s0 =	rddreg [dreg:$0x0];
	s2 =	stileid.u32  }
0x2cb: {  	s1 =	rddreg [dreg:$0x1];
	p0 =	sne.s32 s2, $0x0  }
0x2cc: {  	s3 =	rddreg [dreg:$0x2];
	[bflag:$0x3] =	sbarrier.arrive $0xFFFF;
	s2 =	simm.s32 @!p0 $0x1C04  }
0x2cd: {  	[timem:s3], [sflag:s2] =	dma.local @!p0 [hbm:s0], s1  }
0x2ce: {  	s0 =	simm.s32 @!p0 $0x4  }
0x2cf: {  	_ =	swait.ge @!p0 [sflag:s0], s1  }
0x2d0: {  	s1 =	ssub.s32 @!p0 $0x0, s1;
	[sflag:s0] =	ssyncset.done @!p0 $0x0  }
0x2d1: {  	[sflag:s0] =	ssyncadd.s32 @!p0 s1  }
0x2d2: {  	[bflag:$0x3] =	sbarrier.arrive $0xFFFF  }
0x2d3: {  	_ =	shalt  }

</sc_bundles>
